<compile_context>
chip_gen: v7x
topology: tpu7x:2x2x1
jax: 0.10.2.dev20260603
libtpu: 0.0.44.dev20260713+nightly
codegen_flags: <defaults>
</compile_context>

<pallas_src>
import functools

import jax
import jax.numpy as jnp
from jax import lax
from jax.experimental import pallas as pl
from jax.experimental.pallas import tpu as pltpu
from jax.experimental.pallas import tpu_sc as plsc

NW = 32
LANES = 16
CHUNK = 800
B = 48
NEG = float("-inf")


def _rsqrt(x):
    i = plsc.bitcast(x, jnp.int32)
    i = jnp.int32(0x5F3759DF) - (i >> 1)
    y = plsc.bitcast(i, jnp.float32)
    for _ in range(3):
        y = y * (1.5 - 0.5 * x * y * y)
    return y


def _angle_sincos(ax, ay, az, bx, by, bz):
    cx = ay * bz - az * by
    cy = az * bx - ax * bz
    cz = ax * by - ay * bx
    cc = cx * cx + cy * cy + cz * cz
    dt = ax * bx + ay * by + az * bz
    h = cc + dt * dt
    rh = _rsqrt(h)
    sn = jnp.where(cc <= 0.0, 0.0, cc * _rsqrt(cc) * rh)
    cs = jnp.where(h <= 0.0, 1.0, dt * rh)
    return sn, cs


def _build_fused_call(n, e, d, de):
    nb = -(-n // NW)
    npad = NW * nb
    tc = d + LANES
    acc_words = (nb + 1) * tc
    nchunks = e // CHUNK
    assert e % CHUNK == 0 and CHUNK % 32 == 0 and d % LANES == 0
    assert nchunks % 2 == 0
    cap = CHUNK + B + LANES

    mesh = plsc.VectorSubcoreMesh(core_axis_name="c", subcore_axis_name="s")

    @functools.partial(
        pl.kernel,
        out_type=jax.ShapeDtypeStruct((npad * tc,), jnp.float32),
        mesh=mesh,
        compiler_params=pltpu.CompilerParams(needs_layout_passes=False),
        scratch_types=[
            pltpu.VMEM((CHUNK,), jnp.int32),
            pltpu.VMEM((CHUNK,), jnp.int32),
            pltpu.VMEM((CHUNK,), jnp.int32),
            pltpu.VMEM((CHUNK,), jnp.int32),
            pltpu.VMEM((CHUNK * de,), jnp.float32),
            pltpu.VMEM((cap,), jnp.int32),
            pltpu.VMEM((cap,), jnp.int32),
            pltpu.VMEM((cap,), jnp.int32),
            pltpu.VMEM((2, B, d), jnp.float32),
            pltpu.VMEM((n,), jnp.float32),
            pltpu.VMEM((n,), jnp.float32),
            pltpu.VMEM((n,), jnp.float32),
            pltpu.VMEM((n,), jnp.float32),
            pltpu.VMEM((n,), jnp.float32),
            pltpu.VMEM((n,), jnp.float32),
            pltpu.VMEM((LANES * LANES,), jnp.float32),
            pltpu.VMEM((acc_words,), jnp.float32),
            pltpu.VMEM((LANES,), jnp.float32),
            pltpu.SemaphoreType.DMA,
            pltpu.SemaphoreType.DMA,
            pltpu.SemaphoreType.DMA,
            pltpu.SemaphoreType.DMA,
            pltpu.SemaphoreType.DMA,
            pltpu.SemaphoreType.DMA,
            pltpu.SemaphoreType.DMA,
        ],
    )
    def fused(x_hbm, src_hbm, dst_hbm, attr_hbm, px_hbm, py_hbm, pz_hbm,
              nx_hbm, ny_hbm, nz_hbm, invr_hbm, out_hbm,
              dstbufA, srcbufA, dstbufB, srcbufB, attrbuf,
              lsrc, ldst, leid, xbuf,
              px, py, pz, nxr, nyr, nzr, staging, acc, invv,
              semx0, semx1, sa0, sa1, sb0, sb1, sat):
        wid = lax.axis_index("s") * 2 + lax.axis_index("c")
        lo = wid * nb
        hi = lo + nb
        pltpu.sync_copy(invr_hbm, invv)
        pltpu.sync_copy(px_hbm, px)
        pltpu.sync_copy(py_hbm, py)
        pltpu.sync_copy(pz_hbm, pz)
        pltpu.sync_copy(nx_hbm, nxr)
        pltpu.sync_copy(ny_hbm, nyr)
        pltpu.sync_copy(nz_hbm, nzr)

        def initb(i, _):
            acc[pl.ds(i * LANES, LANES)] = jnp.full((LANES,), NEG, jnp.float32)
            return 0

        lax.fori_loop(0, acc_words // LANES, initb, 0)
        iota = lax.iota(jnp.int32, LANES)
        invr = invv[...]

        def issue_x(ib, slot):
            rp = pl.multiple_of(ib * B, 8)
            sem = semx0 if slot == 0 else semx1
            pltpu.async_copy(
                x_hbm.at[lsrc.at[pl.ds(rp, B)]], xbuf.at[slot], sem)

        def wait_x(slot):
            sem = semx0 if slot == 0 else semx1
            pltpu.make_async_copy(
                x_hbm.at[pl.ds(0, B)], xbuf.at[slot], sem).wait()

        def upd_from(slot, rp):
            def upd(ecnt, _):
                dg = ldst[pl.ds(rp + ecnt, LANES)][0]
                base = (dg - lo) * tc
                for c in range(d // LANES):
                    off = base + c * LANES
                    av = acc[pl.ds(off, LANES)]
                    xv = xbuf[slot, ecnt, pl.ds(c * LANES, LANES)]
                    acc[pl.ds(off, LANES)] = jnp.maximum(av, xv)
                return 0

            lax.fori_loop(0, B, upd, 0)

        def drain_batches(wp1):
            nbat = wp1 // B

            @pl.when(nbat > 0)
            def _():
                issue_x(jnp.int32(0), 0)

            def bat(i, _):
                slot = i % 2

                @pl.when(slot == 0)
                def _():
                    wait_x(0)

                    @pl.when(i + 1 < nbat)
                    def _():
                        issue_x(i + 1, 1)

                @pl.when(slot == 1)
                def _():
                    wait_x(1)

                    @pl.when(i + 1 < nbat)
                    def _():
                        issue_x(i + 1, 0)

                upd_from(slot, i * B)
                return 0

            lax.fori_loop(0, nbat, bat, 0)
            return nbat * B

        def tail_groups(wp0, wp1, abuf):
            zv = jnp.zeros((LANES,), jnp.int32)
            plsc.store_scatter(lsrc, [wp1 + iota], zv)
            plsc.store_scatter(ldst, [wp1 + iota], zv + hi)
            plsc.store_scatter(leid, [wp1 + iota], zv)

            def grp(g, _):
                base_i = wp0 + g * LANES
                sv = lsrc[pl.ds(base_i, LANES)]
                ev = leid[pl.ds(base_i, LANES)]
                dvv = ldst[pl.ds(base_i, LANES)]
                pjx = plsc.load_gather(px, [sv])
                pjy = plsc.load_gather(py, [sv])
                pjz = plsc.load_gather(pz, [sv])
                njx = plsc.load_gather(nxr, [sv])
                njy = plsc.load_gather(nyr, [sv])
                njz = plsc.load_gather(nzr, [sv])
                pix = plsc.load_gather(px, [dvv])
                piy = plsc.load_gather(py, [dvv])
                piz = plsc.load_gather(pz, [dvv])
                nix = plsc.load_gather(nxr, [dvv])
                niy = plsc.load_gather(nyr, [dvv])
                niz = plsc.load_gather(nzr, [dvv])
                psx, psy, psz = pjx - pix, pjy - piy, pjz - piz
                ps2 = psx * psx + psy * psy + psz * psz
                p0 = jnp.where(ps2 <= 0.0, 0.0, ps2 * _rsqrt(ps2)) * invr
                s1, c1 = _angle_sincos(nix, niy, niz, psx, psy, psz)
                s2, c2 = _angle_sincos(njx, njy, njz, psx, psy, psz)
                s3, c3 = _angle_sincos(nix, niy, niz, njx, njy, njz)
                vals = [p0, s1, c1, s2, c2, s3, c3]
                evde = ev * de
                for c in range(de):
                    vals.append(plsc.load_gather(
                        abuf, [evde + jnp.int32(c)]))
                base16 = iota * LANES
                for c, v in enumerate(vals):
                    plsc.store_scatter(staging, [base16 + jnp.int32(c)], v)

                def upd(ei, _):
                    dg = ldst[pl.ds(base_i + ei, LANES)][0]
                    base = (dg - lo) * tc + d
                    av = acc[pl.ds(base, LANES)]
                    tv = staging[pl.ds(ei * LANES, LANES)]
                    acc[pl.ds(base, LANES)] = jnp.maximum(av, tv)
                    return 0

                lax.fori_loop(0, LANES, upd, 0)
                return 0

            lax.fori_loop(0, (wp1 - wp0 + LANES - 1) // LANES, grp, 0)

        def start_chunk(ci, dbuf, sbuf, s0, s1):
            pltpu.async_copy(dst_hbm.at[pl.ds(ci * CHUNK, CHUNK)], dbuf, s0)
            pltpu.async_copy(src_hbm.at[pl.ds(ci * CHUNK, CHUNK)], sbuf, s1)

        def wait_chunk(ci, dbuf, sbuf, s0, s1):
            pltpu.make_async_copy(
                dst_hbm.at[pl.ds(ci * CHUNK, CHUNK)], dbuf, s0).wait()
            pltpu.make_async_copy(
                src_hbm.at[pl.ds(ci * CHUNK, CHUNK)], sbuf, s1).wait()

        def proc_chunk(ci, dbuf, sbuf, wp):
            pltpu.async_copy(
                attr_hbm.at[pl.ds(ci * CHUNK * de, CHUNK * de)], attrbuf,
                sat)

            def filt(i, m):
                off = i * (2 * LANES)
                parts = []
                for u in range(2):
                    o16 = off + u * LANES
                    dv = dbuf[pl.ds(o16, LANES)]
                    sv = sbuf[pl.ds(o16, LANES)]
                    msk = (dv >= lo) & (dv < hi)
                    inc = plsc.cumsum(msk.astype(jnp.int32))
                    parts.append((dv, sv, msk, inc, o16))
                for dv, sv, msk, inc, o16 in parts:
                    offs = m + inc - 1
                    plsc.store_scatter(lsrc, [offs], sv, mask=msk)
                    plsc.store_scatter(ldst, [offs], dv, mask=msk)
                    plsc.store_scatter(leid, [offs], o16 + iota, mask=msk)
                    m = m + inc[LANES - 1]
                return m

            wp1 = lax.fori_loop(0, CHUNK // (2 * LANES), filt, wp)
            pltpu.make_async_copy(
                attr_hbm.at[pl.ds(ci * CHUNK * de, CHUNK * de)], attrbuf,
                sat).wait()
            tail_groups(wp, wp1, attrbuf)
            rp = drain_batches(wp1)
            nrem = wp1 - rp

            def cpy(i, _):
                s = rp + i * LANES
                t = i * LANES
                lsrc[pl.ds(t, LANES)] = lsrc[pl.ds(s, LANES)]
                ldst[pl.ds(t, LANES)] = ldst[pl.ds(s, LANES)]
                leid[pl.ds(t, LANES)] = leid[pl.ds(s, LANES)]
                return 0

            lax.fori_loop(0, (nrem + LANES - 1) // LANES, cpy, 0)
            return nrem

        npair = nchunks // 2
        start_chunk(0, dstbufA, srcbufA, sa0, sa1)

        def pair_body(cj, wp):
            ci = cj * 2
            start_chunk(ci + 1, dstbufB, srcbufB, sb0, sb1)
            wait_chunk(ci, dstbufA, srcbufA, sa0, sa1)
            wp = proc_chunk(ci, dstbufA, srcbufA, wp)

            @pl.when(cj + 1 < npair)
            def _():
                start_chunk(ci + 2, dstbufA, srcbufA, sa0, sa1)

            wait_chunk(ci + 1, dstbufB, srcbufB, sb0, sb1)
            wp = proc_chunk(ci + 1, dstbufB, srcbufB, wp)
            return wp

        wp = lax.fori_loop(0, npair, pair_body, jnp.int32(0))

        zed = jnp.zeros((LANES,), jnp.int32)

        def padb(i, _):
            off = wp + i * LANES
            plsc.store_scatter(lsrc, [off + iota], zed)
            plsc.store_scatter(ldst, [off + iota], zed + hi)
            return 0

        lax.fori_loop(0, B // LANES, padb, 0)
        issue_x(jnp.int32(0), 0)
        wait_x(0)
        upd_from(0, jnp.int32(0))

        def fix(i, _):
            v = acc[pl.ds(i * LANES, LANES)]
            acc[pl.ds(i * LANES, LANES)] = jnp.where(v == NEG, 0.0, v)
            return 0

        lax.fori_loop(0, nb * tc // LANES, fix, 0)
        pltpu.sync_copy(acc.at[pl.ds(0, nb * tc)],
                        out_hbm.at[pl.ds(lo * tc, nb * tc)])

    return fused, npad, tc


def kernel(x, pos, normal, edge_index, local_edge_attr, radius):
    n, d = x.shape
    e = edge_index.shape[1]
    de = local_edge_attr.shape[1]
    src = edge_index[0]
    dst = edge_index[1]
    invr = jnp.full((LANES,), 1.0, jnp.float32) / jnp.asarray(
        radius, jnp.float32)
    fused, npad, tc = _build_fused_call(n, e, d, de)
    out1d = fused(
        x, src, dst, local_edge_attr.reshape(-1),
        jnp.copy(pos[:, 0]), jnp.copy(pos[:, 1]), jnp.copy(pos[:, 2]),
        jnp.copy(normal[:, 0]), jnp.copy(normal[:, 1]),
        jnp.copy(normal[:, 2]), invr)
    return out1d.reshape(npad, tc)[:n, :d + 7 + de]

# --- scband reference (transcript-rebuilt; emitter-appended) ---
"""Pipeline reference for scband-dock-point-net-55688545960608 (READ-ONLY COPY).

The authoritative reference and input builder live on the scoring server;
editing this copy changes nothing except your own understanding.
"""

import jax, jax.numpy as jnp
import numpy as np

N = 10000
E = 320000
D = 128
DE = 4


def get_angle(v1, v2):
    cross = jnp.cross(v1, v2)
    return jnp.arctan2(jnp.linalg.norm(cross, axis=1), jnp.sum(v1 * v2, axis=1))


def setup_inputs(seed: int = 0) -> dict:
    key = jax.random.key(seed)
    ks = jax.random.split(key, 5)
    x = jax.random.normal(ks[0], (N, D), dtype=jnp.float32)
    pos = jax.random.normal(ks[1], (N, 3), dtype=jnp.float32)
    normal = jax.random.normal(ks[2], (N, 3), dtype=jnp.float32)
    normal = normal / (jnp.linalg.norm(normal, axis=1, keepdims=True) + 1e-8)
    edge_index = jax.random.randint(ks[3], (2, E), 0, N, dtype=jnp.int32)
    local_edge_attr = jax.random.normal(ks[4], (E, DE), dtype=jnp.float32)
    return {"x": x, "pos": pos, "normal": normal, "edge_index": edge_index,
            "local_edge_attr": local_edge_attr, "radius": 2}


def reference(x, pos, normal, edge_index, local_edge_attr, radius):
    # PPFConv forward with local_nn=None, global_nn=None, add_self_loops=False,
    # aggr='max' (PyG default flow: edge_index[0]=source j, edge_index[1]=target i)
    src = edge_index[0]
    dst = edge_index[1]
    pos_i = pos[dst]
    pos_j = pos[src]
    n_i = normal[dst]
    n_j = normal[src]
    pseudo = pos_j - pos_i
    a1 = get_angle(n_i, pseudo)
    a2 = get_angle(n_j, pseudo)
    a3 = get_angle(n_i, n_j)
    ppf = jnp.stack([
        jnp.linalg.norm(pseudo, axis=1) / radius,
        jnp.sin(a1), jnp.cos(a1),
        jnp.sin(a2), jnp.cos(a2),
        jnp.sin(a3), jnp.cos(a3),
    ], axis=1)
    msg = jnp.concatenate([ppf, local_edge_attr], axis=1)
    msg = jnp.concatenate([x[src], msg], axis=1)
    out = jax.ops.segment_max(msg, dst, num_segments=N)
    out = jnp.where(jnp.isneginf(out), 0.0, out)
    return out

if __name__ == "__main__":
    import jax
    _d = setup_inputs()
    print(jax.jit(kernel)(*tuple(_d.values())))

</pallas_src>

<mosaic_0001>
#map = affine_map<(d0, d1) -> (0, 0)>
#map1 = affine_map<(d0, d1) -> (0)>
module attributes {stable_mosaic.version = 14 : i64} {
  func.func @fused(%arg0: i32, %arg1: i32, %arg2: memref<10000x128xf32, #tpu.memory_space<hbm>>, %arg3: memref<320000xi32, #tpu.memory_space<hbm>>, %arg4: memref<320000xi32, #tpu.memory_space<hbm>>, %arg5: memref<1280000xf32, #tpu.memory_space<hbm>>, %arg6: memref<10000xf32, #tpu.memory_space<hbm>>, %arg7: memref<10000xf32, #tpu.memory_space<hbm>>, %arg8: memref<10000xf32, #tpu.memory_space<hbm>>, %arg9: memref<10000xf32, #tpu.memory_space<hbm>>, %arg10: memref<10000xf32, #tpu.memory_space<hbm>>, %arg11: memref<10000xf32, #tpu.memory_space<hbm>>, %arg12: memref<16xf32, #tpu.memory_space<hbm>>, %arg13: memref<1442304xf32, #tpu.memory_space<hbm>>, %arg14: memref<800xi32, #tpu.memory_space<vmem>>, %arg15: memref<800xi32, #tpu.memory_space<vmem>>, %arg16: memref<800xi32, #tpu.memory_space<vmem>>, %arg17: memref<800xi32, #tpu.memory_space<vmem>>, %arg18: memref<3200xf32, #tpu.memory_space<vmem>>, %arg19: memref<864xi32, #tpu.memory_space<vmem>>, %arg20: memref<864xi32, #tpu.memory_space<vmem>>, %arg21: memref<864xi32, #tpu.memory_space<vmem>>, %arg22: memref<2x48x128xf32, #tpu.memory_space<vmem>>, %arg23: memref<10000xf32, #tpu.memory_space<vmem>>, %arg24: memref<10000xf32, #tpu.memory_space<vmem>>, %arg25: memref<10000xf32, #tpu.memory_space<vmem>>, %arg26: memref<10000xf32, #tpu.memory_space<vmem>>, %arg27: memref<10000xf32, #tpu.memory_space<vmem>>, %arg28: memref<10000xf32, #tpu.memory_space<vmem>>, %arg29: memref<256xf32, #tpu.memory_space<vmem>>, %arg30: memref<45216xf32, #tpu.memory_space<vmem>>, %arg31: memref<16xf32, #tpu.memory_space<vmem>>, %arg32: memref<!tpu.dma_semaphore, #tpu.memory_space<semaphore_mem>>, %arg33: memref<!tpu.dma_semaphore, #tpu.memory_space<semaphore_mem>>, %arg34: memref<!tpu.dma_semaphore, #tpu.memory_space<semaphore_mem>>, %arg35: memref<!tpu.dma_semaphore, #tpu.memory_space<semaphore_mem>>, %arg36: memref<!tpu.dma_semaphore, #tpu.memory_space<semaphore_mem>>, %arg37: memref<!tpu.dma_semaphore, #tpu.memory_space<semaphore_mem>>, %arg38: memref<!tpu.dma_semaphore, #tpu.memory_space<semaphore_mem>>) attributes {dimension_semantics = [#tpu.dimension_semantics<core_parallel>, #tpu.dimension_semantics<subcore_parallel>], iteration_bounds = array<i64: 2, 16>, scalar_prefetch = 0 : i64, scratch_operands = 25 : i64, tpu.core_type = #tpu.core_type<sc_vector_subcore>, window_params = [{transform_indices = #map}, {transform_indices = #map1}, {transform_indices = #map1}, {transform_indices = #map1}, {transform_indices = #map1}, {transform_indices = #map1}, {transform_indices = #map1}, {transform_indices = #map1}, {transform_indices = #map1}, {transform_indices = #map1}, {transform_indices = #map1}, {transform_indices = #map1}]} {
    %mul3A = arith.constant 2 : i32
    %mul3A_0 = arith.muli %arg1, %mul3A : i32
    %add3A = arith.addi %mul3A_0, %arg0 : i32
    %mul3A_1 = arith.constant 313 : i32
    %mul3A_2 = arith.muli %add3A, %mul3A_1 : i32
    %add3A_3 = arith.constant 313 : i32
    %add3A_4 = arith.addi %mul3A_2, %add3A_3 : i32
    "tpu.region"() ({
      %run_scoped3A = tpu.sem_alloc : memref<!tpu.dma_semaphore, #tpu.memory_space<semaphore_mem>>
      tpu.enqueue_dma source(%arg12 : memref<16xf32, #tpu.memory_space<hbm>>) target(%arg31 : memref<16xf32, #tpu.memory_space<vmem>>) target_semaphore(%run_scoped3A : memref<!tpu.dma_semaphore, #tpu.memory_space<semaphore_mem>>)
      tpu.wait_dma2 semaphore(%run_scoped3A : memref<!tpu.dma_semaphore, #tpu.memory_space<semaphore_mem>>) src(%arg12 : memref<16xf32, #tpu.memory_space<hbm>>) dst(%arg31 : memref<16xf32, #tpu.memory_space<vmem>>)
      tpu.yield
    }) : () -> ()
    "tpu.region"() ({
      %run_scoped3A = tpu.sem_alloc : memref<!tpu.dma_semaphore, #tpu.memory_space<semaphore_mem>>
      tpu.enqueue_dma source(%arg6 : memref<10000xf32, #tpu.memory_space<hbm>>) target(%arg23 : memref<10000xf32, #tpu.memory_space<vmem>>) target_semaphore(%run_scoped3A : memref<!tpu.dma_semaphore, #tpu.memory_space<semaphore_mem>>)
      tpu.wait_dma2 semaphore(%run_scoped3A : memref<!tpu.dma_semaphore, #tpu.memory_space<semaphore_mem>>) src(%arg6 : memref<10000xf32, #tpu.memory_space<hbm>>) dst(%arg23 : memref<10000xf32, #tpu.memory_space<vmem>>)
      tpu.yield
    }) : () -> ()
    "tpu.region"() ({
      %run_scoped3A = tpu.sem_alloc : memref<!tpu.dma_semaphore, #tpu.memory_space<semaphore_mem>>
      tpu.enqueue_dma source(%arg7 : memref<10000xf32, #tpu.memory_space<hbm>>) target(%arg24 : memref<10000xf32, #tpu.memory_space<vmem>>) target_semaphore(%run_scoped3A : memref<!tpu.dma_semaphore, #tpu.memory_space<semaphore_mem>>)
      tpu.wait_dma2 semaphore(%run_scoped3A : memref<!tpu.dma_semaphore, #tpu.memory_space<semaphore_mem>>) src(%arg7 : memref<10000xf32, #tpu.memory_space<hbm>>) dst(%arg24 : memref<10000xf32, #tpu.memory_space<vmem>>)
      tpu.yield
    }) : () -> ()
    "tpu.region"() ({
      %run_scoped3A = tpu.sem_alloc : memref<!tpu.dma_semaphore, #tpu.memory_space<semaphore_mem>>
      tpu.enqueue_dma source(%arg8 : memref<10000xf32, #tpu.memory_space<hbm>>) target(%arg25 : memref<10000xf32, #tpu.memory_space<vmem>>) target_semaphore(%run_scoped3A : memref<!tpu.dma_semaphore, #tpu.memory_space<semaphore_mem>>)
      tpu.wait_dma2 semaphore(%run_scoped3A : memref<!tpu.dma_semaphore, #tpu.memory_space<semaphore_mem>>) src(%arg8 : memref<10000xf32, #tpu.memory_space<hbm>>) dst(%arg25 : memref<10000xf32, #tpu.memory_space<vmem>>)
      tpu.yield
    }) : () -> ()
    "tpu.region"() ({
      %run_scoped3A = tpu.sem_alloc : memref<!tpu.dma_semaphore, #tpu.memory_space<semaphore_mem>>
      tpu.enqueue_dma source(%arg9 : memref<10000xf32, #tpu.memory_space<hbm>>) target(%arg26 : memref<10000xf32, #tpu.memory_space<vmem>>) target_semaphore(%run_scoped3A : memref<!tpu.dma_semaphore, #tpu.memory_space<semaphore_mem>>)
      tpu.wait_dma2 semaphore(%run_scoped3A : memref<!tpu.dma_semaphore, #tpu.memory_space<semaphore_mem>>) src(%arg9 : memref<10000xf32, #tpu.memory_space<hbm>>) dst(%arg26 : memref<10000xf32, #tpu.memory_space<vmem>>)
      tpu.yield
    }) : () -> ()
    "tpu.region"() ({
      %run_scoped3A = tpu.sem_alloc : memref<!tpu.dma_semaphore, #tpu.memory_space<semaphore_mem>>
      tpu.enqueue_dma source(%arg10 : memref<10000xf32, #tpu.memory_space<hbm>>) target(%arg27 : memref<10000xf32, #tpu.memory_space<vmem>>) target_semaphore(%run_scoped3A : memref<!tpu.dma_semaphore, #tpu.memory_space<semaphore_mem>>)
      tpu.wait_dma2 semaphore(%run_scoped3A : memref<!tpu.dma_semaphore, #tpu.memory_space<semaphore_mem>>) src(%arg10 : memref<10000xf32, #tpu.memory_space<hbm>>) dst(%arg27 : memref<10000xf32, #tpu.memory_space<vmem>>)
      tpu.yield
    }) : () -> ()
    "tpu.region"() ({
      %run_scoped3A = tpu.sem_alloc : memref<!tpu.dma_semaphore, #tpu.memory_space<semaphore_mem>>
      tpu.enqueue_dma source(%arg11 : memref<10000xf32, #tpu.memory_space<hbm>>) target(%arg28 : memref<10000xf32, #tpu.memory_space<vmem>>) target_semaphore(%run_scoped3A : memref<!tpu.dma_semaphore, #tpu.memory_space<semaphore_mem>>)
      tpu.wait_dma2 semaphore(%run_scoped3A : memref<!tpu.dma_semaphore, #tpu.memory_space<semaphore_mem>>) src(%arg11 : memref<10000xf32, #tpu.memory_space<hbm>>) dst(%arg28 : memref<10000xf32, #tpu.memory_space<vmem>>)
      tpu.yield
    }) : () -> ()
    %scan3A = arith.constant 0 : i32
    %scan3A_5 = arith.constant 0 : i32
    %scan3A_6 = arith.constant 2826 : i32
    %scan3A_7 = arith.addi %scan3A_5, %scan3A_6 : i32
    %scan3A_8 = arith.constant 1 : i32
    %scan3A_9 = scf.for %scan3A_77 = %scan3A_5 to %scan3A_7 step %scan3A_8 iter_args(%scan3A_78 = %scan3A) -> (i32)  : i32 {
      %broadcast_in_dim3A_79 = arith.constant 0xFF800000 : f32
      %broadcast_in_dim3A_80 = vector.broadcast %broadcast_in_dim3A_79 : f32 to vector<16xf32>
      %mul3A_81 = arith.constant 16 : i32
      %mul3A_82 = arith.muli %scan3A_77, %mul3A_81 : i32
      %swap3A = arith.index_cast %mul3A_82 : i32 to index
      %swap3A_83 = tpu.vector_load %arg30[%swap3A] {strides = array<i32>} : memref<45216xf32, #tpu.memory_space<vmem>>, vector<16xf32>,
      tpu.vector_store %arg30[%swap3A], %broadcast_in_dim3A_80 {strides = array<i32>} : memref<45216xf32, #tpu.memory_space<vmem>>, vector<16xf32>,
      %scan3A_84 = arith.constant 0 : i32
      scf.yield %scan3A_84 : i32
    }
    %scan3A_10 = arith.constant 2826 : i32
    %iota3A = tpu.iota {dimensions = array<i32: 0>} : vector<16xi32>
    %get3A = arith.constant 0 : index
    %get3A_11 = tpu.vector_load %arg31[%get3A] {strides = array<i32>} : memref<16xf32, #tpu.memory_space<vmem>>, vector<16xf32>,
    %dma_start3A = arith.constant 0 : i32
    %dma_start3A_12 = tpu.memref_slice %arg4[%dma_start3A] : memref<320000xi32, #tpu.memory_space<hbm>> -> memref<800xi32, #tpu.memory_space<hbm>>
    %dma_start3A_13 = arith.constant 0 : i32
    %dma_start3A_14 = tpu.memref_slice %arg4[%dma_start3A_13] : memref<320000xi32, #tpu.memory_space<hbm>> -> memref<800xi32, #tpu.memory_space<hbm>>
    tpu.enqueue_dma source(%dma_start3A_14 : memref<800xi32, #tpu.memory_space<hbm>>) target(%arg14 : memref<800xi32, #tpu.memory_space<vmem>>) target_semaphore(%arg34 : memref<!tpu.dma_semaphore, #tpu.memory_space<semaphore_mem>>)
    %dma_start3A_15 = arith.constant 0 : i32
    %dma_start3A_16 = tpu.memref_slice %arg3[%dma_start3A_15] : memref<320000xi32, #tpu.memory_space<hbm>> -> memref<800xi32, #tpu.memory_space<hbm>>
    %dma_start3A_17 = arith.constant 0 : i32
    %dma_start3A_18 = tpu.memref_slice %arg3[%dma_start3A_17] : memref<320000xi32, #tpu.memory_space<hbm>> -> memref<800xi32, #tpu.memory_space<hbm>>
    tpu.enqueue_dma source(%dma_start3A_18 : memref<800xi32, #tpu.memory_space<hbm>>) target(%arg15 : memref<800xi32, #tpu.memory_space<vmem>>) target_semaphore(%arg35 : memref<!tpu.dma_semaphore, #tpu.memory_space<semaphore_mem>>)
    %scan3A_19 = arith.constant 0 : i32
    %scan3A_20 = arith.constant 0 : i32
    %scan3A_21 = arith.constant 200 : i32
    %scan3A_22 = arith.addi %scan3A_20, %scan3A_21 : i32
    %scan3A_23 = arith.constant 1 : i32
    %scan3A_24 = scf.for %scan3A_77 = %scan3A_20 to %scan3A_22 step %scan3A_23 iter_args(%scan3A_78 = %scan3A_19) -> (i32)  : i32 {
      %mul3A_79 = arith.constant 2 : i32
      %mul3A_80 = arith.muli %scan3A_77, %mul3A_79 : i32
      %add3A_81 = arith.constant 1 : i32
      %add3A_82 = arith.addi %mul3A_80, %add3A_81 : i32
      %mul3A_83 = arith.constant 800 : i32
      %mul3A_84 = arith.muli %add3A_82, %mul3A_83 : i32
      %dma_start3A_85 = tpu.memref_slice %arg4[%mul3A_84] : memref<320000xi32, #tpu.memory_space<hbm>> -> memref<800xi32, #tpu.memory_space<hbm>>
      %dma_start3A_86 = tpu.memref_slice %arg4[%mul3A_84] : memref<320000xi32, #tpu.memory_space<hbm>> -> memref<800xi32, #tpu.memory_space<hbm>>
      tpu.enqueue_dma source(%dma_start3A_86 : memref<800xi32, #tpu.memory_space<hbm>>) target(%arg16 : memref<800xi32, #tpu.memory_space<vmem>>) target_semaphore(%arg36 : memref<!tpu.dma_semaphore, #tpu.memory_space<semaphore_mem>>)
      %mul3A_87 = arith.constant 800 : i32
      %mul3A_88 = arith.muli %add3A_82, %mul3A_87 : i32
      %dma_start3A_89 = tpu.memref_slice %arg3[%mul3A_88] : memref<320000xi32, #tpu.memory_space<hbm>> -> memref<800xi32, #tpu.memory_space<hbm>>
      %dma_start3A_90 = tpu.memref_slice %arg3[%mul3A_88] : memref<320000xi32, #tpu.memory_space<hbm>> -> memref<800xi32, #tpu.memory_space<hbm>>
      tpu.enqueue_dma source(%dma_start3A_90 : memref<800xi32, #tpu.memory_space<hbm>>) target(%arg17 : memref<800xi32, #tpu.memory_space<vmem>>) target_semaphore(%arg37 : memref<!tpu.dma_semaphore, #tpu.memory_space<semaphore_mem>>)
      %mul3A_91 = arith.constant 800 : i32
      %mul3A_92 = arith.muli %mul3A_80, %mul3A_91 : i32
      %dma_wait3A_93 = tpu.memref_slice %arg4[%mul3A_92] : memref<320000xi32, #tpu.memory_space<hbm>> -> memref<800xi32, #tpu.memory_space<hbm>>
      %dma_wait3A_94 = tpu.memref_slice %arg4[%mul3A_92] : memref<320000xi32, #tpu.memory_space<hbm>> -> memref<800xi32, #tpu.memory_space<hbm>>
      tpu.wait_dma2 semaphore(%arg34 : memref<!tpu.dma_semaphore, #tpu.memory_space<semaphore_mem>>) src(%dma_wait3A_94 : memref<800xi32, #tpu.memory_space<hbm>>) dst(%arg14 : memref<800xi32, #tpu.memory_space<vmem>>)
      %mul3A_95 = arith.constant 800 : i32
      %mul3A_96 = arith.muli %mul3A_80, %mul3A_95 : i32
      %dma_wait3A_97 = tpu.memref_slice %arg3[%mul3A_96] : memref<320000xi32, #tpu.memory_space<hbm>> -> memref<800xi32, #tpu.memory_space<hbm>>
      %dma_wait3A_98 = tpu.memref_slice %arg3[%mul3A_96] : memref<320000xi32, #tpu.memory_space<hbm>> -> memref<800xi32, #tpu.memory_space<hbm>>
      tpu.wait_dma2 semaphore(%arg35 : memref<!tpu.dma_semaphore, #tpu.memory_space<semaphore_mem>>) src(%dma_wait3A_98 : memref<800xi32, #tpu.memory_space<hbm>>) dst(%arg15 : memref<800xi32, #tpu.memory_space<vmem>>)
      %mul3A_99 = arith.constant 800 : i32
      %mul3A_100 = arith.muli %mul3A_80, %mul3A_99 : i32
      %mul3A_101 = arith.constant 4 : i32
      %mul3A_102 = arith.muli %mul3A_100, %mul3A_101 : i32
      %dma_start3A_103 = tpu.memref_slice %arg5[%mul3A_102] : memref<1280000xf32, #tpu.memory_space<hbm>> -> memref<3200xf32, #tpu.memory_space<hbm>>
      %dma_start3A_104 = tpu.memref_slice %arg5[%mul3A_102] : memref<1280000xf32, #tpu.memory_space<hbm>> -> memref<3200xf32, #tpu.memory_space<hbm>>
      tpu.enqueue_dma source(%dma_start3A_104 : memref<3200xf32, #tpu.memory_space<hbm>>) target(%arg18 : memref<3200xf32, #tpu.memory_space<vmem>>) target_semaphore(%arg38 : memref<!tpu.dma_semaphore, #tpu.memory_space<semaphore_mem>>)
      %scan3A_105 = arith.constant 0 : i32
      %scan3A_106 = arith.constant 25 : i32
      %scan3A_107 = arith.addi %scan3A_105, %scan3A_106 : i32
      %scan3A_108 = arith.constant 1 : i32
      %scan3A_109 = scf.for %scan3A_411 = %scan3A_105 to %scan3A_107 step %scan3A_108 iter_args(%scan3A_412 = %scan3A_78) -> (i32)  : i32 {
        %mul3A_413 = arith.constant 32 : i32
        %mul3A_414 = arith.muli %scan3A_411, %mul3A_413 : i32
        %add3A_415 = arith.constant 0 : i32
        %add3A_416 = arith.addi %mul3A_414, %add3A_415 : i32
        %get3A_417 = arith.index_cast %add3A_416 : i32 to index
        %get3A_418 = tpu.vector_load %arg14[%get3A_417] {strides = array<i32>} : memref<800xi32, #tpu.memory_space<vmem>>, vector<16xi32>,
        %get3A_419 = arith.index_cast %add3A_416 : i32 to index
        %get3A_420 = tpu.vector_load %arg15[%get3A_419] {strides = array<i32>} : memref<800xi32, #tpu.memory_space<vmem>>, vector<16xi32>,
        %ge3A = vector.broadcast %mul3A_2 : i32 to vector<16xi32>
        %ge3A_421 = arith.cmpi sge, %get3A_418, %ge3A : vector<16xi32>
        %lt3A_422 = vector.broadcast %add3A_4 : i32 to vector<16xi32>
        %lt3A_423 = arith.cmpi slt, %get3A_418, %lt3A_422 : vector<16xi32>
        %and3A_424 = arith.andi %ge3A_421, %lt3A_423 : vector<16xi1>
        %convert_element_type3A_425 = arith.extui %and3A_424 : vector<16xi1> to vector<16xi32>
        %broadcast_in_dim3A_426 = arith.constant true
        %broadcast_in_dim3A_427 = vector.broadcast %broadcast_in_dim3A_426 : i1 to vector<16xi1>
        %masked_cumsum3A = tpu.scan <sum>, %convert_element_type3A_425 masked %broadcast_in_dim3A_427 : vector<16xi32>, vector<16xi1> -> vector<16xi32>
        %add3A_428 = arith.constant 16 : i32
        %add3A_429 = arith.addi %mul3A_414, %add3A_428 : i32
        %get3A_430 = arith.index_cast %add3A_429 : i32 to index
        %get3A_431 = tpu.vector_load %arg14[%get3A_430] {strides = array<i32>} : memref<800xi32, #tpu.memory_space<vmem>>, vector<16xi32>,
        %get3A_432 = arith.index_cast %add3A_429 : i32 to index
        %get3A_433 = tpu.vector_load %arg15[%get3A_432] {strides = array<i32>} : memref<800xi32, #tpu.memory_space<vmem>>, vector<16xi32>,
        %ge3A_434 = vector.broadcast %mul3A_2 : i32 to vector<16xi32>
        %ge3A_435 = arith.cmpi sge, %get3A_431, %ge3A_434 : vector<16xi32>
        %lt3A_436 = vector.broadcast %add3A_4 : i32 to vector<16xi32>
        %lt3A_437 = arith.cmpi slt, %get3A_431, %lt3A_436 : vector<16xi32>
        %and3A_438 = arith.andi %ge3A_435, %lt3A_437 : vector<16xi1>
        %convert_element_type3A_439 = arith.extui %and3A_438 : vector<16xi1> to vector<16xi32>
        %broadcast_in_dim3A_440 = arith.constant true
        %broadcast_in_dim3A_441 = vector.broadcast %broadcast_in_dim3A_440 : i1 to vector<16xi1>
        %masked_cumsum3A_442 = tpu.scan <sum>, %convert_element_type3A_439 masked %broadcast_in_dim3A_441 : vector<16xi32>, vector<16xi1> -> vector<16xi32>
        %add3A_443 = vector.broadcast %scan3A_412 : i32 to vector<16xi32>
        %add3A_444 = arith.addi %add3A_443, %masked_cumsum3A : vector<16xi32>
        %sub3A_445 = arith.constant 1 : i32
        %sub3A_446 = vector.broadcast %sub3A_445 : i32 to vector<16xi32>
        %sub3A_447 = arith.subi %add3A_444, %sub3A_446 : vector<16xi32>
        tpu.vector_store_idx %arg19[%sub3A_447], %get3A_420 masked %and3A_424 : memref<864xi32, #tpu.memory_space<vmem>>[vector<16xi32>], vector<16xi32>, vector<16xi1>
        tpu.vector_store_idx %arg20[%sub3A_447], %get3A_418 masked %and3A_424 : memref<864xi32, #tpu.memory_space<vmem>>[vector<16xi32>], vector<16xi32>, vector<16xi1>
        %add3A_448 = vector.broadcast %add3A_416 : i32 to vector<16xi32>
        %add3A_449 = arith.addi %add3A_448, %iota3A : vector<16xi32>
        tpu.vector_store_idx %arg21[%sub3A_447], %add3A_449 masked %and3A_424 : memref<864xi32, #tpu.memory_space<vmem>>[vector<16xi32>], vector<16xi32>, vector<16xi1>
        %slice3A = vector.extract_strided_slice %masked_cumsum3A {offsets = [15], sizes = [1], strides = [1]} : vector<16xi32> to vector<1xi32>
        %squeeze3A = vector.extract %slice3A[0] : i32 from vector<1xi32>
        %add3A_450 = arith.addi %scan3A_412, %squeeze3A : i32
        %add3A_451 = vector.broadcast %add3A_450 : i32 to vector<16xi32>
        %add3A_452 = arith.addi %add3A_451, %masked_cumsum3A_442 : vector<16xi32>
        %sub3A_453 = arith.constant 1 : i32
        %sub3A_454 = vector.broadcast %sub3A_453 : i32 to vector<16xi32>
        %sub3A_455 = arith.subi %add3A_452, %sub3A_454 : vector<16xi32>
        tpu.vector_store_idx %arg19[%sub3A_455], %get3A_433 masked %and3A_438 : memref<864xi32, #tpu.memory_space<vmem>>[vector<16xi32>], vector<16xi32>, vector<16xi1>
        tpu.vector_store_idx %arg20[%sub3A_455], %get3A_431 masked %and3A_438 : memref<864xi32, #tpu.memory_space<vmem>>[vector<16xi32>], vector<16xi32>, vector<16xi1>
        %add3A_456 = vector.broadcast %add3A_429 : i32 to vector<16xi32>
        %add3A_457 = arith.addi %add3A_456, %iota3A : vector<16xi32>
        tpu.vector_store_idx %arg21[%sub3A_455], %add3A_457 masked %and3A_438 : memref<864xi32, #tpu.memory_space<vmem>>[vector<16xi32>], vector<16xi32>, vector<16xi1>
        %slice3A_458 = vector.extract_strided_slice %masked_cumsum3A_442 {offsets = [15], sizes = [1], strides = [1]} : vector<16xi32> to vector<1xi32>
        %squeeze3A_459 = vector.extract %slice3A_458[0] : i32 from vector<1xi32>
        %add3A_460 = arith.addi %add3A_450, %squeeze3A_459 : i32
        scf.yield %add3A_460 : i32
      }
      %scan3A_110 = arith.constant 25 : i32
      %mul3A_111 = arith.constant 800 : i32
      %mul3A_112 = arith.muli %mul3A_80, %mul3A_111 : i32
      %mul3A_113 = arith.constant 4 : i32
      %mul3A_114 = arith.muli %mul3A_112, %mul3A_113 : i32
      %dma_wait3A_115 = tpu.memref_slice %arg5[%mul3A_114] : memref<1280000xf32, #tpu.memory_space<hbm>> -> memref<3200xf32, #tpu.memory_space<hbm>>
      %dma_wait3A_116 = tpu.memref_slice %arg5[%mul3A_114] : memref<1280000xf32, #tpu.memory_space<hbm>> -> memref<3200xf32, #tpu.memory_space<hbm>>
      tpu.wait_dma2 semaphore(%arg38 : memref<!tpu.dma_semaphore, #tpu.memory_space<semaphore_mem>>) src(%dma_wait3A_116 : memref<3200xf32, #tpu.memory_space<hbm>>) dst(%arg18 : memref<3200xf32, #tpu.memory_space<vmem>>)
      %broadcast_in_dim3A_117 = arith.constant 0 : i32
      %broadcast_in_dim3A_118 = vector.broadcast %broadcast_in_dim3A_117 : i32 to vector<16xi32>
      %add3A_119 = vector.broadcast %scan3A_109 : i32 to vector<16xi32>
      %add3A_120 = arith.addi %add3A_119, %iota3A : vector<16xi32>
      tpu.vector_store_idx %arg19[%add3A_120], %broadcast_in_dim3A_118 : memref<864xi32, #tpu.memory_space<vmem>>[vector<16xi32>], vector<16xi32>,
      %add3A_121 = vector.broadcast %scan3A_109 : i32 to vector<16xi32>
      %add3A_122 = arith.addi %add3A_121, %iota3A : vector<16xi32>
      %add3A_123 = vector.broadcast %add3A_4 : i32 to vector<16xi32>
      %add3A_124 = arith.addi %broadcast_in_dim3A_118, %add3A_123 : vector<16xi32>
      tpu.vector_store_idx %arg20[%add3A_122], %add3A_124 : memref<864xi32, #tpu.memory_space<vmem>>[vector<16xi32>], vector<16xi32>,
      %add3A_125 = vector.broadcast %scan3A_109 : i32 to vector<16xi32>
      %add3A_126 = arith.addi %add3A_125, %iota3A : vector<16xi32>
      tpu.vector_store_idx %arg21[%add3A_126], %broadcast_in_dim3A_118 : memref<864xi32, #tpu.memory_space<vmem>>[vector<16xi32>], vector<16xi32>,
      %sub3A = arith.subi %scan3A_109, %scan3A_78 : i32
      %add3A_127 = arith.constant 16 : i32
      %add3A_128 = arith.addi %sub3A, %add3A_127 : i32
      %sub3A_129 = arith.constant 1 : i32
      %sub3A_130 = arith.subi %add3A_128, %sub3A_129 : i32
      %jit3A = arith.constant 16 : i32
      %div3A = arith.divsi %sub3A_130, %jit3A : i32
      %sign3A = arith.constant 0 : i32
      %sign3A_131 = arith.cmpi sgt, %sub3A_130, %sign3A : i32
      %sign3A_132 = arith.extui %sign3A_131 : i1 to i32
      %sign3A_133 = arith.constant 0 : i32
      %sign3A_134 = arith.cmpi slt, %sub3A_130, %sign3A_133 : i32
      %sign3A_135 = arith.extui %sign3A_134 : i1 to i32
      %sign3A_136 = arith.subi %sign3A_132, %sign3A_135 : i32
      %sign3A_137 = arith.constant 0 : i32
      %sign3A_138 = arith.cmpi sgt, %jit3A, %sign3A_137 : i32
      %sign3A_139 = arith.extui %sign3A_138 : i1 to i32
      %sign3A_140 = arith.constant 0 : i32
      %sign3A_141 = arith.cmpi slt, %jit3A, %sign3A_140 : i32
      %sign3A_142 = arith.extui %sign3A_141 : i1 to i32
      %sign3A_143 = arith.subi %sign3A_139, %sign3A_142 : i32
      %ne3A = arith.cmpi ne, %sign3A_136, %sign3A_143 : i32
      %rem3A = arith.remsi %sub3A_130, %jit3A : i32
      %ne3A_144 = arith.constant 0 : i32
      %ne3A_145 = arith.cmpi ne, %rem3A, %ne3A_144 : i32
      %and3A = arith.andi %ne3A, %ne3A_145 : i1
      %sub3A_146 = arith.constant 1 : i32
      %sub3A_147 = arith.subi %div3A, %sub3A_146 : i32
      %select_n3A = arith.select %and3A, %sub3A_147, %div3A : i32
      %while3A = arith.constant 0 : i32
      %while3A_148 = arith.constant 0 : i32
      %while3A_149 = arith.subi %select_n3A, %while3A : i32
      %while3A_150 = arith.addi %while3A, %while3A_149 : i32
      %while3A_151 = arith.constant 1 : i32
      %while3A_152 = arith.divsi %while3A_149, %while3A_151 : i32
      %while3A_153 = arith.muli %while3A_152, %while3A_151 : i32
      %while3A_154 = arith.addi %while3A, %while3A_153 : i32
      %while3A_155 = arith.constant 1 : i32
      %while3A_156 = scf.for %while3A_411 = %while3A to %while3A_154 step %while3A_155 iter_args(%while3A_412 = %while3A_148) -> (i32)  : i32 {
        %mul3A_413 = arith.constant 16 : i32
        %mul3A_414 = arith.muli %while3A_411, %mul3A_413 : i32
        %add3A_415 = arith.addi %scan3A_78, %mul3A_414 : i32
        %get3A_416 = arith.index_cast %add3A_415 : i32 to index
        %get3A_417 = tpu.vector_load %arg19[%get3A_416] {strides = array<i32>} : memref<864xi32, #tpu.memory_space<vmem>>, vector<16xi32>,
        %get3A_418 = arith.index_cast %add3A_415 : i32 to index
        %get3A_419 = tpu.vector_load %arg21[%get3A_418] {strides = array<i32>} : memref<864xi32, #tpu.memory_space<vmem>>, vector<16xi32>,
        %get3A_420 = arith.index_cast %add3A_415 : i32 to index
        %get3A_421 = tpu.vector_load %arg20[%get3A_420] {strides = array<i32>} : memref<864xi32, #tpu.memory_space<vmem>>, vector<16xi32>,
        %gather3A = tpu.vector_load_idx %arg23[%get3A_417] : memref<10000xf32, #tpu.memory_space<vmem>>[vector<16xi32>], vector<16xf32>,
        %gather3A_422 = tpu.vector_load_idx %arg24[%get3A_417] : memref<10000xf32, #tpu.memory_space<vmem>>[vector<16xi32>], vector<16xf32>,
        %gather3A_423 = tpu.vector_load_idx %arg25[%get3A_417] : memref<10000xf32, #tpu.memory_space<vmem>>[vector<16xi32>], vector<16xf32>,
        %gather3A_424 = tpu.vector_load_idx %arg26[%get3A_417] : memref<10000xf32, #tpu.memory_space<vmem>>[vector<16xi32>], vector<16xf32>,
        %gather3A_425 = tpu.vector_load_idx %arg27[%get3A_417] : memref<10000xf32, #tpu.memory_space<vmem>>[vector<16xi32>], vector<16xf32>,
        %gather3A_426 = tpu.vector_load_idx %arg28[%get3A_417] : memref<10000xf32, #tpu.memory_space<vmem>>[vector<16xi32>], vector<16xf32>,
        %gather3A_427 = tpu.vector_load_idx %arg23[%get3A_421] : memref<10000xf32, #tpu.memory_space<vmem>>[vector<16xi32>], vector<16xf32>,
        %gather3A_428 = tpu.vector_load_idx %arg24[%get3A_421] : memref<10000xf32, #tpu.memory_space<vmem>>[vector<16xi32>], vector<16xf32>,
        %gather3A_429 = tpu.vector_load_idx %arg25[%get3A_421] : memref<10000xf32, #tpu.memory_space<vmem>>[vector<16xi32>], vector<16xf32>,
        %gather3A_430 = tpu.vector_load_idx %arg26[%get3A_421] : memref<10000xf32, #tpu.memory_space<vmem>>[vector<16xi32>], vector<16xf32>,
        %gather3A_431 = tpu.vector_load_idx %arg27[%get3A_421] : memref<10000xf32, #tpu.memory_space<vmem>>[vector<16xi32>], vector<16xf32>,
        %gather3A_432 = tpu.vector_load_idx %arg28[%get3A_421] : memref<10000xf32, #tpu.memory_space<vmem>>[vector<16xi32>], vector<16xf32>,
        %sub3A_433 = arith.subf %gather3A, %gather3A_427 : vector<16xf32>
        %sub3A_434 = arith.subf %gather3A_422, %gather3A_428 : vector<16xf32>
        %sub3A_435 = arith.subf %gather3A_423, %gather3A_429 : vector<16xf32>
        %mul3A_436 = arith.mulf %sub3A_433, %sub3A_433 : vector<16xf32>
        %mul3A_437 = arith.mulf %sub3A_434, %sub3A_434 : vector<16xf32>
        %add3A_438 = arith.addf %mul3A_436, %mul3A_437 : vector<16xf32>
        %mul3A_439 = arith.mulf %sub3A_435, %sub3A_435 : vector<16xf32>
        %add3A_440 = arith.addf %add3A_438, %mul3A_439 : vector<16xf32>
        %le3A = arith.constant 0.000000e+00 : f32
        %le3A_441 = vector.broadcast %le3A : f32 to vector<16xf32>
        %le3A_442 = arith.cmpf ole, %add3A_440, %le3A_441 : vector<16xf32>
        %bitcast3A = vector.bitcast %add3A_440 : vector<16xf32> to vector<16xi32>
        %shift_right_arithmetic3A = arith.constant 1 : i32
        %shift_right_arithmetic3A_443 = vector.broadcast %shift_right_arithmetic3A : i32 to vector<16xi32>
        %shift_right_arithmetic3A_444 = arith.shrsi %bitcast3A, %shift_right_arithmetic3A_443 : vector<16xi32>
        %sub3A_445 = arith.constant 1597463007 : i32
        %sub3A_446 = vector.broadcast %sub3A_445 : i32 to vector<16xi32>
        %sub3A_447 = arith.subi %sub3A_446, %shift_right_arithmetic3A_444 : vector<16xi32>
        %bitcast3A_448 = vector.bitcast %sub3A_447 : vector<16xi32> to vector<16xf32>
        %mul3A_449 = arith.constant 5.000000e-01 : f32
        %mul3A_450 = vector.broadcast %mul3A_449 : f32 to vector<16xf32>
        %mul3A_451 = arith.mulf %mul3A_450, %add3A_440 : vector<16xf32>
        %mul3A_452 = arith.mulf %mul3A_451, %bitcast3A_448 : vector<16xf32>
        %mul3A_453 = arith.mulf %mul3A_452, %bitcast3A_448 : vector<16xf32>
        %sub3A_454 = arith.constant 1.500000e+00 : f32
        %sub3A_455 = vector.broadcast %sub3A_454 : f32 to vector<16xf32>
        %sub3A_456 = arith.subf %sub3A_455, %mul3A_453 : vector<16xf32>
        %mul3A_457 = arith.mulf %bitcast3A_448, %sub3A_456 : vector<16xf32>
        %mul3A_458 = arith.constant 5.000000e-01 : f32
        %mul3A_459 = vector.broadcast %mul3A_458 : f32 to vector<16xf32>
        %mul3A_460 = arith.mulf %mul3A_459, %add3A_440 : vector<16xf32>
        %mul3A_461 = arith.mulf %mul3A_460, %mul3A_457 : vector<16xf32>
        %mul3A_462 = arith.mulf %mul3A_461, %mul3A_457 : vector<16xf32>
        %sub3A_463 = arith.constant 1.500000e+00 : f32
        %sub3A_464 = vector.broadcast %sub3A_463 : f32 to vector<16xf32>
        %sub3A_465 = arith.subf %sub3A_464, %mul3A_462 : vector<16xf32>
        %mul3A_466 = arith.mulf %mul3A_457, %sub3A_465 : vector<16xf32>
        %mul3A_467 = arith.constant 5.000000e-01 : f32
        %mul3A_468 = vector.broadcast %mul3A_467 : f32 to vector<16xf32>
        %mul3A_469 = arith.mulf %mul3A_468, %add3A_440 : vector<16xf32>
        %mul3A_470 = arith.mulf %mul3A_469, %mul3A_466 : vector<16xf32>
        %mul3A_471 = arith.mulf %mul3A_470, %mul3A_466 : vector<16xf32>
        %sub3A_472 = arith.constant 1.500000e+00 : f32
        %sub3A_473 = vector.broadcast %sub3A_472 : f32 to vector<16xf32>
        %sub3A_474 = arith.subf %sub3A_473, %mul3A_471 : vector<16xf32>
        %mul3A_475 = arith.mulf %mul3A_466, %sub3A_474 : vector<16xf32>
        %mul3A_476 = arith.mulf %add3A_440, %mul3A_475 : vector<16xf32>
        %jit3A_477 = arith.constant 0.000000e+00 : f32
        %broadcast_in_dim3A_478 = vector.broadcast %jit3A_477 : f32 to vector<16xf32>
        %select_n3A_479 = arith.select %le3A_442, %broadcast_in_dim3A_478, %mul3A_476 : vector<16xi1>, vector<16xf32>
        %mul3A_480 = arith.mulf %select_n3A_479, %get3A_11 : vector<16xf32>
        %mul3A_481 = arith.mulf %gather3A_431, %sub3A_435 : vector<16xf32>
        %mul3A_482 = arith.mulf %gather3A_432, %sub3A_434 : vector<16xf32>
        %sub3A_483 = arith.subf %mul3A_481, %mul3A_482 : vector<16xf32>
        %mul3A_484 = arith.mulf %gather3A_432, %sub3A_433 : vector<16xf32>
        %mul3A_485 = arith.mulf %gather3A_430, %sub3A_435 : vector<16xf32>
        %sub3A_486 = arith.subf %mul3A_484, %mul3A_485 : vector<16xf32>
        %mul3A_487 = arith.mulf %gather3A_430, %sub3A_434 : vector<16xf32>
        %mul3A_488 = arith.mulf %gather3A_431, %sub3A_433 : vector<16xf32>
        %sub3A_489 = arith.subf %mul3A_487, %mul3A_488 : vector<16xf32>
        %mul3A_490 = arith.mulf %sub3A_483, %sub3A_483 : vector<16xf32>
        %mul3A_491 = arith.mulf %sub3A_486, %sub3A_486 : vector<16xf32>
        %add3A_492 = arith.addf %mul3A_490, %mul3A_491 : vector<16xf32>
        %mul3A_493 = arith.mulf %sub3A_489, %sub3A_489 : vector<16xf32>
        %add3A_494 = arith.addf %add3A_492, %mul3A_493 : vector<16xf32>
        %mul3A_495 = arith.mulf %gather3A_430, %sub3A_433 : vector<16xf32>
        %mul3A_496 = arith.mulf %gather3A_431, %sub3A_434 : vector<16xf32>
        %add3A_497 = arith.addf %mul3A_495, %mul3A_496 : vector<16xf32>
        %mul3A_498 = arith.mulf %gather3A_432, %sub3A_435 : vector<16xf32>
        %add3A_499 = arith.addf %add3A_497, %mul3A_498 : vector<16xf32>
        %mul3A_500 = arith.mulf %add3A_499, %add3A_499 : vector<16xf32>
        %add3A_501 = arith.addf %add3A_494, %mul3A_500 : vector<16xf32>
        %bitcast3A_502 = vector.bitcast %add3A_501 : vector<16xf32> to vector<16xi32>
        %shift_right_arithmetic3A_503 = arith.constant 1 : i32
        %shift_right_arithmetic3A_504 = vector.broadcast %shift_right_arithmetic3A_503 : i32 to vector<16xi32>
        %shift_right_arithmetic3A_505 = arith.shrsi %bitcast3A_502, %shift_right_arithmetic3A_504 : vector<16xi32>
        %sub3A_506 = arith.constant 1597463007 : i32
        %sub3A_507 = vector.broadcast %sub3A_506 : i32 to vector<16xi32>
        %sub3A_508 = arith.subi %sub3A_507, %shift_right_arithmetic3A_505 : vector<16xi32>
        %bitcast3A_509 = vector.bitcast %sub3A_508 : vector<16xi32> to vector<16xf32>
        %mul3A_510 = arith.constant 5.000000e-01 : f32
        %mul3A_511 = vector.broadcast %mul3A_510 : f32 to vector<16xf32>
        %mul3A_512 = arith.mulf %mul3A_511, %add3A_501 : vector<16xf32>
        %mul3A_513 = arith.mulf %mul3A_512, %bitcast3A_509 : vector<16xf32>
        %mul3A_514 = arith.mulf %mul3A_513, %bitcast3A_509 : vector<16xf32>
        %sub3A_515 = arith.constant 1.500000e+00 : f32
        %sub3A_516 = vector.broadcast %sub3A_515 : f32 to vector<16xf32>
        %sub3A_517 = arith.subf %sub3A_516, %mul3A_514 : vector<16xf32>
        %mul3A_518 = arith.mulf %bitcast3A_509, %sub3A_517 : vector<16xf32>
        %mul3A_519 = arith.constant 5.000000e-01 : f32
        %mul3A_520 = vector.broadcast %mul3A_519 : f32 to vector<16xf32>
        %mul3A_521 = arith.mulf %mul3A_520, %add3A_501 : vector<16xf32>
        %mul3A_522 = arith.mulf %mul3A_521, %mul3A_518 : vector<16xf32>
        %mul3A_523 = arith.mulf %mul3A_522, %mul3A_518 : vector<16xf32>
        %sub3A_524 = arith.constant 1.500000e+00 : f32
        %sub3A_525 = vector.broadcast %sub3A_524 : f32 to vector<16xf32>
        %sub3A_526 = arith.subf %sub3A_525, %mul3A_523 : vector<16xf32>
        %mul3A_527 = arith.mulf %mul3A_518, %sub3A_526 : vector<16xf32>
        %mul3A_528 = arith.constant 5.000000e-01 : f32
        %mul3A_529 = vector.broadcast %mul3A_528 : f32 to vector<16xf32>
        %mul3A_530 = arith.mulf %mul3A_529, %add3A_501 : vector<16xf32>
        %mul3A_531 = arith.mulf %mul3A_530, %mul3A_527 : vector<16xf32>
        %mul3A_532 = arith.mulf %mul3A_531, %mul3A_527 : vector<16xf32>
        %sub3A_533 = arith.constant 1.500000e+00 : f32
        %sub3A_534 = vector.broadcast %sub3A_533 : f32 to vector<16xf32>
        %sub3A_535 = arith.subf %sub3A_534, %mul3A_532 : vector<16xf32>
        %mul3A_536 = arith.mulf %mul3A_527, %sub3A_535 : vector<16xf32>
        %le3A_537 = arith.constant 0.000000e+00 : f32
        %le3A_538 = vector.broadcast %le3A_537 : f32 to vector<16xf32>
        %le3A_539 = arith.cmpf ole, %add3A_494, %le3A_538 : vector<16xf32>
        %bitcast3A_540 = vector.bitcast %add3A_494 : vector<16xf32> to vector<16xi32>
        %shift_right_arithmetic3A_541 = arith.constant 1 : i32
        %shift_right_arithmetic3A_542 = vector.broadcast %shift_right_arithmetic3A_541 : i32 to vector<16xi32>
        %shift_right_arithmetic3A_543 = arith.shrsi %bitcast3A_540, %shift_right_arithmetic3A_542 : vector<16xi32>
        %sub3A_544 = arith.constant 1597463007 : i32
        %sub3A_545 = vector.broadcast %sub3A_544 : i32 to vector<16xi32>
        %sub3A_546 = arith.subi %sub3A_545, %shift_right_arithmetic3A_543 : vector<16xi32>
        %bitcast3A_547 = vector.bitcast %sub3A_546 : vector<16xi32> to vector<16xf32>
        %mul3A_548 = arith.constant 5.000000e-01 : f32
        %mul3A_549 = vector.broadcast %mul3A_548 : f32 to vector<16xf32>
        %mul3A_550 = arith.mulf %mul3A_549, %add3A_494 : vector<16xf32>
        %mul3A_551 = arith.mulf %mul3A_550, %bitcast3A_547 : vector<16xf32>
        %mul3A_552 = arith.mulf %mul3A_551, %bitcast3A_547 : vector<16xf32>
        %sub3A_553 = arith.constant 1.500000e+00 : f32
        %sub3A_554 = vector.broadcast %sub3A_553 : f32 to vector<16xf32>
        %sub3A_555 = arith.subf %sub3A_554, %mul3A_552 : vector<16xf32>
        %mul3A_556 = arith.mulf %bitcast3A_547, %sub3A_555 : vector<16xf32>
        %mul3A_557 = arith.constant 5.000000e-01 : f32
        %mul3A_558 = vector.broadcast %mul3A_557 : f32 to vector<16xf32>
        %mul3A_559 = arith.mulf %mul3A_558, %add3A_494 : vector<16xf32>
        %mul3A_560 = arith.mulf %mul3A_559, %mul3A_556 : vector<16xf32>
        %mul3A_561 = arith.mulf %mul3A_560, %mul3A_556 : vector<16xf32>
        %sub3A_562 = arith.constant 1.500000e+00 : f32
        %sub3A_563 = vector.broadcast %sub3A_562 : f32 to vector<16xf32>
        %sub3A_564 = arith.subf %sub3A_563, %mul3A_561 : vector<16xf32>
        %mul3A_565 = arith.mulf %mul3A_556, %sub3A_564 : vector<16xf32>
        %mul3A_566 = arith.constant 5.000000e-01 : f32
        %mul3A_567 = vector.broadcast %mul3A_566 : f32 to vector<16xf32>
        %mul3A_568 = arith.mulf %mul3A_567, %add3A_494 : vector<16xf32>
        %mul3A_569 = arith.mulf %mul3A_568, %mul3A_565 : vector<16xf32>
        %mul3A_570 = arith.mulf %mul3A_569, %mul3A_565 : vector<16xf32>
        %sub3A_571 = arith.constant 1.500000e+00 : f32
        %sub3A_572 = vector.broadcast %sub3A_571 : f32 to vector<16xf32>
        %sub3A_573 = arith.subf %sub3A_572, %mul3A_570 : vector<16xf32>
        %mul3A_574 = arith.mulf %mul3A_565, %sub3A_573 : vector<16xf32>
        %mul3A_575 = arith.mulf %add3A_494, %mul3A_574 : vector<16xf32>
        %mul3A_576 = arith.mulf %mul3A_575, %mul3A_536 : vector<16xf32>
        %jit3A_577 = arith.constant 0.000000e+00 : f32
        %broadcast_in_dim3A_578 = vector.broadcast %jit3A_577 : f32 to vector<16xf32>
        %select_n3A_579 = arith.select %le3A_539, %broadcast_in_dim3A_578, %mul3A_576 : vector<16xi1>, vector<16xf32>
        %le3A_580 = arith.constant 0.000000e+00 : f32
        %le3A_581 = vector.broadcast %le3A_580 : f32 to vector<16xf32>
        %le3A_582 = arith.cmpf ole, %add3A_501, %le3A_581 : vector<16xf32>
        %mul3A_583 = arith.mulf %add3A_499, %mul3A_536 : vector<16xf32>
        %jit3A_584 = arith.constant 1.000000e+00 : f32
        %broadcast_in_dim3A_585 = vector.broadcast %jit3A_584 : f32 to vector<16xf32>
        %select_n3A_586 = arith.select %le3A_582, %broadcast_in_dim3A_585, %mul3A_583 : vector<16xi1>, vector<16xf32>
        %mul3A_587 = arith.mulf %gather3A_425, %sub3A_435 : vector<16xf32>
        %mul3A_588 = arith.mulf %gather3A_426, %sub3A_434 : vector<16xf32>
        %sub3A_589 = arith.subf %mul3A_587, %mul3A_588 : vector<16xf32>
        %mul3A_590 = arith.mulf %gather3A_426, %sub3A_433 : vector<16xf32>
        %mul3A_591 = arith.mulf %gather3A_424, %sub3A_435 : vector<16xf32>
        %sub3A_592 = arith.subf %mul3A_590, %mul3A_591 : vector<16xf32>
        %mul3A_593 = arith.mulf %gather3A_424, %sub3A_434 : vector<16xf32>
        %mul3A_594 = arith.mulf %gather3A_425, %sub3A_433 : vector<16xf32>
        %sub3A_595 = arith.subf %mul3A_593, %mul3A_594 : vector<16xf32>
        %mul3A_596 = arith.mulf %sub3A_589, %sub3A_589 : vector<16xf32>
        %mul3A_597 = arith.mulf %sub3A_592, %sub3A_592 : vector<16xf32>
        %add3A_598 = arith.addf %mul3A_596, %mul3A_597 : vector<16xf32>
        %mul3A_599 = arith.mulf %sub3A_595, %sub3A_595 : vector<16xf32>
        %add3A_600 = arith.addf %add3A_598, %mul3A_599 : vector<16xf32>
        %mul3A_601 = arith.mulf %gather3A_424, %sub3A_433 : vector<16xf32>
        %mul3A_602 = arith.mulf %gather3A_425, %sub3A_434 : vector<16xf32>
        %add3A_603 = arith.addf %mul3A_601, %mul3A_602 : vector<16xf32>
        %mul3A_604 = arith.mulf %gather3A_426, %sub3A_435 : vector<16xf32>
        %add3A_605 = arith.addf %add3A_603, %mul3A_604 : vector<16xf32>
        %mul3A_606 = arith.mulf %add3A_605, %add3A_605 : vector<16xf32>
        %add3A_607 = arith.addf %add3A_600, %mul3A_606 : vector<16xf32>
        %bitcast3A_608 = vector.bitcast %add3A_607 : vector<16xf32> to vector<16xi32>
        %shift_right_arithmetic3A_609 = arith.constant 1 : i32
        %shift_right_arithmetic3A_610 = vector.broadcast %shift_right_arithmetic3A_609 : i32 to vector<16xi32>
        %shift_right_arithmetic3A_611 = arith.shrsi %bitcast3A_608, %shift_right_arithmetic3A_610 : vector<16xi32>
        %sub3A_612 = arith.constant 1597463007 : i32
        %sub3A_613 = vector.broadcast %sub3A_612 : i32 to vector<16xi32>
        %sub3A_614 = arith.subi %sub3A_613, %shift_right_arithmetic3A_611 : vector<16xi32>
        %bitcast3A_615 = vector.bitcast %sub3A_614 : vector<16xi32> to vector<16xf32>
        %mul3A_616 = arith.constant 5.000000e-01 : f32
        %mul3A_617 = vector.broadcast %mul3A_616 : f32 to vector<16xf32>
        %mul3A_618 = arith.mulf %mul3A_617, %add3A_607 : vector<16xf32>
        %mul3A_619 = arith.mulf %mul3A_618, %bitcast3A_615 : vector<16xf32>
        %mul3A_620 = arith.mulf %mul3A_619, %bitcast3A_615 : vector<16xf32>
        %sub3A_621 = arith.constant 1.500000e+00 : f32
        %sub3A_622 = vector.broadcast %sub3A_621 : f32 to vector<16xf32>
        %sub3A_623 = arith.subf %sub3A_622, %mul3A_620 : vector<16xf32>
        %mul3A_624 = arith.mulf %bitcast3A_615, %sub3A_623 : vector<16xf32>
        %mul3A_625 = arith.constant 5.000000e-01 : f32
        %mul3A_626 = vector.broadcast %mul3A_625 : f32 to vector<16xf32>
        %mul3A_627 = arith.mulf %mul3A_626, %add3A_607 : vector<16xf32>
        %mul3A_628 = arith.mulf %mul3A_627, %mul3A_624 : vector<16xf32>
        %mul3A_629 = arith.mulf %mul3A_628, %mul3A_624 : vector<16xf32>
        %sub3A_630 = arith.constant 1.500000e+00 : f32
        %sub3A_631 = vector.broadcast %sub3A_630 : f32 to vector<16xf32>
        %sub3A_632 = arith.subf %sub3A_631, %mul3A_629 : vector<16xf32>
        %mul3A_633 = arith.mulf %mul3A_624, %sub3A_632 : vector<16xf32>
        %mul3A_634 = arith.constant 5.000000e-01 : f32
        %mul3A_635 = vector.broadcast %mul3A_634 : f32 to vector<16xf32>
        %mul3A_636 = arith.mulf %mul3A_635, %add3A_607 : vector<16xf32>
        %mul3A_637 = arith.mulf %mul3A_636, %mul3A_633 : vector<16xf32>
        %mul3A_638 = arith.mulf %mul3A_637, %mul3A_633 : vector<16xf32>
        %sub3A_639 = arith.constant 1.500000e+00 : f32
        %sub3A_640 = vector.broadcast %sub3A_639 : f32 to vector<16xf32>
        %sub3A_641 = arith.subf %sub3A_640, %mul3A_638 : vector<16xf32>
        %mul3A_642 = arith.mulf %mul3A_633, %sub3A_641 : vector<16xf32>
        %le3A_643 = arith.constant 0.000000e+00 : f32
        %le3A_644 = vector.broadcast %le3A_643 : f32 to vector<16xf32>
        %le3A_645 = arith.cmpf ole, %add3A_600, %le3A_644 : vector<16xf32>
        %bitcast3A_646 = vector.bitcast %add3A_600 : vector<16xf32> to vector<16xi32>
        %shift_right_arithmetic3A_647 = arith.constant 1 : i32
        %shift_right_arithmetic3A_648 = vector.broadcast %shift_right_arithmetic3A_647 : i32 to vector<16xi32>
        %shift_right_arithmetic3A_649 = arith.shrsi %bitcast3A_646, %shift_right_arithmetic3A_648 : vector<16xi32>
        %sub3A_650 = arith.constant 1597463007 : i32
        %sub3A_651 = vector.broadcast %sub3A_650 : i32 to vector<16xi32>
        %sub3A_652 = arith.subi %sub3A_651, %shift_right_arithmetic3A_649 : vector<16xi32>
        %bitcast3A_653 = vector.bitcast %sub3A_652 : vector<16xi32> to vector<16xf32>
        %mul3A_654 = arith.constant 5.000000e-01 : f32
        %mul3A_655 = vector.broadcast %mul3A_654 : f32 to vector<16xf32>
        %mul3A_656 = arith.mulf %mul3A_655, %add3A_600 : vector<16xf32>
        %mul3A_657 = arith.mulf %mul3A_656, %bitcast3A_653 : vector<16xf32>
        %mul3A_658 = arith.mulf %mul3A_657, %bitcast3A_653 : vector<16xf32>
        %sub3A_659 = arith.constant 1.500000e+00 : f32
        %sub3A_660 = vector.broadcast %sub3A_659 : f32 to vector<16xf32>
        %sub3A_661 = arith.subf %sub3A_660, %mul3A_658 : vector<16xf32>
        %mul3A_662 = arith.mulf %bitcast3A_653, %sub3A_661 : vector<16xf32>
        %mul3A_663 = arith.constant 5.000000e-01 : f32
        %mul3A_664 = vector.broadcast %mul3A_663 : f32 to vector<16xf32>
        %mul3A_665 = arith.mulf %mul3A_664, %add3A_600 : vector<16xf32>
        %mul3A_666 = arith.mulf %mul3A_665, %mul3A_662 : vector<16xf32>
        %mul3A_667 = arith.mulf %mul3A_666, %mul3A_662 : vector<16xf32>
        %sub3A_668 = arith.constant 1.500000e+00 : f32
        %sub3A_669 = vector.broadcast %sub3A_668 : f32 to vector<16xf32>
        %sub3A_670 = arith.subf %sub3A_669, %mul3A_667 : vector<16xf32>
        %mul3A_671 = arith.mulf %mul3A_662, %sub3A_670 : vector<16xf32>
        %mul3A_672 = arith.constant 5.000000e-01 : f32
        %mul3A_673 = vector.broadcast %mul3A_672 : f32 to vector<16xf32>
        %mul3A_674 = arith.mulf %mul3A_673, %add3A_600 : vector<16xf32>
        %mul3A_675 = arith.mulf %mul3A_674, %mul3A_671 : vector<16xf32>
        %mul3A_676 = arith.mulf %mul3A_675, %mul3A_671 : vector<16xf32>
        %sub3A_677 = arith.constant 1.500000e+00 : f32
        %sub3A_678 = vector.broadcast %sub3A_677 : f32 to vector<16xf32>
        %sub3A_679 = arith.subf %sub3A_678, %mul3A_676 : vector<16xf32>
        %mul3A_680 = arith.mulf %mul3A_671, %sub3A_679 : vector<16xf32>
        %mul3A_681 = arith.mulf %add3A_600, %mul3A_680 : vector<16xf32>
        %mul3A_682 = arith.mulf %mul3A_681, %mul3A_642 : vector<16xf32>
        %jit3A_683 = arith.constant 0.000000e+00 : f32
        %broadcast_in_dim3A_684 = vector.broadcast %jit3A_683 : f32 to vector<16xf32>
        %select_n3A_685 = arith.select %le3A_645, %broadcast_in_dim3A_684, %mul3A_682 : vector<16xi1>, vector<16xf32>
        %le3A_686 = arith.constant 0.000000e+00 : f32
        %le3A_687 = vector.broadcast %le3A_686 : f32 to vector<16xf32>
        %le3A_688 = arith.cmpf ole, %add3A_607, %le3A_687 : vector<16xf32>
        %mul3A_689 = arith.mulf %add3A_605, %mul3A_642 : vector<16xf32>
        %jit3A_690 = arith.constant 1.000000e+00 : f32
        %broadcast_in_dim3A_691 = vector.broadcast %jit3A_690 : f32 to vector<16xf32>
        %select_n3A_692 = arith.select %le3A_688, %broadcast_in_dim3A_691, %mul3A_689 : vector<16xi1>, vector<16xf32>
        %mul3A_693 = arith.mulf %gather3A_431, %gather3A_426 : vector<16xf32>
        %mul3A_694 = arith.mulf %gather3A_432, %gather3A_425 : vector<16xf32>
        %sub3A_695 = arith.subf %mul3A_693, %mul3A_694 : vector<16xf32>
        %mul3A_696 = arith.mulf %gather3A_432, %gather3A_424 : vector<16xf32>
        %mul3A_697 = arith.mulf %gather3A_430, %gather3A_426 : vector<16xf32>
        %sub3A_698 = arith.subf %mul3A_696, %mul3A_697 : vector<16xf32>
        %mul3A_699 = arith.mulf %gather3A_430, %gather3A_425 : vector<16xf32>
        %mul3A_700 = arith.mulf %gather3A_431, %gather3A_424 : vector<16xf32>
        %sub3A_701 = arith.subf %mul3A_699, %mul3A_700 : vector<16xf32>
        %mul3A_702 = arith.mulf %sub3A_695, %sub3A_695 : vector<16xf32>
        %mul3A_703 = arith.mulf %sub3A_698, %sub3A_698 : vector<16xf32>
        %add3A_704 = arith.addf %mul3A_702, %mul3A_703 : vector<16xf32>
        %mul3A_705 = arith.mulf %sub3A_701, %sub3A_701 : vector<16xf32>
        %add3A_706 = arith.addf %add3A_704, %mul3A_705 : vector<16xf32>
        %mul3A_707 = arith.mulf %gather3A_430, %gather3A_424 : vector<16xf32>
        %mul3A_708 = arith.mulf %gather3A_431, %gather3A_425 : vector<16xf32>
        %add3A_709 = arith.addf %mul3A_707, %mul3A_708 : vector<16xf32>
        %mul3A_710 = arith.mulf %gather3A_432, %gather3A_426 : vector<16xf32>
        %add3A_711 = arith.addf %add3A_709, %mul3A_710 : vector<16xf32>
        %mul3A_712 = arith.mulf %add3A_711, %add3A_711 : vector<16xf32>
        %add3A_713 = arith.addf %add3A_706, %mul3A_712 : vector<16xf32>
        %bitcast3A_714 = vector.bitcast %add3A_713 : vector<16xf32> to vector<16xi32>
        %shift_right_arithmetic3A_715 = arith.constant 1 : i32
        %shift_right_arithmetic3A_716 = vector.broadcast %shift_right_arithmetic3A_715 : i32 to vector<16xi32>
        %shift_right_arithmetic3A_717 = arith.shrsi %bitcast3A_714, %shift_right_arithmetic3A_716 : vector<16xi32>
        %sub3A_718 = arith.constant 1597463007 : i32
        %sub3A_719 = vector.broadcast %sub3A_718 : i32 to vector<16xi32>
        %sub3A_720 = arith.subi %sub3A_719, %shift_right_arithmetic3A_717 : vector<16xi32>
        %bitcast3A_721 = vector.bitcast %sub3A_720 : vector<16xi32> to vector<16xf32>
        %mul3A_722 = arith.constant 5.000000e-01 : f32
        %mul3A_723 = vector.broadcast %mul3A_722 : f32 to vector<16xf32>
        %mul3A_724 = arith.mulf %mul3A_723, %add3A_713 : vector<16xf32>
        %mul3A_725 = arith.mulf %mul3A_724, %bitcast3A_721 : vector<16xf32>
        %mul3A_726 = arith.mulf %mul3A_725, %bitcast3A_721 : vector<16xf32>
        %sub3A_727 = arith.constant 1.500000e+00 : f32
        %sub3A_728 = vector.broadcast %sub3A_727 : f32 to vector<16xf32>
        %sub3A_729 = arith.subf %sub3A_728, %mul3A_726 : vector<16xf32>
        %mul3A_730 = arith.mulf %bitcast3A_721, %sub3A_729 : vector<16xf32>
        %mul3A_731 = arith.constant 5.000000e-01 : f32
        %mul3A_732 = vector.broadcast %mul3A_731 : f32 to vector<16xf32>
        %mul3A_733 = arith.mulf %mul3A_732, %add3A_713 : vector<16xf32>
        %mul3A_734 = arith.mulf %mul3A_733, %mul3A_730 : vector<16xf32>
        %mul3A_735 = arith.mulf %mul3A_734, %mul3A_730 : vector<16xf32>
        %sub3A_736 = arith.constant 1.500000e+00 : f32
        %sub3A_737 = vector.broadcast %sub3A_736 : f32 to vector<16xf32>
        %sub3A_738 = arith.subf %sub3A_737, %mul3A_735 : vector<16xf32>
        %mul3A_739 = arith.mulf %mul3A_730, %sub3A_738 : vector<16xf32>
        %mul3A_740 = arith.constant 5.000000e-01 : f32
        %mul3A_741 = vector.broadcast %mul3A_740 : f32 to vector<16xf32>
        %mul3A_742 = arith.mulf %mul3A_741, %add3A_713 : vector<16xf32>
        %mul3A_743 = arith.mulf %mul3A_742, %mul3A_739 : vector<16xf32>
        %mul3A_744 = arith.mulf %mul3A_743, %mul3A_739 : vector<16xf32>
        %sub3A_745 = arith.constant 1.500000e+00 : f32
        %sub3A_746 = vector.broadcast %sub3A_745 : f32 to vector<16xf32>
        %sub3A_747 = arith.subf %sub3A_746, %mul3A_744 : vector<16xf32>
        %mul3A_748 = arith.mulf %mul3A_739, %sub3A_747 : vector<16xf32>
        %le3A_749 = arith.constant 0.000000e+00 : f32
        %le3A_750 = vector.broadcast %le3A_749 : f32 to vector<16xf32>
        %le3A_751 = arith.cmpf ole, %add3A_706, %le3A_750 : vector<16xf32>
        %bitcast3A_752 = vector.bitcast %add3A_706 : vector<16xf32> to vector<16xi32>
        %shift_right_arithmetic3A_753 = arith.constant 1 : i32
        %shift_right_arithmetic3A_754 = vector.broadcast %shift_right_arithmetic3A_753 : i32 to vector<16xi32>
        %shift_right_arithmetic3A_755 = arith.shrsi %bitcast3A_752, %shift_right_arithmetic3A_754 : vector<16xi32>
        %sub3A_756 = arith.constant 1597463007 : i32
        %sub3A_757 = vector.broadcast %sub3A_756 : i32 to vector<16xi32>
        %sub3A_758 = arith.subi %sub3A_757, %shift_right_arithmetic3A_755 : vector<16xi32>
        %bitcast3A_759 = vector.bitcast %sub3A_758 : vector<16xi32> to vector<16xf32>
        %mul3A_760 = arith.constant 5.000000e-01 : f32
        %mul3A_761 = vector.broadcast %mul3A_760 : f32 to vector<16xf32>
        %mul3A_762 = arith.mulf %mul3A_761, %add3A_706 : vector<16xf32>
        %mul3A_763 = arith.mulf %mul3A_762, %bitcast3A_759 : vector<16xf32>
        %mul3A_764 = arith.mulf %mul3A_763, %bitcast3A_759 : vector<16xf32>
        %sub3A_765 = arith.constant 1.500000e+00 : f32
        %sub3A_766 = vector.broadcast %sub3A_765 : f32 to vector<16xf32>
        %sub3A_767 = arith.subf %sub3A_766, %mul3A_764 : vector<16xf32>
        %mul3A_768 = arith.mulf %bitcast3A_759, %sub3A_767 : vector<16xf32>
        %mul3A_769 = arith.constant 5.000000e-01 : f32
        %mul3A_770 = vector.broadcast %mul3A_769 : f32 to vector<16xf32>
        %mul3A_771 = arith.mulf %mul3A_770, %add3A_706 : vector<16xf32>
        %mul3A_772 = arith.mulf %mul3A_771, %mul3A_768 : vector<16xf32>
        %mul3A_773 = arith.mulf %mul3A_772, %mul3A_768 : vector<16xf32>
        %sub3A_774 = arith.constant 1.500000e+00 : f32
        %sub3A_775 = vector.broadcast %sub3A_774 : f32 to vector<16xf32>
        %sub3A_776 = arith.subf %sub3A_775, %mul3A_773 : vector<16xf32>
        %mul3A_777 = arith.mulf %mul3A_768, %sub3A_776 : vector<16xf32>
        %mul3A_778 = arith.constant 5.000000e-01 : f32
        %mul3A_779 = vector.broadcast %mul3A_778 : f32 to vector<16xf32>
        %mul3A_780 = arith.mulf %mul3A_779, %add3A_706 : vector<16xf32>
        %mul3A_781 = arith.mulf %mul3A_780, %mul3A_777 : vector<16xf32>
        %mul3A_782 = arith.mulf %mul3A_781, %mul3A_777 : vector<16xf32>
        %sub3A_783 = arith.constant 1.500000e+00 : f32
        %sub3A_784 = vector.broadcast %sub3A_783 : f32 to vector<16xf32>
        %sub3A_785 = arith.subf %sub3A_784, %mul3A_782 : vector<16xf32>
        %mul3A_786 = arith.mulf %mul3A_777, %sub3A_785 : vector<16xf32>
        %mul3A_787 = arith.mulf %add3A_706, %mul3A_786 : vector<16xf32>
        %mul3A_788 = arith.mulf %mul3A_787, %mul3A_748 : vector<16xf32>
        %jit3A_789 = arith.constant 0.000000e+00 : f32
        %broadcast_in_dim3A_790 = vector.broadcast %jit3A_789 : f32 to vector<16xf32>
        %select_n3A_791 = arith.select %le3A_751, %broadcast_in_dim3A_790, %mul3A_788 : vector<16xi1>, vector<16xf32>
        %le3A_792 = arith.constant 0.000000e+00 : f32
        %le3A_793 = vector.broadcast %le3A_792 : f32 to vector<16xf32>
        %le3A_794 = arith.cmpf ole, %add3A_713, %le3A_793 : vector<16xf32>
        %mul3A_795 = arith.mulf %add3A_711, %mul3A_748 : vector<16xf32>
        %jit3A_796 = arith.constant 1.000000e+00 : f32
        %broadcast_in_dim3A_797 = vector.broadcast %jit3A_796 : f32 to vector<16xf32>
        %select_n3A_798 = arith.select %le3A_794, %broadcast_in_dim3A_797, %mul3A_795 : vector<16xi1>, vector<16xf32>
        %mul3A_799 = arith.constant 4 : i32
        %mul3A_800 = vector.broadcast %mul3A_799 : i32 to vector<16xi32>
        %mul3A_801 = arith.muli %get3A_419, %mul3A_800 : vector<16xi32>
        %add3A_802 = arith.constant 0 : i32
        %add3A_803 = vector.broadcast %add3A_802 : i32 to vector<16xi32>
        %add3A_804 = arith.addi %mul3A_801, %add3A_803 : vector<16xi32>
        %gather3A_805 = tpu.vector_load_idx %arg18[%add3A_804] : memref<3200xf32, #tpu.memory_space<vmem>>[vector<16xi32>], vector<16xf32>,
        %add3A_806 = arith.constant 1 : i32
        %add3A_807 = vector.broadcast %add3A_806 : i32 to vector<16xi32>
        %add3A_808 = arith.addi %mul3A_801, %add3A_807 : vector<16xi32>
        %gather3A_809 = tpu.vector_load_idx %arg18[%add3A_808] : memref<3200xf32, #tpu.memory_space<vmem>>[vector<16xi32>], vector<16xf32>,
        %add3A_810 = arith.constant 2 : i32
        %add3A_811 = vector.broadcast %add3A_810 : i32 to vector<16xi32>
        %add3A_812 = arith.addi %mul3A_801, %add3A_811 : vector<16xi32>
        %gather3A_813 = tpu.vector_load_idx %arg18[%add3A_812] : memref<3200xf32, #tpu.memory_space<vmem>>[vector<16xi32>], vector<16xf32>,
        %add3A_814 = arith.constant 3 : i32
        %add3A_815 = vector.broadcast %add3A_814 : i32 to vector<16xi32>
        %add3A_816 = arith.addi %mul3A_801, %add3A_815 : vector<16xi32>
        %gather3A_817 = tpu.vector_load_idx %arg18[%add3A_816] : memref<3200xf32, #tpu.memory_space<vmem>>[vector<16xi32>], vector<16xf32>,
        %mul3A_818 = arith.constant 16 : i32
        %mul3A_819 = vector.broadcast %mul3A_818 : i32 to vector<16xi32>
        %mul3A_820 = arith.muli %iota3A, %mul3A_819 : vector<16xi32>
        %add3A_821 = arith.constant 0 : i32
        %add3A_822 = vector.broadcast %add3A_821 : i32 to vector<16xi32>
        %add3A_823 = arith.addi %mul3A_820, %add3A_822 : vector<16xi32>
        tpu.vector_store_idx %arg29[%add3A_823], %mul3A_480 : memref<256xf32, #tpu.memory_space<vmem>>[vector<16xi32>], vector<16xf32>,
        %add3A_824 = arith.constant 1 : i32
        %add3A_825 = vector.broadcast %add3A_824 : i32 to vector<16xi32>
        %add3A_826 = arith.addi %mul3A_820, %add3A_825 : vector<16xi32>
        tpu.vector_store_idx %arg29[%add3A_826], %select_n3A_579 : memref<256xf32, #tpu.memory_space<vmem>>[vector<16xi32>], vector<16xf32>,
        %add3A_827 = arith.constant 2 : i32
        %add3A_828 = vector.broadcast %add3A_827 : i32 to vector<16xi32>
        %add3A_829 = arith.addi %mul3A_820, %add3A_828 : vector<16xi32>
        tpu.vector_store_idx %arg29[%add3A_829], %select_n3A_586 : memref<256xf32, #tpu.memory_space<vmem>>[vector<16xi32>], vector<16xf32>,
        %add3A_830 = arith.constant 3 : i32
        %add3A_831 = vector.broadcast %add3A_830 : i32 to vector<16xi32>
        %add3A_832 = arith.addi %mul3A_820, %add3A_831 : vector<16xi32>
        tpu.vector_store_idx %arg29[%add3A_832], %select_n3A_685 : memref<256xf32, #tpu.memory_space<vmem>>[vector<16xi32>], vector<16xf32>,
        %add3A_833 = arith.constant 4 : i32
        %add3A_834 = vector.broadcast %add3A_833 : i32 to vector<16xi32>
        %add3A_835 = arith.addi %mul3A_820, %add3A_834 : vector<16xi32>
        tpu.vector_store_idx %arg29[%add3A_835], %select_n3A_692 : memref<256xf32, #tpu.memory_space<vmem>>[vector<16xi32>], vector<16xf32>,
        %add3A_836 = arith.constant 5 : i32
        %add3A_837 = vector.broadcast %add3A_836 : i32 to vector<16xi32>
        %add3A_838 = arith.addi %mul3A_820, %add3A_837 : vector<16xi32>
        tpu.vector_store_idx %arg29[%add3A_838], %select_n3A_791 : memref<256xf32, #tpu.memory_space<vmem>>[vector<16xi32>], vector<16xf32>,
        %add3A_839 = arith.constant 6 : i32
        %add3A_840 = vector.broadcast %add3A_839 : i32 to vector<16xi32>
        %add3A_841 = arith.addi %mul3A_820, %add3A_840 : vector<16xi32>
        tpu.vector_store_idx %arg29[%add3A_841], %select_n3A_798 : memref<256xf32, #tpu.memory_space<vmem>>[vector<16xi32>], vector<16xf32>,
        %add3A_842 = arith.constant 7 : i32
        %add3A_843 = vector.broadcast %add3A_842 : i32 to vector<16xi32>
        %add3A_844 = arith.addi %mul3A_820, %add3A_843 : vector<16xi32>
        tpu.vector_store_idx %arg29[%add3A_844], %gather3A_805 : memref<256xf32, #tpu.memory_space<vmem>>[vector<16xi32>], vector<16xf32>,
        %add3A_845 = arith.constant 8 : i32
        %add3A_846 = vector.broadcast %add3A_845 : i32 to vector<16xi32>
        %add3A_847 = arith.addi %mul3A_820, %add3A_846 : vector<16xi32>
        tpu.vector_store_idx %arg29[%add3A_847], %gather3A_809 : memref<256xf32, #tpu.memory_space<vmem>>[vector<16xi32>], vector<16xf32>,
        %add3A_848 = arith.constant 9 : i32
        %add3A_849 = vector.broadcast %add3A_848 : i32 to vector<16xi32>
        %add3A_850 = arith.addi %mul3A_820, %add3A_849 : vector<16xi32>
        tpu.vector_store_idx %arg29[%add3A_850], %gather3A_813 : memref<256xf32, #tpu.memory_space<vmem>>[vector<16xi32>], vector<16xf32>,
        %add3A_851 = arith.constant 10 : i32
        %add3A_852 = vector.broadcast %add3A_851 : i32 to vector<16xi32>
        %add3A_853 = arith.addi %mul3A_820, %add3A_852 : vector<16xi32>
        tpu.vector_store_idx %arg29[%add3A_853], %gather3A_817 : memref<256xf32, #tpu.memory_space<vmem>>[vector<16xi32>], vector<16xf32>,
        %scan3A_854 = arith.constant 0 : i32
        %scan3A_855 = arith.constant 0 : i32
        %scan3A_856 = arith.constant 16 : i32
        %scan3A_857 = arith.addi %scan3A_855, %scan3A_856 : i32
        %scan3A_858 = arith.constant 1 : i32
        %scan3A_859 = scf.for %scan3A_862 = %scan3A_855 to %scan3A_857 step %scan3A_858 iter_args(%scan3A_863 = %scan3A_854) -> (i32)  : i32 {
          %add3A_864 = arith.addi %add3A_415, %scan3A_862 : i32
          %get3A_865 = arith.index_cast %add3A_864 : i32 to index
          %get3A_866 = tpu.vector_load %arg20[%get3A_865] {strides = array<i32>} : memref<864xi32, #tpu.memory_space<vmem>>, vector<16xi32>,
          %slice3A = vector.extract_strided_slice %get3A_866 {offsets = [0], sizes = [1], strides = [1]} : vector<16xi32> to vector<1xi32>
          %squeeze3A = vector.extract %slice3A[0] : i32 from vector<1xi32>
          %sub3A_867 = arith.subi %squeeze3A, %mul3A_2 : i32
          %mul3A_868 = arith.constant 144 : i32
          %mul3A_869 = arith.muli %sub3A_867, %mul3A_868 : i32
          %add3A_870 = arith.constant 128 : i32
          %add3A_871 = arith.addi %mul3A_869, %add3A_870 : i32
          %get3A_872 = arith.index_cast %add3A_871 : i32 to index
          %get3A_873 = tpu.vector_load %arg30[%get3A_872] {strides = array<i32>} : memref<45216xf32, #tpu.memory_space<vmem>>, vector<16xf32>,
          %mul3A_874 = arith.constant 16 : i32
          %mul3A_875 = arith.muli %scan3A_862, %mul3A_874 : i32
          %get3A_876 = arith.index_cast %mul3A_875 : i32 to index
          %get3A_877 = tpu.vector_load %arg29[%get3A_876] {strides = array<i32>} : memref<256xf32, #tpu.memory_space<vmem>>, vector<16xf32>,
          %max3A = arith.maximumf %get3A_873, %get3A_877 : vector<16xf32>
          %swap3A = arith.index_cast %add3A_871 : i32 to index
          %swap3A_878 = tpu.vector_load %arg30[%swap3A] {strides = array<i32>} : memref<45216xf32, #tpu.memory_space<vmem>>, vector<16xf32>,
          tpu.vector_store %arg30[%swap3A], %max3A {strides = array<i32>} : memref<45216xf32, #tpu.memory_space<vmem>>, vector<16xf32>,
          %scan3A_879 = arith.constant 0 : i32
          scf.yield %scan3A_879 : i32
        }
        %scan3A_860 = arith.constant 16 : i32
        %while3A_861 = arith.constant 0 : i32
        scf.yield %while3A_861 : i32
      }
      %while3A_157 = arith.constant 1 : i32
      %while3A_158 = scf.for %while3A_411 = %while3A_154 to %while3A_150 step %while3A_157 iter_args(%while3A_412 = %while3A_156) -> (i32)  : i32 {
        %mul3A_413 = arith.constant 16 : i32
        %mul3A_414 = arith.muli %while3A_411, %mul3A_413 : i32
        %add3A_415 = arith.addi %scan3A_78, %mul3A_414 : i32
        %get3A_416 = arith.index_cast %add3A_415 : i32 to index
        %get3A_417 = tpu.vector_load %arg19[%get3A_416] {strides = array<i32>} : memref<864xi32, #tpu.memory_space<vmem>>, vector<16xi32>,
        %get3A_418 = arith.index_cast %add3A_415 : i32 to index
        %get3A_419 = tpu.vector_load %arg21[%get3A_418] {strides = array<i32>} : memref<864xi32, #tpu.memory_space<vmem>>, vector<16xi32>,
        %get3A_420 = arith.index_cast %add3A_415 : i32 to index
        %get3A_421 = tpu.vector_load %arg20[%get3A_420] {strides = array<i32>} : memref<864xi32, #tpu.memory_space<vmem>>, vector<16xi32>,
        %gather3A = tpu.vector_load_idx %arg23[%get3A_417] : memref<10000xf32, #tpu.memory_space<vmem>>[vector<16xi32>], vector<16xf32>,
        %gather3A_422 = tpu.vector_load_idx %arg24[%get3A_417] : memref<10000xf32, #tpu.memory_space<vmem>>[vector<16xi32>], vector<16xf32>,
        %gather3A_423 = tpu.vector_load_idx %arg25[%get3A_417] : memref<10000xf32, #tpu.memory_space<vmem>>[vector<16xi32>], vector<16xf32>,
        %gather3A_424 = tpu.vector_load_idx %arg26[%get3A_417] : memref<10000xf32, #tpu.memory_space<vmem>>[vector<16xi32>], vector<16xf32>,
        %gather3A_425 = tpu.vector_load_idx %arg27[%get3A_417] : memref<10000xf32, #tpu.memory_space<vmem>>[vector<16xi32>], vector<16xf32>,
        %gather3A_426 = tpu.vector_load_idx %arg28[%get3A_417] : memref<10000xf32, #tpu.memory_space<vmem>>[vector<16xi32>], vector<16xf32>,
        %gather3A_427 = tpu.vector_load_idx %arg23[%get3A_421] : memref<10000xf32, #tpu.memory_space<vmem>>[vector<16xi32>], vector<16xf32>,
        %gather3A_428 = tpu.vector_load_idx %arg24[%get3A_421] : memref<10000xf32, #tpu.memory_space<vmem>>[vector<16xi32>], vector<16xf32>,
        %gather3A_429 = tpu.vector_load_idx %arg25[%get3A_421] : memref<10000xf32, #tpu.memory_space<vmem>>[vector<16xi32>], vector<16xf32>,
        %gather3A_430 = tpu.vector_load_idx %arg26[%get3A_421] : memref<10000xf32, #tpu.memory_space<vmem>>[vector<16xi32>], vector<16xf32>,
        %gather3A_431 = tpu.vector_load_idx %arg27[%get3A_421] : memref<10000xf32, #tpu.memory_space<vmem>>[vector<16xi32>], vector<16xf32>,
        %gather3A_432 = tpu.vector_load_idx %arg28[%get3A_421] : memref<10000xf32, #tpu.memory_space<vmem>>[vector<16xi32>], vector<16xf32>,
        %sub3A_433 = arith.subf %gather3A, %gather3A_427 : vector<16xf32>
        %sub3A_434 = arith.subf %gather3A_422, %gather3A_428 : vector<16xf32>
        %sub3A_435 = arith.subf %gather3A_423, %gather3A_429 : vector<16xf32>
        %mul3A_436 = arith.mulf %sub3A_433, %sub3A_433 : vector<16xf32>
        %mul3A_437 = arith.mulf %sub3A_434, %sub3A_434 : vector<16xf32>
        %add3A_438 = arith.addf %mul3A_436, %mul3A_437 : vector<16xf32>
        %mul3A_439 = arith.mulf %sub3A_435, %sub3A_435 : vector<16xf32>
        %add3A_440 = arith.addf %add3A_438, %mul3A_439 : vector<16xf32>
        %le3A = arith.constant 0.000000e+00 : f32
        %le3A_441 = vector.broadcast %le3A : f32 to vector<16xf32>
        %le3A_442 = arith.cmpf ole, %add3A_440, %le3A_441 : vector<16xf32>
        %bitcast3A = vector.bitcast %add3A_440 : vector<16xf32> to vector<16xi32>
        %shift_right_arithmetic3A = arith.constant 1 : i32
        %shift_right_arithmetic3A_443 = vector.broadcast %shift_right_arithmetic3A : i32 to vector<16xi32>
        %shift_right_arithmetic3A_444 = arith.shrsi %bitcast3A, %shift_right_arithmetic3A_443 : vector<16xi32>
        %sub3A_445 = arith.constant 1597463007 : i32
        %sub3A_446 = vector.broadcast %sub3A_445 : i32 to vector<16xi32>
        %sub3A_447 = arith.subi %sub3A_446, %shift_right_arithmetic3A_444 : vector<16xi32>
        %bitcast3A_448 = vector.bitcast %sub3A_447 : vector<16xi32> to vector<16xf32>
        %mul3A_449 = arith.constant 5.000000e-01 : f32
        %mul3A_450 = vector.broadcast %mul3A_449 : f32 to vector<16xf32>
        %mul3A_451 = arith.mulf %mul3A_450, %add3A_440 : vector<16xf32>
        %mul3A_452 = arith.mulf %mul3A_451, %bitcast3A_448 : vector<16xf32>
        %mul3A_453 = arith.mulf %mul3A_452, %bitcast3A_448 : vector<16xf32>
        %sub3A_454 = arith.constant 1.500000e+00 : f32
        %sub3A_455 = vector.broadcast %sub3A_454 : f32 to vector<16xf32>
        %sub3A_456 = arith.subf %sub3A_455, %mul3A_453 : vector<16xf32>
        %mul3A_457 = arith.mulf %bitcast3A_448, %sub3A_456 : vector<16xf32>
        %mul3A_458 = arith.constant 5.000000e-01 : f32
        %mul3A_459 = vector.broadcast %mul3A_458 : f32 to vector<16xf32>
        %mul3A_460 = arith.mulf %mul3A_459, %add3A_440 : vector<16xf32>
        %mul3A_461 = arith.mulf %mul3A_460, %mul3A_457 : vector<16xf32>
        %mul3A_462 = arith.mulf %mul3A_461, %mul3A_457 : vector<16xf32>
        %sub3A_463 = arith.constant 1.500000e+00 : f32
        %sub3A_464 = vector.broadcast %sub3A_463 : f32 to vector<16xf32>
        %sub3A_465 = arith.subf %sub3A_464, %mul3A_462 : vector<16xf32>
        %mul3A_466 = arith.mulf %mul3A_457, %sub3A_465 : vector<16xf32>
        %mul3A_467 = arith.constant 5.000000e-01 : f32
        %mul3A_468 = vector.broadcast %mul3A_467 : f32 to vector<16xf32>
        %mul3A_469 = arith.mulf %mul3A_468, %add3A_440 : vector<16xf32>
        %mul3A_470 = arith.mulf %mul3A_469, %mul3A_466 : vector<16xf32>
        %mul3A_471 = arith.mulf %mul3A_470, %mul3A_466 : vector<16xf32>
        %sub3A_472 = arith.constant 1.500000e+00 : f32
        %sub3A_473 = vector.broadcast %sub3A_472 : f32 to vector<16xf32>
        %sub3A_474 = arith.subf %sub3A_473, %mul3A_471 : vector<16xf32>
        %mul3A_475 = arith.mulf %mul3A_466, %sub3A_474 : vector<16xf32>
        %mul3A_476 = arith.mulf %add3A_440, %mul3A_475 : vector<16xf32>
        %jit3A_477 = arith.constant 0.000000e+00 : f32
        %broadcast_in_dim3A_478 = vector.broadcast %jit3A_477 : f32 to vector<16xf32>
        %select_n3A_479 = arith.select %le3A_442, %broadcast_in_dim3A_478, %mul3A_476 : vector<16xi1>, vector<16xf32>
        %mul3A_480 = arith.mulf %select_n3A_479, %get3A_11 : vector<16xf32>
        %mul3A_481 = arith.mulf %gather3A_431, %sub3A_435 : vector<16xf32>
        %mul3A_482 = arith.mulf %gather3A_432, %sub3A_434 : vector<16xf32>
        %sub3A_483 = arith.subf %mul3A_481, %mul3A_482 : vector<16xf32>
        %mul3A_484 = arith.mulf %gather3A_432, %sub3A_433 : vector<16xf32>
        %mul3A_485 = arith.mulf %gather3A_430, %sub3A_435 : vector<16xf32>
        %sub3A_486 = arith.subf %mul3A_484, %mul3A_485 : vector<16xf32>
        %mul3A_487 = arith.mulf %gather3A_430, %sub3A_434 : vector<16xf32>
        %mul3A_488 = arith.mulf %gather3A_431, %sub3A_433 : vector<16xf32>
        %sub3A_489 = arith.subf %mul3A_487, %mul3A_488 : vector<16xf32>
        %mul3A_490 = arith.mulf %sub3A_483, %sub3A_483 : vector<16xf32>
        %mul3A_491 = arith.mulf %sub3A_486, %sub3A_486 : vector<16xf32>
        %add3A_492 = arith.addf %mul3A_490, %mul3A_491 : vector<16xf32>
        %mul3A_493 = arith.mulf %sub3A_489, %sub3A_489 : vector<16xf32>
        %add3A_494 = arith.addf %add3A_492, %mul3A_493 : vector<16xf32>
        %mul3A_495 = arith.mulf %gather3A_430, %sub3A_433 : vector<16xf32>
        %mul3A_496 = arith.mulf %gather3A_431, %sub3A_434 : vector<16xf32>
        %add3A_497 = arith.addf %mul3A_495, %mul3A_496 : vector<16xf32>
        %mul3A_498 = arith.mulf %gather3A_432, %sub3A_435 : vector<16xf32>
        %add3A_499 = arith.addf %add3A_497, %mul3A_498 : vector<16xf32>
        %mul3A_500 = arith.mulf %add3A_499, %add3A_499 : vector<16xf32>
        %add3A_501 = arith.addf %add3A_494, %mul3A_500 : vector<16xf32>
        %bitcast3A_502 = vector.bitcast %add3A_501 : vector<16xf32> to vector<16xi32>
        %shift_right_arithmetic3A_503 = arith.constant 1 : i32
        %shift_right_arithmetic3A_504 = vector.broadcast %shift_right_arithmetic3A_503 : i32 to vector<16xi32>
        %shift_right_arithmetic3A_505 = arith.shrsi %bitcast3A_502, %shift_right_arithmetic3A_504 : vector<16xi32>
        %sub3A_506 = arith.constant 1597463007 : i32
        %sub3A_507 = vector.broadcast %sub3A_506 : i32 to vector<16xi32>
        %sub3A_508 = arith.subi %sub3A_507, %shift_right_arithmetic3A_505 : vector<16xi32>
        %bitcast3A_509 = vector.bitcast %sub3A_508 : vector<16xi32> to vector<16xf32>
        %mul3A_510 = arith.constant 5.000000e-01 : f32
        %mul3A_511 = vector.broadcast %mul3A_510 : f32 to vector<16xf32>
        %mul3A_512 = arith.mulf %mul3A_511, %add3A_501 : vector<16xf32>
        %mul3A_513 = arith.mulf %mul3A_512, %bitcast3A_509 : vector<16xf32>
        %mul3A_514 = arith.mulf %mul3A_513, %bitcast3A_509 : vector<16xf32>
        %sub3A_515 = arith.constant 1.500000e+00 : f32
        %sub3A_516 = vector.broadcast %sub3A_515 : f32 to vector<16xf32>
        %sub3A_517 = arith.subf %sub3A_516, %mul3A_514 : vector<16xf32>
        %mul3A_518 = arith.mulf %bitcast3A_509, %sub3A_517 : vector<16xf32>
        %mul3A_519 = arith.constant 5.000000e-01 : f32
        %mul3A_520 = vector.broadcast %mul3A_519 : f32 to vector<16xf32>
        %mul3A_521 = arith.mulf %mul3A_520, %add3A_501 : vector<16xf32>
        %mul3A_522 = arith.mulf %mul3A_521, %mul3A_518 : vector<16xf32>
        %mul3A_523 = arith.mulf %mul3A_522, %mul3A_518 : vector<16xf32>
        %sub3A_524 = arith.constant 1.500000e+00 : f32
        %sub3A_525 = vector.broadcast %sub3A_524 : f32 to vector<16xf32>
        %sub3A_526 = arith.subf %sub3A_525, %mul3A_523 : vector<16xf32>
        %mul3A_527 = arith.mulf %mul3A_518, %sub3A_526 : vector<16xf32>
        %mul3A_528 = arith.constant 5.000000e-01 : f32
        %mul3A_529 = vector.broadcast %mul3A_528 : f32 to vector<16xf32>
        %mul3A_530 = arith.mulf %mul3A_529, %add3A_501 : vector<16xf32>
        %mul3A_531 = arith.mulf %mul3A_530, %mul3A_527 : vector<16xf32>
        %mul3A_532 = arith.mulf %mul3A_531, %mul3A_527 : vector<16xf32>
        %sub3A_533 = arith.constant 1.500000e+00 : f32
        %sub3A_534 = vector.broadcast %sub3A_533 : f32 to vector<16xf32>
        %sub3A_535 = arith.subf %sub3A_534, %mul3A_532 : vector<16xf32>
        %mul3A_536 = arith.mulf %mul3A_527, %sub3A_535 : vector<16xf32>
        %le3A_537 = arith.constant 0.000000e+00 : f32
        %le3A_538 = vector.broadcast %le3A_537 : f32 to vector<16xf32>
        %le3A_539 = arith.cmpf ole, %add3A_494, %le3A_538 : vector<16xf32>
        %bitcast3A_540 = vector.bitcast %add3A_494 : vector<16xf32> to vector<16xi32>
        %shift_right_arithmetic3A_541 = arith.constant 1 : i32
        %shift_right_arithmetic3A_542 = vector.broadcast %shift_right_arithmetic3A_541 : i32 to vector<16xi32>
        %shift_right_arithmetic3A_543 = arith.shrsi %bitcast3A_540, %shift_right_arithmetic3A_542 : vector<16xi32>
        %sub3A_544 = arith.constant 1597463007 : i32
        %sub3A_545 = vector.broadcast %sub3A_544 : i32 to vector<16xi32>
        %sub3A_546 = arith.subi %sub3A_545, %shift_right_arithmetic3A_543 : vector<16xi32>
        %bitcast3A_547 = vector.bitcast %sub3A_546 : vector<16xi32> to vector<16xf32>
        %mul3A_548 = arith.constant 5.000000e-01 : f32
        %mul3A_549 = vector.broadcast %mul3A_548 : f32 to vector<16xf32>
        %mul3A_550 = arith.mulf %mul3A_549, %add3A_494 : vector<16xf32>
        %mul3A_551 = arith.mulf %mul3A_550, %bitcast3A_547 : vector<16xf32>
        %mul3A_552 = arith.mulf %mul3A_551, %bitcast3A_547 : vector<16xf32>
        %sub3A_553 = arith.constant 1.500000e+00 : f32
        %sub3A_554 = vector.broadcast %sub3A_553 : f32 to vector<16xf32>
        %sub3A_555 = arith.subf %sub3A_554, %mul3A_552 : vector<16xf32>
        %mul3A_556 = arith.mulf %bitcast3A_547, %sub3A_555 : vector<16xf32>
        %mul3A_557 = arith.constant 5.000000e-01 : f32
        %mul3A_558 = vector.broadcast %mul3A_557 : f32 to vector<16xf32>
        %mul3A_559 = arith.mulf %mul3A_558, %add3A_494 : vector<16xf32>
        %mul3A_560 = arith.mulf %mul3A_559, %mul3A_556 : vector<16xf32>
        %mul3A_561 = arith.mulf %mul3A_560, %mul3A_556 : vector<16xf32>
        %sub3A_562 = arith.constant 1.500000e+00 : f32
        %sub3A_563 = vector.broadcast %sub3A_562 : f32 to vector<16xf32>
        %sub3A_564 = arith.subf %sub3A_563, %mul3A_561 : vector<16xf32>
        %mul3A_565 = arith.mulf %mul3A_556, %sub3A_564 : vector<16xf32>
        %mul3A_566 = arith.constant 5.000000e-01 : f32
        %mul3A_567 = vector.broadcast %mul3A_566 : f32 to vector<16xf32>
        %mul3A_568 = arith.mulf %mul3A_567, %add3A_494 : vector<16xf32>
        %mul3A_569 = arith.mulf %mul3A_568, %mul3A_565 : vector<16xf32>
        %mul3A_570 = arith.mulf %mul3A_569, %mul3A_565 : vector<16xf32>
        %sub3A_571 = arith.constant 1.500000e+00 : f32
        %sub3A_572 = vector.broadcast %sub3A_571 : f32 to vector<16xf32>
        %sub3A_573 = arith.subf %sub3A_572, %mul3A_570 : vector<16xf32>
        %mul3A_574 = arith.mulf %mul3A_565, %sub3A_573 : vector<16xf32>
        %mul3A_575 = arith.mulf %add3A_494, %mul3A_574 : vector<16xf32>
        %mul3A_576 = arith.mulf %mul3A_575, %mul3A_536 : vector<16xf32>
        %jit3A_577 = arith.constant 0.000000e+00 : f32
        %broadcast_in_dim3A_578 = vector.broadcast %jit3A_577 : f32 to vector<16xf32>
        %select_n3A_579 = arith.select %le3A_539, %broadcast_in_dim3A_578, %mul3A_576 : vector<16xi1>, vector<16xf32>
        %le3A_580 = arith.constant 0.000000e+00 : f32
        %le3A_581 = vector.broadcast %le3A_580 : f32 to vector<16xf32>
        %le3A_582 = arith.cmpf ole, %add3A_501, %le3A_581 : vector<16xf32>
        %mul3A_583 = arith.mulf %add3A_499, %mul3A_536 : vector<16xf32>
        %jit3A_584 = arith.constant 1.000000e+00 : f32
        %broadcast_in_dim3A_585 = vector.broadcast %jit3A_584 : f32 to vector<16xf32>
        %select_n3A_586 = arith.select %le3A_582, %broadcast_in_dim3A_585, %mul3A_583 : vector<16xi1>, vector<16xf32>
        %mul3A_587 = arith.mulf %gather3A_425, %sub3A_435 : vector<16xf32>
        %mul3A_588 = arith.mulf %gather3A_426, %sub3A_434 : vector<16xf32>
        %sub3A_589 = arith.subf %mul3A_587, %mul3A_588 : vector<16xf32>
        %mul3A_590 = arith.mulf %gather3A_426, %sub3A_433 : vector<16xf32>
        %mul3A_591 = arith.mulf %gather3A_424, %sub3A_435 : vector<16xf32>
        %sub3A_592 = arith.subf %mul3A_590, %mul3A_591 : vector<16xf32>
        %mul3A_593 = arith.mulf %gather3A_424, %sub3A_434 : vector<16xf32>
        %mul3A_594 = arith.mulf %gather3A_425, %sub3A_433 : vector<16xf32>
        %sub3A_595 = arith.subf %mul3A_593, %mul3A_594 : vector<16xf32>
        %mul3A_596 = arith.mulf %sub3A_589, %sub3A_589 : vector<16xf32>
        %mul3A_597 = arith.mulf %sub3A_592, %sub3A_592 : vector<16xf32>
        %add3A_598 = arith.addf %mul3A_596, %mul3A_597 : vector<16xf32>
        %mul3A_599 = arith.mulf %sub3A_595, %sub3A_595 : vector<16xf32>
        %add3A_600 = arith.addf %add3A_598, %mul3A_599 : vector<16xf32>
        %mul3A_601 = arith.mulf %gather3A_424, %sub3A_433 : vector<16xf32>
        %mul3A_602 = arith.mulf %gather3A_425, %sub3A_434 : vector<16xf32>
        %add3A_603 = arith.addf %mul3A_601, %mul3A_602 : vector<16xf32>
        %mul3A_604 = arith.mulf %gather3A_426, %sub3A_435 : vector<16xf32>
        %add3A_605 = arith.addf %add3A_603, %mul3A_604 : vector<16xf32>
        %mul3A_606 = arith.mulf %add3A_605, %add3A_605 : vector<16xf32>
        %add3A_607 = arith.addf %add3A_600, %mul3A_606 : vector<16xf32>
        %bitcast3A_608 = vector.bitcast %add3A_607 : vector<16xf32> to vector<16xi32>
        %shift_right_arithmetic3A_609 = arith.constant 1 : i32
        %shift_right_arithmetic3A_610 = vector.broadcast %shift_right_arithmetic3A_609 : i32 to vector<16xi32>
        %shift_right_arithmetic3A_611 = arith.shrsi %bitcast3A_608, %shift_right_arithmetic3A_610 : vector<16xi32>
        %sub3A_612 = arith.constant 1597463007 : i32
        %sub3A_613 = vector.broadcast %sub3A_612 : i32 to vector<16xi32>
        %sub3A_614 = arith.subi %sub3A_613, %shift_right_arithmetic3A_611 : vector<16xi32>
        %bitcast3A_615 = vector.bitcast %sub3A_614 : vector<16xi32> to vector<16xf32>
        %mul3A_616 = arith.constant 5.000000e-01 : f32
        %mul3A_617 = vector.broadcast %mul3A_616 : f32 to vector<16xf32>
        %mul3A_618 = arith.mulf %mul3A_617, %add3A_607 : vector<16xf32>
        %mul3A_619 = arith.mulf %mul3A_618, %bitcast3A_615 : vector<16xf32>
        %mul3A_620 = arith.mulf %mul3A_619, %bitcast3A_615 : vector<16xf32>
        %sub3A_621 = arith.constant 1.500000e+00 : f32
        %sub3A_622 = vector.broadcast %sub3A_621 : f32 to vector<16xf32>
        %sub3A_623 = arith.subf %sub3A_622, %mul3A_620 : vector<16xf32>
        %mul3A_624 = arith.mulf %bitcast3A_615, %sub3A_623 : vector<16xf32>
        %mul3A_625 = arith.constant 5.000000e-01 : f32
        %mul3A_626 = vector.broadcast %mul3A_625 : f32 to vector<16xf32>
        %mul3A_627 = arith.mulf %mul3A_626, %add3A_607 : vector<16xf32>
        %mul3A_628 = arith.mulf %mul3A_627, %mul3A_624 : vector<16xf32>
        %mul3A_629 = arith.mulf %mul3A_628, %mul3A_624 : vector<16xf32>
        %sub3A_630 = arith.constant 1.500000e+00 : f32
        %sub3A_631 = vector.broadcast %sub3A_630 : f32 to vector<16xf32>
        %sub3A_632 = arith.subf %sub3A_631, %mul3A_629 : vector<16xf32>
        %mul3A_633 = arith.mulf %mul3A_624, %sub3A_632 : vector<16xf32>
        %mul3A_634 = arith.constant 5.000000e-01 : f32
        %mul3A_635 = vector.broadcast %mul3A_634 : f32 to vector<16xf32>
        %mul3A_636 = arith.mulf %mul3A_635, %add3A_607 : vector<16xf32>
        %mul3A_637 = arith.mulf %mul3A_636, %mul3A_633 : vector<16xf32>
        %mul3A_638 = arith.mulf %mul3A_637, %mul3A_633 : vector<16xf32>
        %sub3A_639 = arith.constant 1.500000e+00 : f32
        %sub3A_640 = vector.broadcast %sub3A_639 : f32 to vector<16xf32>
        %sub3A_641 = arith.subf %sub3A_640, %mul3A_638 : vector<16xf32>
        %mul3A_642 = arith.mulf %mul3A_633, %sub3A_641 : vector<16xf32>
        %le3A_643 = arith.constant 0.000000e+00 : f32
        %le3A_644 = vector.broadcast %le3A_643 : f32 to vector<16xf32>
        %le3A_645 = arith.cmpf ole, %add3A_600, %le3A_644 : vector<16xf32>
        %bitcast3A_646 = vector.bitcast %add3A_600 : vector<16xf32> to vector<16xi32>
        %shift_right_arithmetic3A_647 = arith.constant 1 : i32
        %shift_right_arithmetic3A_648 = vector.broadcast %shift_right_arithmetic3A_647 : i32 to vector<16xi32>
        %shift_right_arithmetic3A_649 = arith.shrsi %bitcast3A_646, %shift_right_arithmetic3A_648 : vector<16xi32>
        %sub3A_650 = arith.constant 1597463007 : i32
        %sub3A_651 = vector.broadcast %sub3A_650 : i32 to vector<16xi32>
        %sub3A_652 = arith.subi %sub3A_651, %shift_right_arithmetic3A_649 : vector<16xi32>
        %bitcast3A_653 = vector.bitcast %sub3A_652 : vector<16xi32> to vector<16xf32>
        %mul3A_654 = arith.constant 5.000000e-01 : f32
        %mul3A_655 = vector.broadcast %mul3A_654 : f32 to vector<16xf32>
        %mul3A_656 = arith.mulf %mul3A_655, %add3A_600 : vector<16xf32>
        %mul3A_657 = arith.mulf %mul3A_656, %bitcast3A_653 : vector<16xf32>
        %mul3A_658 = arith.mulf %mul3A_657, %bitcast3A_653 : vector<16xf32>
        %sub3A_659 = arith.constant 1.500000e+00 : f32
        %sub3A_660 = vector.broadcast %sub3A_659 : f32 to vector<16xf32>
        %sub3A_661 = arith.subf %sub3A_660, %mul3A_658 : vector<16xf32>
        %mul3A_662 = arith.mulf %bitcast3A_653, %sub3A_661 : vector<16xf32>
        %mul3A_663 = arith.constant 5.000000e-01 : f32
        %mul3A_664 = vector.broadcast %mul3A_663 : f32 to vector<16xf32>
        %mul3A_665 = arith.mulf %mul3A_664, %add3A_600 : vector<16xf32>
        %mul3A_666 = arith.mulf %mul3A_665, %mul3A_662 : vector<16xf32>
        %mul3A_667 = arith.mulf %mul3A_666, %mul3A_662 : vector<16xf32>
        %sub3A_668 = arith.constant 1.500000e+00 : f32
        %sub3A_669 = vector.broadcast %sub3A_668 : f32 to vector<16xf32>
        %sub3A_670 = arith.subf %sub3A_669, %mul3A_667 : vector<16xf32>
        %mul3A_671 = arith.mulf %mul3A_662, %sub3A_670 : vector<16xf32>
        %mul3A_672 = arith.constant 5.000000e-01 : f32
        %mul3A_673 = vector.broadcast %mul3A_672 : f32 to vector<16xf32>
        %mul3A_674 = arith.mulf %mul3A_673, %add3A_600 : vector<16xf32>
        %mul3A_675 = arith.mulf %mul3A_674, %mul3A_671 : vector<16xf32>
        %mul3A_676 = arith.mulf %mul3A_675, %mul3A_671 : vector<16xf32>
        %sub3A_677 = arith.constant 1.500000e+00 : f32
        %sub3A_678 = vector.broadcast %sub3A_677 : f32 to vector<16xf32>
        %sub3A_679 = arith.subf %sub3A_678, %mul3A_676 : vector<16xf32>
        %mul3A_680 = arith.mulf %mul3A_671, %sub3A_679 : vector<16xf32>
        %mul3A_681 = arith.mulf %add3A_600, %mul3A_680 : vector<16xf32>
        %mul3A_682 = arith.mulf %mul3A_681, %mul3A_642 : vector<16xf32>
        %jit3A_683 = arith.constant 0.000000e+00 : f32
        %broadcast_in_dim3A_684 = vector.broadcast %jit3A_683 : f32 to vector<16xf32>
        %select_n3A_685 = arith.select %le3A_645, %broadcast_in_dim3A_684, %mul3A_682 : vector<16xi1>, vector<16xf32>
        %le3A_686 = arith.constant 0.000000e+00 : f32
        %le3A_687 = vector.broadcast %le3A_686 : f32 to vector<16xf32>
        %le3A_688 = arith.cmpf ole, %add3A_607, %le3A_687 : vector<16xf32>
        %mul3A_689 = arith.mulf %add3A_605, %mul3A_642 : vector<16xf32>
        %jit3A_690 = arith.constant 1.000000e+00 : f32
        %broadcast_in_dim3A_691 = vector.broadcast %jit3A_690 : f32 to vector<16xf32>
        %select_n3A_692 = arith.select %le3A_688, %broadcast_in_dim3A_691, %mul3A_689 : vector<16xi1>, vector<16xf32>
        %mul3A_693 = arith.mulf %gather3A_431, %gather3A_426 : vector<16xf32>
        %mul3A_694 = arith.mulf %gather3A_432, %gather3A_425 : vector<16xf32>
        %sub3A_695 = arith.subf %mul3A_693, %mul3A_694 : vector<16xf32>
        %mul3A_696 = arith.mulf %gather3A_432, %gather3A_424 : vector<16xf32>
        %mul3A_697 = arith.mulf %gather3A_430, %gather3A_426 : vector<16xf32>
        %sub3A_698 = arith.subf %mul3A_696, %mul3A_697 : vector<16xf32>
        %mul3A_699 = arith.mulf %gather3A_430, %gather3A_425 : vector<16xf32>
        %mul3A_700 = arith.mulf %gather3A_431, %gather3A_424 : vector<16xf32>
        %sub3A_701 = arith.subf %mul3A_699, %mul3A_700 : vector<16xf32>
        %mul3A_702 = arith.mulf %sub3A_695, %sub3A_695 : vector<16xf32>
        %mul3A_703 = arith.mulf %sub3A_698, %sub3A_698 : vector<16xf32>
        %add3A_704 = arith.addf %mul3A_702, %mul3A_703 : vector<16xf32>
        %mul3A_705 = arith.mulf %sub3A_701, %sub3A_701 : vector<16xf32>
        %add3A_706 = arith.addf %add3A_704, %mul3A_705 : vector<16xf32>
        %mul3A_707 = arith.mulf %gather3A_430, %gather3A_424 : vector<16xf32>
        %mul3A_708 = arith.mulf %gather3A_431, %gather3A_425 : vector<16xf32>
        %add3A_709 = arith.addf %mul3A_707, %mul3A_708 : vector<16xf32>
        %mul3A_710 = arith.mulf %gather3A_432, %gather3A_426 : vector<16xf32>
        %add3A_711 = arith.addf %add3A_709, %mul3A_710 : vector<16xf32>
        %mul3A_712 = arith.mulf %add3A_711, %add3A_711 : vector<16xf32>
        %add3A_713 = arith.addf %add3A_706, %mul3A_712 : vector<16xf32>
        %bitcast3A_714 = vector.bitcast %add3A_713 : vector<16xf32> to vector<16xi32>
        %shift_right_arithmetic3A_715 = arith.constant 1 : i32
        %shift_right_arithmetic3A_716 = vector.broadcast %shift_right_arithmetic3A_715 : i32 to vector<16xi32>
        %shift_right_arithmetic3A_717 = arith.shrsi %bitcast3A_714, %shift_right_arithmetic3A_716 : vector<16xi32>
        %sub3A_718 = arith.constant 1597463007 : i32
        %sub3A_719 = vector.broadcast %sub3A_718 : i32 to vector<16xi32>
        %sub3A_720 = arith.subi %sub3A_719, %shift_right_arithmetic3A_717 : vector<16xi32>
        %bitcast3A_721 = vector.bitcast %sub3A_720 : vector<16xi32> to vector<16xf32>
        %mul3A_722 = arith.constant 5.000000e-01 : f32
        %mul3A_723 = vector.broadcast %mul3A_722 : f32 to vector<16xf32>
        %mul3A_724 = arith.mulf %mul3A_723, %add3A_713 : vector<16xf32>
        %mul3A_725 = arith.mulf %mul3A_724, %bitcast3A_721 : vector<16xf32>
        %mul3A_726 = arith.mulf %mul3A_725, %bitcast3A_721 : vector<16xf32>
        %sub3A_727 = arith.constant 1.500000e+00 : f32
        %sub3A_728 = vector.broadcast %sub3A_727 : f32 to vector<16xf32>
        %sub3A_729 = arith.subf %sub3A_728, %mul3A_726 : vector<16xf32>
        %mul3A_730 = arith.mulf %bitcast3A_721, %sub3A_729 : vector<16xf32>
        %mul3A_731 = arith.constant 5.000000e-01 : f32
        %mul3A_732 = vector.broadcast %mul3A_731 : f32 to vector<16xf32>
        %mul3A_733 = arith.mulf %mul3A_732, %add3A_713 : vector<16xf32>
        %mul3A_734 = arith.mulf %mul3A_733, %mul3A_730 : vector<16xf32>
        %mul3A_735 = arith.mulf %mul3A_734, %mul3A_730 : vector<16xf32>
        %sub3A_736 = arith.constant 1.500000e+00 : f32
        %sub3A_737 = vector.broadcast %sub3A_736 : f32 to vector<16xf32>
        %sub3A_738 = arith.subf %sub3A_737, %mul3A_735 : vector<16xf32>
        %mul3A_739 = arith.mulf %mul3A_730, %sub3A_738 : vector<16xf32>
        %mul3A_740 = arith.constant 5.000000e-01 : f32
        %mul3A_741 = vector.broadcast %mul3A_740 : f32 to vector<16xf32>
        %mul3A_742 = arith.mulf %mul3A_741, %add3A_713 : vector<16xf32>
        %mul3A_743 = arith.mulf %mul3A_742, %mul3A_739 : vector<16xf32>
        %mul3A_744 = arith.mulf %mul3A_743, %mul3A_739 : vector<16xf32>
        %sub3A_745 = arith.constant 1.500000e+00 : f32
        %sub3A_746 = vector.broadcast %sub3A_745 : f32 to vector<16xf32>
        %sub3A_747 = arith.subf %sub3A_746, %mul3A_744 : vector<16xf32>
        %mul3A_748 = arith.mulf %mul3A_739, %sub3A_747 : vector<16xf32>
        %le3A_749 = arith.constant 0.000000e+00 : f32
        %le3A_750 = vector.broadcast %le3A_749 : f32 to vector<16xf32>
        %le3A_751 = arith.cmpf ole, %add3A_706, %le3A_750 : vector<16xf32>
        %bitcast3A_752 = vector.bitcast %add3A_706 : vector<16xf32> to vector<16xi32>
        %shift_right_arithmetic3A_753 = arith.constant 1 : i32
        %shift_right_arithmetic3A_754 = vector.broadcast %shift_right_arithmetic3A_753 : i32 to vector<16xi32>
        %shift_right_arithmetic3A_755 = arith.shrsi %bitcast3A_752, %shift_right_arithmetic3A_754 : vector<16xi32>
        %sub3A_756 = arith.constant 1597463007 : i32
        %sub3A_757 = vector.broadcast %sub3A_756 : i32 to vector<16xi32>
        %sub3A_758 = arith.subi %sub3A_757, %shift_right_arithmetic3A_755 : vector<16xi32>
        %bitcast3A_759 = vector.bitcast %sub3A_758 : vector<16xi32> to vector<16xf32>
        %mul3A_760 = arith.constant 5.000000e-01 : f32
        %mul3A_761 = vector.broadcast %mul3A_760 : f32 to vector<16xf32>
        %mul3A_762 = arith.mulf %mul3A_761, %add3A_706 : vector<16xf32>
        %mul3A_763 = arith.mulf %mul3A_762, %bitcast3A_759 : vector<16xf32>
        %mul3A_764 = arith.mulf %mul3A_763, %bitcast3A_759 : vector<16xf32>
        %sub3A_765 = arith.constant 1.500000e+00 : f32
        %sub3A_766 = vector.broadcast %sub3A_765 : f32 to vector<16xf32>
        %sub3A_767 = arith.subf %sub3A_766, %mul3A_764 : vector<16xf32>
        %mul3A_768 = arith.mulf %bitcast3A_759, %sub3A_767 : vector<16xf32>
        %mul3A_769 = arith.constant 5.000000e-01 : f32
        %mul3A_770 = vector.broadcast %mul3A_769 : f32 to vector<16xf32>
        %mul3A_771 = arith.mulf %mul3A_770, %add3A_706 : vector<16xf32>
        %mul3A_772 = arith.mulf %mul3A_771, %mul3A_768 : vector<16xf32>
        %mul3A_773 = arith.mulf %mul3A_772, %mul3A_768 : vector<16xf32>
        %sub3A_774 = arith.constant 1.500000e+00 : f32
        %sub3A_775 = vector.broadcast %sub3A_774 : f32 to vector<16xf32>
        %sub3A_776 = arith.subf %sub3A_775, %mul3A_773 : vector<16xf32>
        %mul3A_777 = arith.mulf %mul3A_768, %sub3A_776 : vector<16xf32>
        %mul3A_778 = arith.constant 5.000000e-01 : f32
        %mul3A_779 = vector.broadcast %mul3A_778 : f32 to vector<16xf32>
        %mul3A_780 = arith.mulf %mul3A_779, %add3A_706 : vector<16xf32>
        %mul3A_781 = arith.mulf %mul3A_780, %mul3A_777 : vector<16xf32>
        %mul3A_782 = arith.mulf %mul3A_781, %mul3A_777 : vector<16xf32>
        %sub3A_783 = arith.constant 1.500000e+00 : f32
        %sub3A_784 = vector.broadcast %sub3A_783 : f32 to vector<16xf32>
        %sub3A_785 = arith.subf %sub3A_784, %mul3A_782 : vector<16xf32>
        %mul3A_786 = arith.mulf %mul3A_777, %sub3A_785 : vector<16xf32>
        %mul3A_787 = arith.mulf %add3A_706, %mul3A_786 : vector<16xf32>
        %mul3A_788 = arith.mulf %mul3A_787, %mul3A_748 : vector<16xf32>
        %jit3A_789 = arith.constant 0.000000e+00 : f32
        %broadcast_in_dim3A_790 = vector.broadcast %jit3A_789 : f32 to vector<16xf32>
        %select_n3A_791 = arith.select %le3A_751, %broadcast_in_dim3A_790, %mul3A_788 : vector<16xi1>, vector<16xf32>
        %le3A_792 = arith.constant 0.000000e+00 : f32
        %le3A_793 = vector.broadcast %le3A_792 : f32 to vector<16xf32>
        %le3A_794 = arith.cmpf ole, %add3A_713, %le3A_793 : vector<16xf32>
        %mul3A_795 = arith.mulf %add3A_711, %mul3A_748 : vector<16xf32>
        %jit3A_796 = arith.constant 1.000000e+00 : f32
        %broadcast_in_dim3A_797 = vector.broadcast %jit3A_796 : f32 to vector<16xf32>
        %select_n3A_798 = arith.select %le3A_794, %broadcast_in_dim3A_797, %mul3A_795 : vector<16xi1>, vector<16xf32>
        %mul3A_799 = arith.constant 4 : i32
        %mul3A_800 = vector.broadcast %mul3A_799 : i32 to vector<16xi32>
        %mul3A_801 = arith.muli %get3A_419, %mul3A_800 : vector<16xi32>
        %add3A_802 = arith.constant 0 : i32
        %add3A_803 = vector.broadcast %add3A_802 : i32 to vector<16xi32>
        %add3A_804 = arith.addi %mul3A_801, %add3A_803 : vector<16xi32>
        %gather3A_805 = tpu.vector_load_idx %arg18[%add3A_804] : memref<3200xf32, #tpu.memory_space<vmem>>[vector<16xi32>], vector<16xf32>,
        %add3A_806 = arith.constant 1 : i32
        %add3A_807 = vector.broadcast %add3A_806 : i32 to vector<16xi32>
        %add3A_808 = arith.addi %mul3A_801, %add3A_807 : vector<16xi32>
        %gather3A_809 = tpu.vector_load_idx %arg18[%add3A_808] : memref<3200xf32, #tpu.memory_space<vmem>>[vector<16xi32>], vector<16xf32>,
        %add3A_810 = arith.constant 2 : i32
        %add3A_811 = vector.broadcast %add3A_810 : i32 to vector<16xi32>
        %add3A_812 = arith.addi %mul3A_801, %add3A_811 : vector<16xi32>
        %gather3A_813 = tpu.vector_load_idx %arg18[%add3A_812] : memref<3200xf32, #tpu.memory_space<vmem>>[vector<16xi32>], vector<16xf32>,
        %add3A_814 = arith.constant 3 : i32
        %add3A_815 = vector.broadcast %add3A_814 : i32 to vector<16xi32>
        %add3A_816 = arith.addi %mul3A_801, %add3A_815 : vector<16xi32>
        %gather3A_817 = tpu.vector_load_idx %arg18[%add3A_816] : memref<3200xf32, #tpu.memory_space<vmem>>[vector<16xi32>], vector<16xf32>,
        %mul3A_818 = arith.constant 16 : i32
        %mul3A_819 = vector.broadcast %mul3A_818 : i32 to vector<16xi32>
        %mul3A_820 = arith.muli %iota3A, %mul3A_819 : vector<16xi32>
        %add3A_821 = arith.constant 0 : i32
        %add3A_822 = vector.broadcast %add3A_821 : i32 to vector<16xi32>
        %add3A_823 = arith.addi %mul3A_820, %add3A_822 : vector<16xi32>
        tpu.vector_store_idx %arg29[%add3A_823], %mul3A_480 : memref<256xf32, #tpu.memory_space<vmem>>[vector<16xi32>], vector<16xf32>,
        %add3A_824 = arith.constant 1 : i32
        %add3A_825 = vector.broadcast %add3A_824 : i32 to vector<16xi32>
        %add3A_826 = arith.addi %mul3A_820, %add3A_825 : vector<16xi32>
        tpu.vector_store_idx %arg29[%add3A_826], %select_n3A_579 : memref<256xf32, #tpu.memory_space<vmem>>[vector<16xi32>], vector<16xf32>,
        %add3A_827 = arith.constant 2 : i32
        %add3A_828 = vector.broadcast %add3A_827 : i32 to vector<16xi32>
        %add3A_829 = arith.addi %mul3A_820, %add3A_828 : vector<16xi32>
        tpu.vector_store_idx %arg29[%add3A_829], %select_n3A_586 : memref<256xf32, #tpu.memory_space<vmem>>[vector<16xi32>], vector<16xf32>,
        %add3A_830 = arith.constant 3 : i32
        %add3A_831 = vector.broadcast %add3A_830 : i32 to vector<16xi32>
        %add3A_832 = arith.addi %mul3A_820, %add3A_831 : vector<16xi32>
        tpu.vector_store_idx %arg29[%add3A_832], %select_n3A_685 : memref<256xf32, #tpu.memory_space<vmem>>[vector<16xi32>], vector<16xf32>,
        %add3A_833 = arith.constant 4 : i32
        %add3A_834 = vector.broadcast %add3A_833 : i32 to vector<16xi32>
        %add3A_835 = arith.addi %mul3A_820, %add3A_834 : vector<16xi32>
        tpu.vector_store_idx %arg29[%add3A_835], %select_n3A_692 : memref<256xf32, #tpu.memory_space<vmem>>[vector<16xi32>], vector<16xf32>,
        %add3A_836 = arith.constant 5 : i32
        %add3A_837 = vector.broadcast %add3A_836 : i32 to vector<16xi32>
        %add3A_838 = arith.addi %mul3A_820, %add3A_837 : vector<16xi32>
        tpu.vector_store_idx %arg29[%add3A_838], %select_n3A_791 : memref<256xf32, #tpu.memory_space<vmem>>[vector<16xi32>], vector<16xf32>,
        %add3A_839 = arith.constant 6 : i32
        %add3A_840 = vector.broadcast %add3A_839 : i32 to vector<16xi32>
        %add3A_841 = arith.addi %mul3A_820, %add3A_840 : vector<16xi32>
        tpu.vector_store_idx %arg29[%add3A_841], %select_n3A_798 : memref<256xf32, #tpu.memory_space<vmem>>[vector<16xi32>], vector<16xf32>,
        %add3A_842 = arith.constant 7 : i32
        %add3A_843 = vector.broadcast %add3A_842 : i32 to vector<16xi32>
        %add3A_844 = arith.addi %mul3A_820, %add3A_843 : vector<16xi32>
        tpu.vector_store_idx %arg29[%add3A_844], %gather3A_805 : memref<256xf32, #tpu.memory_space<vmem>>[vector<16xi32>], vector<16xf32>,
        %add3A_845 = arith.constant 8 : i32
        %add3A_846 = vector.broadcast %add3A_845 : i32 to vector<16xi32>
        %add3A_847 = arith.addi %mul3A_820, %add3A_846 : vector<16xi32>
        tpu.vector_store_idx %arg29[%add3A_847], %gather3A_809 : memref<256xf32, #tpu.memory_space<vmem>>[vector<16xi32>], vector<16xf32>,
        %add3A_848 = arith.constant 9 : i32
        %add3A_849 = vector.broadcast %add3A_848 : i32 to vector<16xi32>
        %add3A_850 = arith.addi %mul3A_820, %add3A_849 : vector<16xi32>
        tpu.vector_store_idx %arg29[%add3A_850], %gather3A_813 : memref<256xf32, #tpu.memory_space<vmem>>[vector<16xi32>], vector<16xf32>,
        %add3A_851 = arith.constant 10 : i32
        %add3A_852 = vector.broadcast %add3A_851 : i32 to vector<16xi32>
        %add3A_853 = arith.addi %mul3A_820, %add3A_852 : vector<16xi32>
        tpu.vector_store_idx %arg29[%add3A_853], %gather3A_817 : memref<256xf32, #tpu.memory_space<vmem>>[vector<16xi32>], vector<16xf32>,
        %scan3A_854 = arith.constant 0 : i32
        %scan3A_855 = arith.constant 0 : i32
        %scan3A_856 = arith.constant 16 : i32
        %scan3A_857 = arith.addi %scan3A_855, %scan3A_856 : i32
        %scan3A_858 = arith.constant 1 : i32
        %scan3A_859 = scf.for %scan3A_862 = %scan3A_855 to %scan3A_857 step %scan3A_858 iter_args(%scan3A_863 = %scan3A_854) -> (i32)  : i32 {
          %add3A_864 = arith.addi %add3A_415, %scan3A_862 : i32
          %get3A_865 = arith.index_cast %add3A_864 : i32 to index
          %get3A_866 = tpu.vector_load %arg20[%get3A_865] {strides = array<i32>} : memref<864xi32, #tpu.memory_space<vmem>>, vector<16xi32>,
          %slice3A = vector.extract_strided_slice %get3A_866 {offsets = [0], sizes = [1], strides = [1]} : vector<16xi32> to vector<1xi32>
          %squeeze3A = vector.extract %slice3A[0] : i32 from vector<1xi32>
          %sub3A_867 = arith.subi %squeeze3A, %mul3A_2 : i32
          %mul3A_868 = arith.constant 144 : i32
          %mul3A_869 = arith.muli %sub3A_867, %mul3A_868 : i32
          %add3A_870 = arith.constant 128 : i32
          %add3A_871 = arith.addi %mul3A_869, %add3A_870 : i32
          %get3A_872 = arith.index_cast %add3A_871 : i32 to index
          %get3A_873 = tpu.vector_load %arg30[%get3A_872] {strides = array<i32>} : memref<45216xf32, #tpu.memory_space<vmem>>, vector<16xf32>,
          %mul3A_874 = arith.constant 16 : i32
          %mul3A_875 = arith.muli %scan3A_862, %mul3A_874 : i32
          %get3A_876 = arith.index_cast %mul3A_875 : i32 to index
          %get3A_877 = tpu.vector_load %arg29[%get3A_876] {strides = array<i32>} : memref<256xf32, #tpu.memory_space<vmem>>, vector<16xf32>,
          %max3A = arith.maximumf %get3A_873, %get3A_877 : vector<16xf32>
          %swap3A = arith.index_cast %add3A_871 : i32 to index
          %swap3A_878 = tpu.vector_load %arg30[%swap3A] {strides = array<i32>} : memref<45216xf32, #tpu.memory_space<vmem>>, vector<16xf32>,
          tpu.vector_store %arg30[%swap3A], %max3A {strides = array<i32>} : memref<45216xf32, #tpu.memory_space<vmem>>, vector<16xf32>,
          %scan3A_879 = arith.constant 0 : i32
          scf.yield %scan3A_879 : i32
        }
        %scan3A_860 = arith.constant 16 : i32
        %while3A_861 = arith.constant 0 : i32
        scf.yield %while3A_861 : i32
      }
      %jit3A_159 = arith.constant 48 : i32
      %div3A_160 = arith.divsi %scan3A_109, %jit3A_159 : i32
      %sign3A_161 = arith.constant 0 : i32
      %sign3A_162 = arith.cmpi sgt, %scan3A_109, %sign3A_161 : i32
      %sign3A_163 = arith.extui %sign3A_162 : i1 to i32
      %sign3A_164 = arith.constant 0 : i32
      %sign3A_165 = arith.cmpi slt, %scan3A_109, %sign3A_164 : i32
      %sign3A_166 = arith.extui %sign3A_165 : i1 to i32
      %sign3A_167 = arith.subi %sign3A_163, %sign3A_166 : i32
      %sign3A_168 = arith.constant 0 : i32
      %sign3A_169 = arith.cmpi sgt, %jit3A_159, %sign3A_168 : i32
      %sign3A_170 = arith.extui %sign3A_169 : i1 to i32
      %sign3A_171 = arith.constant 0 : i32
      %sign3A_172 = arith.cmpi slt, %jit3A_159, %sign3A_171 : i32
      %sign3A_173 = arith.extui %sign3A_172 : i1 to i32
      %sign3A_174 = arith.subi %sign3A_170, %sign3A_173 : i32
      %ne3A_175 = arith.cmpi ne, %sign3A_167, %sign3A_174 : i32
      %rem3A_176 = arith.remsi %scan3A_109, %jit3A_159 : i32
      %ne3A_177 = arith.constant 0 : i32
      %ne3A_178 = arith.cmpi ne, %rem3A_176, %ne3A_177 : i32
      %and3A_179 = arith.andi %ne3A_175, %ne3A_178 : i1
      %sub3A_180 = arith.constant 1 : i32
      %sub3A_181 = arith.subi %div3A_160, %sub3A_180 : i32
      %select_n3A_182 = arith.select %and3A_179, %sub3A_181, %div3A_160 : i32
      %gt3A = arith.constant 0 : i32
      %gt3A_183 = arith.cmpi sgt, %select_n3A_182, %gt3A : i32
      %convert_element_type3A = arith.extui %gt3A_183 : i1 to i32
      %cond3A = arith.constant 0 : i32
      %cond3A_184 = arith.cmpi ne, %convert_element_type3A, %cond3A : i32
      scf.if %cond3A_184 {
        %mul3A_411 = arith.constant 0 : i32
        %mul3A_412 = arith.constant 48 : i32
        %mul3A_413 = arith.muli %mul3A_411, %mul3A_412 : i32
        %multiple_of3A_414 = tpu.assume_multiple %mul3A_413, 8 : i32
        %dma_start3A_415 = arith.constant 0 : i32
        %dma_start3A_416 = arith.constant 0 : i32
        %dma_start3A_417 = arith.constant 0 : i32
        %dma_start3A_418 = tpu.memref_slice %arg22[%dma_start3A_415, %dma_start3A_416, %dma_start3A_417] : memref<2x48x128xf32, #tpu.memory_space<vmem>> -> memref<1x48x128xf32, #tpu.memory_space<vmem>>
        %dma_start3A_419 = tpu.memref_squeeze %dma_start3A_418 : memref<1x48x128xf32, #tpu.memory_space<vmem>> -> memref<48x128xf32, #tpu.memory_space<vmem>>
        %dma_start3A_420 = tpu.memref_slice %arg19[%multiple_of3A_414] : memref<864xi32, #tpu.memory_space<vmem>> -> memref<48xi32, #tpu.memory_space<vmem>>
        %dma_start3A_421 = arith.constant 0 : i32
        %dma_start3A_422 = arith.constant 0 : i32
        %dma_start3A_423 = tpu.memref_slice %arg2[%dma_start3A_421, %dma_start3A_422] : memref<10000x128xf32, #tpu.memory_space<hbm>> -> memref<10000x128xf32, #tpu.memory_space<hbm>>
        tpu.enqueue_indirect_dma source(%dma_start3A_423 : memref<10000x128xf32, #tpu.memory_space<hbm>>) target(%dma_start3A_419 : memref<48x128xf32, #tpu.memory_space<vmem>>) offsets(%dma_start3A_420 : memref<48xi32, #tpu.memory_space<vmem>>) semaphore(%arg32 : memref<!tpu.dma_semaphore, #tpu.memory_space<semaphore_mem>>)
      } else {
      }
      %while3A_185 = arith.constant 0 : i32
      %while3A_186 = arith.constant 0 : i32
      %while3A_187 = arith.subi %select_n3A_182, %while3A_185 : i32
      %while3A_188 = arith.addi %while3A_185, %while3A_187 : i32
      %while3A_189 = arith.constant 1 : i32
      %while3A_190 = arith.divsi %while3A_187, %while3A_189 : i32
      %while3A_191 = arith.muli %while3A_190, %while3A_189 : i32
      %while3A_192 = arith.addi %while3A_185, %while3A_191 : i32
      %while3A_193 = arith.constant 1 : i32
      %while3A_194 = scf.for %while3A_411 = %while3A_185 to %while3A_192 step %while3A_193 iter_args(%while3A_412 = %while3A_186) -> (i32)  : i32 {
        %jit3A_413 = arith.constant 2 : i32
        %eq3A = arith.constant 0 : i32
        %eq3A_414 = arith.cmpi eq, %jit3A_413, %eq3A : i32
        %jit3A_415 = arith.constant 1 : i32
        %select_n3A_416 = arith.select %eq3A_414, %jit3A_415, %jit3A_413 : i32
        %rem3A_417 = arith.remsi %while3A_411, %select_n3A_416 : i32
        %ne3A_418 = arith.constant 0 : i32
        %ne3A_419 = arith.cmpi ne, %rem3A_417, %ne3A_418 : i32
        %lt3A_420 = arith.constant 0 : i32
        %lt3A_421 = arith.cmpi slt, %rem3A_417, %lt3A_420 : i32
        %lt3A_422 = arith.constant 0 : i32
        %lt3A_423 = arith.cmpi slt, %select_n3A_416, %lt3A_422 : i32
        %ne3A_424 = arith.xori %lt3A_421, %lt3A_423 : i1
        %and3A_425 = arith.andi %ne3A_424, %ne3A_419 : i1
        %add3A_426 = arith.addi %rem3A_417, %select_n3A_416 : i32
        %select_n3A_427 = arith.select %and3A_425, %add3A_426, %rem3A_417 : i32
        %eq3A_428 = arith.constant 0 : i32
        %eq3A_429 = arith.cmpi eq, %select_n3A_427, %eq3A_428 : i32
        %convert_element_type3A_430 = arith.extui %eq3A_429 : i1 to i32
        %cond3A_431 = arith.constant 0 : i32
        %cond3A_432 = arith.cmpi ne, %convert_element_type3A_430, %cond3A_431 : i32
        scf.if %cond3A_432 {
          %dma_wait3A_448 = arith.constant 0 : i32
          %dma_wait3A_449 = arith.constant 0 : i32
          %dma_wait3A_450 = arith.constant 0 : i32
          %dma_wait3A_451 = tpu.memref_slice %arg22[%dma_wait3A_448, %dma_wait3A_449, %dma_wait3A_450] : memref<2x48x128xf32, #tpu.memory_space<vmem>> -> memref<1x48x128xf32, #tpu.memory_space<vmem>>
          %dma_wait3A_452 = tpu.memref_squeeze %dma_wait3A_451 : memref<1x48x128xf32, #tpu.memory_space<vmem>> -> memref<48x128xf32, #tpu.memory_space<vmem>>
          %dma_wait3A_453 = arith.constant 0 : i32
          %dma_wait3A_454 = arith.constant 0 : i32
          %dma_wait3A_455 = tpu.memref_slice %arg2[%dma_wait3A_453, %dma_wait3A_454] : memref<10000x128xf32, #tpu.memory_space<hbm>> -> memref<48x128xf32, #tpu.memory_space<hbm>>
          %dma_wait3A_456 = arith.constant 0 : i32
          %dma_wait3A_457 = arith.constant 0 : i32
          %dma_wait3A_458 = tpu.memref_slice %arg22[%dma_wait3A_448, %dma_wait3A_456, %dma_wait3A_457] : memref<2x48x128xf32, #tpu.memory_space<vmem>> -> memref<1x48x128xf32, #tpu.memory_space<vmem>>
          %dma_wait3A_459 = tpu.memref_squeeze %dma_wait3A_458 : memref<1x48x128xf32, #tpu.memory_space<vmem>> -> memref<48x128xf32, #tpu.memory_space<vmem>>
          %dma_wait3A_460 = arith.constant 0 : i32
          %dma_wait3A_461 = arith.constant 0 : i32
          %dma_wait3A_462 = tpu.memref_slice %arg2[%dma_wait3A_460, %dma_wait3A_461] : memref<10000x128xf32, #tpu.memory_space<hbm>> -> memref<48x128xf32, #tpu.memory_space<hbm>>
          tpu.wait_dma2 semaphore(%arg32 : memref<!tpu.dma_semaphore, #tpu.memory_space<semaphore_mem>>) src(%dma_wait3A_462 : memref<48x128xf32, #tpu.memory_space<hbm>>) dst(%dma_wait3A_459 : memref<48x128xf32, #tpu.memory_space<vmem>>)
          %add3A_463 = arith.constant 1 : i32
          %add3A_464 = arith.addi %while3A_411, %add3A_463 : i32
          %lt3A_465 = arith.cmpi slt, %add3A_464, %select_n3A_182 : i32
          %convert_element_type3A_466 = arith.extui %lt3A_465 : i1 to i32
          %cond3A_467 = arith.constant 0 : i32
          %cond3A_468 = arith.cmpi ne, %convert_element_type3A_466, %cond3A_467 : i32
          scf.if %cond3A_468 {
            %add3A_469 = arith.constant 1 : i32
            %add3A_470 = arith.addi %while3A_411, %add3A_469 : i32
            %mul3A_471 = arith.constant 48 : i32
            %mul3A_472 = arith.muli %add3A_470, %mul3A_471 : i32
            %multiple_of3A_473 = tpu.assume_multiple %mul3A_472, 8 : i32
            %dma_start3A_474 = arith.constant 1 : i32
            %dma_start3A_475 = arith.constant 0 : i32
            %dma_start3A_476 = arith.constant 0 : i32
            %dma_start3A_477 = tpu.memref_slice %arg22[%dma_start3A_474, %dma_start3A_475, %dma_start3A_476] : memref<2x48x128xf32, #tpu.memory_space<vmem>> -> memref<1x48x128xf32, #tpu.memory_space<vmem>>
            %dma_start3A_478 = tpu.memref_squeeze %dma_start3A_477 : memref<1x48x128xf32, #tpu.memory_space<vmem>> -> memref<48x128xf32, #tpu.memory_space<vmem>>
            %dma_start3A_479 = tpu.memref_slice %arg19[%multiple_of3A_473] : memref<864xi32, #tpu.memory_space<vmem>> -> memref<48xi32, #tpu.memory_space<vmem>>
            %dma_start3A_480 = arith.constant 0 : i32
            %dma_start3A_481 = arith.constant 0 : i32
            %dma_start3A_482 = tpu.memref_slice %arg2[%dma_start3A_480, %dma_start3A_481] : memref<10000x128xf32, #tpu.memory_space<hbm>> -> memref<10000x128xf32, #tpu.memory_space<hbm>>
            tpu.enqueue_indirect_dma source(%dma_start3A_482 : memref<10000x128xf32, #tpu.memory_space<hbm>>) target(%dma_start3A_478 : memref<48x128xf32, #tpu.memory_space<vmem>>) offsets(%dma_start3A_479 : memref<48xi32, #tpu.memory_space<vmem>>) semaphore(%arg33 : memref<!tpu.dma_semaphore, #tpu.memory_space<semaphore_mem>>)
          } else {
          }
        } else {
        }
        %eq3A_433 = arith.constant 1 : i32
        %eq3A_434 = arith.cmpi eq, %select_n3A_427, %eq3A_433 : i32
        %convert_element_type3A_435 = arith.extui %eq3A_434 : i1 to i32
        %cond3A_436 = arith.constant 0 : i32
        %cond3A_437 = arith.cmpi ne, %convert_element_type3A_435, %cond3A_436 : i32
        scf.if %cond3A_437 {
          %dma_wait3A_448 = arith.constant 1 : i32
          %dma_wait3A_449 = arith.constant 0 : i32
          %dma_wait3A_450 = arith.constant 0 : i32
          %dma_wait3A_451 = tpu.memref_slice %arg22[%dma_wait3A_448, %dma_wait3A_449, %dma_wait3A_450] : memref<2x48x128xf32, #tpu.memory_space<vmem>> -> memref<1x48x128xf32, #tpu.memory_space<vmem>>
          %dma_wait3A_452 = tpu.memref_squeeze %dma_wait3A_451 : memref<1x48x128xf32, #tpu.memory_space<vmem>> -> memref<48x128xf32, #tpu.memory_space<vmem>>
          %dma_wait3A_453 = arith.constant 0 : i32
          %dma_wait3A_454 = arith.constant 0 : i32
          %dma_wait3A_455 = tpu.memref_slice %arg2[%dma_wait3A_453, %dma_wait3A_454] : memref<10000x128xf32, #tpu.memory_space<hbm>> -> memref<48x128xf32, #tpu.memory_space<hbm>>
          %dma_wait3A_456 = arith.constant 0 : i32
          %dma_wait3A_457 = arith.constant 0 : i32
          %dma_wait3A_458 = tpu.memref_slice %arg22[%dma_wait3A_448, %dma_wait3A_456, %dma_wait3A_457] : memref<2x48x128xf32, #tpu.memory_space<vmem>> -> memref<1x48x128xf32, #tpu.memory_space<vmem>>
          %dma_wait3A_459 = tpu.memref_squeeze %dma_wait3A_458 : memref<1x48x128xf32, #tpu.memory_space<vmem>> -> memref<48x128xf32, #tpu.memory_space<vmem>>
          %dma_wait3A_460 = arith.constant 0 : i32
          %dma_wait3A_461 = arith.constant 0 : i32
          %dma_wait3A_462 = tpu.memref_slice %arg2[%dma_wait3A_460, %dma_wait3A_461] : memref<10000x128xf32, #tpu.memory_space<hbm>> -> memref<48x128xf32, #tpu.memory_space<hbm>>
          tpu.wait_dma2 semaphore(%arg33 : memref<!tpu.dma_semaphore, #tpu.memory_space<semaphore_mem>>) src(%dma_wait3A_462 : memref<48x128xf32, #tpu.memory_space<hbm>>) dst(%dma_wait3A_459 : memref<48x128xf32, #tpu.memory_space<vmem>>)
          %add3A_463 = arith.constant 1 : i32
          %add3A_464 = arith.addi %while3A_411, %add3A_463 : i32
          %lt3A_465 = arith.cmpi slt, %add3A_464, %select_n3A_182 : i32
          %convert_element_type3A_466 = arith.extui %lt3A_465 : i1 to i32
          %cond3A_467 = arith.constant 0 : i32
          %cond3A_468 = arith.cmpi ne, %convert_element_type3A_466, %cond3A_467 : i32
          scf.if %cond3A_468 {
            %add3A_469 = arith.constant 1 : i32
            %add3A_470 = arith.addi %while3A_411, %add3A_469 : i32
            %mul3A_471 = arith.constant 48 : i32
            %mul3A_472 = arith.muli %add3A_470, %mul3A_471 : i32
            %multiple_of3A_473 = tpu.assume_multiple %mul3A_472, 8 : i32
            %dma_start3A_474 = arith.constant 0 : i32
            %dma_start3A_475 = arith.constant 0 : i32
            %dma_start3A_476 = arith.constant 0 : i32
            %dma_start3A_477 = tpu.memref_slice %arg22[%dma_start3A_474, %dma_start3A_475, %dma_start3A_476] : memref<2x48x128xf32, #tpu.memory_space<vmem>> -> memref<1x48x128xf32, #tpu.memory_space<vmem>>
            %dma_start3A_478 = tpu.memref_squeeze %dma_start3A_477 : memref<1x48x128xf32, #tpu.memory_space<vmem>> -> memref<48x128xf32, #tpu.memory_space<vmem>>
            %dma_start3A_479 = tpu.memref_slice %arg19[%multiple_of3A_473] : memref<864xi32, #tpu.memory_space<vmem>> -> memref<48xi32, #tpu.memory_space<vmem>>
            %dma_start3A_480 = arith.constant 0 : i32
            %dma_start3A_481 = arith.constant 0 : i32
            %dma_start3A_482 = tpu.memref_slice %arg2[%dma_start3A_480, %dma_start3A_481] : memref<10000x128xf32, #tpu.memory_space<hbm>> -> memref<10000x128xf32, #tpu.memory_space<hbm>>
            tpu.enqueue_indirect_dma source(%dma_start3A_482 : memref<10000x128xf32, #tpu.memory_space<hbm>>) target(%dma_start3A_478 : memref<48x128xf32, #tpu.memory_space<vmem>>) offsets(%dma_start3A_479 : memref<48xi32, #tpu.memory_space<vmem>>) semaphore(%arg32 : memref<!tpu.dma_semaphore, #tpu.memory_space<semaphore_mem>>)
          } else {
          }
        } else {
        }
        %mul3A_438 = arith.constant 48 : i32
        %mul3A_439 = arith.muli %while3A_411, %mul3A_438 : i32
        %scan3A_440 = arith.constant 0 : i32
        %scan3A_441 = arith.constant 0 : i32
        %scan3A_442 = arith.constant 48 : i32
        %scan3A_443 = arith.addi %scan3A_441, %scan3A_442 : i32
        %scan3A_444 = arith.constant 1 : i32
        %scan3A_445 = scf.for %scan3A_448 = %scan3A_441 to %scan3A_443 step %scan3A_444 iter_args(%scan3A_449 = %scan3A_440) -> (i32)  : i32 {
          %add3A_450 = arith.addi %mul3A_439, %scan3A_448 : i32
          %get3A_451 = arith.index_cast %add3A_450 : i32 to index
          %get3A_452 = tpu.vector_load %arg20[%get3A_451] {strides = array<i32>} : memref<864xi32, #tpu.memory_space<vmem>>, vector<16xi32>,
          %slice3A = vector.extract_strided_slice %get3A_452 {offsets = [0], sizes = [1], strides = [1]} : vector<16xi32> to vector<1xi32>
          %squeeze3A = vector.extract %slice3A[0] : i32 from vector<1xi32>
          %sub3A_453 = arith.subi %squeeze3A, %mul3A_2 : i32
          %mul3A_454 = arith.constant 144 : i32
          %mul3A_455 = arith.muli %sub3A_453, %mul3A_454 : i32
          %add3A_456 = arith.constant 0 : i32
          %add3A_457 = arith.addi %mul3A_455, %add3A_456 : i32
          %get3A_458 = arith.index_cast %add3A_457 : i32 to index
          %get3A_459 = tpu.vector_load %arg30[%get3A_458] {strides = array<i32>} : memref<45216xf32, #tpu.memory_space<vmem>>, vector<16xf32>,
          %get3A_460 = arith.index_cast %select_n3A_427 : i32 to index
          %get3A_461 = arith.index_cast %scan3A_448 : i32 to index
          %get3A_462 = arith.constant 0 : index
          %get3A_463 = tpu.vector_load %arg22[%get3A_460, %get3A_461, %get3A_462] {strides = array<i32>} : memref<2x48x128xf32, #tpu.memory_space<vmem>>, vector<16xf32>,
          %max3A = arith.maximumf %get3A_459, %get3A_463 : vector<16xf32>
          %swap3A = arith.index_cast %add3A_457 : i32 to index
          %swap3A_464 = tpu.vector_load %arg30[%swap3A] {strides = array<i32>} : memref<45216xf32, #tpu.memory_space<vmem>>, vector<16xf32>,
          tpu.vector_store %arg30[%swap3A], %max3A {strides = array<i32>} : memref<45216xf32, #tpu.memory_space<vmem>>, vector<16xf32>,
          %add3A_465 = arith.constant 16 : i32
          %add3A_466 = arith.addi %mul3A_455, %add3A_465 : i32
          %get3A_467 = arith.index_cast %add3A_466 : i32 to index
          %get3A_468 = tpu.vector_load %arg30[%get3A_467] {strides = array<i32>} : memref<45216xf32, #tpu.memory_space<vmem>>, vector<16xf32>,
          %get3A_469 = arith.index_cast %select_n3A_427 : i32 to index
          %get3A_470 = arith.index_cast %scan3A_448 : i32 to index
          %get3A_471 = arith.constant 16 : index
          %get3A_472 = tpu.vector_load %arg22[%get3A_469, %get3A_470, %get3A_471] {strides = array<i32>} : memref<2x48x128xf32, #tpu.memory_space<vmem>>, vector<16xf32>,
          %max3A_473 = arith.maximumf %get3A_468, %get3A_472 : vector<16xf32>
          %swap3A_474 = arith.index_cast %add3A_466 : i32 to index
          %swap3A_475 = tpu.vector_load %arg30[%swap3A_474] {strides = array<i32>} : memref<45216xf32, #tpu.memory_space<vmem>>, vector<16xf32>,
          tpu.vector_store %arg30[%swap3A_474], %max3A_473 {strides = array<i32>} : memref<45216xf32, #tpu.memory_space<vmem>>, vector<16xf32>,
          %add3A_476 = arith.constant 32 : i32
          %add3A_477 = arith.addi %mul3A_455, %add3A_476 : i32
          %get3A_478 = arith.index_cast %add3A_477 : i32 to index
          %get3A_479 = tpu.vector_load %arg30[%get3A_478] {strides = array<i32>} : memref<45216xf32, #tpu.memory_space<vmem>>, vector<16xf32>,
          %get3A_480 = arith.index_cast %select_n3A_427 : i32 to index
          %get3A_481 = arith.index_cast %scan3A_448 : i32 to index
          %get3A_482 = arith.constant 32 : index
          %get3A_483 = tpu.vector_load %arg22[%get3A_480, %get3A_481, %get3A_482] {strides = array<i32>} : memref<2x48x128xf32, #tpu.memory_space<vmem>>, vector<16xf32>,
          %max3A_484 = arith.maximumf %get3A_479, %get3A_483 : vector<16xf32>
          %swap3A_485 = arith.index_cast %add3A_477 : i32 to index
          %swap3A_486 = tpu.vector_load %arg30[%swap3A_485] {strides = array<i32>} : memref<45216xf32, #tpu.memory_space<vmem>>, vector<16xf32>,
          tpu.vector_store %arg30[%swap3A_485], %max3A_484 {strides = array<i32>} : memref<45216xf32, #tpu.memory_space<vmem>>, vector<16xf32>,
          %add3A_487 = arith.constant 48 : i32
          %add3A_488 = arith.addi %mul3A_455, %add3A_487 : i32
          %get3A_489 = arith.index_cast %add3A_488 : i32 to index
          %get3A_490 = tpu.vector_load %arg30[%get3A_489] {strides = array<i32>} : memref<45216xf32, #tpu.memory_space<vmem>>, vector<16xf32>,
          %get3A_491 = arith.index_cast %select_n3A_427 : i32 to index
          %get3A_492 = arith.index_cast %scan3A_448 : i32 to index
          %get3A_493 = arith.constant 48 : index
          %get3A_494 = tpu.vector_load %arg22[%get3A_491, %get3A_492, %get3A_493] {strides = array<i32>} : memref<2x48x128xf32, #tpu.memory_space<vmem>>, vector<16xf32>,
          %max3A_495 = arith.maximumf %get3A_490, %get3A_494 : vector<16xf32>
          %swap3A_496 = arith.index_cast %add3A_488 : i32 to index
          %swap3A_497 = tpu.vector_load %arg30[%swap3A_496] {strides = array<i32>} : memref<45216xf32, #tpu.memory_space<vmem>>, vector<16xf32>,
          tpu.vector_store %arg30[%swap3A_496], %max3A_495 {strides = array<i32>} : memref<45216xf32, #tpu.memory_space<vmem>>, vector<16xf32>,
          %add3A_498 = arith.constant 64 : i32
          %add3A_499 = arith.addi %mul3A_455, %add3A_498 : i32
          %get3A_500 = arith.index_cast %add3A_499 : i32 to index
          %get3A_501 = tpu.vector_load %arg30[%get3A_500] {strides = array<i32>} : memref<45216xf32, #tpu.memory_space<vmem>>, vector<16xf32>,
          %get3A_502 = arith.index_cast %select_n3A_427 : i32 to index
          %get3A_503 = arith.index_cast %scan3A_448 : i32 to index
          %get3A_504 = arith.constant 64 : index
          %get3A_505 = tpu.vector_load %arg22[%get3A_502, %get3A_503, %get3A_504] {strides = array<i32>} : memref<2x48x128xf32, #tpu.memory_space<vmem>>, vector<16xf32>,
          %max3A_506 = arith.maximumf %get3A_501, %get3A_505 : vector<16xf32>
          %swap3A_507 = arith.index_cast %add3A_499 : i32 to index
          %swap3A_508 = tpu.vector_load %arg30[%swap3A_507] {strides = array<i32>} : memref<45216xf32, #tpu.memory_space<vmem>>, vector<16xf32>,
          tpu.vector_store %arg30[%swap3A_507], %max3A_506 {strides = array<i32>} : memref<45216xf32, #tpu.memory_space<vmem>>, vector<16xf32>,
          %add3A_509 = arith.constant 80 : i32
          %add3A_510 = arith.addi %mul3A_455, %add3A_509 : i32
          %get3A_511 = arith.index_cast %add3A_510 : i32 to index
          %get3A_512 = tpu.vector_load %arg30[%get3A_511] {strides = array<i32>} : memref<45216xf32, #tpu.memory_space<vmem>>, vector<16xf32>,
          %get3A_513 = arith.index_cast %select_n3A_427 : i32 to index
          %get3A_514 = arith.index_cast %scan3A_448 : i32 to index
          %get3A_515 = arith.constant 80 : index
          %get3A_516 = tpu.vector_load %arg22[%get3A_513, %get3A_514, %get3A_515] {strides = array<i32>} : memref<2x48x128xf32, #tpu.memory_space<vmem>>, vector<16xf32>,
          %max3A_517 = arith.maximumf %get3A_512, %get3A_516 : vector<16xf32>
          %swap3A_518 = arith.index_cast %add3A_510 : i32 to index
          %swap3A_519 = tpu.vector_load %arg30[%swap3A_518] {strides = array<i32>} : memref<45216xf32, #tpu.memory_space<vmem>>, vector<16xf32>,
          tpu.vector_store %arg30[%swap3A_518], %max3A_517 {strides = array<i32>} : memref<45216xf32, #tpu.memory_space<vmem>>, vector<16xf32>,
          %add3A_520 = arith.constant 96 : i32
          %add3A_521 = arith.addi %mul3A_455, %add3A_520 : i32
          %get3A_522 = arith.index_cast %add3A_521 : i32 to index
          %get3A_523 = tpu.vector_load %arg30[%get3A_522] {strides = array<i32>} : memref<45216xf32, #tpu.memory_space<vmem>>, vector<16xf32>,
          %get3A_524 = arith.index_cast %select_n3A_427 : i32 to index
          %get3A_525 = arith.index_cast %scan3A_448 : i32 to index
          %get3A_526 = arith.constant 96 : index
          %get3A_527 = tpu.vector_load %arg22[%get3A_524, %get3A_525, %get3A_526] {strides = array<i32>} : memref<2x48x128xf32, #tpu.memory_space<vmem>>, vector<16xf32>,
          %max3A_528 = arith.maximumf %get3A_523, %get3A_527 : vector<16xf32>
          %swap3A_529 = arith.index_cast %add3A_521 : i32 to index
          %swap3A_530 = tpu.vector_load %arg30[%swap3A_529] {strides = array<i32>} : memref<45216xf32, #tpu.memory_space<vmem>>, vector<16xf32>,
          tpu.vector_store %arg30[%swap3A_529], %max3A_528 {strides = array<i32>} : memref<45216xf32, #tpu.memory_space<vmem>>, vector<16xf32>,
          %add3A_531 = arith.constant 112 : i32
          %add3A_532 = arith.addi %mul3A_455, %add3A_531 : i32
          %get3A_533 = arith.index_cast %add3A_532 : i32 to index
          %get3A_534 = tpu.vector_load %arg30[%get3A_533] {strides = array<i32>} : memref<45216xf32, #tpu.memory_space<vmem>>, vector<16xf32>,
          %get3A_535 = arith.index_cast %select_n3A_427 : i32 to index
          %get3A_536 = arith.index_cast %scan3A_448 : i32 to index
          %get3A_537 = arith.constant 112 : index
          %get3A_538 = tpu.vector_load %arg22[%get3A_535, %get3A_536, %get3A_537] {strides = array<i32>} : memref<2x48x128xf32, #tpu.memory_space<vmem>>, vector<16xf32>,
          %max3A_539 = arith.maximumf %get3A_534, %get3A_538 : vector<16xf32>
          %swap3A_540 = arith.index_cast %add3A_532 : i32 to index
          %swap3A_541 = tpu.vector_load %arg30[%swap3A_540] {strides = array<i32>} : memref<45216xf32, #tpu.memory_space<vmem>>, vector<16xf32>,
          tpu.vector_store %arg30[%swap3A_540], %max3A_539 {strides = array<i32>} : memref<45216xf32, #tpu.memory_space<vmem>>, vector<16xf32>,
          %scan3A_542 = arith.constant 0 : i32
          scf.yield %scan3A_542 : i32
        }
        %scan3A_446 = arith.constant 48 : i32
        %while3A_447 = arith.constant 0 : i32
        scf.yield %while3A_447 : i32
      }
      %while3A_195 = arith.constant 1 : i32
      %while3A_196 = scf.for %while3A_411 = %while3A_192 to %while3A_188 step %while3A_195 iter_args(%while3A_412 = %while3A_194) -> (i32)  : i32 {
        %jit3A_413 = arith.constant 2 : i32
        %eq3A = arith.constant 0 : i32
        %eq3A_414 = arith.cmpi eq, %jit3A_413, %eq3A : i32
        %jit3A_415 = arith.constant 1 : i32
        %select_n3A_416 = arith.select %eq3A_414, %jit3A_415, %jit3A_413 : i32
        %rem3A_417 = arith.remsi %while3A_411, %select_n3A_416 : i32
        %ne3A_418 = arith.constant 0 : i32
        %ne3A_419 = arith.cmpi ne, %rem3A_417, %ne3A_418 : i32
        %lt3A_420 = arith.constant 0 : i32
        %lt3A_421 = arith.cmpi slt, %rem3A_417, %lt3A_420 : i32
        %lt3A_422 = arith.constant 0 : i32
        %lt3A_423 = arith.cmpi slt, %select_n3A_416, %lt3A_422 : i32
        %ne3A_424 = arith.xori %lt3A_421, %lt3A_423 : i1
        %and3A_425 = arith.andi %ne3A_424, %ne3A_419 : i1
        %add3A_426 = arith.addi %rem3A_417, %select_n3A_416 : i32
        %select_n3A_427 = arith.select %and3A_425, %add3A_426, %rem3A_417 : i32
        %eq3A_428 = arith.constant 0 : i32
        %eq3A_429 = arith.cmpi eq, %select_n3A_427, %eq3A_428 : i32
        %convert_element_type3A_430 = arith.extui %eq3A_429 : i1 to i32
        %cond3A_431 = arith.constant 0 : i32
        %cond3A_432 = arith.cmpi ne, %convert_element_type3A_430, %cond3A_431 : i32
        scf.if %cond3A_432 {
          %dma_wait3A_448 = arith.constant 0 : i32
          %dma_wait3A_449 = arith.constant 0 : i32
          %dma_wait3A_450 = arith.constant 0 : i32
          %dma_wait3A_451 = tpu.memref_slice %arg22[%dma_wait3A_448, %dma_wait3A_449, %dma_wait3A_450] : memref<2x48x128xf32, #tpu.memory_space<vmem>> -> memref<1x48x128xf32, #tpu.memory_space<vmem>>
          %dma_wait3A_452 = tpu.memref_squeeze %dma_wait3A_451 : memref<1x48x128xf32, #tpu.memory_space<vmem>> -> memref<48x128xf32, #tpu.memory_space<vmem>>
          %dma_wait3A_453 = arith.constant 0 : i32
          %dma_wait3A_454 = arith.constant 0 : i32
          %dma_wait3A_455 = tpu.memref_slice %arg2[%dma_wait3A_453, %dma_wait3A_454] : memref<10000x128xf32, #tpu.memory_space<hbm>> -> memref<48x128xf32, #tpu.memory_space<hbm>>
          %dma_wait3A_456 = arith.constant 0 : i32
          %dma_wait3A_457 = arith.constant 0 : i32
          %dma_wait3A_458 = tpu.memref_slice %arg22[%dma_wait3A_448, %dma_wait3A_456, %dma_wait3A_457] : memref<2x48x128xf32, #tpu.memory_space<vmem>> -> memref<1x48x128xf32, #tpu.memory_space<vmem>>
          %dma_wait3A_459 = tpu.memref_squeeze %dma_wait3A_458 : memref<1x48x128xf32, #tpu.memory_space<vmem>> -> memref<48x128xf32, #tpu.memory_space<vmem>>
          %dma_wait3A_460 = arith.constant 0 : i32
          %dma_wait3A_461 = arith.constant 0 : i32
          %dma_wait3A_462 = tpu.memref_slice %arg2[%dma_wait3A_460, %dma_wait3A_461] : memref<10000x128xf32, #tpu.memory_space<hbm>> -> memref<48x128xf32, #tpu.memory_space<hbm>>
          tpu.wait_dma2 semaphore(%arg32 : memref<!tpu.dma_semaphore, #tpu.memory_space<semaphore_mem>>) src(%dma_wait3A_462 : memref<48x128xf32, #tpu.memory_space<hbm>>) dst(%dma_wait3A_459 : memref<48x128xf32, #tpu.memory_space<vmem>>)
          %add3A_463 = arith.constant 1 : i32
          %add3A_464 = arith.addi %while3A_411, %add3A_463 : i32
          %lt3A_465 = arith.cmpi slt, %add3A_464, %select_n3A_182 : i32
          %convert_element_type3A_466 = arith.extui %lt3A_465 : i1 to i32
          %cond3A_467 = arith.constant 0 : i32
          %cond3A_468 = arith.cmpi ne, %convert_element_type3A_466, %cond3A_467 : i32
          scf.if %cond3A_468 {
            %add3A_469 = arith.constant 1 : i32
            %add3A_470 = arith.addi %while3A_411, %add3A_469 : i32
            %mul3A_471 = arith.constant 48 : i32
            %mul3A_472 = arith.muli %add3A_470, %mul3A_471 : i32
            %multiple_of3A_473 = tpu.assume_multiple %mul3A_472, 8 : i32
            %dma_start3A_474 = arith.constant 1 : i32
            %dma_start3A_475 = arith.constant 0 : i32
            %dma_start3A_476 = arith.constant 0 : i32
            %dma_start3A_477 = tpu.memref_slice %arg22[%dma_start3A_474, %dma_start3A_475, %dma_start3A_476] : memref<2x48x128xf32, #tpu.memory_space<vmem>> -> memref<1x48x128xf32, #tpu.memory_space<vmem>>
            %dma_start3A_478 = tpu.memref_squeeze %dma_start3A_477 : memref<1x48x128xf32, #tpu.memory_space<vmem>> -> memref<48x128xf32, #tpu.memory_space<vmem>>
            %dma_start3A_479 = tpu.memref_slice %arg19[%multiple_of3A_473] : memref<864xi32, #tpu.memory_space<vmem>> -> memref<48xi32, #tpu.memory_space<vmem>>
            %dma_start3A_480 = arith.constant 0 : i32
            %dma_start3A_481 = arith.constant 0 : i32
            %dma_start3A_482 = tpu.memref_slice %arg2[%dma_start3A_480, %dma_start3A_481] : memref<10000x128xf32, #tpu.memory_space<hbm>> -> memref<10000x128xf32, #tpu.memory_space<hbm>>
            tpu.enqueue_indirect_dma source(%dma_start3A_482 : memref<10000x128xf32, #tpu.memory_space<hbm>>) target(%dma_start3A_478 : memref<48x128xf32, #tpu.memory_space<vmem>>) offsets(%dma_start3A_479 : memref<48xi32, #tpu.memory_space<vmem>>) semaphore(%arg33 : memref<!tpu.dma_semaphore, #tpu.memory_space<semaphore_mem>>)
          } else {
          }
        } else {
        }
        %eq3A_433 = arith.constant 1 : i32
        %eq3A_434 = arith.cmpi eq, %select_n3A_427, %eq3A_433 : i32
        %convert_element_type3A_435 = arith.extui %eq3A_434 : i1 to i32
        %cond3A_436 = arith.constant 0 : i32
        %cond3A_437 = arith.cmpi ne, %convert_element_type3A_435, %cond3A_436 : i32
        scf.if %cond3A_437 {
          %dma_wait3A_448 = arith.constant 1 : i32
          %dma_wait3A_449 = arith.constant 0 : i32
          %dma_wait3A_450 = arith.constant 0 : i32
          %dma_wait3A_451 = tpu.memref_slice %arg22[%dma_wait3A_448, %dma_wait3A_449, %dma_wait3A_450] : memref<2x48x128xf32, #tpu.memory_space<vmem>> -> memref<1x48x128xf32, #tpu.memory_space<vmem>>
          %dma_wait3A_452 = tpu.memref_squeeze %dma_wait3A_451 : memref<1x48x128xf32, #tpu.memory_space<vmem>> -> memref<48x128xf32, #tpu.memory_space<vmem>>
          %dma_wait3A_453 = arith.constant 0 : i32
          %dma_wait3A_454 = arith.constant 0 : i32
          %dma_wait3A_455 = tpu.memref_slice %arg2[%dma_wait3A_453, %dma_wait3A_454] : memref<10000x128xf32, #tpu.memory_space<hbm>> -> memref<48x128xf32, #tpu.memory_space<hbm>>
          %dma_wait3A_456 = arith.constant 0 : i32
          %dma_wait3A_457 = arith.constant 0 : i32
          %dma_wait3A_458 = tpu.memref_slice %arg22[%dma_wait3A_448, %dma_wait3A_456, %dma_wait3A_457] : memref<2x48x128xf32, #tpu.memory_space<vmem>> -> memref<1x48x128xf32, #tpu.memory_space<vmem>>
          %dma_wait3A_459 = tpu.memref_squeeze %dma_wait3A_458 : memref<1x48x128xf32, #tpu.memory_space<vmem>> -> memref<48x128xf32, #tpu.memory_space<vmem>>
          %dma_wait3A_460 = arith.constant 0 : i32
          %dma_wait3A_461 = arith.constant 0 : i32
          %dma_wait3A_462 = tpu.memref_slice %arg2[%dma_wait3A_460, %dma_wait3A_461] : memref<10000x128xf32, #tpu.memory_space<hbm>> -> memref<48x128xf32, #tpu.memory_space<hbm>>
          tpu.wait_dma2 semaphore(%arg33 : memref<!tpu.dma_semaphore, #tpu.memory_space<semaphore_mem>>) src(%dma_wait3A_462 : memref<48x128xf32, #tpu.memory_space<hbm>>) dst(%dma_wait3A_459 : memref<48x128xf32, #tpu.memory_space<vmem>>)
          %add3A_463 = arith.constant 1 : i32
          %add3A_464 = arith.addi %while3A_411, %add3A_463 : i32
          %lt3A_465 = arith.cmpi slt, %add3A_464, %select_n3A_182 : i32
          %convert_element_type3A_466 = arith.extui %lt3A_465 : i1 to i32
          %cond3A_467 = arith.constant 0 : i32
          %cond3A_468 = arith.cmpi ne, %convert_element_type3A_466, %cond3A_467 : i32
          scf.if %cond3A_468 {
            %add3A_469 = arith.constant 1 : i32
            %add3A_470 = arith.addi %while3A_411, %add3A_469 : i32
            %mul3A_471 = arith.constant 48 : i32
            %mul3A_472 = arith.muli %add3A_470, %mul3A_471 : i32
            %multiple_of3A_473 = tpu.assume_multiple %mul3A_472, 8 : i32
            %dma_start3A_474 = arith.constant 0 : i32
            %dma_start3A_475 = arith.constant 0 : i32
            %dma_start3A_476 = arith.constant 0 : i32
            %dma_start3A_477 = tpu.memref_slice %arg22[%dma_start3A_474, %dma_start3A_475, %dma_start3A_476] : memref<2x48x128xf32, #tpu.memory_space<vmem>> -> memref<1x48x128xf32, #tpu.memory_space<vmem>>
            %dma_start3A_478 = tpu.memref_squeeze %dma_start3A_477 : memref<1x48x128xf32, #tpu.memory_space<vmem>> -> memref<48x128xf32, #tpu.memory_space<vmem>>
            %dma_start3A_479 = tpu.memref_slice %arg19[%multiple_of3A_473] : memref<864xi32, #tpu.memory_space<vmem>> -> memref<48xi32, #tpu.memory_space<vmem>>
            %dma_start3A_480 = arith.constant 0 : i32
            %dma_start3A_481 = arith.constant 0 : i32
            %dma_start3A_482 = tpu.memref_slice %arg2[%dma_start3A_480, %dma_start3A_481] : memref<10000x128xf32, #tpu.memory_space<hbm>> -> memref<10000x128xf32, #tpu.memory_space<hbm>>
            tpu.enqueue_indirect_dma source(%dma_start3A_482 : memref<10000x128xf32, #tpu.memory_space<hbm>>) target(%dma_start3A_478 : memref<48x128xf32, #tpu.memory_space<vmem>>) offsets(%dma_start3A_479 : memref<48xi32, #tpu.memory_space<vmem>>) semaphore(%arg32 : memref<!tpu.dma_semaphore, #tpu.memory_space<semaphore_mem>>)
          } else {
          }
        } else {
        }
        %mul3A_438 = arith.constant 48 : i32
        %mul3A_439 = arith.muli %while3A_411, %mul3A_438 : i32
        %scan3A_440 = arith.constant 0 : i32
        %scan3A_441 = arith.constant 0 : i32
        %scan3A_442 = arith.constant 48 : i32
        %scan3A_443 = arith.addi %scan3A_441, %scan3A_442 : i32
        %scan3A_444 = arith.constant 1 : i32
        %scan3A_445 = scf.for %scan3A_448 = %scan3A_441 to %scan3A_443 step %scan3A_444 iter_args(%scan3A_449 = %scan3A_440) -> (i32)  : i32 {
          %add3A_450 = arith.addi %mul3A_439, %scan3A_448 : i32
          %get3A_451 = arith.index_cast %add3A_450 : i32 to index
          %get3A_452 = tpu.vector_load %arg20[%get3A_451] {strides = array<i32>} : memref<864xi32, #tpu.memory_space<vmem>>, vector<16xi32>,
          %slice3A = vector.extract_strided_slice %get3A_452 {offsets = [0], sizes = [1], strides = [1]} : vector<16xi32> to vector<1xi32>
          %squeeze3A = vector.extract %slice3A[0] : i32 from vector<1xi32>
          %sub3A_453 = arith.subi %squeeze3A, %mul3A_2 : i32
          %mul3A_454 = arith.constant 144 : i32
          %mul3A_455 = arith.muli %sub3A_453, %mul3A_454 : i32
          %add3A_456 = arith.constant 0 : i32
          %add3A_457 = arith.addi %mul3A_455, %add3A_456 : i32
          %get3A_458 = arith.index_cast %add3A_457 : i32 to index
          %get3A_459 = tpu.vector_load %arg30[%get3A_458] {strides = array<i32>} : memref<45216xf32, #tpu.memory_space<vmem>>, vector<16xf32>,
          %get3A_460 = arith.index_cast %select_n3A_427 : i32 to index
          %get3A_461 = arith.index_cast %scan3A_448 : i32 to index
          %get3A_462 = arith.constant 0 : index
          %get3A_463 = tpu.vector_load %arg22[%get3A_460, %get3A_461, %get3A_462] {strides = array<i32>} : memref<2x48x128xf32, #tpu.memory_space<vmem>>, vector<16xf32>,
          %max3A = arith.maximumf %get3A_459, %get3A_463 : vector<16xf32>
          %swap3A = arith.index_cast %add3A_457 : i32 to index
          %swap3A_464 = tpu.vector_load %arg30[%swap3A] {strides = array<i32>} : memref<45216xf32, #tpu.memory_space<vmem>>, vector<16xf32>,
          tpu.vector_store %arg30[%swap3A], %max3A {strides = array<i32>} : memref<45216xf32, #tpu.memory_space<vmem>>, vector<16xf32>,
          %add3A_465 = arith.constant 16 : i32
          %add3A_466 = arith.addi %mul3A_455, %add3A_465 : i32
          %get3A_467 = arith.index_cast %add3A_466 : i32 to index
          %get3A_468 = tpu.vector_load %arg30[%get3A_467] {strides = array<i32>} : memref<45216xf32, #tpu.memory_space<vmem>>, vector<16xf32>,
          %get3A_469 = arith.index_cast %select_n3A_427 : i32 to index
          %get3A_470 = arith.index_cast %scan3A_448 : i32 to index
          %get3A_471 = arith.constant 16 : index
          %get3A_472 = tpu.vector_load %arg22[%get3A_469, %get3A_470, %get3A_471] {strides = array<i32>} : memref<2x48x128xf32, #tpu.memory_space<vmem>>, vector<16xf32>,
          %max3A_473 = arith.maximumf %get3A_468, %get3A_472 : vector<16xf32>
          %swap3A_474 = arith.index_cast %add3A_466 : i32 to index
          %swap3A_475 = tpu.vector_load %arg30[%swap3A_474] {strides = array<i32>} : memref<45216xf32, #tpu.memory_space<vmem>>, vector<16xf32>,
          tpu.vector_store %arg30[%swap3A_474], %max3A_473 {strides = array<i32>} : memref<45216xf32, #tpu.memory_space<vmem>>, vector<16xf32>,
          %add3A_476 = arith.constant 32 : i32
          %add3A_477 = arith.addi %mul3A_455, %add3A_476 : i32
          %get3A_478 = arith.index_cast %add3A_477 : i32 to index
          %get3A_479 = tpu.vector_load %arg30[%get3A_478] {strides = array<i32>} : memref<45216xf32, #tpu.memory_space<vmem>>, vector<16xf32>,
          %get3A_480 = arith.index_cast %select_n3A_427 : i32 to index
          %get3A_481 = arith.index_cast %scan3A_448 : i32 to index
          %get3A_482 = arith.constant 32 : index
          %get3A_483 = tpu.vector_load %arg22[%get3A_480, %get3A_481, %get3A_482] {strides = array<i32>} : memref<2x48x128xf32, #tpu.memory_space<vmem>>, vector<16xf32>,
          %max3A_484 = arith.maximumf %get3A_479, %get3A_483 : vector<16xf32>
          %swap3A_485 = arith.index_cast %add3A_477 : i32 to index
          %swap3A_486 = tpu.vector_load %arg30[%swap3A_485] {strides = array<i32>} : memref<45216xf32, #tpu.memory_space<vmem>>, vector<16xf32>,
          tpu.vector_store %arg30[%swap3A_485], %max3A_484 {strides = array<i32>} : memref<45216xf32, #tpu.memory_space<vmem>>, vector<16xf32>,
          %add3A_487 = arith.constant 48 : i32
          %add3A_488 = arith.addi %mul3A_455, %add3A_487 : i32
          %get3A_489 = arith.index_cast %add3A_488 : i32 to index
          %get3A_490 = tpu.vector_load %arg30[%get3A_489] {strides = array<i32>} : memref<45216xf32, #tpu.memory_space<vmem>>, vector<16xf32>,
          %get3A_491 = arith.index_cast %select_n3A_427 : i32 to index
          %get3A_492 = arith.index_cast %scan3A_448 : i32 to index
          %get3A_493 = arith.constant 48 : index
          %get3A_494 = tpu.vector_load %arg22[%get3A_491, %get3A_492, %get3A_493] {strides = array<i32>} : memref<2x48x128xf32, #tpu.memory_space<vmem>>, vector<16xf32>,
          %max3A_495 = arith.maximumf %get3A_490, %get3A_494 : vector<16xf32>
          %swap3A_496 = arith.index_cast %add3A_488 : i32 to index
          %swap3A_497 = tpu.vector_load %arg30[%swap3A_496] {strides = array<i32>} : memref<45216xf32, #tpu.memory_space<vmem>>, vector<16xf32>,
          tpu.vector_store %arg30[%swap3A_496], %max3A_495 {strides = array<i32>} : memref<45216xf32, #tpu.memory_space<vmem>>, vector<16xf32>,
          %add3A_498 = arith.constant 64 : i32
          %add3A_499 = arith.addi %mul3A_455, %add3A_498 : i32
          %get3A_500 = arith.index_cast %add3A_499 : i32 to index
          %get3A_501 = tpu.vector_load %arg30[%get3A_500] {strides = array<i32>} : memref<45216xf32, #tpu.memory_space<vmem>>, vector<16xf32>,
          %get3A_502 = arith.index_cast %select_n3A_427 : i32 to index
          %get3A_503 = arith.index_cast %scan3A_448 : i32 to index
          %get3A_504 = arith.constant 64 : index
          %get3A_505 = tpu.vector_load %arg22[%get3A_502, %get3A_503, %get3A_504] {strides = array<i32>} : memref<2x48x128xf32, #tpu.memory_space<vmem>>, vector<16xf32>,
          %max3A_506 = arith.maximumf %get3A_501, %get3A_505 : vector<16xf32>
          %swap3A_507 = arith.index_cast %add3A_499 : i32 to index
          %swap3A_508 = tpu.vector_load %arg30[%swap3A_507] {strides = array<i32>} : memref<45216xf32, #tpu.memory_space<vmem>>, vector<16xf32>,
          tpu.vector_store %arg30[%swap3A_507], %max3A_506 {strides = array<i32>} : memref<45216xf32, #tpu.memory_space<vmem>>, vector<16xf32>,
          %add3A_509 = arith.constant 80 : i32
          %add3A_510 = arith.addi %mul3A_455, %add3A_509 : i32
          %get3A_511 = arith.index_cast %add3A_510 : i32 to index
          %get3A_512 = tpu.vector_load %arg30[%get3A_511] {strides = array<i32>} : memref<45216xf32, #tpu.memory_space<vmem>>, vector<16xf32>,
          %get3A_513 = arith.index_cast %select_n3A_427 : i32 to index
          %get3A_514 = arith.index_cast %scan3A_448 : i32 to index
          %get3A_515 = arith.constant 80 : index
          %get3A_516 = tpu.vector_load %arg22[%get3A_513, %get3A_514, %get3A_515] {strides = array<i32>} : memref<2x48x128xf32, #tpu.memory_space<vmem>>, vector<16xf32>,
          %max3A_517 = arith.maximumf %get3A_512, %get3A_516 : vector<16xf32>
          %swap3A_518 = arith.index_cast %add3A_510 : i32 to index
          %swap3A_519 = tpu.vector_load %arg30[%swap3A_518] {strides = array<i32>} : memref<45216xf32, #tpu.memory_space<vmem>>, vector<16xf32>,
          tpu.vector_store %arg30[%swap3A_518], %max3A_517 {strides = array<i32>} : memref<45216xf32, #tpu.memory_space<vmem>>, vector<16xf32>,
          %add3A_520 = arith.constant 96 : i32
          %add3A_521 = arith.addi %mul3A_455, %add3A_520 : i32
          %get3A_522 = arith.index_cast %add3A_521 : i32 to index
          %get3A_523 = tpu.vector_load %arg30[%get3A_522] {strides = array<i32>} : memref<45216xf32, #tpu.memory_space<vmem>>, vector<16xf32>,
          %get3A_524 = arith.index_cast %select_n3A_427 : i32 to index
          %get3A_525 = arith.index_cast %scan3A_448 : i32 to index
          %get3A_526 = arith.constant 96 : index
          %get3A_527 = tpu.vector_load %arg22[%get3A_524, %get3A_525, %get3A_526] {strides = array<i32>} : memref<2x48x128xf32, #tpu.memory_space<vmem>>, vector<16xf32>,
          %max3A_528 = arith.maximumf %get3A_523, %get3A_527 : vector<16xf32>
          %swap3A_529 = arith.index_cast %add3A_521 : i32 to index
          %swap3A_530 = tpu.vector_load %arg30[%swap3A_529] {strides = array<i32>} : memref<45216xf32, #tpu.memory_space<vmem>>, vector<16xf32>,
          tpu.vector_store %arg30[%swap3A_529], %max3A_528 {strides = array<i32>} : memref<45216xf32, #tpu.memory_space<vmem>>, vector<16xf32>,
          %add3A_531 = arith.constant 112 : i32
          %add3A_532 = arith.addi %mul3A_455, %add3A_531 : i32
          %get3A_533 = arith.index_cast %add3A_532 : i32 to index
          %get3A_534 = tpu.vector_load %arg30[%get3A_533] {strides = array<i32>} : memref<45216xf32, #tpu.memory_space<vmem>>, vector<16xf32>,
          %get3A_535 = arith.index_cast %select_n3A_427 : i32 to index
          %get3A_536 = arith.index_cast %scan3A_448 : i32 to index
          %get3A_537 = arith.constant 112 : index
          %get3A_538 = tpu.vector_load %arg22[%get3A_535, %get3A_536, %get3A_537] {strides = array<i32>} : memref<2x48x128xf32, #tpu.memory_space<vmem>>, vector<16xf32>,
          %max3A_539 = arith.maximumf %get3A_534, %get3A_538 : vector<16xf32>
          %swap3A_540 = arith.index_cast %add3A_532 : i32 to index
          %swap3A_541 = tpu.vector_load %arg30[%swap3A_540] {strides = array<i32>} : memref<45216xf32, #tpu.memory_space<vmem>>, vector<16xf32>,
          tpu.vector_store %arg30[%swap3A_540], %max3A_539 {strides = array<i32>} : memref<45216xf32, #tpu.memory_space<vmem>>, vector<16xf32>,
          %scan3A_542 = arith.constant 0 : i32
          scf.yield %scan3A_542 : i32
        }
        %scan3A_446 = arith.constant 48 : i32
        %while3A_447 = arith.constant 0 : i32
        scf.yield %while3A_447 : i32
      }
      %mul3A_197 = arith.constant 48 : i32
      %mul3A_198 = arith.muli %select_n3A_182, %mul3A_197 : i32
      %sub3A_199 = arith.subi %scan3A_109, %mul3A_198 : i32
      %add3A_200 = arith.constant 16 : i32
      %add3A_201 = arith.addi %sub3A_199, %add3A_200 : i32
      %sub3A_202 = arith.constant 1 : i32
      %sub3A_203 = arith.subi %add3A_201, %sub3A_202 : i32
      %jit3A_204 = arith.constant 16 : i32
      %div3A_205 = arith.divsi %sub3A_203, %jit3A_204 : i32
      %sign3A_206 = arith.constant 0 : i32
      %sign3A_207 = arith.cmpi sgt, %sub3A_203, %sign3A_206 : i32
      %sign3A_208 = arith.extui %sign3A_207 : i1 to i32
      %sign3A_209 = arith.constant 0 : i32
      %sign3A_210 = arith.cmpi slt, %sub3A_203, %sign3A_209 : i32
      %sign3A_211 = arith.extui %sign3A_210 : i1 to i32
      %sign3A_212 = arith.subi %sign3A_208, %sign3A_211 : i32
      %sign3A_213 = arith.constant 0 : i32
      %sign3A_214 = arith.cmpi sgt, %jit3A_204, %sign3A_213 : i32
      %sign3A_215 = arith.extui %sign3A_214 : i1 to i32
      %sign3A_216 = arith.constant 0 : i32
      %sign3A_217 = arith.cmpi slt, %jit3A_204, %sign3A_216 : i32
      %sign3A_218 = arith.extui %sign3A_217 : i1 to i32
      %sign3A_219 = arith.subi %sign3A_215, %sign3A_218 : i32
      %ne3A_220 = arith.cmpi ne, %sign3A_212, %sign3A_219 : i32
      %rem3A_221 = arith.remsi %sub3A_203, %jit3A_204 : i32
      %ne3A_222 = arith.constant 0 : i32
      %ne3A_223 = arith.cmpi ne, %rem3A_221, %ne3A_222 : i32
      %and3A_224 = arith.andi %ne3A_220, %ne3A_223 : i1
      %sub3A_225 = arith.constant 1 : i32
      %sub3A_226 = arith.subi %div3A_205, %sub3A_225 : i32
      %select_n3A_227 = arith.select %and3A_224, %sub3A_226, %div3A_205 : i32
      %while3A_228 = arith.constant 0 : i32
      %while3A_229 = arith.constant 0 : i32
      %while3A_230 = arith.subi %select_n3A_227, %while3A_228 : i32
      %while3A_231 = arith.addi %while3A_228, %while3A_230 : i32
      %while3A_232 = arith.constant 1 : i32
      %while3A_233 = arith.divsi %while3A_230, %while3A_232 : i32
      %while3A_234 = arith.muli %while3A_233, %while3A_232 : i32
      %while3A_235 = arith.addi %while3A_228, %while3A_234 : i32
      %while3A_236 = arith.constant 1 : i32
      %while3A_237 = scf.for %while3A_411 = %while3A_228 to %while3A_235 step %while3A_236 iter_args(%while3A_412 = %while3A_229) -> (i32)  : i32 {
        %mul3A_413 = arith.constant 16 : i32
        %mul3A_414 = arith.muli %while3A_411, %mul3A_413 : i32
        %add3A_415 = arith.addi %mul3A_198, %mul3A_414 : i32
        %mul3A_416 = arith.constant 16 : i32
        %mul3A_417 = arith.muli %while3A_411, %mul3A_416 : i32
        %get3A_418 = arith.index_cast %add3A_415 : i32 to index
        %get3A_419 = tpu.vector_load %arg19[%get3A_418] {strides = array<i32>} : memref<864xi32, #tpu.memory_space<vmem>>, vector<16xi32>,
        %swap3A = arith.index_cast %mul3A_417 : i32 to index
        %swap3A_420 = tpu.vector_load %arg19[%swap3A] {strides = array<i32>} : memref<864xi32, #tpu.memory_space<vmem>>, vector<16xi32>,
        tpu.vector_store %arg19[%swap3A], %get3A_419 {strides = array<i32>} : memref<864xi32, #tpu.memory_space<vmem>>, vector<16xi32>,
        %get3A_421 = arith.index_cast %add3A_415 : i32 to index
        %get3A_422 = tpu.vector_load %arg20[%get3A_421] {strides = array<i32>} : memref<864xi32, #tpu.memory_space<vmem>>, vector<16xi32>,
        %swap3A_423 = arith.index_cast %mul3A_417 : i32 to index
        %swap3A_424 = tpu.vector_load %arg20[%swap3A_423] {strides = array<i32>} : memref<864xi32, #tpu.memory_space<vmem>>, vector<16xi32>,
        tpu.vector_store %arg20[%swap3A_423], %get3A_422 {strides = array<i32>} : memref<864xi32, #tpu.memory_space<vmem>>, vector<16xi32>,
        %get3A_425 = arith.index_cast %add3A_415 : i32 to index
        %get3A_426 = tpu.vector_load %arg21[%get3A_425] {strides = array<i32>} : memref<864xi32, #tpu.memory_space<vmem>>, vector<16xi32>,
        %swap3A_427 = arith.index_cast %mul3A_417 : i32 to index
        %swap3A_428 = tpu.vector_load %arg21[%swap3A_427] {strides = array<i32>} : memref<864xi32, #tpu.memory_space<vmem>>, vector<16xi32>,
        tpu.vector_store %arg21[%swap3A_427], %get3A_426 {strides = array<i32>} : memref<864xi32, #tpu.memory_space<vmem>>, vector<16xi32>,
        %while3A_429 = arith.constant 0 : i32
        scf.yield %while3A_429 : i32
      }
      %while3A_238 = arith.constant 1 : i32
      %while3A_239 = scf.for %while3A_411 = %while3A_235 to %while3A_231 step %while3A_238 iter_args(%while3A_412 = %while3A_237) -> (i32)  : i32 {
        %mul3A_413 = arith.constant 16 : i32
        %mul3A_414 = arith.muli %while3A_411, %mul3A_413 : i32
        %add3A_415 = arith.addi %mul3A_198, %mul3A_414 : i32
        %mul3A_416 = arith.constant 16 : i32
        %mul3A_417 = arith.muli %while3A_411, %mul3A_416 : i32
        %get3A_418 = arith.index_cast %add3A_415 : i32 to index
        %get3A_419 = tpu.vector_load %arg19[%get3A_418] {strides = array<i32>} : memref<864xi32, #tpu.memory_space<vmem>>, vector<16xi32>,
        %swap3A = arith.index_cast %mul3A_417 : i32 to index
        %swap3A_420 = tpu.vector_load %arg19[%swap3A] {strides = array<i32>} : memref<864xi32, #tpu.memory_space<vmem>>, vector<16xi32>,
        tpu.vector_store %arg19[%swap3A], %get3A_419 {strides = array<i32>} : memref<864xi32, #tpu.memory_space<vmem>>, vector<16xi32>,
        %get3A_421 = arith.index_cast %add3A_415 : i32 to index
        %get3A_422 = tpu.vector_load %arg20[%get3A_421] {strides = array<i32>} : memref<864xi32, #tpu.memory_space<vmem>>, vector<16xi32>,
        %swap3A_423 = arith.index_cast %mul3A_417 : i32 to index
        %swap3A_424 = tpu.vector_load %arg20[%swap3A_423] {strides = array<i32>} : memref<864xi32, #tpu.memory_space<vmem>>, vector<16xi32>,
        tpu.vector_store %arg20[%swap3A_423], %get3A_422 {strides = array<i32>} : memref<864xi32, #tpu.memory_space<vmem>>, vector<16xi32>,
        %get3A_425 = arith.index_cast %add3A_415 : i32 to index
        %get3A_426 = tpu.vector_load %arg21[%get3A_425] {strides = array<i32>} : memref<864xi32, #tpu.memory_space<vmem>>, vector<16xi32>,
        %swap3A_427 = arith.index_cast %mul3A_417 : i32 to index
        %swap3A_428 = tpu.vector_load %arg21[%swap3A_427] {strides = array<i32>} : memref<864xi32, #tpu.memory_space<vmem>>, vector<16xi32>,
        tpu.vector_store %arg21[%swap3A_427], %get3A_426 {strides = array<i32>} : memref<864xi32, #tpu.memory_space<vmem>>, vector<16xi32>,
        %while3A_429 = arith.constant 0 : i32
        scf.yield %while3A_429 : i32
      }
      %add3A_240 = arith.constant 1 : i32
      %add3A_241 = arith.addi %scan3A_77, %add3A_240 : i32
      %lt3A = arith.constant 200 : i32
      %lt3A_242 = arith.cmpi slt, %add3A_241, %lt3A : i32
      %convert_element_type3A_243 = arith.extui %lt3A_242 : i1 to i32
      %cond3A_244 = arith.constant 0 : i32
      %cond3A_245 = arith.cmpi ne, %convert_element_type3A_243, %cond3A_244 : i32
      scf.if %cond3A_245 {
        %add3A_411 = arith.constant 2 : i32
        %add3A_412 = arith.addi %mul3A_80, %add3A_411 : i32
        %mul3A_413 = arith.constant 800 : i32
        %mul3A_414 = arith.muli %add3A_412, %mul3A_413 : i32
        %dma_start3A_415 = tpu.memref_slice %arg4[%mul3A_414] : memref<320000xi32, #tpu.memory_space<hbm>> -> memref<800xi32, #tpu.memory_space<hbm>>
        %dma_start3A_416 = tpu.memref_slice %arg4[%mul3A_414] : memref<320000xi32, #tpu.memory_space<hbm>> -> memref<800xi32, #tpu.memory_space<hbm>>
        tpu.enqueue_dma source(%dma_start3A_416 : memref<800xi32, #tpu.memory_space<hbm>>) target(%arg14 : memref<800xi32, #tpu.memory_space<vmem>>) target_semaphore(%arg34 : memref<!tpu.dma_semaphore, #tpu.memory_space<semaphore_mem>>)
        %mul3A_417 = arith.constant 800 : i32
        %mul3A_418 = arith.muli %add3A_412, %mul3A_417 : i32
        %dma_start3A_419 = tpu.memref_slice %arg3[%mul3A_418] : memref<320000xi32, #tpu.memory_space<hbm>> -> memref<800xi32, #tpu.memory_space<hbm>>
        %dma_start3A_420 = tpu.memref_slice %arg3[%mul3A_418] : memref<320000xi32, #tpu.memory_space<hbm>> -> memref<800xi32, #tpu.memory_space<hbm>>
        tpu.enqueue_dma source(%dma_start3A_420 : memref<800xi32, #tpu.memory_space<hbm>>) target(%arg15 : memref<800xi32, #tpu.memory_space<vmem>>) target_semaphore(%arg35 : memref<!tpu.dma_semaphore, #tpu.memory_space<semaphore_mem>>)
      } else {
      }
      %add3A_246 = arith.constant 1 : i32
      %add3A_247 = arith.addi %mul3A_80, %add3A_246 : i32
      %mul3A_248 = arith.constant 800 : i32
      %mul3A_249 = arith.muli %add3A_247, %mul3A_248 : i32
      %dma_wait3A_250 = tpu.memref_slice %arg4[%mul3A_249] : memref<320000xi32, #tpu.memory_space<hbm>> -> memref<800xi32, #tpu.memory_space<hbm>>
      %dma_wait3A_251 = tpu.memref_slice %arg4[%mul3A_249] : memref<320000xi32, #tpu.memory_space<hbm>> -> memref<800xi32, #tpu.memory_space<hbm>>
      tpu.wait_dma2 semaphore(%arg36 : memref<!tpu.dma_semaphore, #tpu.memory_space<semaphore_mem>>) src(%dma_wait3A_251 : memref<800xi32, #tpu.memory_space<hbm>>) dst(%arg16 : memref<800xi32, #tpu.memory_space<vmem>>)
      %mul3A_252 = arith.constant 800 : i32
      %mul3A_253 = arith.muli %add3A_247, %mul3A_252 : i32
      %dma_wait3A_254 = tpu.memref_slice %arg3[%mul3A_253] : memref<320000xi32, #tpu.memory_space<hbm>> -> memref<800xi32, #tpu.memory_space<hbm>>
      %dma_wait3A_255 = tpu.memref_slice %arg3[%mul3A_253] : memref<320000xi32, #tpu.memory_space<hbm>> -> memref<800xi32, #tpu.memory_space<hbm>>
      tpu.wait_dma2 semaphore(%arg37 : memref<!tpu.dma_semaphore, #tpu.memory_space<semaphore_mem>>) src(%dma_wait3A_255 : memref<800xi32, #tpu.memory_space<hbm>>) dst(%arg17 : memref<800xi32, #tpu.memory_space<vmem>>)
      %add3A_256 = arith.constant 1 : i32
      %add3A_257 = arith.addi %mul3A_80, %add3A_256 : i32
      %mul3A_258 = arith.constant 800 : i32
      %mul3A_259 = arith.muli %add3A_257, %mul3A_258 : i32
      %mul3A_260 = arith.constant 4 : i32
      %mul3A_261 = arith.muli %mul3A_259, %mul3A_260 : i32
      %dma_start3A_262 = tpu.memref_slice %arg5[%mul3A_261] : memref<1280000xf32, #tpu.memory_space<hbm>> -> memref<3200xf32, #tpu.memory_space<hbm>>
      %dma_start3A_263 = tpu.memref_slice %arg5[%mul3A_261] : memref<1280000xf32, #tpu.memory_space<hbm>> -> memref<3200xf32, #tpu.memory_space<hbm>>
      tpu.enqueue_dma source(%dma_start3A_263 : memref<3200xf32, #tpu.memory_space<hbm>>) target(%arg18 : memref<3200xf32, #tpu.memory_space<vmem>>) target_semaphore(%arg38 : memref<!tpu.dma_semaphore, #tpu.memory_space<semaphore_mem>>)
      %scan3A_264 = arith.constant 0 : i32
      %scan3A_265 = arith.constant 25 : i32
      %scan3A_266 = arith.addi %scan3A_264, %scan3A_265 : i32
      %scan3A_267 = arith.constant 1 : i32
      %scan3A_268 = scf.for %scan3A_411 = %scan3A_264 to %scan3A_266 step %scan3A_267 iter_args(%scan3A_412 = %sub3A_199) -> (i32)  : i32 {
        %mul3A_413 = arith.constant 32 : i32
        %mul3A_414 = arith.muli %scan3A_411, %mul3A_413 : i32
        %add3A_415 = arith.constant 0 : i32
        %add3A_416 = arith.addi %mul3A_414, %add3A_415 : i32
        %get3A_417 = arith.index_cast %add3A_416 : i32 to index
        %get3A_418 = tpu.vector_load %arg16[%get3A_417] {strides = array<i32>} : memref<800xi32, #tpu.memory_space<vmem>>, vector<16xi32>,
        %get3A_419 = arith.index_cast %add3A_416 : i32 to index
        %get3A_420 = tpu.vector_load %arg17[%get3A_419] {strides = array<i32>} : memref<800xi32, #tpu.memory_space<vmem>>, vector<16xi32>,
        %ge3A = vector.broadcast %mul3A_2 : i32 to vector<16xi32>
        %ge3A_421 = arith.cmpi sge, %get3A_418, %ge3A : vector<16xi32>
        %lt3A_422 = vector.broadcast %add3A_4 : i32 to vector<16xi32>
        %lt3A_423 = arith.cmpi slt, %get3A_418, %lt3A_422 : vector<16xi32>
        %and3A_424 = arith.andi %ge3A_421, %lt3A_423 : vector<16xi1>
        %convert_element_type3A_425 = arith.extui %and3A_424 : vector<16xi1> to vector<16xi32>
        %broadcast_in_dim3A_426 = arith.constant true
        %broadcast_in_dim3A_427 = vector.broadcast %broadcast_in_dim3A_426 : i1 to vector<16xi1>
        %masked_cumsum3A = tpu.scan <sum>, %convert_element_type3A_425 masked %broadcast_in_dim3A_427 : vector<16xi32>, vector<16xi1> -> vector<16xi32>
        %add3A_428 = arith.constant 16 : i32
        %add3A_429 = arith.addi %mul3A_414, %add3A_428 : i32
        %get3A_430 = arith.index_cast %add3A_429 : i32 to index
        %get3A_431 = tpu.vector_load %arg16[%get3A_430] {strides = array<i32>} : memref<800xi32, #tpu.memory_space<vmem>>, vector<16xi32>,
        %get3A_432 = arith.index_cast %add3A_429 : i32 to index
        %get3A_433 = tpu.vector_load %arg17[%get3A_432] {strides = array<i32>} : memref<800xi32, #tpu.memory_space<vmem>>, vector<16xi32>,
        %ge3A_434 = vector.broadcast %mul3A_2 : i32 to vector<16xi32>
        %ge3A_435 = arith.cmpi sge, %get3A_431, %ge3A_434 : vector<16xi32>
        %lt3A_436 = vector.broadcast %add3A_4 : i32 to vector<16xi32>
        %lt3A_437 = arith.cmpi slt, %get3A_431, %lt3A_436 : vector<16xi32>
        %and3A_438 = arith.andi %ge3A_435, %lt3A_437 : vector<16xi1>
        %convert_element_type3A_439 = arith.extui %and3A_438 : vector<16xi1> to vector<16xi32>
        %broadcast_in_dim3A_440 = arith.constant true
        %broadcast_in_dim3A_441 = vector.broadcast %broadcast_in_dim3A_440 : i1 to vector<16xi1>
        %masked_cumsum3A_442 = tpu.scan <sum>, %convert_element_type3A_439 masked %broadcast_in_dim3A_441 : vector<16xi32>, vector<16xi1> -> vector<16xi32>
        %add3A_443 = vector.broadcast %scan3A_412 : i32 to vector<16xi32>
        %add3A_444 = arith.addi %add3A_443, %masked_cumsum3A : vector<16xi32>
        %sub3A_445 = arith.constant 1 : i32
        %sub3A_446 = vector.broadcast %sub3A_445 : i32 to vector<16xi32>
        %sub3A_447 = arith.subi %add3A_444, %sub3A_446 : vector<16xi32>
        tpu.vector_store_idx %arg19[%sub3A_447], %get3A_420 masked %and3A_424 : memref<864xi32, #tpu.memory_space<vmem>>[vector<16xi32>], vector<16xi32>, vector<16xi1>
        tpu.vector_store_idx %arg20[%sub3A_447], %get3A_418 masked %and3A_424 : memref<864xi32, #tpu.memory_space<vmem>>[vector<16xi32>], vector<16xi32>, vector<16xi1>
        %add3A_448 = vector.broadcast %add3A_416 : i32 to vector<16xi32>
        %add3A_449 = arith.addi %add3A_448, %iota3A : vector<16xi32>
        tpu.vector_store_idx %arg21[%sub3A_447], %add3A_449 masked %and3A_424 : memref<864xi32, #tpu.memory_space<vmem>>[vector<16xi32>], vector<16xi32>, vector<16xi1>
        %slice3A = vector.extract_strided_slice %masked_cumsum3A {offsets = [15], sizes = [1], strides = [1]} : vector<16xi32> to vector<1xi32>
        %squeeze3A = vector.extract %slice3A[0] : i32 from vector<1xi32>
        %add3A_450 = arith.addi %scan3A_412, %squeeze3A : i32
        %add3A_451 = vector.broadcast %add3A_450 : i32 to vector<16xi32>
        %add3A_452 = arith.addi %add3A_451, %masked_cumsum3A_442 : vector<16xi32>
        %sub3A_453 = arith.constant 1 : i32
        %sub3A_454 = vector.broadcast %sub3A_453 : i32 to vector<16xi32>
        %sub3A_455 = arith.subi %add3A_452, %sub3A_454 : vector<16xi32>
        tpu.vector_store_idx %arg19[%sub3A_455], %get3A_433 masked %and3A_438 : memref<864xi32, #tpu.memory_space<vmem>>[vector<16xi32>], vector<16xi32>, vector<16xi1>
        tpu.vector_store_idx %arg20[%sub3A_455], %get3A_431 masked %and3A_438 : memref<864xi32, #tpu.memory_space<vmem>>[vector<16xi32>], vector<16xi32>, vector<16xi1>
        %add3A_456 = vector.broadcast %add3A_429 : i32 to vector<16xi32>
        %add3A_457 = arith.addi %add3A_456, %iota3A : vector<16xi32>
        tpu.vector_store_idx %arg21[%sub3A_455], %add3A_457 masked %and3A_438 : memref<864xi32, #tpu.memory_space<vmem>>[vector<16xi32>], vector<16xi32>, vector<16xi1>
        %slice3A_458 = vector.extract_strided_slice %masked_cumsum3A_442 {offsets = [15], sizes = [1], strides = [1]} : vector<16xi32> to vector<1xi32>
        %squeeze3A_459 = vector.extract %slice3A_458[0] : i32 from vector<1xi32>
        %add3A_460 = arith.addi %add3A_450, %squeeze3A_459 : i32
        scf.yield %add3A_460 : i32
      }
      %scan3A_269 = arith.constant 25 : i32
      %mul3A_270 = arith.constant 800 : i32
      %mul3A_271 = arith.muli %add3A_257, %mul3A_270 : i32
      %mul3A_272 = arith.constant 4 : i32
      %mul3A_273 = arith.muli %mul3A_271, %mul3A_272 : i32
      %dma_wait3A_274 = tpu.memref_slice %arg5[%mul3A_273] : memref<1280000xf32, #tpu.memory_space<hbm>> -> memref<3200xf32, #tpu.memory_space<hbm>>
      %dma_wait3A_275 = tpu.memref_slice %arg5[%mul3A_273] : memref<1280000xf32, #tpu.memory_space<hbm>> -> memref<3200xf32, #tpu.memory_space<hbm>>
      tpu.wait_dma2 semaphore(%arg38 : memref<!tpu.dma_semaphore, #tpu.memory_space<semaphore_mem>>) src(%dma_wait3A_275 : memref<3200xf32, #tpu.memory_space<hbm>>) dst(%arg18 : memref<3200xf32, #tpu.memory_space<vmem>>)
      %broadcast_in_dim3A_276 = arith.constant 0 : i32
      %broadcast_in_dim3A_277 = vector.broadcast %broadcast_in_dim3A_276 : i32 to vector<16xi32>
      %add3A_278 = vector.broadcast %scan3A_268 : i32 to vector<16xi32>
      %add3A_279 = arith.addi %add3A_278, %iota3A : vector<16xi32>
      tpu.vector_store_idx %arg19[%add3A_279], %broadcast_in_dim3A_277 : memref<864xi32, #tpu.memory_space<vmem>>[vector<16xi32>], vector<16xi32>,
      %add3A_280 = vector.broadcast %scan3A_268 : i32 to vector<16xi32>
      %add3A_281 = arith.addi %add3A_280, %iota3A : vector<16xi32>
      %add3A_282 = vector.broadcast %add3A_4 : i32 to vector<16xi32>
      %add3A_283 = arith.addi %broadcast_in_dim3A_277, %add3A_282 : vector<16xi32>
      tpu.vector_store_idx %arg20[%add3A_281], %add3A_283 : memref<864xi32, #tpu.memory_space<vmem>>[vector<16xi32>], vector<16xi32>,
      %add3A_284 = vector.broadcast %scan3A_268 : i32 to vector<16xi32>
      %add3A_285 = arith.addi %add3A_284, %iota3A : vector<16xi32>
      tpu.vector_store_idx %arg21[%add3A_285], %broadcast_in_dim3A_277 : memref<864xi32, #tpu.memory_space<vmem>>[vector<16xi32>], vector<16xi32>,
      %sub3A_286 = arith.subi %scan3A_268, %sub3A_199 : i32
      %add3A_287 = arith.constant 16 : i32
      %add3A_288 = arith.addi %sub3A_286, %add3A_287 : i32
      %sub3A_289 = arith.constant 1 : i32
      %sub3A_290 = arith.subi %add3A_288, %sub3A_289 : i32
      %jit3A_291 = arith.constant 16 : i32
      %div3A_292 = arith.divsi %sub3A_290, %jit3A_291 : i32
      %sign3A_293 = arith.constant 0 : i32
      %sign3A_294 = arith.cmpi sgt, %sub3A_290, %sign3A_293 : i32
      %sign3A_295 = arith.extui %sign3A_294 : i1 to i32
      %sign3A_296 = arith.constant 0 : i32
      %sign3A_297 = arith.cmpi slt, %sub3A_290, %sign3A_296 : i32
      %sign3A_298 = arith.extui %sign3A_297 : i1 to i32
      %sign3A_299 = arith.subi %sign3A_295, %sign3A_298 : i32
      %sign3A_300 = arith.constant 0 : i32
      %sign3A_301 = arith.cmpi sgt, %jit3A_291, %sign3A_300 : i32
      %sign3A_302 = arith.extui %sign3A_301 : i1 to i32
      %sign3A_303 = arith.constant 0 : i32
      %sign3A_304 = arith.cmpi slt, %jit3A_291, %sign3A_303 : i32
      %sign3A_305 = arith.extui %sign3A_304 : i1 to i32
      %sign3A_306 = arith.subi %sign3A_302, %sign3A_305 : i32
      %ne3A_307 = arith.cmpi ne, %sign3A_299, %sign3A_306 : i32
      %rem3A_308 = arith.remsi %sub3A_290, %jit3A_291 : i32
      %ne3A_309 = arith.constant 0 : i32
      %ne3A_310 = arith.cmpi ne, %rem3A_308, %ne3A_309 : i32
      %and3A_311 = arith.andi %ne3A_307, %ne3A_310 : i1
      %sub3A_312 = arith.constant 1 : i32
      %sub3A_313 = arith.subi %div3A_292, %sub3A_312 : i32
      %select_n3A_314 = arith.select %and3A_311, %sub3A_313, %div3A_292 : i32
      %while3A_315 = arith.constant 0 : i32
      %while3A_316 = arith.constant 0 : i32
      %while3A_317 = arith.subi %select_n3A_314, %while3A_315 : i32
      %while3A_318 = arith.addi %while3A_315, %while3A_317 : i32
      %while3A_319 = arith.constant 1 : i32
      %while3A_320 = arith.divsi %while3A_317, %while3A_319 : i32
      %while3A_321 = arith.muli %while3A_320, %while3A_319 : i32
      %while3A_322 = arith.addi %while3A_315, %while3A_321 : i32
      %while3A_323 = arith.constant 1 : i32
      %while3A_324 = scf.for %while3A_411 = %while3A_315 to %while3A_322 step %while3A_323 iter_args(%while3A_412 = %while3A_316) -> (i32)  : i32 {
        %mul3A_413 = arith.constant 16 : i32
        %mul3A_414 = arith.muli %while3A_411, %mul3A_413 : i32
        %add3A_415 = arith.addi %sub3A_199, %mul3A_414 : i32
        %get3A_416 = arith.index_cast %add3A_415 : i32 to index
        %get3A_417 = tpu.vector_load %arg19[%get3A_416] {strides = array<i32>} : memref<864xi32, #tpu.memory_space<vmem>>, vector<16xi32>,
        %get3A_418 = arith.index_cast %add3A_415 : i32 to index
        %get3A_419 = tpu.vector_load %arg21[%get3A_418] {strides = array<i32>} : memref<864xi32, #tpu.memory_space<vmem>>, vector<16xi32>,
        %get3A_420 = arith.index_cast %add3A_415 : i32 to index
        %get3A_421 = tpu.vector_load %arg20[%get3A_420] {strides = array<i32>} : memref<864xi32, #tpu.memory_space<vmem>>, vector<16xi32>,
        %gather3A = tpu.vector_load_idx %arg23[%get3A_417] : memref<10000xf32, #tpu.memory_space<vmem>>[vector<16xi32>], vector<16xf32>,
        %gather3A_422 = tpu.vector_load_idx %arg24[%get3A_417] : memref<10000xf32, #tpu.memory_space<vmem>>[vector<16xi32>], vector<16xf32>,
        %gather3A_423 = tpu.vector_load_idx %arg25[%get3A_417] : memref<10000xf32, #tpu.memory_space<vmem>>[vector<16xi32>], vector<16xf32>,
        %gather3A_424 = tpu.vector_load_idx %arg26[%get3A_417] : memref<10000xf32, #tpu.memory_space<vmem>>[vector<16xi32>], vector<16xf32>,
        %gather3A_425 = tpu.vector_load_idx %arg27[%get3A_417] : memref<10000xf32, #tpu.memory_space<vmem>>[vector<16xi32>], vector<16xf32>,
        %gather3A_426 = tpu.vector_load_idx %arg28[%get3A_417] : memref<10000xf32, #tpu.memory_space<vmem>>[vector<16xi32>], vector<16xf32>,
        %gather3A_427 = tpu.vector_load_idx %arg23[%get3A_421] : memref<10000xf32, #tpu.memory_space<vmem>>[vector<16xi32>], vector<16xf32>,
        %gather3A_428 = tpu.vector_load_idx %arg24[%get3A_421] : memref<10000xf32, #tpu.memory_space<vmem>>[vector<16xi32>], vector<16xf32>,
        %gather3A_429 = tpu.vector_load_idx %arg25[%get3A_421] : memref<10000xf32, #tpu.memory_space<vmem>>[vector<16xi32>], vector<16xf32>,
        %gather3A_430 = tpu.vector_load_idx %arg26[%get3A_421] : memref<10000xf32, #tpu.memory_space<vmem>>[vector<16xi32>], vector<16xf32>,
        %gather3A_431 = tpu.vector_load_idx %arg27[%get3A_421] : memref<10000xf32, #tpu.memory_space<vmem>>[vector<16xi32>], vector<16xf32>,
        %gather3A_432 = tpu.vector_load_idx %arg28[%get3A_421] : memref<10000xf32, #tpu.memory_space<vmem>>[vector<16xi32>], vector<16xf32>,
        %sub3A_433 = arith.subf %gather3A, %gather3A_427 : vector<16xf32>
        %sub3A_434 = arith.subf %gather3A_422, %gather3A_428 : vector<16xf32>
        %sub3A_435 = arith.subf %gather3A_423, %gather3A_429 : vector<16xf32>
        %mul3A_436 = arith.mulf %sub3A_433, %sub3A_433 : vector<16xf32>
        %mul3A_437 = arith.mulf %sub3A_434, %sub3A_434 : vector<16xf32>
        %add3A_438 = arith.addf %mul3A_436, %mul3A_437 : vector<16xf32>
        %mul3A_439 = arith.mulf %sub3A_435, %sub3A_435 : vector<16xf32>
        %add3A_440 = arith.addf %add3A_438, %mul3A_439 : vector<16xf32>
        %le3A = arith.constant 0.000000e+00 : f32
        %le3A_441 = vector.broadcast %le3A : f32 to vector<16xf32>
        %le3A_442 = arith.cmpf ole, %add3A_440, %le3A_441 : vector<16xf32>
        %bitcast3A = vector.bitcast %add3A_440 : vector<16xf32> to vector<16xi32>
        %shift_right_arithmetic3A = arith.constant 1 : i32
        %shift_right_arithmetic3A_443 = vector.broadcast %shift_right_arithmetic3A : i32 to vector<16xi32>
        %shift_right_arithmetic3A_444 = arith.shrsi %bitcast3A, %shift_right_arithmetic3A_443 : vector<16xi32>
        %sub3A_445 = arith.constant 1597463007 : i32
        %sub3A_446 = vector.broadcast %sub3A_445 : i32 to vector<16xi32>
        %sub3A_447 = arith.subi %sub3A_446, %shift_right_arithmetic3A_444 : vector<16xi32>
        %bitcast3A_448 = vector.bitcast %sub3A_447 : vector<16xi32> to vector<16xf32>
        %mul3A_449 = arith.constant 5.000000e-01 : f32
        %mul3A_450 = vector.broadcast %mul3A_449 : f32 to vector<16xf32>
        %mul3A_451 = arith.mulf %mul3A_450, %add3A_440 : vector<16xf32>
        %mul3A_452 = arith.mulf %mul3A_451, %bitcast3A_448 : vector<16xf32>
        %mul3A_453 = arith.mulf %mul3A_452, %bitcast3A_448 : vector<16xf32>
        %sub3A_454 = arith.constant 1.500000e+00 : f32
        %sub3A_455 = vector.broadcast %sub3A_454 : f32 to vector<16xf32>
        %sub3A_456 = arith.subf %sub3A_455, %mul3A_453 : vector<16xf32>
        %mul3A_457 = arith.mulf %bitcast3A_448, %sub3A_456 : vector<16xf32>
        %mul3A_458 = arith.constant 5.000000e-01 : f32
        %mul3A_459 = vector.broadcast %mul3A_458 : f32 to vector<16xf32>
        %mul3A_460 = arith.mulf %mul3A_459, %add3A_440 : vector<16xf32>
        %mul3A_461 = arith.mulf %mul3A_460, %mul3A_457 : vector<16xf32>
        %mul3A_462 = arith.mulf %mul3A_461, %mul3A_457 : vector<16xf32>
        %sub3A_463 = arith.constant 1.500000e+00 : f32
        %sub3A_464 = vector.broadcast %sub3A_463 : f32 to vector<16xf32>
        %sub3A_465 = arith.subf %sub3A_464, %mul3A_462 : vector<16xf32>
        %mul3A_466 = arith.mulf %mul3A_457, %sub3A_465 : vector<16xf32>
        %mul3A_467 = arith.constant 5.000000e-01 : f32
        %mul3A_468 = vector.broadcast %mul3A_467 : f32 to vector<16xf32>
        %mul3A_469 = arith.mulf %mul3A_468, %add3A_440 : vector<16xf32>
        %mul3A_470 = arith.mulf %mul3A_469, %mul3A_466 : vector<16xf32>
        %mul3A_471 = arith.mulf %mul3A_470, %mul3A_466 : vector<16xf32>
        %sub3A_472 = arith.constant 1.500000e+00 : f32
        %sub3A_473 = vector.broadcast %sub3A_472 : f32 to vector<16xf32>
        %sub3A_474 = arith.subf %sub3A_473, %mul3A_471 : vector<16xf32>
        %mul3A_475 = arith.mulf %mul3A_466, %sub3A_474 : vector<16xf32>
        %mul3A_476 = arith.mulf %add3A_440, %mul3A_475 : vector<16xf32>
        %jit3A_477 = arith.constant 0.000000e+00 : f32
        %broadcast_in_dim3A_478 = vector.broadcast %jit3A_477 : f32 to vector<16xf32>
        %select_n3A_479 = arith.select %le3A_442, %broadcast_in_dim3A_478, %mul3A_476 : vector<16xi1>, vector<16xf32>
        %mul3A_480 = arith.mulf %select_n3A_479, %get3A_11 : vector<16xf32>
        %mul3A_481 = arith.mulf %gather3A_431, %sub3A_435 : vector<16xf32>
        %mul3A_482 = arith.mulf %gather3A_432, %sub3A_434 : vector<16xf32>
        %sub3A_483 = arith.subf %mul3A_481, %mul3A_482 : vector<16xf32>
        %mul3A_484 = arith.mulf %gather3A_432, %sub3A_433 : vector<16xf32>
        %mul3A_485 = arith.mulf %gather3A_430, %sub3A_435 : vector<16xf32>
        %sub3A_486 = arith.subf %mul3A_484, %mul3A_485 : vector<16xf32>
        %mul3A_487 = arith.mulf %gather3A_430, %sub3A_434 : vector<16xf32>
        %mul3A_488 = arith.mulf %gather3A_431, %sub3A_433 : vector<16xf32>
        %sub3A_489 = arith.subf %mul3A_487, %mul3A_488 : vector<16xf32>
        %mul3A_490 = arith.mulf %sub3A_483, %sub3A_483 : vector<16xf32>
        %mul3A_491 = arith.mulf %sub3A_486, %sub3A_486 : vector<16xf32>
        %add3A_492 = arith.addf %mul3A_490, %mul3A_491 : vector<16xf32>
        %mul3A_493 = arith.mulf %sub3A_489, %sub3A_489 : vector<16xf32>
        %add3A_494 = arith.addf %add3A_492, %mul3A_493 : vector<16xf32>
        %mul3A_495 = arith.mulf %gather3A_430, %sub3A_433 : vector<16xf32>
        %mul3A_496 = arith.mulf %gather3A_431, %sub3A_434 : vector<16xf32>
        %add3A_497 = arith.addf %mul3A_495, %mul3A_496 : vector<16xf32>
        %mul3A_498 = arith.mulf %gather3A_432, %sub3A_435 : vector<16xf32>
        %add3A_499 = arith.addf %add3A_497, %mul3A_498 : vector<16xf32>
        %mul3A_500 = arith.mulf %add3A_499, %add3A_499 : vector<16xf32>
        %add3A_501 = arith.addf %add3A_494, %mul3A_500 : vector<16xf32>
        %bitcast3A_502 = vector.bitcast %add3A_501 : vector<16xf32> to vector<16xi32>
        %shift_right_arithmetic3A_503 = arith.constant 1 : i32
        %shift_right_arithmetic3A_504 = vector.broadcast %shift_right_arithmetic3A_503 : i32 to vector<16xi32>
        %shift_right_arithmetic3A_505 = arith.shrsi %bitcast3A_502, %shift_right_arithmetic3A_504 : vector<16xi32>
        %sub3A_506 = arith.constant 1597463007 : i32
        %sub3A_507 = vector.broadcast %sub3A_506 : i32 to vector<16xi32>
        %sub3A_508 = arith.subi %sub3A_507, %shift_right_arithmetic3A_505 : vector<16xi32>
        %bitcast3A_509 = vector.bitcast %sub3A_508 : vector<16xi32> to vector<16xf32>
        %mul3A_510 = arith.constant 5.000000e-01 : f32
        %mul3A_511 = vector.broadcast %mul3A_510 : f32 to vector<16xf32>
        %mul3A_512 = arith.mulf %mul3A_511, %add3A_501 : vector<16xf32>
        %mul3A_513 = arith.mulf %mul3A_512, %bitcast3A_509 : vector<16xf32>
        %mul3A_514 = arith.mulf %mul3A_513, %bitcast3A_509 : vector<16xf32>
        %sub3A_515 = arith.constant 1.500000e+00 : f32
        %sub3A_516 = vector.broadcast %sub3A_515 : f32 to vector<16xf32>
        %sub3A_517 = arith.subf %sub3A_516, %mul3A_514 : vector<16xf32>
        %mul3A_518 = arith.mulf %bitcast3A_509, %sub3A_517 : vector<16xf32>
        %mul3A_519 = arith.constant 5.000000e-01 : f32
        %mul3A_520 = vector.broadcast %mul3A_519 : f32 to vector<16xf32>
        %mul3A_521 = arith.mulf %mul3A_520, %add3A_501 : vector<16xf32>
        %mul3A_522 = arith.mulf %mul3A_521, %mul3A_518 : vector<16xf32>
        %mul3A_523 = arith.mulf %mul3A_522, %mul3A_518 : vector<16xf32>
        %sub3A_524 = arith.constant 1.500000e+00 : f32
        %sub3A_525 = vector.broadcast %sub3A_524 : f32 to vector<16xf32>
        %sub3A_526 = arith.subf %sub3A_525, %mul3A_523 : vector<16xf32>
        %mul3A_527 = arith.mulf %mul3A_518, %sub3A_526 : vector<16xf32>
        %mul3A_528 = arith.constant 5.000000e-01 : f32
        %mul3A_529 = vector.broadcast %mul3A_528 : f32 to vector<16xf32>
        %mul3A_530 = arith.mulf %mul3A_529, %add3A_501 : vector<16xf32>
        %mul3A_531 = arith.mulf %mul3A_530, %mul3A_527 : vector<16xf32>
        %mul3A_532 = arith.mulf %mul3A_531, %mul3A_527 : vector<16xf32>
        %sub3A_533 = arith.constant 1.500000e+00 : f32
        %sub3A_534 = vector.broadcast %sub3A_533 : f32 to vector<16xf32>
        %sub3A_535 = arith.subf %sub3A_534, %mul3A_532 : vector<16xf32>
        %mul3A_536 = arith.mulf %mul3A_527, %sub3A_535 : vector<16xf32>
        %le3A_537 = arith.constant 0.000000e+00 : f32
        %le3A_538 = vector.broadcast %le3A_537 : f32 to vector<16xf32>
        %le3A_539 = arith.cmpf ole, %add3A_494, %le3A_538 : vector<16xf32>
        %bitcast3A_540 = vector.bitcast %add3A_494 : vector<16xf32> to vector<16xi32>
        %shift_right_arithmetic3A_541 = arith.constant 1 : i32
        %shift_right_arithmetic3A_542 = vector.broadcast %shift_right_arithmetic3A_541 : i32 to vector<16xi32>
        %shift_right_arithmetic3A_543 = arith.shrsi %bitcast3A_540, %shift_right_arithmetic3A_542 : vector<16xi32>
        %sub3A_544 = arith.constant 1597463007 : i32
        %sub3A_545 = vector.broadcast %sub3A_544 : i32 to vector<16xi32>
        %sub3A_546 = arith.subi %sub3A_545, %shift_right_arithmetic3A_543 : vector<16xi32>
        %bitcast3A_547 = vector.bitcast %sub3A_546 : vector<16xi32> to vector<16xf32>
        %mul3A_548 = arith.constant 5.000000e-01 : f32
        %mul3A_549 = vector.broadcast %mul3A_548 : f32 to vector<16xf32>
        %mul3A_550 = arith.mulf %mul3A_549, %add3A_494 : vector<16xf32>
        %mul3A_551 = arith.mulf %mul3A_550, %bitcast3A_547 : vector<16xf32>
        %mul3A_552 = arith.mulf %mul3A_551, %bitcast3A_547 : vector<16xf32>
        %sub3A_553 = arith.constant 1.500000e+00 : f32
        %sub3A_554 = vector.broadcast %sub3A_553 : f32 to vector<16xf32>
        %sub3A_555 = arith.subf %sub3A_554, %mul3A_552 : vector<16xf32>
        %mul3A_556 = arith.mulf %bitcast3A_547, %sub3A_555 : vector<16xf32>
        %mul3A_557 = arith.constant 5.000000e-01 : f32
        %mul3A_558 = vector.broadcast %mul3A_557 : f32 to vector<16xf32>
        %mul3A_559 = arith.mulf %mul3A_558, %add3A_494 : vector<16xf32>
        %mul3A_560 = arith.mulf %mul3A_559, %mul3A_556 : vector<16xf32>
        %mul3A_561 = arith.mulf %mul3A_560, %mul3A_556 : vector<16xf32>
        %sub3A_562 = arith.constant 1.500000e+00 : f32
        %sub3A_563 = vector.broadcast %sub3A_562 : f32 to vector<16xf32>
        %sub3A_564 = arith.subf %sub3A_563, %mul3A_561 : vector<16xf32>
        %mul3A_565 = arith.mulf %mul3A_556, %sub3A_564 : vector<16xf32>
        %mul3A_566 = arith.constant 5.000000e-01 : f32
        %mul3A_567 = vector.broadcast %mul3A_566 : f32 to vector<16xf32>
        %mul3A_568 = arith.mulf %mul3A_567, %add3A_494 : vector<16xf32>
        %mul3A_569 = arith.mulf %mul3A_568, %mul3A_565 : vector<16xf32>
        %mul3A_570 = arith.mulf %mul3A_569, %mul3A_565 : vector<16xf32>
        %sub3A_571 = arith.constant 1.500000e+00 : f32
        %sub3A_572 = vector.broadcast %sub3A_571 : f32 to vector<16xf32>
        %sub3A_573 = arith.subf %sub3A_572, %mul3A_570 : vector<16xf32>
        %mul3A_574 = arith.mulf %mul3A_565, %sub3A_573 : vector<16xf32>
        %mul3A_575 = arith.mulf %add3A_494, %mul3A_574 : vector<16xf32>
        %mul3A_576 = arith.mulf %mul3A_575, %mul3A_536 : vector<16xf32>
        %jit3A_577 = arith.constant 0.000000e+00 : f32
        %broadcast_in_dim3A_578 = vector.broadcast %jit3A_577 : f32 to vector<16xf32>
        %select_n3A_579 = arith.select %le3A_539, %broadcast_in_dim3A_578, %mul3A_576 : vector<16xi1>, vector<16xf32>
        %le3A_580 = arith.constant 0.000000e+00 : f32
        %le3A_581 = vector.broadcast %le3A_580 : f32 to vector<16xf32>
        %le3A_582 = arith.cmpf ole, %add3A_501, %le3A_581 : vector<16xf32>
        %mul3A_583 = arith.mulf %add3A_499, %mul3A_536 : vector<16xf32>
        %jit3A_584 = arith.constant 1.000000e+00 : f32
        %broadcast_in_dim3A_585 = vector.broadcast %jit3A_584 : f32 to vector<16xf32>
        %select_n3A_586 = arith.select %le3A_582, %broadcast_in_dim3A_585, %mul3A_583 : vector<16xi1>, vector<16xf32>
        %mul3A_587 = arith.mulf %gather3A_425, %sub3A_435 : vector<16xf32>
        %mul3A_588 = arith.mulf %gather3A_426, %sub3A_434 : vector<16xf32>
        %sub3A_589 = arith.subf %mul3A_587, %mul3A_588 : vector<16xf32>
        %mul3A_590 = arith.mulf %gather3A_426, %sub3A_433 : vector<16xf32>
        %mul3A_591 = arith.mulf %gather3A_424, %sub3A_435 : vector<16xf32>
        %sub3A_592 = arith.subf %mul3A_590, %mul3A_591 : vector<16xf32>
        %mul3A_593 = arith.mulf %gather3A_424, %sub3A_434 : vector<16xf32>
        %mul3A_594 = arith.mulf %gather3A_425, %sub3A_433 : vector<16xf32>
        %sub3A_595 = arith.subf %mul3A_593, %mul3A_594 : vector<16xf32>
        %mul3A_596 = arith.mulf %sub3A_589, %sub3A_589 : vector<16xf32>
        %mul3A_597 = arith.mulf %sub3A_592, %sub3A_592 : vector<16xf32>
        %add3A_598 = arith.addf %mul3A_596, %mul3A_597 : vector<16xf32>
        %mul3A_599 = arith.mulf %sub3A_595, %sub3A_595 : vector<16xf32>
        %add3A_600 = arith.addf %add3A_598, %mul3A_599 : vector<16xf32>
        %mul3A_601 = arith.mulf %gather3A_424, %sub3A_433 : vector<16xf32>
        %mul3A_602 = arith.mulf %gather3A_425, %sub3A_434 : vector<16xf32>
        %add3A_603 = arith.addf %mul3A_601, %mul3A_602 : vector<16xf32>
        %mul3A_604 = arith.mulf %gather3A_426, %sub3A_435 : vector<16xf32>
        %add3A_605 = arith.addf %add3A_603, %mul3A_604 : vector<16xf32>
        %mul3A_606 = arith.mulf %add3A_605, %add3A_605 : vector<16xf32>
        %add3A_607 = arith.addf %add3A_600, %mul3A_606 : vector<16xf32>
        %bitcast3A_608 = vector.bitcast %add3A_607 : vector<16xf32> to vector<16xi32>
        %shift_right_arithmetic3A_609 = arith.constant 1 : i32
        %shift_right_arithmetic3A_610 = vector.broadcast %shift_right_arithmetic3A_609 : i32 to vector<16xi32>
        %shift_right_arithmetic3A_611 = arith.shrsi %bitcast3A_608, %shift_right_arithmetic3A_610 : vector<16xi32>
        %sub3A_612 = arith.constant 1597463007 : i32
        %sub3A_613 = vector.broadcast %sub3A_612 : i32 to vector<16xi32>
        %sub3A_614 = arith.subi %sub3A_613, %shift_right_arithmetic3A_611 : vector<16xi32>
        %bitcast3A_615 = vector.bitcast %sub3A_614 : vector<16xi32> to vector<16xf32>
        %mul3A_616 = arith.constant 5.000000e-01 : f32
        %mul3A_617 = vector.broadcast %mul3A_616 : f32 to vector<16xf32>
        %mul3A_618 = arith.mulf %mul3A_617, %add3A_607 : vector<16xf32>
        %mul3A_619 = arith.mulf %mul3A_618, %bitcast3A_615 : vector<16xf32>
        %mul3A_620 = arith.mulf %mul3A_619, %bitcast3A_615 : vector<16xf32>
        %sub3A_621 = arith.constant 1.500000e+00 : f32
        %sub3A_622 = vector.broadcast %sub3A_621 : f32 to vector<16xf32>
        %sub3A_623 = arith.subf %sub3A_622, %mul3A_620 : vector<16xf32>
        %mul3A_624 = arith.mulf %bitcast3A_615, %sub3A_623 : vector<16xf32>
        %mul3A_625 = arith.constant 5.000000e-01 : f32
        %mul3A_626 = vector.broadcast %mul3A_625 : f32 to vector<16xf32>
        %mul3A_627 = arith.mulf %mul3A_626, %add3A_607 : vector<16xf32>
        %mul3A_628 = arith.mulf %mul3A_627, %mul3A_624 : vector<16xf32>
        %mul3A_629 = arith.mulf %mul3A_628, %mul3A_624 : vector<16xf32>
        %sub3A_630 = arith.constant 1.500000e+00 : f32
        %sub3A_631 = vector.broadcast %sub3A_630 : f32 to vector<16xf32>
        %sub3A_632 = arith.subf %sub3A_631, %mul3A_629 : vector<16xf32>
        %mul3A_633 = arith.mulf %mul3A_624, %sub3A_632 : vector<16xf32>
        %mul3A_634 = arith.constant 5.000000e-01 : f32
        %mul3A_635 = vector.broadcast %mul3A_634 : f32 to vector<16xf32>
        %mul3A_636 = arith.mulf %mul3A_635, %add3A_607 : vector<16xf32>
        %mul3A_637 = arith.mulf %mul3A_636, %mul3A_633 : vector<16xf32>
        %mul3A_638 = arith.mulf %mul3A_637, %mul3A_633 : vector<16xf32>
        %sub3A_639 = arith.constant 1.500000e+00 : f32
        %sub3A_640 = vector.broadcast %sub3A_639 : f32 to vector<16xf32>
        %sub3A_641 = arith.subf %sub3A_640, %mul3A_638 : vector<16xf32>
        %mul3A_642 = arith.mulf %mul3A_633, %sub3A_641 : vector<16xf32>
        %le3A_643 = arith.constant 0.000000e+00 : f32
        %le3A_644 = vector.broadcast %le3A_643 : f32 to vector<16xf32>
        %le3A_645 = arith.cmpf ole, %add3A_600, %le3A_644 : vector<16xf32>
        %bitcast3A_646 = vector.bitcast %add3A_600 : vector<16xf32> to vector<16xi32>
        %shift_right_arithmetic3A_647 = arith.constant 1 : i32
        %shift_right_arithmetic3A_648 = vector.broadcast %shift_right_arithmetic3A_647 : i32 to vector<16xi32>
        %shift_right_arithmetic3A_649 = arith.shrsi %bitcast3A_646, %shift_right_arithmetic3A_648 : vector<16xi32>
        %sub3A_650 = arith.constant 1597463007 : i32
        %sub3A_651 = vector.broadcast %sub3A_650 : i32 to vector<16xi32>
        %sub3A_652 = arith.subi %sub3A_651, %shift_right_arithmetic3A_649 : vector<16xi32>
        %bitcast3A_653 = vector.bitcast %sub3A_652 : vector<16xi32> to vector<16xf32>
        %mul3A_654 = arith.constant 5.000000e-01 : f32
        %mul3A_655 = vector.broadcast %mul3A_654 : f32 to vector<16xf32>
        %mul3A_656 = arith.mulf %mul3A_655, %add3A_600 : vector<16xf32>
        %mul3A_657 = arith.mulf %mul3A_656, %bitcast3A_653 : vector<16xf32>
        %mul3A_658 = arith.mulf %mul3A_657, %bitcast3A_653 : vector<16xf32>
        %sub3A_659 = arith.constant 1.500000e+00 : f32
        %sub3A_660 = vector.broadcast %sub3A_659 : f32 to vector<16xf32>
        %sub3A_661 = arith.subf %sub3A_660, %mul3A_658 : vector<16xf32>
        %mul3A_662 = arith.mulf %bitcast3A_653, %sub3A_661 : vector<16xf32>
        %mul3A_663 = arith.constant 5.000000e-01 : f32
        %mul3A_664 = vector.broadcast %mul3A_663 : f32 to vector<16xf32>
        %mul3A_665 = arith.mulf %mul3A_664, %add3A_600 : vector<16xf32>
        %mul3A_666 = arith.mulf %mul3A_665, %mul3A_662 : vector<16xf32>
        %mul3A_667 = arith.mulf %mul3A_666, %mul3A_662 : vector<16xf32>
        %sub3A_668 = arith.constant 1.500000e+00 : f32
        %sub3A_669 = vector.broadcast %sub3A_668 : f32 to vector<16xf32>
        %sub3A_670 = arith.subf %sub3A_669, %mul3A_667 : vector<16xf32>
        %mul3A_671 = arith.mulf %mul3A_662, %sub3A_670 : vector<16xf32>
        %mul3A_672 = arith.constant 5.000000e-01 : f32
        %mul3A_673 = vector.broadcast %mul3A_672 : f32 to vector<16xf32>
        %mul3A_674 = arith.mulf %mul3A_673, %add3A_600 : vector<16xf32>
        %mul3A_675 = arith.mulf %mul3A_674, %mul3A_671 : vector<16xf32>
        %mul3A_676 = arith.mulf %mul3A_675, %mul3A_671 : vector<16xf32>
        %sub3A_677 = arith.constant 1.500000e+00 : f32
        %sub3A_678 = vector.broadcast %sub3A_677 : f32 to vector<16xf32>
        %sub3A_679 = arith.subf %sub3A_678, %mul3A_676 : vector<16xf32>
        %mul3A_680 = arith.mulf %mul3A_671, %sub3A_679 : vector<16xf32>
        %mul3A_681 = arith.mulf %add3A_600, %mul3A_680 : vector<16xf32>
        %mul3A_682 = arith.mulf %mul3A_681, %mul3A_642 : vector<16xf32>
        %jit3A_683 = arith.constant 0.000000e+00 : f32
        %broadcast_in_dim3A_684 = vector.broadcast %jit3A_683 : f32 to vector<16xf32>
        %select_n3A_685 = arith.select %le3A_645, %broadcast_in_dim3A_684, %mul3A_682 : vector<16xi1>, vector<16xf32>
        %le3A_686 = arith.constant 0.000000e+00 : f32
        %le3A_687 = vector.broadcast %le3A_686 : f32 to vector<16xf32>
        %le3A_688 = arith.cmpf ole, %add3A_607, %le3A_687 : vector<16xf32>
        %mul3A_689 = arith.mulf %add3A_605, %mul3A_642 : vector<16xf32>
        %jit3A_690 = arith.constant 1.000000e+00 : f32
        %broadcast_in_dim3A_691 = vector.broadcast %jit3A_690 : f32 to vector<16xf32>
        %select_n3A_692 = arith.select %le3A_688, %broadcast_in_dim3A_691, %mul3A_689 : vector<16xi1>, vector<16xf32>
        %mul3A_693 = arith.mulf %gather3A_431, %gather3A_426 : vector<16xf32>
        %mul3A_694 = arith.mulf %gather3A_432, %gather3A_425 : vector<16xf32>
        %sub3A_695 = arith.subf %mul3A_693, %mul3A_694 : vector<16xf32>
        %mul3A_696 = arith.mulf %gather3A_432, %gather3A_424 : vector<16xf32>
        %mul3A_697 = arith.mulf %gather3A_430, %gather3A_426 : vector<16xf32>
        %sub3A_698 = arith.subf %mul3A_696, %mul3A_697 : vector<16xf32>
        %mul3A_699 = arith.mulf %gather3A_430, %gather3A_425 : vector<16xf32>
        %mul3A_700 = arith.mulf %gather3A_431, %gather3A_424 : vector<16xf32>
        %sub3A_701 = arith.subf %mul3A_699, %mul3A_700 : vector<16xf32>
        %mul3A_702 = arith.mulf %sub3A_695, %sub3A_695 : vector<16xf32>
        %mul3A_703 = arith.mulf %sub3A_698, %sub3A_698 : vector<16xf32>
        %add3A_704 = arith.addf %mul3A_702, %mul3A_703 : vector<16xf32>
        %mul3A_705 = arith.mulf %sub3A_701, %sub3A_701 : vector<16xf32>
        %add3A_706 = arith.addf %add3A_704, %mul3A_705 : vector<16xf32>
        %mul3A_707 = arith.mulf %gather3A_430, %gather3A_424 : vector<16xf32>
        %mul3A_708 = arith.mulf %gather3A_431, %gather3A_425 : vector<16xf32>
        %add3A_709 = arith.addf %mul3A_707, %mul3A_708 : vector<16xf32>
        %mul3A_710 = arith.mulf %gather3A_432, %gather3A_426 : vector<16xf32>
        %add3A_711 = arith.addf %add3A_709, %mul3A_710 : vector<16xf32>
        %mul3A_712 = arith.mulf %add3A_711, %add3A_711 : vector<16xf32>
        %add3A_713 = arith.addf %add3A_706, %mul3A_712 : vector<16xf32>
        %bitcast3A_714 = vector.bitcast %add3A_713 : vector<16xf32> to vector<16xi32>
        %shift_right_arithmetic3A_715 = arith.constant 1 : i32
        %shift_right_arithmetic3A_716 = vector.broadcast %shift_right_arithmetic3A_715 : i32 to vector<16xi32>
        %shift_right_arithmetic3A_717 = arith.shrsi %bitcast3A_714, %shift_right_arithmetic3A_716 : vector<16xi32>
        %sub3A_718 = arith.constant 1597463007 : i32
        %sub3A_719 = vector.broadcast %sub3A_718 : i32 to vector<16xi32>
        %sub3A_720 = arith.subi %sub3A_719, %shift_right_arithmetic3A_717 : vector<16xi32>
        %bitcast3A_721 = vector.bitcast %sub3A_720 : vector<16xi32> to vector<16xf32>
        %mul3A_722 = arith.constant 5.000000e-01 : f32
        %mul3A_723 = vector.broadcast %mul3A_722 : f32 to vector<16xf32>
        %mul3A_724 = arith.mulf %mul3A_723, %add3A_713 : vector<16xf32>
        %mul3A_725 = arith.mulf %mul3A_724, %bitcast3A_721 : vector<16xf32>
        %mul3A_726 = arith.mulf %mul3A_725, %bitcast3A_721 : vector<16xf32>
        %sub3A_727 = arith.constant 1.500000e+00 : f32
        %sub3A_728 = vector.broadcast %sub3A_727 : f32 to vector<16xf32>
        %sub3A_729 = arith.subf %sub3A_728, %mul3A_726 : vector<16xf32>
        %mul3A_730 = arith.mulf %bitcast3A_721, %sub3A_729 : vector<16xf32>
        %mul3A_731 = arith.constant 5.000000e-01 : f32
        %mul3A_732 = vector.broadcast %mul3A_731 : f32 to vector<16xf32>
        %mul3A_733 = arith.mulf %mul3A_732, %add3A_713 : vector<16xf32>
        %mul3A_734 = arith.mulf %mul3A_733, %mul3A_730 : vector<16xf32>
        %mul3A_735 = arith.mulf %mul3A_734, %mul3A_730 : vector<16xf32>
        %sub3A_736 = arith.constant 1.500000e+00 : f32
        %sub3A_737 = vector.broadcast %sub3A_736 : f32 to vector<16xf32>
        %sub3A_738 = arith.subf %sub3A_737, %mul3A_735 : vector<16xf32>
        %mul3A_739 = arith.mulf %mul3A_730, %sub3A_738 : vector<16xf32>
        %mul3A_740 = arith.constant 5.000000e-01 : f32
        %mul3A_741 = vector.broadcast %mul3A_740 : f32 to vector<16xf32>
        %mul3A_742 = arith.mulf %mul3A_741, %add3A_713 : vector<16xf32>
        %mul3A_743 = arith.mulf %mul3A_742, %mul3A_739 : vector<16xf32>
        %mul3A_744 = arith.mulf %mul3A_743, %mul3A_739 : vector<16xf32>
        %sub3A_745 = arith.constant 1.500000e+00 : f32
        %sub3A_746 = vector.broadcast %sub3A_745 : f32 to vector<16xf32>
        %sub3A_747 = arith.subf %sub3A_746, %mul3A_744 : vector<16xf32>
        %mul3A_748 = arith.mulf %mul3A_739, %sub3A_747 : vector<16xf32>
        %le3A_749 = arith.constant 0.000000e+00 : f32
        %le3A_750 = vector.broadcast %le3A_749 : f32 to vector<16xf32>
        %le3A_751 = arith.cmpf ole, %add3A_706, %le3A_750 : vector<16xf32>
        %bitcast3A_752 = vector.bitcast %add3A_706 : vector<16xf32> to vector<16xi32>
        %shift_right_arithmetic3A_753 = arith.constant 1 : i32
        %shift_right_arithmetic3A_754 = vector.broadcast %shift_right_arithmetic3A_753 : i32 to vector<16xi32>
        %shift_right_arithmetic3A_755 = arith.shrsi %bitcast3A_752, %shift_right_arithmetic3A_754 : vector<16xi32>
        %sub3A_756 = arith.constant 1597463007 : i32
        %sub3A_757 = vector.broadcast %sub3A_756 : i32 to vector<16xi32>
        %sub3A_758 = arith.subi %sub3A_757, %shift_right_arithmetic3A_755 : vector<16xi32>
        %bitcast3A_759 = vector.bitcast %sub3A_758 : vector<16xi32> to vector<16xf32>
        %mul3A_760 = arith.constant 5.000000e-01 : f32
        %mul3A_761 = vector.broadcast %mul3A_760 : f32 to vector<16xf32>
        %mul3A_762 = arith.mulf %mul3A_761, %add3A_706 : vector<16xf32>
        %mul3A_763 = arith.mulf %mul3A_762, %bitcast3A_759 : vector<16xf32>
        %mul3A_764 = arith.mulf %mul3A_763, %bitcast3A_759 : vector<16xf32>
        %sub3A_765 = arith.constant 1.500000e+00 : f32
        %sub3A_766 = vector.broadcast %sub3A_765 : f32 to vector<16xf32>
        %sub3A_767 = arith.subf %sub3A_766, %mul3A_764 : vector<16xf32>
        %mul3A_768 = arith.mulf %bitcast3A_759, %sub3A_767 : vector<16xf32>
        %mul3A_769 = arith.constant 5.000000e-01 : f32
        %mul3A_770 = vector.broadcast %mul3A_769 : f32 to vector<16xf32>
        %mul3A_771 = arith.mulf %mul3A_770, %add3A_706 : vector<16xf32>
        %mul3A_772 = arith.mulf %mul3A_771, %mul3A_768 : vector<16xf32>
        %mul3A_773 = arith.mulf %mul3A_772, %mul3A_768 : vector<16xf32>
        %sub3A_774 = arith.constant 1.500000e+00 : f32
        %sub3A_775 = vector.broadcast %sub3A_774 : f32 to vector<16xf32>
        %sub3A_776 = arith.subf %sub3A_775, %mul3A_773 : vector<16xf32>
        %mul3A_777 = arith.mulf %mul3A_768, %sub3A_776 : vector<16xf32>
        %mul3A_778 = arith.constant 5.000000e-01 : f32
        %mul3A_779 = vector.broadcast %mul3A_778 : f32 to vector<16xf32>
        %mul3A_780 = arith.mulf %mul3A_779, %add3A_706 : vector<16xf32>
        %mul3A_781 = arith.mulf %mul3A_780, %mul3A_777 : vector<16xf32>
        %mul3A_782 = arith.mulf %mul3A_781, %mul3A_777 : vector<16xf32>
        %sub3A_783 = arith.constant 1.500000e+00 : f32
        %sub3A_784 = vector.broadcast %sub3A_783 : f32 to vector<16xf32>
        %sub3A_785 = arith.subf %sub3A_784, %mul3A_782 : vector<16xf32>
        %mul3A_786 = arith.mulf %mul3A_777, %sub3A_785 : vector<16xf32>
        %mul3A_787 = arith.mulf %add3A_706, %mul3A_786 : vector<16xf32>
        %mul3A_788 = arith.mulf %mul3A_787, %mul3A_748 : vector<16xf32>
        %jit3A_789 = arith.constant 0.000000e+00 : f32
        %broadcast_in_dim3A_790 = vector.broadcast %jit3A_789 : f32 to vector<16xf32>
        %select_n3A_791 = arith.select %le3A_751, %broadcast_in_dim3A_790, %mul3A_788 : vector<16xi1>, vector<16xf32>
        %le3A_792 = arith.constant 0.000000e+00 : f32
        %le3A_793 = vector.broadcast %le3A_792 : f32 to vector<16xf32>
        %le3A_794 = arith.cmpf ole, %add3A_713, %le3A_793 : vector<16xf32>
        %mul3A_795 = arith.mulf %add3A_711, %mul3A_748 : vector<16xf32>
        %jit3A_796 = arith.constant 1.000000e+00 : f32
        %broadcast_in_dim3A_797 = vector.broadcast %jit3A_796 : f32 to vector<16xf32>
        %select_n3A_798 = arith.select %le3A_794, %broadcast_in_dim3A_797, %mul3A_795 : vector<16xi1>, vector<16xf32>
        %mul3A_799 = arith.constant 4 : i32
        %mul3A_800 = vector.broadcast %mul3A_799 : i32 to vector<16xi32>
        %mul3A_801 = arith.muli %get3A_419, %mul3A_800 : vector<16xi32>
        %add3A_802 = arith.constant 0 : i32
        %add3A_803 = vector.broadcast %add3A_802 : i32 to vector<16xi32>
        %add3A_804 = arith.addi %mul3A_801, %add3A_803 : vector<16xi32>
        %gather3A_805 = tpu.vector_load_idx %arg18[%add3A_804] : memref<3200xf32, #tpu.memory_space<vmem>>[vector<16xi32>], vector<16xf32>,
        %add3A_806 = arith.constant 1 : i32
        %add3A_807 = vector.broadcast %add3A_806 : i32 to vector<16xi32>
        %add3A_808 = arith.addi %mul3A_801, %add3A_807 : vector<16xi32>
        %gather3A_809 = tpu.vector_load_idx %arg18[%add3A_808] : memref<3200xf32, #tpu.memory_space<vmem>>[vector<16xi32>], vector<16xf32>,
        %add3A_810 = arith.constant 2 : i32
        %add3A_811 = vector.broadcast %add3A_810 : i32 to vector<16xi32>
        %add3A_812 = arith.addi %mul3A_801, %add3A_811 : vector<16xi32>
        %gather3A_813 = tpu.vector_load_idx %arg18[%add3A_812] : memref<3200xf32, #tpu.memory_space<vmem>>[vector<16xi32>], vector<16xf32>,
        %add3A_814 = arith.constant 3 : i32
        %add3A_815 = vector.broadcast %add3A_814 : i32 to vector<16xi32>
        %add3A_816 = arith.addi %mul3A_801, %add3A_815 : vector<16xi32>
        %gather3A_817 = tpu.vector_load_idx %arg18[%add3A_816] : memref<3200xf32, #tpu.memory_space<vmem>>[vector<16xi32>], vector<16xf32>,
        %mul3A_818 = arith.constant 16 : i32
        %mul3A_819 = vector.broadcast %mul3A_818 : i32 to vector<16xi32>
        %mul3A_820 = arith.muli %iota3A, %mul3A_819 : vector<16xi32>
        %add3A_821 = arith.constant 0 : i32
        %add3A_822 = vector.broadcast %add3A_821 : i32 to vector<16xi32>
        %add3A_823 = arith.addi %mul3A_820, %add3A_822 : vector<16xi32>
        tpu.vector_store_idx %arg29[%add3A_823], %mul3A_480 : memref<256xf32, #tpu.memory_space<vmem>>[vector<16xi32>], vector<16xf32>,
        %add3A_824 = arith.constant 1 : i32
        %add3A_825 = vector.broadcast %add3A_824 : i32 to vector<16xi32>
        %add3A_826 = arith.addi %mul3A_820, %add3A_825 : vector<16xi32>
        tpu.vector_store_idx %arg29[%add3A_826], %select_n3A_579 : memref<256xf32, #tpu.memory_space<vmem>>[vector<16xi32>], vector<16xf32>,
        %add3A_827 = arith.constant 2 : i32
        %add3A_828 = vector.broadcast %add3A_827 : i32 to vector<16xi32>
        %add3A_829 = arith.addi %mul3A_820, %add3A_828 : vector<16xi32>
        tpu.vector_store_idx %arg29[%add3A_829], %select_n3A_586 : memref<256xf32, #tpu.memory_space<vmem>>[vector<16xi32>], vector<16xf32>,
        %add3A_830 = arith.constant 3 : i32
        %add3A_831 = vector.broadcast %add3A_830 : i32 to vector<16xi32>
        %add3A_832 = arith.addi %mul3A_820, %add3A_831 : vector<16xi32>
        tpu.vector_store_idx %arg29[%add3A_832], %select_n3A_685 : memref<256xf32, #tpu.memory_space<vmem>>[vector<16xi32>], vector<16xf32>,
        %add3A_833 = arith.constant 4 : i32
        %add3A_834 = vector.broadcast %add3A_833 : i32 to vector<16xi32>
        %add3A_835 = arith.addi %mul3A_820, %add3A_834 : vector<16xi32>
        tpu.vector_store_idx %arg29[%add3A_835], %select_n3A_692 : memref<256xf32, #tpu.memory_space<vmem>>[vector<16xi32>], vector<16xf32>,
        %add3A_836 = arith.constant 5 : i32
        %add3A_837 = vector.broadcast %add3A_836 : i32 to vector<16xi32>
        %add3A_838 = arith.addi %mul3A_820, %add3A_837 : vector<16xi32>
        tpu.vector_store_idx %arg29[%add3A_838], %select_n3A_791 : memref<256xf32, #tpu.memory_space<vmem>>[vector<16xi32>], vector<16xf32>,
        %add3A_839 = arith.constant 6 : i32
        %add3A_840 = vector.broadcast %add3A_839 : i32 to vector<16xi32>
        %add3A_841 = arith.addi %mul3A_820, %add3A_840 : vector<16xi32>
        tpu.vector_store_idx %arg29[%add3A_841], %select_n3A_798 : memref<256xf32, #tpu.memory_space<vmem>>[vector<16xi32>], vector<16xf32>,
        %add3A_842 = arith.constant 7 : i32
        %add3A_843 = vector.broadcast %add3A_842 : i32 to vector<16xi32>
        %add3A_844 = arith.addi %mul3A_820, %add3A_843 : vector<16xi32>
        tpu.vector_store_idx %arg29[%add3A_844], %gather3A_805 : memref<256xf32, #tpu.memory_space<vmem>>[vector<16xi32>], vector<16xf32>,
        %add3A_845 = arith.constant 8 : i32
        %add3A_846 = vector.broadcast %add3A_845 : i32 to vector<16xi32>
        %add3A_847 = arith.addi %mul3A_820, %add3A_846 : vector<16xi32>
        tpu.vector_store_idx %arg29[%add3A_847], %gather3A_809 : memref<256xf32, #tpu.memory_space<vmem>>[vector<16xi32>], vector<16xf32>,
        %add3A_848 = arith.constant 9 : i32
        %add3A_849 = vector.broadcast %add3A_848 : i32 to vector<16xi32>
        %add3A_850 = arith.addi %mul3A_820, %add3A_849 : vector<16xi32>
        tpu.vector_store_idx %arg29[%add3A_850], %gather3A_813 : memref<256xf32, #tpu.memory_space<vmem>>[vector<16xi32>], vector<16xf32>,
        %add3A_851 = arith.constant 10 : i32
        %add3A_852 = vector.broadcast %add3A_851 : i32 to vector<16xi32>
        %add3A_853 = arith.addi %mul3A_820, %add3A_852 : vector<16xi32>
        tpu.vector_store_idx %arg29[%add3A_853], %gather3A_817 : memref<256xf32, #tpu.memory_space<vmem>>[vector<16xi32>], vector<16xf32>,
        %scan3A_854 = arith.constant 0 : i32
        %scan3A_855 = arith.constant 0 : i32
        %scan3A_856 = arith.constant 16 : i32
        %scan3A_857 = arith.addi %scan3A_855, %scan3A_856 : i32
        %scan3A_858 = arith.constant 1 : i32
        %scan3A_859 = scf.for %scan3A_862 = %scan3A_855 to %scan3A_857 step %scan3A_858 iter_args(%scan3A_863 = %scan3A_854) -> (i32)  : i32 {
          %add3A_864 = arith.addi %add3A_415, %scan3A_862 : i32
          %get3A_865 = arith.index_cast %add3A_864 : i32 to index
          %get3A_866 = tpu.vector_load %arg20[%get3A_865] {strides = array<i32>} : memref<864xi32, #tpu.memory_space<vmem>>, vector<16xi32>,
          %slice3A = vector.extract_strided_slice %get3A_866 {offsets = [0], sizes = [1], strides = [1]} : vector<16xi32> to vector<1xi32>
          %squeeze3A = vector.extract %slice3A[0] : i32 from vector<1xi32>
          %sub3A_867 = arith.subi %squeeze3A, %mul3A_2 : i32
          %mul3A_868 = arith.constant 144 : i32
          %mul3A_869 = arith.muli %sub3A_867, %mul3A_868 : i32
          %add3A_870 = arith.constant 128 : i32
          %add3A_871 = arith.addi %mul3A_869, %add3A_870 : i32
          %get3A_872 = arith.index_cast %add3A_871 : i32 to index
          %get3A_873 = tpu.vector_load %arg30[%get3A_872] {strides = array<i32>} : memref<45216xf32, #tpu.memory_space<vmem>>, vector<16xf32>,
          %mul3A_874 = arith.constant 16 : i32
          %mul3A_875 = arith.muli %scan3A_862, %mul3A_874 : i32
          %get3A_876 = arith.index_cast %mul3A_875 : i32 to index
          %get3A_877 = tpu.vector_load %arg29[%get3A_876] {strides = array<i32>} : memref<256xf32, #tpu.memory_space<vmem>>, vector<16xf32>,
          %max3A = arith.maximumf %get3A_873, %get3A_877 : vector<16xf32>
          %swap3A = arith.index_cast %add3A_871 : i32 to index
          %swap3A_878 = tpu.vector_load %arg30[%swap3A] {strides = array<i32>} : memref<45216xf32, #tpu.memory_space<vmem>>, vector<16xf32>,
          tpu.vector_store %arg30[%swap3A], %max3A {strides = array<i32>} : memref<45216xf32, #tpu.memory_space<vmem>>, vector<16xf32>,
          %scan3A_879 = arith.constant 0 : i32
          scf.yield %scan3A_879 : i32
        }
        %scan3A_860 = arith.constant 16 : i32
        %while3A_861 = arith.constant 0 : i32
        scf.yield %while3A_861 : i32
      }
      %while3A_325 = arith.constant 1 : i32
      %while3A_326 = scf.for %while3A_411 = %while3A_322 to %while3A_318 step %while3A_325 iter_args(%while3A_412 = %while3A_324) -> (i32)  : i32 {
        %mul3A_413 = arith.constant 16 : i32
        %mul3A_414 = arith.muli %while3A_411, %mul3A_413 : i32
        %add3A_415 = arith.addi %sub3A_199, %mul3A_414 : i32
        %get3A_416 = arith.index_cast %add3A_415 : i32 to index
        %get3A_417 = tpu.vector_load %arg19[%get3A_416] {strides = array<i32>} : memref<864xi32, #tpu.memory_space<vmem>>, vector<16xi32>,
        %get3A_418 = arith.index_cast %add3A_415 : i32 to index
        %get3A_419 = tpu.vector_load %arg21[%get3A_418] {strides = array<i32>} : memref<864xi32, #tpu.memory_space<vmem>>, vector<16xi32>,
        %get3A_420 = arith.index_cast %add3A_415 : i32 to index
        %get3A_421 = tpu.vector_load %arg20[%get3A_420] {strides = array<i32>} : memref<864xi32, #tpu.memory_space<vmem>>, vector<16xi32>,
        %gather3A = tpu.vector_load_idx %arg23[%get3A_417] : memref<10000xf32, #tpu.memory_space<vmem>>[vector<16xi32>], vector<16xf32>,
        %gather3A_422 = tpu.vector_load_idx %arg24[%get3A_417] : memref<10000xf32, #tpu.memory_space<vmem>>[vector<16xi32>], vector<16xf32>,
        %gather3A_423 = tpu.vector_load_idx %arg25[%get3A_417] : memref<10000xf32, #tpu.memory_space<vmem>>[vector<16xi32>], vector<16xf32>,
        %gather3A_424 = tpu.vector_load_idx %arg26[%get3A_417] : memref<10000xf32, #tpu.memory_space<vmem>>[vector<16xi32>], vector<16xf32>,
        %gather3A_425 = tpu.vector_load_idx %arg27[%get3A_417] : memref<10000xf32, #tpu.memory_space<vmem>>[vector<16xi32>], vector<16xf32>,
        %gather3A_426 = tpu.vector_load_idx %arg28[%get3A_417] : memref<10000xf32, #tpu.memory_space<vmem>>[vector<16xi32>], vector<16xf32>,
        %gather3A_427 = tpu.vector_load_idx %arg23[%get3A_421] : memref<10000xf32, #tpu.memory_space<vmem>>[vector<16xi32>], vector<16xf32>,
        %gather3A_428 = tpu.vector_load_idx %arg24[%get3A_421] : memref<10000xf32, #tpu.memory_space<vmem>>[vector<16xi32>], vector<16xf32>,
        %gather3A_429 = tpu.vector_load_idx %arg25[%get3A_421] : memref<10000xf32, #tpu.memory_space<vmem>>[vector<16xi32>], vector<16xf32>,
        %gather3A_430 = tpu.vector_load_idx %arg26[%get3A_421] : memref<10000xf32, #tpu.memory_space<vmem>>[vector<16xi32>], vector<16xf32>,
        %gather3A_431 = tpu.vector_load_idx %arg27[%get3A_421] : memref<10000xf32, #tpu.memory_space<vmem>>[vector<16xi32>], vector<16xf32>,
        %gather3A_432 = tpu.vector_load_idx %arg28[%get3A_421] : memref<10000xf32, #tpu.memory_space<vmem>>[vector<16xi32>], vector<16xf32>,
        %sub3A_433 = arith.subf %gather3A, %gather3A_427 : vector<16xf32>
        %sub3A_434 = arith.subf %gather3A_422, %gather3A_428 : vector<16xf32>
        %sub3A_435 = arith.subf %gather3A_423, %gather3A_429 : vector<16xf32>
        %mul3A_436 = arith.mulf %sub3A_433, %sub3A_433 : vector<16xf32>
        %mul3A_437 = arith.mulf %sub3A_434, %sub3A_434 : vector<16xf32>
        %add3A_438 = arith.addf %mul3A_436, %mul3A_437 : vector<16xf32>
        %mul3A_439 = arith.mulf %sub3A_435, %sub3A_435 : vector<16xf32>
        %add3A_440 = arith.addf %add3A_438, %mul3A_439 : vector<16xf32>
        %le3A = arith.constant 0.000000e+00 : f32
        %le3A_441 = vector.broadcast %le3A : f32 to vector<16xf32>
        %le3A_442 = arith.cmpf ole, %add3A_440, %le3A_441 : vector<16xf32>
        %bitcast3A = vector.bitcast %add3A_440 : vector<16xf32> to vector<16xi32>
        %shift_right_arithmetic3A = arith.constant 1 : i32
        %shift_right_arithmetic3A_443 = vector.broadcast %shift_right_arithmetic3A : i32 to vector<16xi32>
        %shift_right_arithmetic3A_444 = arith.shrsi %bitcast3A, %shift_right_arithmetic3A_443 : vector<16xi32>
        %sub3A_445 = arith.constant 1597463007 : i32
        %sub3A_446 = vector.broadcast %sub3A_445 : i32 to vector<16xi32>
        %sub3A_447 = arith.subi %sub3A_446, %shift_right_arithmetic3A_444 : vector<16xi32>
        %bitcast3A_448 = vector.bitcast %sub3A_447 : vector<16xi32> to vector<16xf32>
        %mul3A_449 = arith.constant 5.000000e-01 : f32
        %mul3A_450 = vector.broadcast %mul3A_449 : f32 to vector<16xf32>
        %mul3A_451 = arith.mulf %mul3A_450, %add3A_440 : vector<16xf32>
        %mul3A_452 = arith.mulf %mul3A_451, %bitcast3A_448 : vector<16xf32>
        %mul3A_453 = arith.mulf %mul3A_452, %bitcast3A_448 : vector<16xf32>
        %sub3A_454 = arith.constant 1.500000e+00 : f32
        %sub3A_455 = vector.broadcast %sub3A_454 : f32 to vector<16xf32>
        %sub3A_456 = arith.subf %sub3A_455, %mul3A_453 : vector<16xf32>
        %mul3A_457 = arith.mulf %bitcast3A_448, %sub3A_456 : vector<16xf32>
        %mul3A_458 = arith.constant 5.000000e-01 : f32
        %mul3A_459 = vector.broadcast %mul3A_458 : f32 to vector<16xf32>
        %mul3A_460 = arith.mulf %mul3A_459, %add3A_440 : vector<16xf32>
        %mul3A_461 = arith.mulf %mul3A_460, %mul3A_457 : vector<16xf32>
        %mul3A_462 = arith.mulf %mul3A_461, %mul3A_457 : vector<16xf32>
        %sub3A_463 = arith.constant 1.500000e+00 : f32
        %sub3A_464 = vector.broadcast %sub3A_463 : f32 to vector<16xf32>
        %sub3A_465 = arith.subf %sub3A_464, %mul3A_462 : vector<16xf32>
        %mul3A_466 = arith.mulf %mul3A_457, %sub3A_465 : vector<16xf32>
        %mul3A_467 = arith.constant 5.000000e-01 : f32
        %mul3A_468 = vector.broadcast %mul3A_467 : f32 to vector<16xf32>
        %mul3A_469 = arith.mulf %mul3A_468, %add3A_440 : vector<16xf32>
        %mul3A_470 = arith.mulf %mul3A_469, %mul3A_466 : vector<16xf32>
        %mul3A_471 = arith.mulf %mul3A_470, %mul3A_466 : vector<16xf32>
        %sub3A_472 = arith.constant 1.500000e+00 : f32
        %sub3A_473 = vector.broadcast %sub3A_472 : f32 to vector<16xf32>
        %sub3A_474 = arith.subf %sub3A_473, %mul3A_471 : vector<16xf32>
        %mul3A_475 = arith.mulf %mul3A_466, %sub3A_474 : vector<16xf32>
        %mul3A_476 = arith.mulf %add3A_440, %mul3A_475 : vector<16xf32>
        %jit3A_477 = arith.constant 0.000000e+00 : f32
        %broadcast_in_dim3A_478 = vector.broadcast %jit3A_477 : f32 to vector<16xf32>
        %select_n3A_479 = arith.select %le3A_442, %broadcast_in_dim3A_478, %mul3A_476 : vector<16xi1>, vector<16xf32>
        %mul3A_480 = arith.mulf %select_n3A_479, %get3A_11 : vector<16xf32>
        %mul3A_481 = arith.mulf %gather3A_431, %sub3A_435 : vector<16xf32>
        %mul3A_482 = arith.mulf %gather3A_432, %sub3A_434 : vector<16xf32>
        %sub3A_483 = arith.subf %mul3A_481, %mul3A_482 : vector<16xf32>
        %mul3A_484 = arith.mulf %gather3A_432, %sub3A_433 : vector<16xf32>
        %mul3A_485 = arith.mulf %gather3A_430, %sub3A_435 : vector<16xf32>
        %sub3A_486 = arith.subf %mul3A_484, %mul3A_485 : vector<16xf32>
        %mul3A_487 = arith.mulf %gather3A_430, %sub3A_434 : vector<16xf32>
        %mul3A_488 = arith.mulf %gather3A_431, %sub3A_433 : vector<16xf32>
        %sub3A_489 = arith.subf %mul3A_487, %mul3A_488 : vector<16xf32>
        %mul3A_490 = arith.mulf %sub3A_483, %sub3A_483 : vector<16xf32>
        %mul3A_491 = arith.mulf %sub3A_486, %sub3A_486 : vector<16xf32>
        %add3A_492 = arith.addf %mul3A_490, %mul3A_491 : vector<16xf32>
        %mul3A_493 = arith.mulf %sub3A_489, %sub3A_489 : vector<16xf32>
        %add3A_494 = arith.addf %add3A_492, %mul3A_493 : vector<16xf32>
        %mul3A_495 = arith.mulf %gather3A_430, %sub3A_433 : vector<16xf32>
        %mul3A_496 = arith.mulf %gather3A_431, %sub3A_434 : vector<16xf32>
        %add3A_497 = arith.addf %mul3A_495, %mul3A_496 : vector<16xf32>
        %mul3A_498 = arith.mulf %gather3A_432, %sub3A_435 : vector<16xf32>
        %add3A_499 = arith.addf %add3A_497, %mul3A_498 : vector<16xf32>
        %mul3A_500 = arith.mulf %add3A_499, %add3A_499 : vector<16xf32>
        %add3A_501 = arith.addf %add3A_494, %mul3A_500 : vector<16xf32>
        %bitcast3A_502 = vector.bitcast %add3A_501 : vector<16xf32> to vector<16xi32>
        %shift_right_arithmetic3A_503 = arith.constant 1 : i32
        %shift_right_arithmetic3A_504 = vector.broadcast %shift_right_arithmetic3A_503 : i32 to vector<16xi32>
        %shift_right_arithmetic3A_505 = arith.shrsi %bitcast3A_502, %shift_right_arithmetic3A_504 : vector<16xi32>
        %sub3A_506 = arith.constant 1597463007 : i32
        %sub3A_507 = vector.broadcast %sub3A_506 : i32 to vector<16xi32>
        %sub3A_508 = arith.subi %sub3A_507, %shift_right_arithmetic3A_505 : vector<16xi32>
        %bitcast3A_509 = vector.bitcast %sub3A_508 : vector<16xi32> to vector<16xf32>
        %mul3A_510 = arith.constant 5.000000e-01 : f32
        %mul3A_511 = vector.broadcast %mul3A_510 : f32 to vector<16xf32>
        %mul3A_512 = arith.mulf %mul3A_511, %add3A_501 : vector<16xf32>
        %mul3A_513 = arith.mulf %mul3A_512, %bitcast3A_509 : vector<16xf32>
        %mul3A_514 = arith.mulf %mul3A_513, %bitcast3A_509 : vector<16xf32>
        %sub3A_515 = arith.constant 1.500000e+00 : f32
        %sub3A_516 = vector.broadcast %sub3A_515 : f32 to vector<16xf32>
        %sub3A_517 = arith.subf %sub3A_516, %mul3A_514 : vector<16xf32>
        %mul3A_518 = arith.mulf %bitcast3A_509, %sub3A_517 : vector<16xf32>
        %mul3A_519 = arith.constant 5.000000e-01 : f32
        %mul3A_520 = vector.broadcast %mul3A_519 : f32 to vector<16xf32>
        %mul3A_521 = arith.mulf %mul3A_520, %add3A_501 : vector<16xf32>
        %mul3A_522 = arith.mulf %mul3A_521, %mul3A_518 : vector<16xf32>
        %mul3A_523 = arith.mulf %mul3A_522, %mul3A_518 : vector<16xf32>
        %sub3A_524 = arith.constant 1.500000e+00 : f32
        %sub3A_525 = vector.broadcast %sub3A_524 : f32 to vector<16xf32>
        %sub3A_526 = arith.subf %sub3A_525, %mul3A_523 : vector<16xf32>
        %mul3A_527 = arith.mulf %mul3A_518, %sub3A_526 : vector<16xf32>
        %mul3A_528 = arith.constant 5.000000e-01 : f32
        %mul3A_529 = vector.broadcast %mul3A_528 : f32 to vector<16xf32>
        %mul3A_530 = arith.mulf %mul3A_529, %add3A_501 : vector<16xf32>
        %mul3A_531 = arith.mulf %mul3A_530, %mul3A_527 : vector<16xf32>
        %mul3A_532 = arith.mulf %mul3A_531, %mul3A_527 : vector<16xf32>
        %sub3A_533 = arith.constant 1.500000e+00 : f32
        %sub3A_534 = vector.broadcast %sub3A_533 : f32 to vector<16xf32>
        %sub3A_535 = arith.subf %sub3A_534, %mul3A_532 : vector<16xf32>
        %mul3A_536 = arith.mulf %mul3A_527, %sub3A_535 : vector<16xf32>
        %le3A_537 = arith.constant 0.000000e+00 : f32
        %le3A_538 = vector.broadcast %le3A_537 : f32 to vector<16xf32>
        %le3A_539 = arith.cmpf ole, %add3A_494, %le3A_538 : vector<16xf32>
        %bitcast3A_540 = vector.bitcast %add3A_494 : vector<16xf32> to vector<16xi32>
        %shift_right_arithmetic3A_541 = arith.constant 1 : i32
        %shift_right_arithmetic3A_542 = vector.broadcast %shift_right_arithmetic3A_541 : i32 to vector<16xi32>
        %shift_right_arithmetic3A_543 = arith.shrsi %bitcast3A_540, %shift_right_arithmetic3A_542 : vector<16xi32>
        %sub3A_544 = arith.constant 1597463007 : i32
        %sub3A_545 = vector.broadcast %sub3A_544 : i32 to vector<16xi32>
        %sub3A_546 = arith.subi %sub3A_545, %shift_right_arithmetic3A_543 : vector<16xi32>
        %bitcast3A_547 = vector.bitcast %sub3A_546 : vector<16xi32> to vector<16xf32>
        %mul3A_548 = arith.constant 5.000000e-01 : f32
        %mul3A_549 = vector.broadcast %mul3A_548 : f32 to vector<16xf32>
        %mul3A_550 = arith.mulf %mul3A_549, %add3A_494 : vector<16xf32>
        %mul3A_551 = arith.mulf %mul3A_550, %bitcast3A_547 : vector<16xf32>
        %mul3A_552 = arith.mulf %mul3A_551, %bitcast3A_547 : vector<16xf32>
        %sub3A_553 = arith.constant 1.500000e+00 : f32
        %sub3A_554 = vector.broadcast %sub3A_553 : f32 to vector<16xf32>
        %sub3A_555 = arith.subf %sub3A_554, %mul3A_552 : vector<16xf32>
        %mul3A_556 = arith.mulf %bitcast3A_547, %sub3A_555 : vector<16xf32>
        %mul3A_557 = arith.constant 5.000000e-01 : f32
        %mul3A_558 = vector.broadcast %mul3A_557 : f32 to vector<16xf32>
        %mul3A_559 = arith.mulf %mul3A_558, %add3A_494 : vector<16xf32>
        %mul3A_560 = arith.mulf %mul3A_559, %mul3A_556 : vector<16xf32>
        %mul3A_561 = arith.mulf %mul3A_560, %mul3A_556 : vector<16xf32>
        %sub3A_562 = arith.constant 1.500000e+00 : f32
        %sub3A_563 = vector.broadcast %sub3A_562 : f32 to vector<16xf32>
        %sub3A_564 = arith.subf %sub3A_563, %mul3A_561 : vector<16xf32>
        %mul3A_565 = arith.mulf %mul3A_556, %sub3A_564 : vector<16xf32>
        %mul3A_566 = arith.constant 5.000000e-01 : f32
        %mul3A_567 = vector.broadcast %mul3A_566 : f32 to vector<16xf32>
        %mul3A_568 = arith.mulf %mul3A_567, %add3A_494 : vector<16xf32>
        %mul3A_569 = arith.mulf %mul3A_568, %mul3A_565 : vector<16xf32>
        %mul3A_570 = arith.mulf %mul3A_569, %mul3A_565 : vector<16xf32>
        %sub3A_571 = arith.constant 1.500000e+00 : f32
        %sub3A_572 = vector.broadcast %sub3A_571 : f32 to vector<16xf32>
        %sub3A_573 = arith.subf %sub3A_572, %mul3A_570 : vector<16xf32>
        %mul3A_574 = arith.mulf %mul3A_565, %sub3A_573 : vector<16xf32>
        %mul3A_575 = arith.mulf %add3A_494, %mul3A_574 : vector<16xf32>
        %mul3A_576 = arith.mulf %mul3A_575, %mul3A_536 : vector<16xf32>
        %jit3A_577 = arith.constant 0.000000e+00 : f32
        %broadcast_in_dim3A_578 = vector.broadcast %jit3A_577 : f32 to vector<16xf32>
        %select_n3A_579 = arith.select %le3A_539, %broadcast_in_dim3A_578, %mul3A_576 : vector<16xi1>, vector<16xf32>
        %le3A_580 = arith.constant 0.000000e+00 : f32
        %le3A_581 = vector.broadcast %le3A_580 : f32 to vector<16xf32>
        %le3A_582 = arith.cmpf ole, %add3A_501, %le3A_581 : vector<16xf32>
        %mul3A_583 = arith.mulf %add3A_499, %mul3A_536 : vector<16xf32>
        %jit3A_584 = arith.constant 1.000000e+00 : f32
        %broadcast_in_dim3A_585 = vector.broadcast %jit3A_584 : f32 to vector<16xf32>
        %select_n3A_586 = arith.select %le3A_582, %broadcast_in_dim3A_585, %mul3A_583 : vector<16xi1>, vector<16xf32>
        %mul3A_587 = arith.mulf %gather3A_425, %sub3A_435 : vector<16xf32>
        %mul3A_588 = arith.mulf %gather3A_426, %sub3A_434 : vector<16xf32>
        %sub3A_589 = arith.subf %mul3A_587, %mul3A_588 : vector<16xf32>
        %mul3A_590 = arith.mulf %gather3A_426, %sub3A_433 : vector<16xf32>
        %mul3A_591 = arith.mulf %gather3A_424, %sub3A_435 : vector<16xf32>
        %sub3A_592 = arith.subf %mul3A_590, %mul3A_591 : vector<16xf32>
        %mul3A_593 = arith.mulf %gather3A_424, %sub3A_434 : vector<16xf32>
        %mul3A_594 = arith.mulf %gather3A_425, %sub3A_433 : vector<16xf32>
        %sub3A_595 = arith.subf %mul3A_593, %mul3A_594 : vector<16xf32>
        %mul3A_596 = arith.mulf %sub3A_589, %sub3A_589 : vector<16xf32>
        %mul3A_597 = arith.mulf %sub3A_592, %sub3A_592 : vector<16xf32>
        %add3A_598 = arith.addf %mul3A_596, %mul3A_597 : vector<16xf32>
        %mul3A_599 = arith.mulf %sub3A_595, %sub3A_595 : vector<16xf32>
        %add3A_600 = arith.addf %add3A_598, %mul3A_599 : vector<16xf32>
        %mul3A_601 = arith.mulf %gather3A_424, %sub3A_433 : vector<16xf32>
        %mul3A_602 = arith.mulf %gather3A_425, %sub3A_434 : vector<16xf32>
        %add3A_603 = arith.addf %mul3A_601, %mul3A_602 : vector<16xf32>
        %mul3A_604 = arith.mulf %gather3A_426, %sub3A_435 : vector<16xf32>
        %add3A_605 = arith.addf %add3A_603, %mul3A_604 : vector<16xf32>
        %mul3A_606 = arith.mulf %add3A_605, %add3A_605 : vector<16xf32>
        %add3A_607 = arith.addf %add3A_600, %mul3A_606 : vector<16xf32>
        %bitcast3A_608 = vector.bitcast %add3A_607 : vector<16xf32> to vector<16xi32>
        %shift_right_arithmetic3A_609 = arith.constant 1 : i32
        %shift_right_arithmetic3A_610 = vector.broadcast %shift_right_arithmetic3A_609 : i32 to vector<16xi32>
        %shift_right_arithmetic3A_611 = arith.shrsi %bitcast3A_608, %shift_right_arithmetic3A_610 : vector<16xi32>
        %sub3A_612 = arith.constant 1597463007 : i32
        %sub3A_613 = vector.broadcast %sub3A_612 : i32 to vector<16xi32>
        %sub3A_614 = arith.subi %sub3A_613, %shift_right_arithmetic3A_611 : vector<16xi32>
        %bitcast3A_615 = vector.bitcast %sub3A_614 : vector<16xi32> to vector<16xf32>
        %mul3A_616 = arith.constant 5.000000e-01 : f32
        %mul3A_617 = vector.broadcast %mul3A_616 : f32 to vector<16xf32>
        %mul3A_618 = arith.mulf %mul3A_617, %add3A_607 : vector<16xf32>
        %mul3A_619 = arith.mulf %mul3A_618, %bitcast3A_615 : vector<16xf32>
        %mul3A_620 = arith.mulf %mul3A_619, %bitcast3A_615 : vector<16xf32>
        %sub3A_621 = arith.constant 1.500000e+00 : f32
        %sub3A_622 = vector.broadcast %sub3A_621 : f32 to vector<16xf32>
        %sub3A_623 = arith.subf %sub3A_622, %mul3A_620 : vector<16xf32>
        %mul3A_624 = arith.mulf %bitcast3A_615, %sub3A_623 : vector<16xf32>
        %mul3A_625 = arith.constant 5.000000e-01 : f32
        %mul3A_626 = vector.broadcast %mul3A_625 : f32 to vector<16xf32>
        %mul3A_627 = arith.mulf %mul3A_626, %add3A_607 : vector<16xf32>
        %mul3A_628 = arith.mulf %mul3A_627, %mul3A_624 : vector<16xf32>
        %mul3A_629 = arith.mulf %mul3A_628, %mul3A_624 : vector<16xf32>
        %sub3A_630 = arith.constant 1.500000e+00 : f32
        %sub3A_631 = vector.broadcast %sub3A_630 : f32 to vector<16xf32>
        %sub3A_632 = arith.subf %sub3A_631, %mul3A_629 : vector<16xf32>
        %mul3A_633 = arith.mulf %mul3A_624, %sub3A_632 : vector<16xf32>
        %mul3A_634 = arith.constant 5.000000e-01 : f32
        %mul3A_635 = vector.broadcast %mul3A_634 : f32 to vector<16xf32>
        %mul3A_636 = arith.mulf %mul3A_635, %add3A_607 : vector<16xf32>
        %mul3A_637 = arith.mulf %mul3A_636, %mul3A_633 : vector<16xf32>
        %mul3A_638 = arith.mulf %mul3A_637, %mul3A_633 : vector<16xf32>
        %sub3A_639 = arith.constant 1.500000e+00 : f32
        %sub3A_640 = vector.broadcast %sub3A_639 : f32 to vector<16xf32>
        %sub3A_641 = arith.subf %sub3A_640, %mul3A_638 : vector<16xf32>
        %mul3A_642 = arith.mulf %mul3A_633, %sub3A_641 : vector<16xf32>
        %le3A_643 = arith.constant 0.000000e+00 : f32
        %le3A_644 = vector.broadcast %le3A_643 : f32 to vector<16xf32>
        %le3A_645 = arith.cmpf ole, %add3A_600, %le3A_644 : vector<16xf32>
        %bitcast3A_646 = vector.bitcast %add3A_600 : vector<16xf32> to vector<16xi32>
        %shift_right_arithmetic3A_647 = arith.constant 1 : i32
        %shift_right_arithmetic3A_648 = vector.broadcast %shift_right_arithmetic3A_647 : i32 to vector<16xi32>
        %shift_right_arithmetic3A_649 = arith.shrsi %bitcast3A_646, %shift_right_arithmetic3A_648 : vector<16xi32>
        %sub3A_650 = arith.constant 1597463007 : i32
        %sub3A_651 = vector.broadcast %sub3A_650 : i32 to vector<16xi32>
        %sub3A_652 = arith.subi %sub3A_651, %shift_right_arithmetic3A_649 : vector<16xi32>
        %bitcast3A_653 = vector.bitcast %sub3A_652 : vector<16xi32> to vector<16xf32>
        %mul3A_654 = arith.constant 5.000000e-01 : f32
        %mul3A_655 = vector.broadcast %mul3A_654 : f32 to vector<16xf32>
        %mul3A_656 = arith.mulf %mul3A_655, %add3A_600 : vector<16xf32>
        %mul3A_657 = arith.mulf %mul3A_656, %bitcast3A_653 : vector<16xf32>
        %mul3A_658 = arith.mulf %mul3A_657, %bitcast3A_653 : vector<16xf32>
        %sub3A_659 = arith.constant 1.500000e+00 : f32
        %sub3A_660 = vector.broadcast %sub3A_659 : f32 to vector<16xf32>
        %sub3A_661 = arith.subf %sub3A_660, %mul3A_658 : vector<16xf32>
        %mul3A_662 = arith.mulf %bitcast3A_653, %sub3A_661 : vector<16xf32>
        %mul3A_663 = arith.constant 5.000000e-01 : f32
        %mul3A_664 = vector.broadcast %mul3A_663 : f32 to vector<16xf32>
        %mul3A_665 = arith.mulf %mul3A_664, %add3A_600 : vector<16xf32>
        %mul3A_666 = arith.mulf %mul3A_665, %mul3A_662 : vector<16xf32>
        %mul3A_667 = arith.mulf %mul3A_666, %mul3A_662 : vector<16xf32>
        %sub3A_668 = arith.constant 1.500000e+00 : f32
        %sub3A_669 = vector.broadcast %sub3A_668 : f32 to vector<16xf32>
        %sub3A_670 = arith.subf %sub3A_669, %mul3A_667 : vector<16xf32>
        %mul3A_671 = arith.mulf %mul3A_662, %sub3A_670 : vector<16xf32>
        %mul3A_672 = arith.constant 5.000000e-01 : f32
        %mul3A_673 = vector.broadcast %mul3A_672 : f32 to vector<16xf32>
        %mul3A_674 = arith.mulf %mul3A_673, %add3A_600 : vector<16xf32>
        %mul3A_675 = arith.mulf %mul3A_674, %mul3A_671 : vector<16xf32>
        %mul3A_676 = arith.mulf %mul3A_675, %mul3A_671 : vector<16xf32>
        %sub3A_677 = arith.constant 1.500000e+00 : f32
        %sub3A_678 = vector.broadcast %sub3A_677 : f32 to vector<16xf32>
        %sub3A_679 = arith.subf %sub3A_678, %mul3A_676 : vector<16xf32>
        %mul3A_680 = arith.mulf %mul3A_671, %sub3A_679 : vector<16xf32>
        %mul3A_681 = arith.mulf %add3A_600, %mul3A_680 : vector<16xf32>
        %mul3A_682 = arith.mulf %mul3A_681, %mul3A_642 : vector<16xf32>
        %jit3A_683 = arith.constant 0.000000e+00 : f32
        %broadcast_in_dim3A_684 = vector.broadcast %jit3A_683 : f32 to vector<16xf32>
        %select_n3A_685 = arith.select %le3A_645, %broadcast_in_dim3A_684, %mul3A_682 : vector<16xi1>, vector<16xf32>
        %le3A_686 = arith.constant 0.000000e+00 : f32
        %le3A_687 = vector.broadcast %le3A_686 : f32 to vector<16xf32>
        %le3A_688 = arith.cmpf ole, %add3A_607, %le3A_687 : vector<16xf32>
        %mul3A_689 = arith.mulf %add3A_605, %mul3A_642 : vector<16xf32>
        %jit3A_690 = arith.constant 1.000000e+00 : f32
        %broadcast_in_dim3A_691 = vector.broadcast %jit3A_690 : f32 to vector<16xf32>
        %select_n3A_692 = arith.select %le3A_688, %broadcast_in_dim3A_691, %mul3A_689 : vector<16xi1>, vector<16xf32>
        %mul3A_693 = arith.mulf %gather3A_431, %gather3A_426 : vector<16xf32>
        %mul3A_694 = arith.mulf %gather3A_432, %gather3A_425 : vector<16xf32>
        %sub3A_695 = arith.subf %mul3A_693, %mul3A_694 : vector<16xf32>
        %mul3A_696 = arith.mulf %gather3A_432, %gather3A_424 : vector<16xf32>
        %mul3A_697 = arith.mulf %gather3A_430, %gather3A_426 : vector<16xf32>
        %sub3A_698 = arith.subf %mul3A_696, %mul3A_697 : vector<16xf32>
        %mul3A_699 = arith.mulf %gather3A_430, %gather3A_425 : vector<16xf32>
        %mul3A_700 = arith.mulf %gather3A_431, %gather3A_424 : vector<16xf32>
        %sub3A_701 = arith.subf %mul3A_699, %mul3A_700 : vector<16xf32>
        %mul3A_702 = arith.mulf %sub3A_695, %sub3A_695 : vector<16xf32>
        %mul3A_703 = arith.mulf %sub3A_698, %sub3A_698 : vector<16xf32>
        %add3A_704 = arith.addf %mul3A_702, %mul3A_703 : vector<16xf32>
        %mul3A_705 = arith.mulf %sub3A_701, %sub3A_701 : vector<16xf32>
        %add3A_706 = arith.addf %add3A_704, %mul3A_705 : vector<16xf32>
        %mul3A_707 = arith.mulf %gather3A_430, %gather3A_424 : vector<16xf32>
        %mul3A_708 = arith.mulf %gather3A_431, %gather3A_425 : vector<16xf32>
        %add3A_709 = arith.addf %mul3A_707, %mul3A_708 : vector<16xf32>
        %mul3A_710 = arith.mulf %gather3A_432, %gather3A_426 : vector<16xf32>
        %add3A_711 = arith.addf %add3A_709, %mul3A_710 : vector<16xf32>
        %mul3A_712 = arith.mulf %add3A_711, %add3A_711 : vector<16xf32>
        %add3A_713 = arith.addf %add3A_706, %mul3A_712 : vector<16xf32>
        %bitcast3A_714 = vector.bitcast %add3A_713 : vector<16xf32> to vector<16xi32>
        %shift_right_arithmetic3A_715 = arith.constant 1 : i32
        %shift_right_arithmetic3A_716 = vector.broadcast %shift_right_arithmetic3A_715 : i32 to vector<16xi32>
        %shift_right_arithmetic3A_717 = arith.shrsi %bitcast3A_714, %shift_right_arithmetic3A_716 : vector<16xi32>
        %sub3A_718 = arith.constant 1597463007 : i32
        %sub3A_719 = vector.broadcast %sub3A_718 : i32 to vector<16xi32>
        %sub3A_720 = arith.subi %sub3A_719, %shift_right_arithmetic3A_717 : vector<16xi32>
        %bitcast3A_721 = vector.bitcast %sub3A_720 : vector<16xi32> to vector<16xf32>
        %mul3A_722 = arith.constant 5.000000e-01 : f32
        %mul3A_723 = vector.broadcast %mul3A_722 : f32 to vector<16xf32>
        %mul3A_724 = arith.mulf %mul3A_723, %add3A_713 : vector<16xf32>
        %mul3A_725 = arith.mulf %mul3A_724, %bitcast3A_721 : vector<16xf32>
        %mul3A_726 = arith.mulf %mul3A_725, %bitcast3A_721 : vector<16xf32>
        %sub3A_727 = arith.constant 1.500000e+00 : f32
        %sub3A_728 = vector.broadcast %sub3A_727 : f32 to vector<16xf32>
        %sub3A_729 = arith.subf %sub3A_728, %mul3A_726 : vector<16xf32>
        %mul3A_730 = arith.mulf %bitcast3A_721, %sub3A_729 : vector<16xf32>
        %mul3A_731 = arith.constant 5.000000e-01 : f32
        %mul3A_732 = vector.broadcast %mul3A_731 : f32 to vector<16xf32>
        %mul3A_733 = arith.mulf %mul3A_732, %add3A_713 : vector<16xf32>
        %mul3A_734 = arith.mulf %mul3A_733, %mul3A_730 : vector<16xf32>
        %mul3A_735 = arith.mulf %mul3A_734, %mul3A_730 : vector<16xf32>
        %sub3A_736 = arith.constant 1.500000e+00 : f32
        %sub3A_737 = vector.broadcast %sub3A_736 : f32 to vector<16xf32>
        %sub3A_738 = arith.subf %sub3A_737, %mul3A_735 : vector<16xf32>
        %mul3A_739 = arith.mulf %mul3A_730, %sub3A_738 : vector<16xf32>
        %mul3A_740 = arith.constant 5.000000e-01 : f32
        %mul3A_741 = vector.broadcast %mul3A_740 : f32 to vector<16xf32>
        %mul3A_742 = arith.mulf %mul3A_741, %add3A_713 : vector<16xf32>
        %mul3A_743 = arith.mulf %mul3A_742, %mul3A_739 : vector<16xf32>
        %mul3A_744 = arith.mulf %mul3A_743, %mul3A_739 : vector<16xf32>
        %sub3A_745 = arith.constant 1.500000e+00 : f32
        %sub3A_746 = vector.broadcast %sub3A_745 : f32 to vector<16xf32>
        %sub3A_747 = arith.subf %sub3A_746, %mul3A_744 : vector<16xf32>
        %mul3A_748 = arith.mulf %mul3A_739, %sub3A_747 : vector<16xf32>
        %le3A_749 = arith.constant 0.000000e+00 : f32
        %le3A_750 = vector.broadcast %le3A_749 : f32 to vector<16xf32>
        %le3A_751 = arith.cmpf ole, %add3A_706, %le3A_750 : vector<16xf32>
        %bitcast3A_752 = vector.bitcast %add3A_706 : vector<16xf32> to vector<16xi32>
        %shift_right_arithmetic3A_753 = arith.constant 1 : i32
        %shift_right_arithmetic3A_754 = vector.broadcast %shift_right_arithmetic3A_753 : i32 to vector<16xi32>
        %shift_right_arithmetic3A_755 = arith.shrsi %bitcast3A_752, %shift_right_arithmetic3A_754 : vector<16xi32>
        %sub3A_756 = arith.constant 1597463007 : i32
        %sub3A_757 = vector.broadcast %sub3A_756 : i32 to vector<16xi32>
        %sub3A_758 = arith.subi %sub3A_757, %shift_right_arithmetic3A_755 : vector<16xi32>
        %bitcast3A_759 = vector.bitcast %sub3A_758 : vector<16xi32> to vector<16xf32>
        %mul3A_760 = arith.constant 5.000000e-01 : f32
        %mul3A_761 = vector.broadcast %mul3A_760 : f32 to vector<16xf32>
        %mul3A_762 = arith.mulf %mul3A_761, %add3A_706 : vector<16xf32>
        %mul3A_763 = arith.mulf %mul3A_762, %bitcast3A_759 : vector<16xf32>
        %mul3A_764 = arith.mulf %mul3A_763, %bitcast3A_759 : vector<16xf32>
        %sub3A_765 = arith.constant 1.500000e+00 : f32
        %sub3A_766 = vector.broadcast %sub3A_765 : f32 to vector<16xf32>
        %sub3A_767 = arith.subf %sub3A_766, %mul3A_764 : vector<16xf32>
        %mul3A_768 = arith.mulf %bitcast3A_759, %sub3A_767 : vector<16xf32>
        %mul3A_769 = arith.constant 5.000000e-01 : f32
        %mul3A_770 = vector.broadcast %mul3A_769 : f32 to vector<16xf32>
        %mul3A_771 = arith.mulf %mul3A_770, %add3A_706 : vector<16xf32>
        %mul3A_772 = arith.mulf %mul3A_771, %mul3A_768 : vector<16xf32>
        %mul3A_773 = arith.mulf %mul3A_772, %mul3A_768 : vector<16xf32>
        %sub3A_774 = arith.constant 1.500000e+00 : f32
        %sub3A_775 = vector.broadcast %sub3A_774 : f32 to vector<16xf32>
        %sub3A_776 = arith.subf %sub3A_775, %mul3A_773 : vector<16xf32>
        %mul3A_777 = arith.mulf %mul3A_768, %sub3A_776 : vector<16xf32>
        %mul3A_778 = arith.constant 5.000000e-01 : f32
        %mul3A_779 = vector.broadcast %mul3A_778 : f32 to vector<16xf32>
        %mul3A_780 = arith.mulf %mul3A_779, %add3A_706 : vector<16xf32>
        %mul3A_781 = arith.mulf %mul3A_780, %mul3A_777 : vector<16xf32>
        %mul3A_782 = arith.mulf %mul3A_781, %mul3A_777 : vector<16xf32>
        %sub3A_783 = arith.constant 1.500000e+00 : f32
        %sub3A_784 = vector.broadcast %sub3A_783 : f32 to vector<16xf32>
        %sub3A_785 = arith.subf %sub3A_784, %mul3A_782 : vector<16xf32>
        %mul3A_786 = arith.mulf %mul3A_777, %sub3A_785 : vector<16xf32>
        %mul3A_787 = arith.mulf %add3A_706, %mul3A_786 : vector<16xf32>
        %mul3A_788 = arith.mulf %mul3A_787, %mul3A_748 : vector<16xf32>
        %jit3A_789 = arith.constant 0.000000e+00 : f32
        %broadcast_in_dim3A_790 = vector.broadcast %jit3A_789 : f32 to vector<16xf32>
        %select_n3A_791 = arith.select %le3A_751, %broadcast_in_dim3A_790, %mul3A_788 : vector<16xi1>, vector<16xf32>
        %le3A_792 = arith.constant 0.000000e+00 : f32
        %le3A_793 = vector.broadcast %le3A_792 : f32 to vector<16xf32>
        %le3A_794 = arith.cmpf ole, %add3A_713, %le3A_793 : vector<16xf32>
        %mul3A_795 = arith.mulf %add3A_711, %mul3A_748 : vector<16xf32>
        %jit3A_796 = arith.constant 1.000000e+00 : f32
        %broadcast_in_dim3A_797 = vector.broadcast %jit3A_796 : f32 to vector<16xf32>
        %select_n3A_798 = arith.select %le3A_794, %broadcast_in_dim3A_797, %mul3A_795 : vector<16xi1>, vector<16xf32>
        %mul3A_799 = arith.constant 4 : i32
        %mul3A_800 = vector.broadcast %mul3A_799 : i32 to vector<16xi32>
        %mul3A_801 = arith.muli %get3A_419, %mul3A_800 : vector<16xi32>
        %add3A_802 = arith.constant 0 : i32
        %add3A_803 = vector.broadcast %add3A_802 : i32 to vector<16xi32>
        %add3A_804 = arith.addi %mul3A_801, %add3A_803 : vector<16xi32>
        %gather3A_805 = tpu.vector_load_idx %arg18[%add3A_804] : memref<3200xf32, #tpu.memory_space<vmem>>[vector<16xi32>], vector<16xf32>,
        %add3A_806 = arith.constant 1 : i32
        %add3A_807 = vector.broadcast %add3A_806 : i32 to vector<16xi32>
        %add3A_808 = arith.addi %mul3A_801, %add3A_807 : vector<16xi32>
        %gather3A_809 = tpu.vector_load_idx %arg18[%add3A_808] : memref<3200xf32, #tpu.memory_space<vmem>>[vector<16xi32>], vector<16xf32>,
        %add3A_810 = arith.constant 2 : i32
        %add3A_811 = vector.broadcast %add3A_810 : i32 to vector<16xi32>
        %add3A_812 = arith.addi %mul3A_801, %add3A_811 : vector<16xi32>
        %gather3A_813 = tpu.vector_load_idx %arg18[%add3A_812] : memref<3200xf32, #tpu.memory_space<vmem>>[vector<16xi32>], vector<16xf32>,
        %add3A_814 = arith.constant 3 : i32
        %add3A_815 = vector.broadcast %add3A_814 : i32 to vector<16xi32>
        %add3A_816 = arith.addi %mul3A_801, %add3A_815 : vector<16xi32>
        %gather3A_817 = tpu.vector_load_idx %arg18[%add3A_816] : memref<3200xf32, #tpu.memory_space<vmem>>[vector<16xi32>], vector<16xf32>,
        %mul3A_818 = arith.constant 16 : i32
        %mul3A_819 = vector.broadcast %mul3A_818 : i32 to vector<16xi32>
        %mul3A_820 = arith.muli %iota3A, %mul3A_819 : vector<16xi32>
        %add3A_821 = arith.constant 0 : i32
        %add3A_822 = vector.broadcast %add3A_821 : i32 to vector<16xi32>
        %add3A_823 = arith.addi %mul3A_820, %add3A_822 : vector<16xi32>
        tpu.vector_store_idx %arg29[%add3A_823], %mul3A_480 : memref<256xf32, #tpu.memory_space<vmem>>[vector<16xi32>], vector<16xf32>,
        %add3A_824 = arith.constant 1 : i32
        %add3A_825 = vector.broadcast %add3A_824 : i32 to vector<16xi32>
        %add3A_826 = arith.addi %mul3A_820, %add3A_825 : vector<16xi32>
        tpu.vector_store_idx %arg29[%add3A_826], %select_n3A_579 : memref<256xf32, #tpu.memory_space<vmem>>[vector<16xi32>], vector<16xf32>,
        %add3A_827 = arith.constant 2 : i32
        %add3A_828 = vector.broadcast %add3A_827 : i32 to vector<16xi32>
        %add3A_829 = arith.addi %mul3A_820, %add3A_828 : vector<16xi32>
        tpu.vector_store_idx %arg29[%add3A_829], %select_n3A_586 : memref<256xf32, #tpu.memory_space<vmem>>[vector<16xi32>], vector<16xf32>,
        %add3A_830 = arith.constant 3 : i32
        %add3A_831 = vector.broadcast %add3A_830 : i32 to vector<16xi32>
        %add3A_832 = arith.addi %mul3A_820, %add3A_831 : vector<16xi32>
        tpu.vector_store_idx %arg29[%add3A_832], %select_n3A_685 : memref<256xf32, #tpu.memory_space<vmem>>[vector<16xi32>], vector<16xf32>,
        %add3A_833 = arith.constant 4 : i32
        %add3A_834 = vector.broadcast %add3A_833 : i32 to vector<16xi32>
        %add3A_835 = arith.addi %mul3A_820, %add3A_834 : vector<16xi32>
        tpu.vector_store_idx %arg29[%add3A_835], %select_n3A_692 : memref<256xf32, #tpu.memory_space<vmem>>[vector<16xi32>], vector<16xf32>,
        %add3A_836 = arith.constant 5 : i32
        %add3A_837 = vector.broadcast %add3A_836 : i32 to vector<16xi32>
        %add3A_838 = arith.addi %mul3A_820, %add3A_837 : vector<16xi32>
        tpu.vector_store_idx %arg29[%add3A_838], %select_n3A_791 : memref<256xf32, #tpu.memory_space<vmem>>[vector<16xi32>], vector<16xf32>,
        %add3A_839 = arith.constant 6 : i32
        %add3A_840 = vector.broadcast %add3A_839 : i32 to vector<16xi32>
        %add3A_841 = arith.addi %mul3A_820, %add3A_840 : vector<16xi32>
        tpu.vector_store_idx %arg29[%add3A_841], %select_n3A_798 : memref<256xf32, #tpu.memory_space<vmem>>[vector<16xi32>], vector<16xf32>,
        %add3A_842 = arith.constant 7 : i32
        %add3A_843 = vector.broadcast %add3A_842 : i32 to vector<16xi32>
        %add3A_844 = arith.addi %mul3A_820, %add3A_843 : vector<16xi32>
        tpu.vector_store_idx %arg29[%add3A_844], %gather3A_805 : memref<256xf32, #tpu.memory_space<vmem>>[vector<16xi32>], vector<16xf32>,
        %add3A_845 = arith.constant 8 : i32
        %add3A_846 = vector.broadcast %add3A_845 : i32 to vector<16xi32>
        %add3A_847 = arith.addi %mul3A_820, %add3A_846 : vector<16xi32>
        tpu.vector_store_idx %arg29[%add3A_847], %gather3A_809 : memref<256xf32, #tpu.memory_space<vmem>>[vector<16xi32>], vector<16xf32>,
        %add3A_848 = arith.constant 9 : i32
        %add3A_849 = vector.broadcast %add3A_848 : i32 to vector<16xi32>
        %add3A_850 = arith.addi %mul3A_820, %add3A_849 : vector<16xi32>
        tpu.vector_store_idx %arg29[%add3A_850], %gather3A_813 : memref<256xf32, #tpu.memory_space<vmem>>[vector<16xi32>], vector<16xf32>,
        %add3A_851 = arith.constant 10 : i32
        %add3A_852 = vector.broadcast %add3A_851 : i32 to vector<16xi32>
        %add3A_853 = arith.addi %mul3A_820, %add3A_852 : vector<16xi32>
        tpu.vector_store_idx %arg29[%add3A_853], %gather3A_817 : memref<256xf32, #tpu.memory_space<vmem>>[vector<16xi32>], vector<16xf32>,
        %scan3A_854 = arith.constant 0 : i32
        %scan3A_855 = arith.constant 0 : i32
        %scan3A_856 = arith.constant 16 : i32
        %scan3A_857 = arith.addi %scan3A_855, %scan3A_856 : i32
        %scan3A_858 = arith.constant 1 : i32
        %scan3A_859 = scf.for %scan3A_862 = %scan3A_855 to %scan3A_857 step %scan3A_858 iter_args(%scan3A_863 = %scan3A_854) -> (i32)  : i32 {
          %add3A_864 = arith.addi %add3A_415, %scan3A_862 : i32
          %get3A_865 = arith.index_cast %add3A_864 : i32 to index
          %get3A_866 = tpu.vector_load %arg20[%get3A_865] {strides = array<i32>} : memref<864xi32, #tpu.memory_space<vmem>>, vector<16xi32>,
          %slice3A = vector.extract_strided_slice %get3A_866 {offsets = [0], sizes = [1], strides = [1]} : vector<16xi32> to vector<1xi32>
          %squeeze3A = vector.extract %slice3A[0] : i32 from vector<1xi32>
          %sub3A_867 = arith.subi %squeeze3A, %mul3A_2 : i32
          %mul3A_868 = arith.constant 144 : i32
          %mul3A_869 = arith.muli %sub3A_867, %mul3A_868 : i32
          %add3A_870 = arith.constant 128 : i32
          %add3A_871 = arith.addi %mul3A_869, %add3A_870 : i32
          %get3A_872 = arith.index_cast %add3A_871 : i32 to index
          %get3A_873 = tpu.vector_load %arg30[%get3A_872] {strides = array<i32>} : memref<45216xf32, #tpu.memory_space<vmem>>, vector<16xf32>,
          %mul3A_874 = arith.constant 16 : i32
          %mul3A_875 = arith.muli %scan3A_862, %mul3A_874 : i32
          %get3A_876 = arith.index_cast %mul3A_875 : i32 to index
          %get3A_877 = tpu.vector_load %arg29[%get3A_876] {strides = array<i32>} : memref<256xf32, #tpu.memory_space<vmem>>, vector<16xf32>,
          %max3A = arith.maximumf %get3A_873, %get3A_877 : vector<16xf32>
          %swap3A = arith.index_cast %add3A_871 : i32 to index
          %swap3A_878 = tpu.vector_load %arg30[%swap3A] {strides = array<i32>} : memref<45216xf32, #tpu.memory_space<vmem>>, vector<16xf32>,
          tpu.vector_store %arg30[%swap3A], %max3A {strides = array<i32>} : memref<45216xf32, #tpu.memory_space<vmem>>, vector<16xf32>,
          %scan3A_879 = arith.constant 0 : i32
          scf.yield %scan3A_879 : i32
        }
        %scan3A_860 = arith.constant 16 : i32
        %while3A_861 = arith.constant 0 : i32
        scf.yield %while3A_861 : i32
      }
      %jit3A_327 = arith.constant 48 : i32
      %div3A_328 = arith.divsi %scan3A_268, %jit3A_327 : i32
      %sign3A_329 = arith.constant 0 : i32
      %sign3A_330 = arith.cmpi sgt, %scan3A_268, %sign3A_329 : i32
      %sign3A_331 = arith.extui %sign3A_330 : i1 to i32
      %sign3A_332 = arith.constant 0 : i32
      %sign3A_333 = arith.cmpi slt, %scan3A_268, %sign3A_332 : i32
      %sign3A_334 = arith.extui %sign3A_333 : i1 to i32
      %sign3A_335 = arith.subi %sign3A_331, %sign3A_334 : i32
      %sign3A_336 = arith.constant 0 : i32
      %sign3A_337 = arith.cmpi sgt, %jit3A_327, %sign3A_336 : i32
      %sign3A_338 = arith.extui %sign3A_337 : i1 to i32
      %sign3A_339 = arith.constant 0 : i32
      %sign3A_340 = arith.cmpi slt, %jit3A_327, %sign3A_339 : i32
      %sign3A_341 = arith.extui %sign3A_340 : i1 to i32
      %sign3A_342 = arith.subi %sign3A_338, %sign3A_341 : i32
      %ne3A_343 = arith.cmpi ne, %sign3A_335, %sign3A_342 : i32
      %rem3A_344 = arith.remsi %scan3A_268, %jit3A_327 : i32
      %ne3A_345 = arith.constant 0 : i32
      %ne3A_346 = arith.cmpi ne, %rem3A_344, %ne3A_345 : i32
      %and3A_347 = arith.andi %ne3A_343, %ne3A_346 : i1
      %sub3A_348 = arith.constant 1 : i32
      %sub3A_349 = arith.subi %div3A_328, %sub3A_348 : i32
      %select_n3A_350 = arith.select %and3A_347, %sub3A_349, %div3A_328 : i32
      %gt3A_351 = arith.constant 0 : i32
      %gt3A_352 = arith.cmpi sgt, %select_n3A_350, %gt3A_351 : i32
      %convert_element_type3A_353 = arith.extui %gt3A_352 : i1 to i32
      %cond3A_354 = arith.constant 0 : i32
      %cond3A_355 = arith.cmpi ne, %convert_element_type3A_353, %cond3A_354 : i32
      scf.if %cond3A_355 {
        %mul3A_411 = arith.constant 0 : i32
        %mul3A_412 = arith.constant 48 : i32
        %mul3A_413 = arith.muli %mul3A_411, %mul3A_412 : i32
        %multiple_of3A_414 = tpu.assume_multiple %mul3A_413, 8 : i32
        %dma_start3A_415 = arith.constant 0 : i32
        %dma_start3A_416 = arith.constant 0 : i32
        %dma_start3A_417 = arith.constant 0 : i32
        %dma_start3A_418 = tpu.memref_slice %arg22[%dma_start3A_415, %dma_start3A_416, %dma_start3A_417] : memref<2x48x128xf32, #tpu.memory_space<vmem>> -> memref<1x48x128xf32, #tpu.memory_space<vmem>>
        %dma_start3A_419 = tpu.memref_squeeze %dma_start3A_418 : memref<1x48x128xf32, #tpu.memory_space<vmem>> -> memref<48x128xf32, #tpu.memory_space<vmem>>
        %dma_start3A_420 = tpu.memref_slice %arg19[%multiple_of3A_414] : memref<864xi32, #tpu.memory_space<vmem>> -> memref<48xi32, #tpu.memory_space<vmem>>
        %dma_start3A_421 = arith.constant 0 : i32
        %dma_start3A_422 = arith.constant 0 : i32
        %dma_start3A_423 = tpu.memref_slice %arg2[%dma_start3A_421, %dma_start3A_422] : memref<10000x128xf32, #tpu.memory_space<hbm>> -> memref<10000x128xf32, #tpu.memory_space<hbm>>
        tpu.enqueue_indirect_dma source(%dma_start3A_423 : memref<10000x128xf32, #tpu.memory_space<hbm>>) target(%dma_start3A_419 : memref<48x128xf32, #tpu.memory_space<vmem>>) offsets(%dma_start3A_420 : memref<48xi32, #tpu.memory_space<vmem>>) semaphore(%arg32 : memref<!tpu.dma_semaphore, #tpu.memory_space<semaphore_mem>>)
      } else {
      }
      %while3A_356 = arith.constant 0 : i32
      %while3A_357 = arith.constant 0 : i32
      %while3A_358 = arith.subi %select_n3A_350, %while3A_356 : i32
      %while3A_359 = arith.addi %while3A_356, %while3A_358 : i32
      %while3A_360 = arith.constant 1 : i32
      %while3A_361 = arith.divsi %while3A_358, %while3A_360 : i32
      %while3A_362 = arith.muli %while3A_361, %while3A_360 : i32
      %while3A_363 = arith.addi %while3A_356, %while3A_362 : i32
      %while3A_364 = arith.constant 1 : i32
      %while3A_365 = scf.for %while3A_411 = %while3A_356 to %while3A_363 step %while3A_364 iter_args(%while3A_412 = %while3A_357) -> (i32)  : i32 {
        %jit3A_413 = arith.constant 2 : i32
        %eq3A = arith.constant 0 : i32
        %eq3A_414 = arith.cmpi eq, %jit3A_413, %eq3A : i32
        %jit3A_415 = arith.constant 1 : i32
        %select_n3A_416 = arith.select %eq3A_414, %jit3A_415, %jit3A_413 : i32
        %rem3A_417 = arith.remsi %while3A_411, %select_n3A_416 : i32
        %ne3A_418 = arith.constant 0 : i32
        %ne3A_419 = arith.cmpi ne, %rem3A_417, %ne3A_418 : i32
        %lt3A_420 = arith.constant 0 : i32
        %lt3A_421 = arith.cmpi slt, %rem3A_417, %lt3A_420 : i32
        %lt3A_422 = arith.constant 0 : i32
        %lt3A_423 = arith.cmpi slt, %select_n3A_416, %lt3A_422 : i32
        %ne3A_424 = arith.xori %lt3A_421, %lt3A_423 : i1
        %and3A_425 = arith.andi %ne3A_424, %ne3A_419 : i1
        %add3A_426 = arith.addi %rem3A_417, %select_n3A_416 : i32
        %select_n3A_427 = arith.select %and3A_425, %add3A_426, %rem3A_417 : i32
        %eq3A_428 = arith.constant 0 : i32
        %eq3A_429 = arith.cmpi eq, %select_n3A_427, %eq3A_428 : i32
        %convert_element_type3A_430 = arith.extui %eq3A_429 : i1 to i32
        %cond3A_431 = arith.constant 0 : i32
        %cond3A_432 = arith.cmpi ne, %convert_element_type3A_430, %cond3A_431 : i32
        scf.if %cond3A_432 {
          %dma_wait3A_448 = arith.constant 0 : i32
          %dma_wait3A_449 = arith.constant 0 : i32
          %dma_wait3A_450 = arith.constant 0 : i32
          %dma_wait3A_451 = tpu.memref_slice %arg22[%dma_wait3A_448, %dma_wait3A_449, %dma_wait3A_450] : memref<2x48x128xf32, #tpu.memory_space<vmem>> -> memref<1x48x128xf32, #tpu.memory_space<vmem>>
          %dma_wait3A_452 = tpu.memref_squeeze %dma_wait3A_451 : memref<1x48x128xf32, #tpu.memory_space<vmem>> -> memref<48x128xf32, #tpu.memory_space<vmem>>
          %dma_wait3A_453 = arith.constant 0 : i32
          %dma_wait3A_454 = arith.constant 0 : i32
          %dma_wait3A_455 = tpu.memref_slice %arg2[%dma_wait3A_453, %dma_wait3A_454] : memref<10000x128xf32, #tpu.memory_space<hbm>> -> memref<48x128xf32, #tpu.memory_space<hbm>>
          %dma_wait3A_456 = arith.constant 0 : i32
          %dma_wait3A_457 = arith.constant 0 : i32
          %dma_wait3A_458 = tpu.memref_slice %arg22[%dma_wait3A_448, %dma_wait3A_456, %dma_wait3A_457] : memref<2x48x128xf32, #tpu.memory_space<vmem>> -> memref<1x48x128xf32, #tpu.memory_space<vmem>>
          %dma_wait3A_459 = tpu.memref_squeeze %dma_wait3A_458 : memref<1x48x128xf32, #tpu.memory_space<vmem>> -> memref<48x128xf32, #tpu.memory_space<vmem>>
          %dma_wait3A_460 = arith.constant 0 : i32
          %dma_wait3A_461 = arith.constant 0 : i32
          %dma_wait3A_462 = tpu.memref_slice %arg2[%dma_wait3A_460, %dma_wait3A_461] : memref<10000x128xf32, #tpu.memory_space<hbm>> -> memref<48x128xf32, #tpu.memory_space<hbm>>
          tpu.wait_dma2 semaphore(%arg32 : memref<!tpu.dma_semaphore, #tpu.memory_space<semaphore_mem>>) src(%dma_wait3A_462 : memref<48x128xf32, #tpu.memory_space<hbm>>) dst(%dma_wait3A_459 : memref<48x128xf32, #tpu.memory_space<vmem>>)
          %add3A_463 = arith.constant 1 : i32
          %add3A_464 = arith.addi %while3A_411, %add3A_463 : i32
          %lt3A_465 = arith.cmpi slt, %add3A_464, %select_n3A_350 : i32
          %convert_element_type3A_466 = arith.extui %lt3A_465 : i1 to i32
          %cond3A_467 = arith.constant 0 : i32
          %cond3A_468 = arith.cmpi ne, %convert_element_type3A_466, %cond3A_467 : i32
          scf.if %cond3A_468 {
            %add3A_469 = arith.constant 1 : i32
            %add3A_470 = arith.addi %while3A_411, %add3A_469 : i32
            %mul3A_471 = arith.constant 48 : i32
            %mul3A_472 = arith.muli %add3A_470, %mul3A_471 : i32
            %multiple_of3A_473 = tpu.assume_multiple %mul3A_472, 8 : i32
            %dma_start3A_474 = arith.constant 1 : i32
            %dma_start3A_475 = arith.constant 0 : i32
            %dma_start3A_476 = arith.constant 0 : i32
            %dma_start3A_477 = tpu.memref_slice %arg22[%dma_start3A_474, %dma_start3A_475, %dma_start3A_476] : memref<2x48x128xf32, #tpu.memory_space<vmem>> -> memref<1x48x128xf32, #tpu.memory_space<vmem>>
            %dma_start3A_478 = tpu.memref_squeeze %dma_start3A_477 : memref<1x48x128xf32, #tpu.memory_space<vmem>> -> memref<48x128xf32, #tpu.memory_space<vmem>>
            %dma_start3A_479 = tpu.memref_slice %arg19[%multiple_of3A_473] : memref<864xi32, #tpu.memory_space<vmem>> -> memref<48xi32, #tpu.memory_space<vmem>>
            %dma_start3A_480 = arith.constant 0 : i32
            %dma_start3A_481 = arith.constant 0 : i32
            %dma_start3A_482 = tpu.memref_slice %arg2[%dma_start3A_480, %dma_start3A_481] : memref<10000x128xf32, #tpu.memory_space<hbm>> -> memref<10000x128xf32, #tpu.memory_space<hbm>>
            tpu.enqueue_indirect_dma source(%dma_start3A_482 : memref<10000x128xf32, #tpu.memory_space<hbm>>) target(%dma_start3A_478 : memref<48x128xf32, #tpu.memory_space<vmem>>) offsets(%dma_start3A_479 : memref<48xi32, #tpu.memory_space<vmem>>) semaphore(%arg33 : memref<!tpu.dma_semaphore, #tpu.memory_space<semaphore_mem>>)
          } else {
          }
        } else {
        }
        %eq3A_433 = arith.constant 1 : i32
        %eq3A_434 = arith.cmpi eq, %select_n3A_427, %eq3A_433 : i32
        %convert_element_type3A_435 = arith.extui %eq3A_434 : i1 to i32
        %cond3A_436 = arith.constant 0 : i32
        %cond3A_437 = arith.cmpi ne, %convert_element_type3A_435, %cond3A_436 : i32
        scf.if %cond3A_437 {
          %dma_wait3A_448 = arith.constant 1 : i32
          %dma_wait3A_449 = arith.constant 0 : i32
          %dma_wait3A_450 = arith.constant 0 : i32
          %dma_wait3A_451 = tpu.memref_slice %arg22[%dma_wait3A_448, %dma_wait3A_449, %dma_wait3A_450] : memref<2x48x128xf32, #tpu.memory_space<vmem>> -> memref<1x48x128xf32, #tpu.memory_space<vmem>>
          %dma_wait3A_452 = tpu.memref_squeeze %dma_wait3A_451 : memref<1x48x128xf32, #tpu.memory_space<vmem>> -> memref<48x128xf32, #tpu.memory_space<vmem>>
          %dma_wait3A_453 = arith.constant 0 : i32
          %dma_wait3A_454 = arith.constant 0 : i32
          %dma_wait3A_455 = tpu.memref_slice %arg2[%dma_wait3A_453, %dma_wait3A_454] : memref<10000x128xf32, #tpu.memory_space<hbm>> -> memref<48x128xf32, #tpu.memory_space<hbm>>
          %dma_wait3A_456 = arith.constant 0 : i32
          %dma_wait3A_457 = arith.constant 0 : i32
          %dma_wait3A_458 = tpu.memref_slice %arg22[%dma_wait3A_448, %dma_wait3A_456, %dma_wait3A_457] : memref<2x48x128xf32, #tpu.memory_space<vmem>> -> memref<1x48x128xf32, #tpu.memory_space<vmem>>
          %dma_wait3A_459 = tpu.memref_squeeze %dma_wait3A_458 : memref<1x48x128xf32, #tpu.memory_space<vmem>> -> memref<48x128xf32, #tpu.memory_space<vmem>>
          %dma_wait3A_460 = arith.constant 0 : i32
          %dma_wait3A_461 = arith.constant 0 : i32
          %dma_wait3A_462 = tpu.memref_slice %arg2[%dma_wait3A_460, %dma_wait3A_461] : memref<10000x128xf32, #tpu.memory_space<hbm>> -> memref<48x128xf32, #tpu.memory_space<hbm>>
          tpu.wait_dma2 semaphore(%arg33 : memref<!tpu.dma_semaphore, #tpu.memory_space<semaphore_mem>>) src(%dma_wait3A_462 : memref<48x128xf32, #tpu.memory_space<hbm>>) dst(%dma_wait3A_459 : memref<48x128xf32, #tpu.memory_space<vmem>>)
          %add3A_463 = arith.constant 1 : i32
          %add3A_464 = arith.addi %while3A_411, %add3A_463 : i32
          %lt3A_465 = arith.cmpi slt, %add3A_464, %select_n3A_350 : i32
          %convert_element_type3A_466 = arith.extui %lt3A_465 : i1 to i32
          %cond3A_467 = arith.constant 0 : i32
          %cond3A_468 = arith.cmpi ne, %convert_element_type3A_466, %cond3A_467 : i32
          scf.if %cond3A_468 {
            %add3A_469 = arith.constant 1 : i32
            %add3A_470 = arith.addi %while3A_411, %add3A_469 : i32
            %mul3A_471 = arith.constant 48 : i32
            %mul3A_472 = arith.muli %add3A_470, %mul3A_471 : i32
            %multiple_of3A_473 = tpu.assume_multiple %mul3A_472, 8 : i32
            %dma_start3A_474 = arith.constant 0 : i32
            %dma_start3A_475 = arith.constant 0 : i32
            %dma_start3A_476 = arith.constant 0 : i32
            %dma_start3A_477 = tpu.memref_slice %arg22[%dma_start3A_474, %dma_start3A_475, %dma_start3A_476] : memref<2x48x128xf32, #tpu.memory_space<vmem>> -> memref<1x48x128xf32, #tpu.memory_space<vmem>>
            %dma_start3A_478 = tpu.memref_squeeze %dma_start3A_477 : memref<1x48x128xf32, #tpu.memory_space<vmem>> -> memref<48x128xf32, #tpu.memory_space<vmem>>
            %dma_start3A_479 = tpu.memref_slice %arg19[%multiple_of3A_473] : memref<864xi32, #tpu.memory_space<vmem>> -> memref<48xi32, #tpu.memory_space<vmem>>
            %dma_start3A_480 = arith.constant 0 : i32
            %dma_start3A_481 = arith.constant 0 : i32
            %dma_start3A_482 = tpu.memref_slice %arg2[%dma_start3A_480, %dma_start3A_481] : memref<10000x128xf32, #tpu.memory_space<hbm>> -> memref<10000x128xf32, #tpu.memory_space<hbm>>
            tpu.enqueue_indirect_dma source(%dma_start3A_482 : memref<10000x128xf32, #tpu.memory_space<hbm>>) target(%dma_start3A_478 : memref<48x128xf32, #tpu.memory_space<vmem>>) offsets(%dma_start3A_479 : memref<48xi32, #tpu.memory_space<vmem>>) semaphore(%arg32 : memref<!tpu.dma_semaphore, #tpu.memory_space<semaphore_mem>>)
          } else {
          }
        } else {
        }
        %mul3A_438 = arith.constant 48 : i32
        %mul3A_439 = arith.muli %while3A_411, %mul3A_438 : i32
        %scan3A_440 = arith.constant 0 : i32
        %scan3A_441 = arith.constant 0 : i32
        %scan3A_442 = arith.constant 48 : i32
        %scan3A_443 = arith.addi %scan3A_441, %scan3A_442 : i32
        %scan3A_444 = arith.constant 1 : i32
        %scan3A_445 = scf.for %scan3A_448 = %scan3A_441 to %scan3A_443 step %scan3A_444 iter_args(%scan3A_449 = %scan3A_440) -> (i32)  : i32 {
          %add3A_450 = arith.addi %mul3A_439, %scan3A_448 : i32
          %get3A_451 = arith.index_cast %add3A_450 : i32 to index
          %get3A_452 = tpu.vector_load %arg20[%get3A_451] {strides = array<i32>} : memref<864xi32, #tpu.memory_space<vmem>>, vector<16xi32>,
          %slice3A = vector.extract_strided_slice %get3A_452 {offsets = [0], sizes = [1], strides = [1]} : vector<16xi32> to vector<1xi32>
          %squeeze3A = vector.extract %slice3A[0] : i32 from vector<1xi32>
          %sub3A_453 = arith.subi %squeeze3A, %mul3A_2 : i32
          %mul3A_454 = arith.constant 144 : i32
          %mul3A_455 = arith.muli %sub3A_453, %mul3A_454 : i32
          %add3A_456 = arith.constant 0 : i32
          %add3A_457 = arith.addi %mul3A_455, %add3A_456 : i32
          %get3A_458 = arith.index_cast %add3A_457 : i32 to index
          %get3A_459 = tpu.vector_load %arg30[%get3A_458] {strides = array<i32>} : memref<45216xf32, #tpu.memory_space<vmem>>, vector<16xf32>,
          %get3A_460 = arith.index_cast %select_n3A_427 : i32 to index
          %get3A_461 = arith.index_cast %scan3A_448 : i32 to index
          %get3A_462 = arith.constant 0 : index
          %get3A_463 = tpu.vector_load %arg22[%get3A_460, %get3A_461, %get3A_462] {strides = array<i32>} : memref<2x48x128xf32, #tpu.memory_space<vmem>>, vector<16xf32>,
          %max3A = arith.maximumf %get3A_459, %get3A_463 : vector<16xf32>
          %swap3A = arith.index_cast %add3A_457 : i32 to index
          %swap3A_464 = tpu.vector_load %arg30[%swap3A] {strides = array<i32>} : memref<45216xf32, #tpu.memory_space<vmem>>, vector<16xf32>,
          tpu.vector_store %arg30[%swap3A], %max3A {strides = array<i32>} : memref<45216xf32, #tpu.memory_space<vmem>>, vector<16xf32>,
          %add3A_465 = arith.constant 16 : i32
          %add3A_466 = arith.addi %mul3A_455, %add3A_465 : i32
          %get3A_467 = arith.index_cast %add3A_466 : i32 to index
          %get3A_468 = tpu.vector_load %arg30[%get3A_467] {strides = array<i32>} : memref<45216xf32, #tpu.memory_space<vmem>>, vector<16xf32>,
          %get3A_469 = arith.index_cast %select_n3A_427 : i32 to index
          %get3A_470 = arith.index_cast %scan3A_448 : i32 to index
          %get3A_471 = arith.constant 16 : index
          %get3A_472 = tpu.vector_load %arg22[%get3A_469, %get3A_470, %get3A_471] {strides = array<i32>} : memref<2x48x128xf32, #tpu.memory_space<vmem>>, vector<16xf32>,
          %max3A_473 = arith.maximumf %get3A_468, %get3A_472 : vector<16xf32>
          %swap3A_474 = arith.index_cast %add3A_466 : i32 to index
          %swap3A_475 = tpu.vector_load %arg30[%swap3A_474] {strides = array<i32>} : memref<45216xf32, #tpu.memory_space<vmem>>, vector<16xf32>,
          tpu.vector_store %arg30[%swap3A_474], %max3A_473 {strides = array<i32>} : memref<45216xf32, #tpu.memory_space<vmem>>, vector<16xf32>,
          %add3A_476 = arith.constant 32 : i32
          %add3A_477 = arith.addi %mul3A_455, %add3A_476 : i32
          %get3A_478 = arith.index_cast %add3A_477 : i32 to index
          %get3A_479 = tpu.vector_load %arg30[%get3A_478] {strides = array<i32>} : memref<45216xf32, #tpu.memory_space<vmem>>, vector<16xf32>,
          %get3A_480 = arith.index_cast %select_n3A_427 : i32 to index
          %get3A_481 = arith.index_cast %scan3A_448 : i32 to index
          %get3A_482 = arith.constant 32 : index
          %get3A_483 = tpu.vector_load %arg22[%get3A_480, %get3A_481, %get3A_482] {strides = array<i32>} : memref<2x48x128xf32, #tpu.memory_space<vmem>>, vector<16xf32>,
          %max3A_484 = arith.maximumf %get3A_479, %get3A_483 : vector<16xf32>
          %swap3A_485 = arith.index_cast %add3A_477 : i32 to index
          %swap3A_486 = tpu.vector_load %arg30[%swap3A_485] {strides = array<i32>} : memref<45216xf32, #tpu.memory_space<vmem>>, vector<16xf32>,
          tpu.vector_store %arg30[%swap3A_485], %max3A_484 {strides = array<i32>} : memref<45216xf32, #tpu.memory_space<vmem>>, vector<16xf32>,
          %add3A_487 = arith.constant 48 : i32
          %add3A_488 = arith.addi %mul3A_455, %add3A_487 : i32
          %get3A_489 = arith.index_cast %add3A_488 : i32 to index
          %get3A_490 = tpu.vector_load %arg30[%get3A_489] {strides = array<i32>} : memref<45216xf32, #tpu.memory_space<vmem>>, vector<16xf32>,
          %get3A_491 = arith.index_cast %select_n3A_427 : i32 to index
          %get3A_492 = arith.index_cast %scan3A_448 : i32 to index
          %get3A_493 = arith.constant 48 : index
          %get3A_494 = tpu.vector_load %arg22[%get3A_491, %get3A_492, %get3A_493] {strides = array<i32>} : memref<2x48x128xf32, #tpu.memory_space<vmem>>, vector<16xf32>,
          %max3A_495 = arith.maximumf %get3A_490, %get3A_494 : vector<16xf32>
          %swap3A_496 = arith.index_cast %add3A_488 : i32 to index
          %swap3A_497 = tpu.vector_load %arg30[%swap3A_496] {strides = array<i32>} : memref<45216xf32, #tpu.memory_space<vmem>>, vector<16xf32>,
          tpu.vector_store %arg30[%swap3A_496], %max3A_495 {strides = array<i32>} : memref<45216xf32, #tpu.memory_space<vmem>>, vector<16xf32>,
          %add3A_498 = arith.constant 64 : i32
          %add3A_499 = arith.addi %mul3A_455, %add3A_498 : i32
          %get3A_500 = arith.index_cast %add3A_499 : i32 to index
          %get3A_501 = tpu.vector_load %arg30[%get3A_500] {strides = array<i32>} : memref<45216xf32, #tpu.memory_space<vmem>>, vector<16xf32>,
          %get3A_502 = arith.index_cast %select_n3A_427 : i32 to index
          %get3A_503 = arith.index_cast %scan3A_448 : i32 to index
          %get3A_504 = arith.constant 64 : index
          %get3A_505 = tpu.vector_load %arg22[%get3A_502, %get3A_503, %get3A_504] {strides = array<i32>} : memref<2x48x128xf32, #tpu.memory_space<vmem>>, vector<16xf32>,
          %max3A_506 = arith.maximumf %get3A_501, %get3A_505 : vector<16xf32>
          %swap3A_507 = arith.index_cast %add3A_499 : i32 to index
          %swap3A_508 = tpu.vector_load %arg30[%swap3A_507] {strides = array<i32>} : memref<45216xf32, #tpu.memory_space<vmem>>, vector<16xf32>,
          tpu.vector_store %arg30[%swap3A_507], %max3A_506 {strides = array<i32>} : memref<45216xf32, #tpu.memory_space<vmem>>, vector<16xf32>,
          %add3A_509 = arith.constant 80 : i32
          %add3A_510 = arith.addi %mul3A_455, %add3A_509 : i32
          %get3A_511 = arith.index_cast %add3A_510 : i32 to index
          %get3A_512 = tpu.vector_load %arg30[%get3A_511] {strides = array<i32>} : memref<45216xf32, #tpu.memory_space<vmem>>, vector<16xf32>,
          %get3A_513 = arith.index_cast %select_n3A_427 : i32 to index
          %get3A_514 = arith.index_cast %scan3A_448 : i32 to index
          %get3A_515 = arith.constant 80 : index
          %get3A_516 = tpu.vector_load %arg22[%get3A_513, %get3A_514, %get3A_515] {strides = array<i32>} : memref<2x48x128xf32, #tpu.memory_space<vmem>>, vector<16xf32>,
          %max3A_517 = arith.maximumf %get3A_512, %get3A_516 : vector<16xf32>
          %swap3A_518 = arith.index_cast %add3A_510 : i32 to index
          %swap3A_519 = tpu.vector_load %arg30[%swap3A_518] {strides = array<i32>} : memref<45216xf32, #tpu.memory_space<vmem>>, vector<16xf32>,
          tpu.vector_store %arg30[%swap3A_518], %max3A_517 {strides = array<i32>} : memref<45216xf32, #tpu.memory_space<vmem>>, vector<16xf32>,
          %add3A_520 = arith.constant 96 : i32
          %add3A_521 = arith.addi %mul3A_455, %add3A_520 : i32
          %get3A_522 = arith.index_cast %add3A_521 : i32 to index
          %get3A_523 = tpu.vector_load %arg30[%get3A_522] {strides = array<i32>} : memref<45216xf32, #tpu.memory_space<vmem>>, vector<16xf32>,
          %get3A_524 = arith.index_cast %select_n3A_427 : i32 to index
          %get3A_525 = arith.index_cast %scan3A_448 : i32 to index
          %get3A_526 = arith.constant 96 : index
          %get3A_527 = tpu.vector_load %arg22[%get3A_524, %get3A_525, %get3A_526] {strides = array<i32>} : memref<2x48x128xf32, #tpu.memory_space<vmem>>, vector<16xf32>,
          %max3A_528 = arith.maximumf %get3A_523, %get3A_527 : vector<16xf32>
          %swap3A_529 = arith.index_cast %add3A_521 : i32 to index
          %swap3A_530 = tpu.vector_load %arg30[%swap3A_529] {strides = array<i32>} : memref<45216xf32, #tpu.memory_space<vmem>>, vector<16xf32>,
          tpu.vector_store %arg30[%swap3A_529], %max3A_528 {strides = array<i32>} : memref<45216xf32, #tpu.memory_space<vmem>>, vector<16xf32>,
          %add3A_531 = arith.constant 112 : i32
          %add3A_532 = arith.addi %mul3A_455, %add3A_531 : i32
          %get3A_533 = arith.index_cast %add3A_532 : i32 to index
          %get3A_534 = tpu.vector_load %arg30[%get3A_533] {strides = array<i32>} : memref<45216xf32, #tpu.memory_space<vmem>>, vector<16xf32>,
          %get3A_535 = arith.index_cast %select_n3A_427 : i32 to index
          %get3A_536 = arith.index_cast %scan3A_448 : i32 to index
          %get3A_537 = arith.constant 112 : index
          %get3A_538 = tpu.vector_load %arg22[%get3A_535, %get3A_536, %get3A_537] {strides = array<i32>} : memref<2x48x128xf32, #tpu.memory_space<vmem>>, vector<16xf32>,
          %max3A_539 = arith.maximumf %get3A_534, %get3A_538 : vector<16xf32>
          %swap3A_540 = arith.index_cast %add3A_532 : i32 to index
          %swap3A_541 = tpu.vector_load %arg30[%swap3A_540] {strides = array<i32>} : memref<45216xf32, #tpu.memory_space<vmem>>, vector<16xf32>,
          tpu.vector_store %arg30[%swap3A_540], %max3A_539 {strides = array<i32>} : memref<45216xf32, #tpu.memory_space<vmem>>, vector<16xf32>,
          %scan3A_542 = arith.constant 0 : i32
          scf.yield %scan3A_542 : i32
        }
        %scan3A_446 = arith.constant 48 : i32
        %while3A_447 = arith.constant 0 : i32
        scf.yield %while3A_447 : i32
      }
      %while3A_366 = arith.constant 1 : i32
      %while3A_367 = scf.for %while3A_411 = %while3A_363 to %while3A_359 step %while3A_366 iter_args(%while3A_412 = %while3A_365) -> (i32)  : i32 {
        %jit3A_413 = arith.constant 2 : i32
        %eq3A = arith.constant 0 : i32
        %eq3A_414 = arith.cmpi eq, %jit3A_413, %eq3A : i32
        %jit3A_415 = arith.constant 1 : i32
        %select_n3A_416 = arith.select %eq3A_414, %jit3A_415, %jit3A_413 : i32
        %rem3A_417 = arith.remsi %while3A_411, %select_n3A_416 : i32
        %ne3A_418 = arith.constant 0 : i32
        %ne3A_419 = arith.cmpi ne, %rem3A_417, %ne3A_418 : i32
        %lt3A_420 = arith.constant 0 : i32
        %lt3A_421 = arith.cmpi slt, %rem3A_417, %lt3A_420 : i32
        %lt3A_422 = arith.constant 0 : i32
        %lt3A_423 = arith.cmpi slt, %select_n3A_416, %lt3A_422 : i32
        %ne3A_424 = arith.xori %lt3A_421, %lt3A_423 : i1
        %and3A_425 = arith.andi %ne3A_424, %ne3A_419 : i1
        %add3A_426 = arith.addi %rem3A_417, %select_n3A_416 : i32
        %select_n3A_427 = arith.select %and3A_425, %add3A_426, %rem3A_417 : i32
        %eq3A_428 = arith.constant 0 : i32
        %eq3A_429 = arith.cmpi eq, %select_n3A_427, %eq3A_428 : i32
        %convert_element_type3A_430 = arith.extui %eq3A_429 : i1 to i32
        %cond3A_431 = arith.constant 0 : i32
        %cond3A_432 = arith.cmpi ne, %convert_element_type3A_430, %cond3A_431 : i32
        scf.if %cond3A_432 {
          %dma_wait3A_448 = arith.constant 0 : i32
          %dma_wait3A_449 = arith.constant 0 : i32
          %dma_wait3A_450 = arith.constant 0 : i32
          %dma_wait3A_451 = tpu.memref_slice %arg22[%dma_wait3A_448, %dma_wait3A_449, %dma_wait3A_450] : memref<2x48x128xf32, #tpu.memory_space<vmem>> -> memref<1x48x128xf32, #tpu.memory_space<vmem>>
          %dma_wait3A_452 = tpu.memref_squeeze %dma_wait3A_451 : memref<1x48x128xf32, #tpu.memory_space<vmem>> -> memref<48x128xf32, #tpu.memory_space<vmem>>
          %dma_wait3A_453 = arith.constant 0 : i32
          %dma_wait3A_454 = arith.constant 0 : i32
          %dma_wait3A_455 = tpu.memref_slice %arg2[%dma_wait3A_453, %dma_wait3A_454] : memref<10000x128xf32, #tpu.memory_space<hbm>> -> memref<48x128xf32, #tpu.memory_space<hbm>>
          %dma_wait3A_456 = arith.constant 0 : i32
          %dma_wait3A_457 = arith.constant 0 : i32
          %dma_wait3A_458 = tpu.memref_slice %arg22[%dma_wait3A_448, %dma_wait3A_456, %dma_wait3A_457] : memref<2x48x128xf32, #tpu.memory_space<vmem>> -> memref<1x48x128xf32, #tpu.memory_space<vmem>>
          %dma_wait3A_459 = tpu.memref_squeeze %dma_wait3A_458 : memref<1x48x128xf32, #tpu.memory_space<vmem>> -> memref<48x128xf32, #tpu.memory_space<vmem>>
          %dma_wait3A_460 = arith.constant 0 : i32
          %dma_wait3A_461 = arith.constant 0 : i32
          %dma_wait3A_462 = tpu.memref_slice %arg2[%dma_wait3A_460, %dma_wait3A_461] : memref<10000x128xf32, #tpu.memory_space<hbm>> -> memref<48x128xf32, #tpu.memory_space<hbm>>
          tpu.wait_dma2 semaphore(%arg32 : memref<!tpu.dma_semaphore, #tpu.memory_space<semaphore_mem>>) src(%dma_wait3A_462 : memref<48x128xf32, #tpu.memory_space<hbm>>) dst(%dma_wait3A_459 : memref<48x128xf32, #tpu.memory_space<vmem>>)
          %add3A_463 = arith.constant 1 : i32
          %add3A_464 = arith.addi %while3A_411, %add3A_463 : i32
          %lt3A_465 = arith.cmpi slt, %add3A_464, %select_n3A_350 : i32
          %convert_element_type3A_466 = arith.extui %lt3A_465 : i1 to i32
          %cond3A_467 = arith.constant 0 : i32
          %cond3A_468 = arith.cmpi ne, %convert_element_type3A_466, %cond3A_467 : i32
          scf.if %cond3A_468 {
            %add3A_469 = arith.constant 1 : i32
            %add3A_470 = arith.addi %while3A_411, %add3A_469 : i32
            %mul3A_471 = arith.constant 48 : i32
            %mul3A_472 = arith.muli %add3A_470, %mul3A_471 : i32
            %multiple_of3A_473 = tpu.assume_multiple %mul3A_472, 8 : i32
            %dma_start3A_474 = arith.constant 1 : i32
            %dma_start3A_475 = arith.constant 0 : i32
            %dma_start3A_476 = arith.constant 0 : i32
            %dma_start3A_477 = tpu.memref_slice %arg22[%dma_start3A_474, %dma_start3A_475, %dma_start3A_476] : memref<2x48x128xf32, #tpu.memory_space<vmem>> -> memref<1x48x128xf32, #tpu.memory_space<vmem>>
            %dma_start3A_478 = tpu.memref_squeeze %dma_start3A_477 : memref<1x48x128xf32, #tpu.memory_space<vmem>> -> memref<48x128xf32, #tpu.memory_space<vmem>>
            %dma_start3A_479 = tpu.memref_slice %arg19[%multiple_of3A_473] : memref<864xi32, #tpu.memory_space<vmem>> -> memref<48xi32, #tpu.memory_space<vmem>>
            %dma_start3A_480 = arith.constant 0 : i32
            %dma_start3A_481 = arith.constant 0 : i32
            %dma_start3A_482 = tpu.memref_slice %arg2[%dma_start3A_480, %dma_start3A_481] : memref<10000x128xf32, #tpu.memory_space<hbm>> -> memref<10000x128xf32, #tpu.memory_space<hbm>>
            tpu.enqueue_indirect_dma source(%dma_start3A_482 : memref<10000x128xf32, #tpu.memory_space<hbm>>) target(%dma_start3A_478 : memref<48x128xf32, #tpu.memory_space<vmem>>) offsets(%dma_start3A_479 : memref<48xi32, #tpu.memory_space<vmem>>) semaphore(%arg33 : memref<!tpu.dma_semaphore, #tpu.memory_space<semaphore_mem>>)
          } else {
          }
        } else {
        }
        %eq3A_433 = arith.constant 1 : i32
        %eq3A_434 = arith.cmpi eq, %select_n3A_427, %eq3A_433 : i32
        %convert_element_type3A_435 = arith.extui %eq3A_434 : i1 to i32
        %cond3A_436 = arith.constant 0 : i32
        %cond3A_437 = arith.cmpi ne, %convert_element_type3A_435, %cond3A_436 : i32
        scf.if %cond3A_437 {
          %dma_wait3A_448 = arith.constant 1 : i32
          %dma_wait3A_449 = arith.constant 0 : i32
          %dma_wait3A_450 = arith.constant 0 : i32
          %dma_wait3A_451 = tpu.memref_slice %arg22[%dma_wait3A_448, %dma_wait3A_449, %dma_wait3A_450] : memref<2x48x128xf32, #tpu.memory_space<vmem>> -> memref<1x48x128xf32, #tpu.memory_space<vmem>>
          %dma_wait3A_452 = tpu.memref_squeeze %dma_wait3A_451 : memref<1x48x128xf32, #tpu.memory_space<vmem>> -> memref<48x128xf32, #tpu.memory_space<vmem>>
          %dma_wait3A_453 = arith.constant 0 : i32
          %dma_wait3A_454 = arith.constant 0 : i32
          %dma_wait3A_455 = tpu.memref_slice %arg2[%dma_wait3A_453, %dma_wait3A_454] : memref<10000x128xf32, #tpu.memory_space<hbm>> -> memref<48x128xf32, #tpu.memory_space<hbm>>
          %dma_wait3A_456 = arith.constant 0 : i32
          %dma_wait3A_457 = arith.constant 0 : i32
          %dma_wait3A_458 = tpu.memref_slice %arg22[%dma_wait3A_448, %dma_wait3A_456, %dma_wait3A_457] : memref<2x48x128xf32, #tpu.memory_space<vmem>> -> memref<1x48x128xf32, #tpu.memory_space<vmem>>
          %dma_wait3A_459 = tpu.memref_squeeze %dma_wait3A_458 : memref<1x48x128xf32, #tpu.memory_space<vmem>> -> memref<48x128xf32, #tpu.memory_space<vmem>>
          %dma_wait3A_460 = arith.constant 0 : i32
          %dma_wait3A_461 = arith.constant 0 : i32
          %dma_wait3A_462 = tpu.memref_slice %arg2[%dma_wait3A_460, %dma_wait3A_461] : memref<10000x128xf32, #tpu.memory_space<hbm>> -> memref<48x128xf32, #tpu.memory_space<hbm>>
          tpu.wait_dma2 semaphore(%arg33 : memref<!tpu.dma_semaphore, #tpu.memory_space<semaphore_mem>>) src(%dma_wait3A_462 : memref<48x128xf32, #tpu.memory_space<hbm>>) dst(%dma_wait3A_459 : memref<48x128xf32, #tpu.memory_space<vmem>>)
          %add3A_463 = arith.constant 1 : i32
          %add3A_464 = arith.addi %while3A_411, %add3A_463 : i32
          %lt3A_465 = arith.cmpi slt, %add3A_464, %select_n3A_350 : i32
          %convert_element_type3A_466 = arith.extui %lt3A_465 : i1 to i32
          %cond3A_467 = arith.constant 0 : i32
          %cond3A_468 = arith.cmpi ne, %convert_element_type3A_466, %cond3A_467 : i32
          scf.if %cond3A_468 {
            %add3A_469 = arith.constant 1 : i32
            %add3A_470 = arith.addi %while3A_411, %add3A_469 : i32
            %mul3A_471 = arith.constant 48 : i32
            %mul3A_472 = arith.muli %add3A_470, %mul3A_471 : i32
            %multiple_of3A_473 = tpu.assume_multiple %mul3A_472, 8 : i32
            %dma_start3A_474 = arith.constant 0 : i32
            %dma_start3A_475 = arith.constant 0 : i32
            %dma_start3A_476 = arith.constant 0 : i32
            %dma_start3A_477 = tpu.memref_slice %arg22[%dma_start3A_474, %dma_start3A_475, %dma_start3A_476] : memref<2x48x128xf32, #tpu.memory_space<vmem>> -> memref<1x48x128xf32, #tpu.memory_space<vmem>>
            %dma_start3A_478 = tpu.memref_squeeze %dma_start3A_477 : memref<1x48x128xf32, #tpu.memory_space<vmem>> -> memref<48x128xf32, #tpu.memory_space<vmem>>
            %dma_start3A_479 = tpu.memref_slice %arg19[%multiple_of3A_473] : memref<864xi32, #tpu.memory_space<vmem>> -> memref<48xi32, #tpu.memory_space<vmem>>
            %dma_start3A_480 = arith.constant 0 : i32
            %dma_start3A_481 = arith.constant 0 : i32
            %dma_start3A_482 = tpu.memref_slice %arg2[%dma_start3A_480, %dma_start3A_481] : memref<10000x128xf32, #tpu.memory_space<hbm>> -> memref<10000x128xf32, #tpu.memory_space<hbm>>
            tpu.enqueue_indirect_dma source(%dma_start3A_482 : memref<10000x128xf32, #tpu.memory_space<hbm>>) target(%dma_start3A_478 : memref<48x128xf32, #tpu.memory_space<vmem>>) offsets(%dma_start3A_479 : memref<48xi32, #tpu.memory_space<vmem>>) semaphore(%arg32 : memref<!tpu.dma_semaphore, #tpu.memory_space<semaphore_mem>>)
          } else {
          }
        } else {
        }
        %mul3A_438 = arith.constant 48 : i32
        %mul3A_439 = arith.muli %while3A_411, %mul3A_438 : i32
        %scan3A_440 = arith.constant 0 : i32
        %scan3A_441 = arith.constant 0 : i32
        %scan3A_442 = arith.constant 48 : i32
        %scan3A_443 = arith.addi %scan3A_441, %scan3A_442 : i32
        %scan3A_444 = arith.constant 1 : i32
        %scan3A_445 = scf.for %scan3A_448 = %scan3A_441 to %scan3A_443 step %scan3A_444 iter_args(%scan3A_449 = %scan3A_440) -> (i32)  : i32 {
          %add3A_450 = arith.addi %mul3A_439, %scan3A_448 : i32
          %get3A_451 = arith.index_cast %add3A_450 : i32 to index
          %get3A_452 = tpu.vector_load %arg20[%get3A_451] {strides = array<i32>} : memref<864xi32, #tpu.memory_space<vmem>>, vector<16xi32>,
          %slice3A = vector.extract_strided_slice %get3A_452 {offsets = [0], sizes = [1], strides = [1]} : vector<16xi32> to vector<1xi32>
          %squeeze3A = vector.extract %slice3A[0] : i32 from vector<1xi32>
          %sub3A_453 = arith.subi %squeeze3A, %mul3A_2 : i32
          %mul3A_454 = arith.constant 144 : i32
          %mul3A_455 = arith.muli %sub3A_453, %mul3A_454 : i32
          %add3A_456 = arith.constant 0 : i32
          %add3A_457 = arith.addi %mul3A_455, %add3A_456 : i32
          %get3A_458 = arith.index_cast %add3A_457 : i32 to index
          %get3A_459 = tpu.vector_load %arg30[%get3A_458] {strides = array<i32>} : memref<45216xf32, #tpu.memory_space<vmem>>, vector<16xf32>,
          %get3A_460 = arith.index_cast %select_n3A_427 : i32 to index
          %get3A_461 = arith.index_cast %scan3A_448 : i32 to index
          %get3A_462 = arith.constant 0 : index
          %get3A_463 = tpu.vector_load %arg22[%get3A_460, %get3A_461, %get3A_462] {strides = array<i32>} : memref<2x48x128xf32, #tpu.memory_space<vmem>>, vector<16xf32>,
          %max3A = arith.maximumf %get3A_459, %get3A_463 : vector<16xf32>
          %swap3A = arith.index_cast %add3A_457 : i32 to index
          %swap3A_464 = tpu.vector_load %arg30[%swap3A] {strides = array<i32>} : memref<45216xf32, #tpu.memory_space<vmem>>, vector<16xf32>,
          tpu.vector_store %arg30[%swap3A], %max3A {strides = array<i32>} : memref<45216xf32, #tpu.memory_space<vmem>>, vector<16xf32>,
          %add3A_465 = arith.constant 16 : i32
          %add3A_466 = arith.addi %mul3A_455, %add3A_465 : i32
          %get3A_467 = arith.index_cast %add3A_466 : i32 to index
          %get3A_468 = tpu.vector_load %arg30[%get3A_467] {strides = array<i32>} : memref<45216xf32, #tpu.memory_space<vmem>>, vector<16xf32>,
          %get3A_469 = arith.index_cast %select_n3A_427 : i32 to index
          %get3A_470 = arith.index_cast %scan3A_448 : i32 to index
          %get3A_471 = arith.constant 16 : index
          %get3A_472 = tpu.vector_load %arg22[%get3A_469, %get3A_470, %get3A_471] {strides = array<i32>} : memref<2x48x128xf32, #tpu.memory_space<vmem>>, vector<16xf32>,
          %max3A_473 = arith.maximumf %get3A_468, %get3A_472 : vector<16xf32>
          %swap3A_474 = arith.index_cast %add3A_466 : i32 to index
          %swap3A_475 = tpu.vector_load %arg30[%swap3A_474] {strides = array<i32>} : memref<45216xf32, #tpu.memory_space<vmem>>, vector<16xf32>,
          tpu.vector_store %arg30[%swap3A_474], %max3A_473 {strides = array<i32>} : memref<45216xf32, #tpu.memory_space<vmem>>, vector<16xf32>,
          %add3A_476 = arith.constant 32 : i32
          %add3A_477 = arith.addi %mul3A_455, %add3A_476 : i32
          %get3A_478 = arith.index_cast %add3A_477 : i32 to index
          %get3A_479 = tpu.vector_load %arg30[%get3A_478] {strides = array<i32>} : memref<45216xf32, #tpu.memory_space<vmem>>, vector<16xf32>,
          %get3A_480 = arith.index_cast %select_n3A_427 : i32 to index
          %get3A_481 = arith.index_cast %scan3A_448 : i32 to index
          %get3A_482 = arith.constant 32 : index
          %get3A_483 = tpu.vector_load %arg22[%get3A_480, %get3A_481, %get3A_482] {strides = array<i32>} : memref<2x48x128xf32, #tpu.memory_space<vmem>>, vector<16xf32>,
          %max3A_484 = arith.maximumf %get3A_479, %get3A_483 : vector<16xf32>
          %swap3A_485 = arith.index_cast %add3A_477 : i32 to index
          %swap3A_486 = tpu.vector_load %arg30[%swap3A_485] {strides = array<i32>} : memref<45216xf32, #tpu.memory_space<vmem>>, vector<16xf32>,
          tpu.vector_store %arg30[%swap3A_485], %max3A_484 {strides = array<i32>} : memref<45216xf32, #tpu.memory_space<vmem>>, vector<16xf32>,
          %add3A_487 = arith.constant 48 : i32
          %add3A_488 = arith.addi %mul3A_455, %add3A_487 : i32
          %get3A_489 = arith.index_cast %add3A_488 : i32 to index
          %get3A_490 = tpu.vector_load %arg30[%get3A_489] {strides = array<i32>} : memref<45216xf32, #tpu.memory_space<vmem>>, vector<16xf32>,
          %get3A_491 = arith.index_cast %select_n3A_427 : i32 to index
          %get3A_492 = arith.index_cast %scan3A_448 : i32 to index
          %get3A_493 = arith.constant 48 : index
          %get3A_494 = tpu.vector_load %arg22[%get3A_491, %get3A_492, %get3A_493] {strides = array<i32>} : memref<2x48x128xf32, #tpu.memory_space<vmem>>, vector<16xf32>,
          %max3A_495 = arith.maximumf %get3A_490, %get3A_494 : vector<16xf32>
          %swap3A_496 = arith.index_cast %add3A_488 : i32 to index
          %swap3A_497 = tpu.vector_load %arg30[%swap3A_496] {strides = array<i32>} : memref<45216xf32, #tpu.memory_space<vmem>>, vector<16xf32>,
          tpu.vector_store %arg30[%swap3A_496], %max3A_495 {strides = array<i32>} : memref<45216xf32, #tpu.memory_space<vmem>>, vector<16xf32>,
          %add3A_498 = arith.constant 64 : i32
          %add3A_499 = arith.addi %mul3A_455, %add3A_498 : i32
          %get3A_500 = arith.index_cast %add3A_499 : i32 to index
          %get3A_501 = tpu.vector_load %arg30[%get3A_500] {strides = array<i32>} : memref<45216xf32, #tpu.memory_space<vmem>>, vector<16xf32>,
          %get3A_502 = arith.index_cast %select_n3A_427 : i32 to index
          %get3A_503 = arith.index_cast %scan3A_448 : i32 to index
          %get3A_504 = arith.constant 64 : index
          %get3A_505 = tpu.vector_load %arg22[%get3A_502, %get3A_503, %get3A_504] {strides = array<i32>} : memref<2x48x128xf32, #tpu.memory_space<vmem>>, vector<16xf32>,
          %max3A_506 = arith.maximumf %get3A_501, %get3A_505 : vector<16xf32>
          %swap3A_507 = arith.index_cast %add3A_499 : i32 to index
          %swap3A_508 = tpu.vector_load %arg30[%swap3A_507] {strides = array<i32>} : memref<45216xf32, #tpu.memory_space<vmem>>, vector<16xf32>,
          tpu.vector_store %arg30[%swap3A_507], %max3A_506 {strides = array<i32>} : memref<45216xf32, #tpu.memory_space<vmem>>, vector<16xf32>,
          %add3A_509 = arith.constant 80 : i32
          %add3A_510 = arith.addi %mul3A_455, %add3A_509 : i32
          %get3A_511 = arith.index_cast %add3A_510 : i32 to index
          %get3A_512 = tpu.vector_load %arg30[%get3A_511] {strides = array<i32>} : memref<45216xf32, #tpu.memory_space<vmem>>, vector<16xf32>,
          %get3A_513 = arith.index_cast %select_n3A_427 : i32 to index
          %get3A_514 = arith.index_cast %scan3A_448 : i32 to index
          %get3A_515 = arith.constant 80 : index
          %get3A_516 = tpu.vector_load %arg22[%get3A_513, %get3A_514, %get3A_515] {strides = array<i32>} : memref<2x48x128xf32, #tpu.memory_space<vmem>>, vector<16xf32>,
          %max3A_517 = arith.maximumf %get3A_512, %get3A_516 : vector<16xf32>
          %swap3A_518 = arith.index_cast %add3A_510 : i32 to index
          %swap3A_519 = tpu.vector_load %arg30[%swap3A_518] {strides = array<i32>} : memref<45216xf32, #tpu.memory_space<vmem>>, vector<16xf32>,
          tpu.vector_store %arg30[%swap3A_518], %max3A_517 {strides = array<i32>} : memref<45216xf32, #tpu.memory_space<vmem>>, vector<16xf32>,
          %add3A_520 = arith.constant 96 : i32
          %add3A_521 = arith.addi %mul3A_455, %add3A_520 : i32
          %get3A_522 = arith.index_cast %add3A_521 : i32 to index
          %get3A_523 = tpu.vector_load %arg30[%get3A_522] {strides = array<i32>} : memref<45216xf32, #tpu.memory_space<vmem>>, vector<16xf32>,
          %get3A_524 = arith.index_cast %select_n3A_427 : i32 to index
          %get3A_525 = arith.index_cast %scan3A_448 : i32 to index
          %get3A_526 = arith.constant 96 : index
          %get3A_527 = tpu.vector_load %arg22[%get3A_524, %get3A_525, %get3A_526] {strides = array<i32>} : memref<2x48x128xf32, #tpu.memory_space<vmem>>, vector<16xf32>,
          %max3A_528 = arith.maximumf %get3A_523, %get3A_527 : vector<16xf32>
          %swap3A_529 = arith.index_cast %add3A_521 : i32 to index
          %swap3A_530 = tpu.vector_load %arg30[%swap3A_529] {strides = array<i32>} : memref<45216xf32, #tpu.memory_space<vmem>>, vector<16xf32>,
          tpu.vector_store %arg30[%swap3A_529], %max3A_528 {strides = array<i32>} : memref<45216xf32, #tpu.memory_space<vmem>>, vector<16xf32>,
          %add3A_531 = arith.constant 112 : i32
          %add3A_532 = arith.addi %mul3A_455, %add3A_531 : i32
          %get3A_533 = arith.index_cast %add3A_532 : i32 to index
          %get3A_534 = tpu.vector_load %arg30[%get3A_533] {strides = array<i32>} : memref<45216xf32, #tpu.memory_space<vmem>>, vector<16xf32>,
          %get3A_535 = arith.index_cast %select_n3A_427 : i32 to index
          %get3A_536 = arith.index_cast %scan3A_448 : i32 to index
          %get3A_537 = arith.constant 112 : index
          %get3A_538 = tpu.vector_load %arg22[%get3A_535, %get3A_536, %get3A_537] {strides = array<i32>} : memref<2x48x128xf32, #tpu.memory_space<vmem>>, vector<16xf32>,
          %max3A_539 = arith.maximumf %get3A_534, %get3A_538 : vector<16xf32>
          %swap3A_540 = arith.index_cast %add3A_532 : i32 to index
          %swap3A_541 = tpu.vector_load %arg30[%swap3A_540] {strides = array<i32>} : memref<45216xf32, #tpu.memory_space<vmem>>, vector<16xf32>,
          tpu.vector_store %arg30[%swap3A_540], %max3A_539 {strides = array<i32>} : memref<45216xf32, #tpu.memory_space<vmem>>, vector<16xf32>,
          %scan3A_542 = arith.constant 0 : i32
          scf.yield %scan3A_542 : i32
        }
        %scan3A_446 = arith.constant 48 : i32
        %while3A_447 = arith.constant 0 : i32
        scf.yield %while3A_447 : i32
      }
      %mul3A_368 = arith.constant 48 : i32
      %mul3A_369 = arith.muli %select_n3A_350, %mul3A_368 : i32
      %sub3A_370 = arith.subi %scan3A_268, %mul3A_369 : i32
      %add3A_371 = arith.constant 16 : i32
      %add3A_372 = arith.addi %sub3A_370, %add3A_371 : i32
      %sub3A_373 = arith.constant 1 : i32
      %sub3A_374 = arith.subi %add3A_372, %sub3A_373 : i32
      %jit3A_375 = arith.constant 16 : i32
      %div3A_376 = arith.divsi %sub3A_374, %jit3A_375 : i32
      %sign3A_377 = arith.constant 0 : i32
      %sign3A_378 = arith.cmpi sgt, %sub3A_374, %sign3A_377 : i32
      %sign3A_379 = arith.extui %sign3A_378 : i1 to i32
      %sign3A_380 = arith.constant 0 : i32
      %sign3A_381 = arith.cmpi slt, %sub3A_374, %sign3A_380 : i32
      %sign3A_382 = arith.extui %sign3A_381 : i1 to i32
      %sign3A_383 = arith.subi %sign3A_379, %sign3A_382 : i32
      %sign3A_384 = arith.constant 0 : i32
      %sign3A_385 = arith.cmpi sgt, %jit3A_375, %sign3A_384 : i32
      %sign3A_386 = arith.extui %sign3A_385 : i1 to i32
      %sign3A_387 = arith.constant 0 : i32
      %sign3A_388 = arith.cmpi slt, %jit3A_375, %sign3A_387 : i32
      %sign3A_389 = arith.extui %sign3A_388 : i1 to i32
      %sign3A_390 = arith.subi %sign3A_386, %sign3A_389 : i32
      %ne3A_391 = arith.cmpi ne, %sign3A_383, %sign3A_390 : i32
      %rem3A_392 = arith.remsi %sub3A_374, %jit3A_375 : i32
      %ne3A_393 = arith.constant 0 : i32
      %ne3A_394 = arith.cmpi ne, %rem3A_392, %ne3A_393 : i32
      %and3A_395 = arith.andi %ne3A_391, %ne3A_394 : i1
      %sub3A_396 = arith.constant 1 : i32
      %sub3A_397 = arith.subi %div3A_376, %sub3A_396 : i32
      %select_n3A_398 = arith.select %and3A_395, %sub3A_397, %div3A_376 : i32
      %while3A_399 = arith.constant 0 : i32
      %while3A_400 = arith.constant 0 : i32
      %while3A_401 = arith.subi %select_n3A_398, %while3A_399 : i32
      %while3A_402 = arith.addi %while3A_399, %while3A_401 : i32
      %while3A_403 = arith.constant 1 : i32
      %while3A_404 = arith.divsi %while3A_401, %while3A_403 : i32
      %while3A_405 = arith.muli %while3A_404, %while3A_403 : i32
      %while3A_406 = arith.addi %while3A_399, %while3A_405 : i32
      %while3A_407 = arith.constant 1 : i32
      %while3A_408 = scf.for %while3A_411 = %while3A_399 to %while3A_406 step %while3A_407 iter_args(%while3A_412 = %while3A_400) -> (i32)  : i32 {
        %mul3A_413 = arith.constant 16 : i32
        %mul3A_414 = arith.muli %while3A_411, %mul3A_413 : i32
        %add3A_415 = arith.addi %mul3A_369, %mul3A_414 : i32
        %mul3A_416 = arith.constant 16 : i32
        %mul3A_417 = arith.muli %while3A_411, %mul3A_416 : i32
        %get3A_418 = arith.index_cast %add3A_415 : i32 to index
        %get3A_419 = tpu.vector_load %arg19[%get3A_418] {strides = array<i32>} : memref<864xi32, #tpu.memory_space<vmem>>, vector<16xi32>,
        %swap3A = arith.index_cast %mul3A_417 : i32 to index
        %swap3A_420 = tpu.vector_load %arg19[%swap3A] {strides = array<i32>} : memref<864xi32, #tpu.memory_space<vmem>>, vector<16xi32>,
        tpu.vector_store %arg19[%swap3A], %get3A_419 {strides = array<i32>} : memref<864xi32, #tpu.memory_space<vmem>>, vector<16xi32>,
        %get3A_421 = arith.index_cast %add3A_415 : i32 to index
        %get3A_422 = tpu.vector_load %arg20[%get3A_421] {strides = array<i32>} : memref<864xi32, #tpu.memory_space<vmem>>, vector<16xi32>,
        %swap3A_423 = arith.index_cast %mul3A_417 : i32 to index
        %swap3A_424 = tpu.vector_load %arg20[%swap3A_423] {strides = array<i32>} : memref<864xi32, #tpu.memory_space<vmem>>, vector<16xi32>,
        tpu.vector_store %arg20[%swap3A_423], %get3A_422 {strides = array<i32>} : memref<864xi32, #tpu.memory_space<vmem>>, vector<16xi32>,
        %get3A_425 = arith.index_cast %add3A_415 : i32 to index
        %get3A_426 = tpu.vector_load %arg21[%get3A_425] {strides = array<i32>} : memref<864xi32, #tpu.memory_space<vmem>>, vector<16xi32>,
        %swap3A_427 = arith.index_cast %mul3A_417 : i32 to index
        %swap3A_428 = tpu.vector_load %arg21[%swap3A_427] {strides = array<i32>} : memref<864xi32, #tpu.memory_space<vmem>>, vector<16xi32>,
        tpu.vector_store %arg21[%swap3A_427], %get3A_426 {strides = array<i32>} : memref<864xi32, #tpu.memory_space<vmem>>, vector<16xi32>,
        %while3A_429 = arith.constant 0 : i32
        scf.yield %while3A_429 : i32
      }
      %while3A_409 = arith.constant 1 : i32
      %while3A_410 = scf.for %while3A_411 = %while3A_406 to %while3A_402 step %while3A_409 iter_args(%while3A_412 = %while3A_408) -> (i32)  : i32 {
        %mul3A_413 = arith.constant 16 : i32
        %mul3A_414 = arith.muli %while3A_411, %mul3A_413 : i32
        %add3A_415 = arith.addi %mul3A_369, %mul3A_414 : i32
        %mul3A_416 = arith.constant 16 : i32
        %mul3A_417 = arith.muli %while3A_411, %mul3A_416 : i32
        %get3A_418 = arith.index_cast %add3A_415 : i32 to index
        %get3A_419 = tpu.vector_load %arg19[%get3A_418] {strides = array<i32>} : memref<864xi32, #tpu.memory_space<vmem>>, vector<16xi32>,
        %swap3A = arith.index_cast %mul3A_417 : i32 to index
        %swap3A_420 = tpu.vector_load %arg19[%swap3A] {strides = array<i32>} : memref<864xi32, #tpu.memory_space<vmem>>, vector<16xi32>,
        tpu.vector_store %arg19[%swap3A], %get3A_419 {strides = array<i32>} : memref<864xi32, #tpu.memory_space<vmem>>, vector<16xi32>,
        %get3A_421 = arith.index_cast %add3A_415 : i32 to index
        %get3A_422 = tpu.vector_load %arg20[%get3A_421] {strides = array<i32>} : memref<864xi32, #tpu.memory_space<vmem>>, vector<16xi32>,
        %swap3A_423 = arith.index_cast %mul3A_417 : i32 to index
        %swap3A_424 = tpu.vector_load %arg20[%swap3A_423] {strides = array<i32>} : memref<864xi32, #tpu.memory_space<vmem>>, vector<16xi32>,
        tpu.vector_store %arg20[%swap3A_423], %get3A_422 {strides = array<i32>} : memref<864xi32, #tpu.memory_space<vmem>>, vector<16xi32>,
        %get3A_425 = arith.index_cast %add3A_415 : i32 to index
        %get3A_426 = tpu.vector_load %arg21[%get3A_425] {strides = array<i32>} : memref<864xi32, #tpu.memory_space<vmem>>, vector<16xi32>,
        %swap3A_427 = arith.index_cast %mul3A_417 : i32 to index
        %swap3A_428 = tpu.vector_load %arg21[%swap3A_427] {strides = array<i32>} : memref<864xi32, #tpu.memory_space<vmem>>, vector<16xi32>,
        tpu.vector_store %arg21[%swap3A_427], %get3A_426 {strides = array<i32>} : memref<864xi32, #tpu.memory_space<vmem>>, vector<16xi32>,
        %while3A_429 = arith.constant 0 : i32
        scf.yield %while3A_429 : i32
      }
      scf.yield %sub3A_370 : i32
    }
    %scan3A_25 = arith.constant 200 : i32
    %broadcast_in_dim3A = arith.constant 0 : i32
    %broadcast_in_dim3A_26 = vector.broadcast %broadcast_in_dim3A : i32 to vector<16xi32>
    %scan3A_27 = arith.constant 0 : i32
    %scan3A_28 = arith.constant 0 : i32
    %scan3A_29 = arith.constant 3 : i32
    %scan3A_30 = arith.addi %scan3A_28, %scan3A_29 : i32
    %scan3A_31 = arith.constant 1 : i32
    %scan3A_32 = scf.for %scan3A_77 = %scan3A_28 to %scan3A_30 step %scan3A_31 iter_args(%scan3A_78 = %scan3A_27) -> (i32)  : i32 {
      %mul3A_79 = arith.constant 16 : i32
      %mul3A_80 = arith.muli %scan3A_77, %mul3A_79 : i32
      %add3A_81 = arith.addi %scan3A_24, %mul3A_80 : i32
      %add3A_82 = vector.broadcast %add3A_81 : i32 to vector<16xi32>
      %add3A_83 = arith.addi %add3A_82, %iota3A : vector<16xi32>
      tpu.vector_store_idx %arg19[%add3A_83], %broadcast_in_dim3A_26 : memref<864xi32, #tpu.memory_space<vmem>>[vector<16xi32>], vector<16xi32>,
      %add3A_84 = vector.broadcast %add3A_81 : i32 to vector<16xi32>
      %add3A_85 = arith.addi %add3A_84, %iota3A : vector<16xi32>
      %add3A_86 = vector.broadcast %add3A_4 : i32 to vector<16xi32>
      %add3A_87 = arith.addi %broadcast_in_dim3A_26, %add3A_86 : vector<16xi32>
      tpu.vector_store_idx %arg20[%add3A_85], %add3A_87 : memref<864xi32, #tpu.memory_space<vmem>>[vector<16xi32>], vector<16xi32>,
      %scan3A_88 = arith.constant 0 : i32
      scf.yield %scan3A_88 : i32
    }
    %scan3A_33 = arith.constant 3 : i32
    %mul3A_34 = arith.constant 0 : i32
    %mul3A_35 = arith.constant 48 : i32
    %mul3A_36 = arith.muli %mul3A_34, %mul3A_35 : i32
    %multiple_of3A = tpu.assume_multiple %mul3A_36, 8 : i32
    %dma_start3A_37 = arith.constant 0 : i32
    %dma_start3A_38 = arith.constant 0 : i32
    %dma_start3A_39 = arith.constant 0 : i32
    %dma_start3A_40 = tpu.memref_slice %arg22[%dma_start3A_37, %dma_start3A_38, %dma_start3A_39] : memref<2x48x128xf32, #tpu.memory_space<vmem>> -> memref<1x48x128xf32, #tpu.memory_space<vmem>>
    %dma_start3A_41 = tpu.memref_squeeze %dma_start3A_40 : memref<1x48x128xf32, #tpu.memory_space<vmem>> -> memref<48x128xf32, #tpu.memory_space<vmem>>
    %dma_start3A_42 = tpu.memref_slice %arg19[%multiple_of3A] : memref<864xi32, #tpu.memory_space<vmem>> -> memref<48xi32, #tpu.memory_space<vmem>>
    %dma_start3A_43 = arith.constant 0 : i32
    %dma_start3A_44 = arith.constant 0 : i32
    %dma_start3A_45 = tpu.memref_slice %arg2[%dma_start3A_43, %dma_start3A_44] : memref<10000x128xf32, #tpu.memory_space<hbm>> -> memref<10000x128xf32, #tpu.memory_space<hbm>>
    tpu.enqueue_indirect_dma source(%dma_start3A_45 : memref<10000x128xf32, #tpu.memory_space<hbm>>) target(%dma_start3A_41 : memref<48x128xf32, #tpu.memory_space<vmem>>) offsets(%dma_start3A_42 : memref<48xi32, #tpu.memory_space<vmem>>) semaphore(%arg32 : memref<!tpu.dma_semaphore, #tpu.memory_space<semaphore_mem>>)
    %dma_wait3A = arith.constant 0 : i32
    %dma_wait3A_46 = arith.constant 0 : i32
    %dma_wait3A_47 = arith.constant 0 : i32
    %dma_wait3A_48 = tpu.memref_slice %arg22[%dma_wait3A, %dma_wait3A_46, %dma_wait3A_47] : memref<2x48x128xf32, #tpu.memory_space<vmem>> -> memref<1x48x128xf32, #tpu.memory_space<vmem>>
    %dma_wait3A_49 = tpu.memref_squeeze %dma_wait3A_48 : memref<1x48x128xf32, #tpu.memory_space<vmem>> -> memref<48x128xf32, #tpu.memory_space<vmem>>
    %dma_wait3A_50 = arith.constant 0 : i32
    %dma_wait3A_51 = arith.constant 0 : i32
    %dma_wait3A_52 = tpu.memref_slice %arg2[%dma_wait3A_50, %dma_wait3A_51] : memref<10000x128xf32, #tpu.memory_space<hbm>> -> memref<48x128xf32, #tpu.memory_space<hbm>>
    %dma_wait3A_53 = arith.constant 0 : i32
    %dma_wait3A_54 = arith.constant 0 : i32
    %dma_wait3A_55 = tpu.memref_slice %arg22[%dma_wait3A, %dma_wait3A_53, %dma_wait3A_54] : memref<2x48x128xf32, #tpu.memory_space<vmem>> -> memref<1x48x128xf32, #tpu.memory_space<vmem>>
    %dma_wait3A_56 = tpu.memref_squeeze %dma_wait3A_55 : memref<1x48x128xf32, #tpu.memory_space<vmem>> -> memref<48x128xf32, #tpu.memory_space<vmem>>
    %dma_wait3A_57 = arith.constant 0 : i32
    %dma_wait3A_58 = arith.constant 0 : i32
    %dma_wait3A_59 = tpu.memref_slice %arg2[%dma_wait3A_57, %dma_wait3A_58] : memref<10000x128xf32, #tpu.memory_space<hbm>> -> memref<48x128xf32, #tpu.memory_space<hbm>>
    tpu.wait_dma2 semaphore(%arg32 : memref<!tpu.dma_semaphore, #tpu.memory_space<semaphore_mem>>) src(%dma_wait3A_59 : memref<48x128xf32, #tpu.memory_space<hbm>>) dst(%dma_wait3A_56 : memref<48x128xf32, #tpu.memory_space<vmem>>)
    %scan3A_60 = arith.constant 0 : i32
    %scan3A_61 = arith.constant 0 : i32
    %scan3A_62 = arith.constant 0 : i32
    %scan3A_63 = arith.constant 48 : i32
    %scan3A_64 = arith.addi %scan3A_62, %scan3A_63 : i32
    %scan3A_65 = arith.constant 1 : i32
    %scan3A_66 = scf.for %scan3A_77 = %scan3A_62 to %scan3A_64 step %scan3A_65 iter_args(%scan3A_78 = %scan3A_61) -> (i32)  : i32 {
      %add3A_79 = arith.addi %scan3A_60, %scan3A_77 : i32
      %get3A_80 = arith.index_cast %add3A_79 : i32 to index
      %get3A_81 = tpu.vector_load %arg20[%get3A_80] {strides = array<i32>} : memref<864xi32, #tpu.memory_space<vmem>>, vector<16xi32>,
      %slice3A = vector.extract_strided_slice %get3A_81 {offsets = [0], sizes = [1], strides = [1]} : vector<16xi32> to vector<1xi32>
      %squeeze3A = vector.extract %slice3A[0] : i32 from vector<1xi32>
      %sub3A = arith.subi %squeeze3A, %mul3A_2 : i32
      %mul3A_82 = arith.constant 144 : i32
      %mul3A_83 = arith.muli %sub3A, %mul3A_82 : i32
      %add3A_84 = arith.constant 0 : i32
      %add3A_85 = arith.addi %mul3A_83, %add3A_84 : i32
      %get3A_86 = arith.index_cast %add3A_85 : i32 to index
      %get3A_87 = tpu.vector_load %arg30[%get3A_86] {strides = array<i32>} : memref<45216xf32, #tpu.memory_space<vmem>>, vector<16xf32>,
      %get3A_88 = arith.constant 0 : i32
      %get3A_89 = arith.index_cast %get3A_88 : i32 to index
      %get3A_90 = arith.index_cast %scan3A_77 : i32 to index
      %get3A_91 = arith.constant 0 : index
      %get3A_92 = tpu.vector_load %arg22[%get3A_89, %get3A_90, %get3A_91] {strides = array<i32>} : memref<2x48x128xf32, #tpu.memory_space<vmem>>, vector<16xf32>,
      %max3A = arith.maximumf %get3A_87, %get3A_92 : vector<16xf32>
      %swap3A = arith.index_cast %add3A_85 : i32 to index
      %swap3A_93 = tpu.vector_load %arg30[%swap3A] {strides = array<i32>} : memref<45216xf32, #tpu.memory_space<vmem>>, vector<16xf32>,
      tpu.vector_store %arg30[%swap3A], %max3A {strides = array<i32>} : memref<45216xf32, #tpu.memory_space<vmem>>, vector<16xf32>,
      %add3A_94 = arith.constant 16 : i32
      %add3A_95 = arith.addi %mul3A_83, %add3A_94 : i32
      %get3A_96 = arith.index_cast %add3A_95 : i32 to index
      %get3A_97 = tpu.vector_load %arg30[%get3A_96] {strides = array<i32>} : memref<45216xf32, #tpu.memory_space<vmem>>, vector<16xf32>,
      %get3A_98 = arith.constant 0 : i32
      %get3A_99 = arith.index_cast %get3A_98 : i32 to index
      %get3A_100 = arith.index_cast %scan3A_77 : i32 to index
      %get3A_101 = arith.constant 16 : index
      %get3A_102 = tpu.vector_load %arg22[%get3A_99, %get3A_100, %get3A_101] {strides = array<i32>} : memref<2x48x128xf32, #tpu.memory_space<vmem>>, vector<16xf32>,
      %max3A_103 = arith.maximumf %get3A_97, %get3A_102 : vector<16xf32>
      %swap3A_104 = arith.index_cast %add3A_95 : i32 to index
      %swap3A_105 = tpu.vector_load %arg30[%swap3A_104] {strides = array<i32>} : memref<45216xf32, #tpu.memory_space<vmem>>, vector<16xf32>,
      tpu.vector_store %arg30[%swap3A_104], %max3A_103 {strides = array<i32>} : memref<45216xf32, #tpu.memory_space<vmem>>, vector<16xf32>,
      %add3A_106 = arith.constant 32 : i32
      %add3A_107 = arith.addi %mul3A_83, %add3A_106 : i32
      %get3A_108 = arith.index_cast %add3A_107 : i32 to index
      %get3A_109 = tpu.vector_load %arg30[%get3A_108] {strides = array<i32>} : memref<45216xf32, #tpu.memory_space<vmem>>, vector<16xf32>,
      %get3A_110 = arith.constant 0 : i32
      %get3A_111 = arith.index_cast %get3A_110 : i32 to index
      %get3A_112 = arith.index_cast %scan3A_77 : i32 to index
      %get3A_113 = arith.constant 32 : index
      %get3A_114 = tpu.vector_load %arg22[%get3A_111, %get3A_112, %get3A_113] {strides = array<i32>} : memref<2x48x128xf32, #tpu.memory_space<vmem>>, vector<16xf32>,
      %max3A_115 = arith.maximumf %get3A_109, %get3A_114 : vector<16xf32>
      %swap3A_116 = arith.index_cast %add3A_107 : i32 to index
      %swap3A_117 = tpu.vector_load %arg30[%swap3A_116] {strides = array<i32>} : memref<45216xf32, #tpu.memory_space<vmem>>, vector<16xf32>,
      tpu.vector_store %arg30[%swap3A_116], %max3A_115 {strides = array<i32>} : memref<45216xf32, #tpu.memory_space<vmem>>, vector<16xf32>,
      %add3A_118 = arith.constant 48 : i32
      %add3A_119 = arith.addi %mul3A_83, %add3A_118 : i32
      %get3A_120 = arith.index_cast %add3A_119 : i32 to index
      %get3A_121 = tpu.vector_load %arg30[%get3A_120] {strides = array<i32>} : memref<45216xf32, #tpu.memory_space<vmem>>, vector<16xf32>,
      %get3A_122 = arith.constant 0 : i32
      %get3A_123 = arith.index_cast %get3A_122 : i32 to index
      %get3A_124 = arith.index_cast %scan3A_77 : i32 to index
      %get3A_125 = arith.constant 48 : index
      %get3A_126 = tpu.vector_load %arg22[%get3A_123, %get3A_124, %get3A_125] {strides = array<i32>} : memref<2x48x128xf32, #tpu.memory_space<vmem>>, vector<16xf32>,
      %max3A_127 = arith.maximumf %get3A_121, %get3A_126 : vector<16xf32>
      %swap3A_128 = arith.index_cast %add3A_119 : i32 to index
      %swap3A_129 = tpu.vector_load %arg30[%swap3A_128] {strides = array<i32>} : memref<45216xf32, #tpu.memory_space<vmem>>, vector<16xf32>,
      tpu.vector_store %arg30[%swap3A_128], %max3A_127 {strides = array<i32>} : memref<45216xf32, #tpu.memory_space<vmem>>, vector<16xf32>,
      %add3A_130 = arith.constant 64 : i32
      %add3A_131 = arith.addi %mul3A_83, %add3A_130 : i32
      %get3A_132 = arith.index_cast %add3A_131 : i32 to index
      %get3A_133 = tpu.vector_load %arg30[%get3A_132] {strides = array<i32>} : memref<45216xf32, #tpu.memory_space<vmem>>, vector<16xf32>,
      %get3A_134 = arith.constant 0 : i32
      %get3A_135 = arith.index_cast %get3A_134 : i32 to index
      %get3A_136 = arith.index_cast %scan3A_77 : i32 to index
      %get3A_137 = arith.constant 64 : index
      %get3A_138 = tpu.vector_load %arg22[%get3A_135, %get3A_136, %get3A_137] {strides = array<i32>} : memref<2x48x128xf32, #tpu.memory_space<vmem>>, vector<16xf32>,
      %max3A_139 = arith.maximumf %get3A_133, %get3A_138 : vector<16xf32>
      %swap3A_140 = arith.index_cast %add3A_131 : i32 to index
      %swap3A_141 = tpu.vector_load %arg30[%swap3A_140] {strides = array<i32>} : memref<45216xf32, #tpu.memory_space<vmem>>, vector<16xf32>,
      tpu.vector_store %arg30[%swap3A_140], %max3A_139 {strides = array<i32>} : memref<45216xf32, #tpu.memory_space<vmem>>, vector<16xf32>,
      %add3A_142 = arith.constant 80 : i32
      %add3A_143 = arith.addi %mul3A_83, %add3A_142 : i32
      %get3A_144 = arith.index_cast %add3A_143 : i32 to index
      %get3A_145 = tpu.vector_load %arg30[%get3A_144] {strides = array<i32>} : memref<45216xf32, #tpu.memory_space<vmem>>, vector<16xf32>,
      %get3A_146 = arith.constant 0 : i32
      %get3A_147 = arith.index_cast %get3A_146 : i32 to index
      %get3A_148 = arith.index_cast %scan3A_77 : i32 to index
      %get3A_149 = arith.constant 80 : index
      %get3A_150 = tpu.vector_load %arg22[%get3A_147, %get3A_148, %get3A_149] {strides = array<i32>} : memref<2x48x128xf32, #tpu.memory_space<vmem>>, vector<16xf32>,
      %max3A_151 = arith.maximumf %get3A_145, %get3A_150 : vector<16xf32>
      %swap3A_152 = arith.index_cast %add3A_143 : i32 to index
      %swap3A_153 = tpu.vector_load %arg30[%swap3A_152] {strides = array<i32>} : memref<45216xf32, #tpu.memory_space<vmem>>, vector<16xf32>,
      tpu.vector_store %arg30[%swap3A_152], %max3A_151 {strides = array<i32>} : memref<45216xf32, #tpu.memory_space<vmem>>, vector<16xf32>,
      %add3A_154 = arith.constant 96 : i32
      %add3A_155 = arith.addi %mul3A_83, %add3A_154 : i32
      %get3A_156 = arith.index_cast %add3A_155 : i32 to index
      %get3A_157 = tpu.vector_load %arg30[%get3A_156] {strides = array<i32>} : memref<45216xf32, #tpu.memory_space<vmem>>, vector<16xf32>,
      %get3A_158 = arith.constant 0 : i32
      %get3A_159 = arith.index_cast %get3A_158 : i32 to index
      %get3A_160 = arith.index_cast %scan3A_77 : i32 to index
      %get3A_161 = arith.constant 96 : index
      %get3A_162 = tpu.vector_load %arg22[%get3A_159, %get3A_160, %get3A_161] {strides = array<i32>} : memref<2x48x128xf32, #tpu.memory_space<vmem>>, vector<16xf32>,
      %max3A_163 = arith.maximumf %get3A_157, %get3A_162 : vector<16xf32>
      %swap3A_164 = arith.index_cast %add3A_155 : i32 to index
      %swap3A_165 = tpu.vector_load %arg30[%swap3A_164] {strides = array<i32>} : memref<45216xf32, #tpu.memory_space<vmem>>, vector<16xf32>,
      tpu.vector_store %arg30[%swap3A_164], %max3A_163 {strides = array<i32>} : memref<45216xf32, #tpu.memory_space<vmem>>, vector<16xf32>,
      %add3A_166 = arith.constant 112 : i32
      %add3A_167 = arith.addi %mul3A_83, %add3A_166 : i32
      %get3A_168 = arith.index_cast %add3A_167 : i32 to index
      %get3A_169 = tpu.vector_load %arg30[%get3A_168] {strides = array<i32>} : memref<45216xf32, #tpu.memory_space<vmem>>, vector<16xf32>,
      %get3A_170 = arith.constant 0 : i32
      %get3A_171 = arith.index_cast %get3A_170 : i32 to index
      %get3A_172 = arith.index_cast %scan3A_77 : i32 to index
      %get3A_173 = arith.constant 112 : index
      %get3A_174 = tpu.vector_load %arg22[%get3A_171, %get3A_172, %get3A_173] {strides = array<i32>} : memref<2x48x128xf32, #tpu.memory_space<vmem>>, vector<16xf32>,
      %max3A_175 = arith.maximumf %get3A_169, %get3A_174 : vector<16xf32>
      %swap3A_176 = arith.index_cast %add3A_167 : i32 to index
      %swap3A_177 = tpu.vector_load %arg30[%swap3A_176] {strides = array<i32>} : memref<45216xf32, #tpu.memory_space<vmem>>, vector<16xf32>,
      tpu.vector_store %arg30[%swap3A_176], %max3A_175 {strides = array<i32>} : memref<45216xf32, #tpu.memory_space<vmem>>, vector<16xf32>,
      %scan3A_178 = arith.constant 0 : i32
      scf.yield %scan3A_178 : i32
    }
    %scan3A_67 = arith.constant 48 : i32
    %scan3A_68 = arith.constant 0 : i32
    %scan3A_69 = arith.constant 0 : i32
    %scan3A_70 = arith.constant 2817 : i32
    %scan3A_71 = arith.addi %scan3A_69, %scan3A_70 : i32
    %scan3A_72 = arith.constant 1 : i32
    %scan3A_73 = scf.for %scan3A_77 = %scan3A_69 to %scan3A_71 step %scan3A_72 iter_args(%scan3A_78 = %scan3A_68) -> (i32)  : i32 {
      %mul3A_79 = arith.constant 16 : i32
      %mul3A_80 = arith.muli %scan3A_77, %mul3A_79 : i32
      %get3A_81 = arith.index_cast %mul3A_80 : i32 to index
      %get3A_82 = tpu.vector_load %arg30[%get3A_81] {strides = array<i32>} : memref<45216xf32, #tpu.memory_space<vmem>>, vector<16xf32>,
      %eq3A = arith.constant 0xFF800000 : f32
      %eq3A_83 = vector.broadcast %eq3A : f32 to vector<16xf32>
      %eq3A_84 = arith.cmpf oeq, %get3A_82, %eq3A_83 : vector<16xf32>
      %jit3A = arith.constant 0.000000e+00 : f32
      %broadcast_in_dim3A_85 = vector.broadcast %jit3A : f32 to vector<16xf32>
      %select_n3A = arith.select %eq3A_84, %broadcast_in_dim3A_85, %get3A_82 : vector<16xi1>, vector<16xf32>
      %mul3A_86 = arith.constant 16 : i32
      %mul3A_87 = arith.muli %scan3A_77, %mul3A_86 : i32
      %swap3A = arith.index_cast %mul3A_87 : i32 to index
      %swap3A_88 = tpu.vector_load %arg30[%swap3A] {strides = array<i32>} : memref<45216xf32, #tpu.memory_space<vmem>>, vector<16xf32>,
      tpu.vector_store %arg30[%swap3A], %select_n3A {strides = array<i32>} : memref<45216xf32, #tpu.memory_space<vmem>>, vector<16xf32>,
      %scan3A_89 = arith.constant 0 : i32
      scf.yield %scan3A_89 : i32
    }
    %scan3A_74 = arith.constant 2817 : i32
    %mul3A_75 = arith.constant 144 : i32
    %mul3A_76 = arith.muli %mul3A_2, %mul3A_75 : i32
    "tpu.region"() ({
      %run_scoped3A = tpu.sem_alloc : memref<!tpu.dma_semaphore, #tpu.memory_space<semaphore_mem>>
      %dma_start3A_77 = arith.constant 0 : i32
      %dma_start3A_78 = tpu.memref_slice %arg30[%dma_start3A_77] : memref<45216xf32, #tpu.memory_space<vmem>> -> memref<45072xf32, #tpu.memory_space<vmem>>
      %dma_start3A_79 = tpu.memref_slice %arg13[%mul3A_76] : memref<1442304xf32, #tpu.memory_space<hbm>> -> memref<45072xf32, #tpu.memory_space<hbm>>
      %dma_start3A_80 = tpu.memref_slice %arg13[%mul3A_76] : memref<1442304xf32, #tpu.memory_space<hbm>> -> memref<45072xf32, #tpu.memory_space<hbm>>
      %dma_start3A_81 = arith.constant 0 : i32
      %dma_start3A_82 = tpu.memref_slice %arg30[%dma_start3A_81] : memref<45216xf32, #tpu.memory_space<vmem>> -> memref<45072xf32, #tpu.memory_space<vmem>>
      tpu.enqueue_dma source(%dma_start3A_82 : memref<45072xf32, #tpu.memory_space<vmem>>) target(%dma_start3A_80 : memref<45072xf32, #tpu.memory_space<hbm>>) target_semaphore(%run_scoped3A : memref<!tpu.dma_semaphore, #tpu.memory_space<semaphore_mem>>)
      %dma_wait3A_83 = arith.constant 0 : i32
      %dma_wait3A_84 = tpu.memref_slice %arg30[%dma_wait3A_83] : memref<45216xf32, #tpu.memory_space<vmem>> -> memref<45072xf32, #tpu.memory_space<vmem>>
      %dma_wait3A_85 = tpu.memref_slice %arg13[%mul3A_76] : memref<1442304xf32, #tpu.memory_space<hbm>> -> memref<45072xf32, #tpu.memory_space<hbm>>
      %dma_wait3A_86 = tpu.memref_slice %arg13[%mul3A_76] : memref<1442304xf32, #tpu.memory_space<hbm>> -> memref<45072xf32, #tpu.memory_space<hbm>>
      %dma_wait3A_87 = arith.constant 0 : i32
      %dma_wait3A_88 = tpu.memref_slice %arg30[%dma_wait3A_87] : memref<45216xf32, #tpu.memory_space<vmem>> -> memref<45072xf32, #tpu.memory_space<vmem>>
      tpu.wait_dma2 semaphore(%run_scoped3A : memref<!tpu.dma_semaphore, #tpu.memory_space<semaphore_mem>>) src(%dma_wait3A_88 : memref<45072xf32, #tpu.memory_space<vmem>>) dst(%dma_wait3A_86 : memref<45072xf32, #tpu.memory_space<hbm>>)
      tpu.yield
    }) : () -> ()
    return
  }
}

</mosaic_0001>

<sc_bundles>
// kernel: kernel.3.cloned.1.call-start
scs
__scs_entry_jumppad:
0x0: {  	(pc) =	sbr.rel $0x88, $3  }
0x1: {  	(tag) =	ssettag $0x0;
	lr =	simm.s32 $0x1  }
0x2: {  	[smem:$0x3F9B] =	sst lr;
	_ =	strace $0xD0000000  }
0x3: {  	_ = 	snop  }
0x4: {  	_ = 	snop  }
0x5: {  	_ = 	snop  }
0x6: {  	_ = 	snop  }
0x7: {  	_ = 	snop  }
__scs_overlays_trampoline_lowered:
0x8: {  	[smem:$0x3FAA] =	sst s0  }
0x9: {  	[smem:$0x3FAB] =	sst s1  }
0xa: {  	[smem:$0x3FAC] =	sst s2  }
0xb: {  	[smem:$0x3FAD] =	sst s3  }
0xc: {  	[smem:$0x3FAE] =	sst s4  }
0xd: {  	[smem:$0x3FAF] =	sst s5  }
0xe: {  	[smem:$0x3FB0] =	sst s6  }
0xf: {  	[smem:$0x3FB1] =	sst s7  }
0x10: {  	[smem:$0x3FB2] =	sst s8  }
0x11: {  	[smem:$0x3FB3] =	sst s9;
	s0 =	simm.s32 @!p0 $0x0  }
0x12: {  	s1 =	sld [smem:$0x3F99];
	s0 =	simm.s32 @p0 $0x1  }
0x13: {  	[smem:$0x3FB4] =	sst s0;
	s0 =	simm.s32 @!p1 $0x0  }
0x14: {  	s2 =	sld [smem:$0x3F98];
	s0 =	simm.s32 @p1 $0x1  }
0x15: {  	[smem:$0x3FB5] =	sst s0;
	s0 =	simm.s32 @!p2 $0x0  }
0x16: {  	s3 =	sld [smem:$0x3FDB];
	s0 =	simm.s32 @p2 $0x1  }
0x17: {  	s4 =	simm.s32 $0x1BF5;
	[smem:$0x3FB7] =	sst s0  }
0x18: {  	s0 =	sld [smem:$0x3F9A];
	_ =	swait.ge [sflag:s4], $0x0  }
0x19: {  	s7 =	sld [smem:$0x3F9B]  }
0x1a: {  	s8 =	sadd.s32 $0xFFFFE003, lr  }
0x1b: {  	s9 =	sadd.s32 $0xFFFFFEF7, lr;
	s5 =	simm.s32 $0xFFFFFFFF;
	p2 =	slt.u32 s8, $0xFFFFF086  }
0x1c: {  	p1 =	slt.u32 s9, $0xF7A;
	s5 =	simm.s32 @!p2 $0x0  }
0x1d: {  	s5 =	simm.s32 @p1 $0x1;
	p0 =	seq.s32 s7, s2  }
0x1e: {  	s7 =	smul.u32 @!p0 $0xF7A, s2;
	p2 =	seq.s32 @!p0 s5, $0x0  }
0x1f: {  	s9 =	smul.u32 $0xF7A, s1;
	s8 =	simm.s32 @!p0 $0x1BF5;
	p2 =	por !p2, p0  }
0x20: {  	[sflag:s8] =	ssyncset.s32 @!p0 $0xFFFFF086;
	s6 =	sadd.s32 @!p0 s3, s7;
	s7 =	simm.s32 @!p0 $0x108  }
0x21: {  	s3 =	sadd.s32 s3, s9;
	s6 =	sadd.s32 @!p0 $0x88, s6;
	s7 =	simm.s32 @p2 $0x1082  }
0x22: {  	[simem:s7], [sflag:s8] =	dma.local @!p0 [hbm:s6], $0xF7A  }
0x23: {  	s9 =	sor.u32 $0xD0000000, s2;
	s6 =	simm.s32 $0x108;
	_ =	swait.ge @!p0 [sflag:s8], $0x0  }
0x24: {  	s3 =	sadd.s32 $0x88, s3;
	s6 =	simm.s32 @!p1 $0x1082;
	[sflag:s4] =	ssyncset.s32 $0xFFFFF086  }
0x25: {  	[simem:s6], [sflag:s4] =	dma.local [hbm:s3], $0xF7A  }
0x26: {  	[smem:$0x3F9B] =	sst s1;
	(tag) =	ssettag s2;
	_ =	strace s9  }
0x27: {  	s1 =	sld [smem:$0x3FAB]  }
0x28: {  	s2 =	sld [smem:$0x3FAC]  }
0x29: {  	s4 =	sld [smem:$0x3FAE]  }
0x2a: {  	p0 =	seq.s32 s5, $0x0;
	s5 =	sld [smem:$0x3FAF]  }
0x2b: {  	s6 =	sld [smem:$0x3FB0]  }
0x2c: {  	s7 =	sld [smem:$0x3FB1]  }
0x2d: {  	s3 =	simm.s32 $0x108;
	s8 =	sld [smem:$0x3FB2]  }
0x2e: {  	s3 =	simm.s32 @!p0 $0x1082;
	s9 =	sld [smem:$0x3FB3]  }
0x2f: {  	lr =	sadd.s32 s0, s3;
	s0 =	sld [smem:$0x3FAA]  }
0x30: {  	s3 =	sld [smem:$0x3FAD]  }
0x31: {  	[smem:$0x3FB6] =	sst s10  }
0x32: {  	s10 =	sld [smem:$0x3FB4];
	_ =	sdelay $0x3  }
0x33: {  	p0 =	seq.s32 s10, $0x1;
	s10 =	sld [smem:$0x3FB6];
	_ =	sdelay $0x3  }
0x34: {  	[smem:$0x3FB6] =	sst s10  }
0x35: {  	s10 =	sld [smem:$0x3FB5];
	_ =	sdelay $0x3  }
0x36: {  	p1 =	seq.s32 s10, $0x1;
	s10 =	sld [smem:$0x3FB6];
	_ =	sdelay $0x3  }
0x37: {  	[smem:$0x3FB6] =	sst s10  }
0x38: {  	s10 =	sld [smem:$0x3FB7]  }
0x39: {  	_ = 	snop;
	(pc) =	sbr.ind lr, $3  }
0x3a: {  	_ = 	snop  }
0x3b: {  	_ = 	snop  }
0x3c: {  	p2 =	seq.s32 s10, $0x1;
	s10 =	sld [smem:$0x3FB6]  }
0x3d: {  	_ =	shalt  }
0x3e: {  	_ =	shalt  }
0x3f: {  	_ =	shalt  }
0x40: {  	_ =	shalt  }
0x41: {  	_ =	shalt  }
0x42: {  	_ =	shalt  }
0x43: {  	_ =	shalt  }
0x44: {  	_ =	shalt  }
0x45: {  	_ =	shalt  }
0x46: {  	_ =	shalt  }
0x47: {  	_ =	shalt  }
0x48: {  	_ =	shalt  }
0x49: {  	_ =	shalt  }
0x4a: {  	_ =	shalt  }
0x4b: {  	_ =	shalt  }
0x4c: {  	_ =	shalt  }
0x4d: {  	_ =	shalt  }
0x4e: {  	_ =	shalt  }
0x4f: {  	_ =	shalt  }
0x50: {  	_ =	shalt  }
0x51: {  	_ =	shalt  }
0x52: {  	_ =	shalt  }
0x53: {  	_ =	shalt  }
0x54: {  	_ =	shalt  }
0x55: {  	_ =	shalt  }
0x56: {  	_ =	shalt  }
0x57: {  	_ =	shalt  }
0x58: {  	_ =	shalt  }
0x59: {  	_ =	shalt  }
0x5a: {  	_ =	shalt  }
0x5b: {  	_ =	shalt  }
0x5c: {  	_ =	shalt  }
0x5d: {  	_ =	shalt  }
0x5e: {  	_ =	shalt  }
0x5f: {  	_ =	shalt  }
0x60: {  	_ =	shalt  }
0x61: {  	_ =	shalt  }
0x62: {  	_ =	shalt  }
0x63: {  	_ =	shalt  }
0x64: {  	_ =	shalt  }
0x65: {  	_ =	shalt  }
0x66: {  	_ =	shalt  }
0x67: {  	_ =	shalt  }
0x68: {  	_ =	shalt  }
0x69: {  	_ =	shalt  }
0x6a: {  	_ =	shalt  }
0x6b: {  	_ =	shalt  }
0x6c: {  	_ =	shalt  }
0x6d: {  	_ =	shalt  }
0x6e: {  	_ =	shalt  }
0x6f: {  	_ =	shalt  }
0x70: {  	_ =	shalt  }
0x71: {  	_ =	shalt  }
0x72: {  	_ =	shalt  }
0x73: {  	_ =	shalt  }
0x74: {  	_ =	shalt  }
0x75: {  	_ =	shalt  }
0x76: {  	_ =	shalt  }
0x77: {  	_ =	shalt  }
0x78: {  	_ =	shalt  }
0x79: {  	_ =	shalt  }
0x7a: {  	_ =	shalt  }
0x7b: {  	_ =	shalt  }
0x7c: {  	_ =	shalt  }
0x7d: {  	_ =	shalt  }
0x7e: {  	_ =	shalt  }
0x7f: {  	_ =	shalt  }
0x80: {  	_ =	shalt  }
0x81: {  	_ =	shalt  }
0x82: {  	_ =	shalt  }
0x83: {  	_ =	shalt  }
0x84: {  	_ =	shalt  }
0x85: {  	_ =	shalt  }
0x86: {  	_ =	shalt  }
0x87: {  	_ =	shalt  }
.Lfunc_end0:
.L_simem_size_0:
called_computation_lowered:
.L_overlay_start_0:
0x88: {  	s2 =	sld [smem:$0x3FD9]  }
0x89: {  	s3 =	sld [smem:$0x3FFE];
	_ =	sdelay $0x1  }
0x8a: {  	s1 =	srdreg.scid  }
0x8b: {  	s0 =	sand.u32 $0x1, s1  }
0x8c: {  	s17 =	sshll.u32 s0, $0xA;
	s2 =	sadd.s32 s3, s2  }
0x8d: {  	s2 =	sadd.s32 s2, s17  }
0x8e: {  	[smem:$0x3FC2] =	sst s2  }
0x8f: {  	_ = 	snop  }
0x90: {  	s2 =	sld [smem:$0x3FC9]  }
0x91: {  	s18 =	sld [smem:$0x3FD0];
	(tm) =	ssettm $0x1  }
0x92: {  	s4 =	sld [smem:$0x3FFB];
	_ =	sdelay $0x3  }
0x93: {  	_ =	strace s4  }
0x94: {  	s4 =	sld [smem:$0x3FFC];
	_ =	sdelay $0x3  }
0x95: {  	_ =	strace s4  }
0x96: {  	s4 =	sld [smem:$0x3FFD];
	_ =	sdelay $0x3  }
0x97: {  	_ =	strace s4  }
0x98: {  	_ =	strace $0x8FFFFFFF  }
0x99: {  	s19 =	sld [smem:$0x3FDB];
	_ =	sdelay $0x1  }
0x9a: {  	s5 =	simm.s32 $_scs_section_size  }
0x9b: {  	s6 =	simm.s32 $_size__tile_overlayer_lowered;
	s7 =	simm.s32 $_tile_overlayer_lowered  }
0x9c: {  	s22 =	simm.s32 $0x1BFF;
	s21 =	sshll.u32 s7, $0x1;
	s4 =	sadd.s32 s5, s19  }
0x9d: {  	s8 =	simm.s32 $0x0;
	s20 =	sshll.u32 s6, $0x1;
	s6 =	sadd.s32 s21, s4  }
0x9e: {  	[timem:s8], [sflag:s22] =	dma.local [hbm:s6], s20  }
0x9f: {  	_ =	swait.ge [sflag:s22], s20  }
0xa0: {  	s5 =	ssub.s32 $0x0, s20;
	[sflag:s22] =	ssyncset.done $0x0  }
0xa1: {  	[sflag:s22] =	ssyncadd.s32 s5;
	_ =	sdelay $0x1  }
0xa2: {  	s23 =	simm.s32 $0x1B8B  }
0xa3: {  	_ =	swait.ge [sflag:s23], $0x1  }
0xa4: {  	[sflag:s23] =	ssyncset.done $0x0  }
0xa5: {  	s25 =	simm.s32 $0x1B8E;
	s24 =	sld [smem:$0x3FFE];
	[sflag:s23] =	ssyncadd.s32 $0xFFFFFFFF  }
0xa6: {  	s26 =	simm.s32 $execute0_lowered;
	[smem:$0x3FD2] =	sst s25  }
0xa7: {  	s6 =	sshll.u32 s26, $0x1;
	_ =	strace $0x80000046;
	[dreg:$0x1] =	wrdreg $0xFFFFFFFF  }
0xa8: {  	s28 =	simm.s32 $_size_execute0_lowered;
	s4 =	sadd.s32 s4, s6;
	[dreg:$0x0] =	wrdreg $0x0  }
0xa9: {  	s6 =	sshll.u32 s28, $0x1;
	[dreg:$0x2] =	wrdreg s4  }
0xaa: {  	[dreg:$0x3] =	wrdreg s6  }
0xab: {  	[dreg:$0x4] =	wrdreg $0xC0  }
0xac: {  	_ =	task [dreg:s8], $0x5FFFF  }
0xad: {  	[dreg:$0x1] =	wrdreg $0xFFFFFFFF  }
0xae: {  	[dreg:$0x0] =	wrdreg $0x60  }
0xaf: {  	[dreg:$0x2] =	wrdreg s2  }
0xb0: {  	[dreg:$0x3] =	wrdreg s24  }
0xb1: {  	[dreg:$0x4] =	wrdreg s18  }
0xb2: {  	[dreg:$0x5] =	wrdreg $0x9  }
0xb3: {  	_ =	task.clear_ibuf [dreg:s8], $0x6FFFF;
	_ =	strace $0x90000046  }
0xb4: {  	s29 =	simm.s32 $0x9;
	_ =	strace $0x80000048  }
0xb5: {  	_ =	swait.ge [sflag:s29], $0x1  }
0xb6: {  	[sflag:s29] =	ssyncadd.s32 $0xFFFFFFFF  }
0xb7: {  	_ =	strace $0x90000048  }
0xb8: {  	_ =	sfence  }
0xb9: {  	s30 =	sld [smem:$0x0];
	_ =	sdelay $0x2  }
0xba: {  	s31 =	sshll.u32 s1, $0xD;
	s1 =	sshrl.u32 s1, $0x2  }
0xbb: {  	s3 =	sand.u32 $0x4000, s31;
	s1 =	sadd.s32 s1, s30  }
0xbc: {  	s0 =	sor.u32 s3, s0;
	s1 =	sshll.u32 s1, $0x11  }
0xbd: {  	s0 =	sor.u32 s1, s0  }
0xbe: {  	s0 =	sadd.s32 $0x8F2B, s0  }
0xbf: {  	[sflag:s0] =	ssyncadd.remote.s32 $0x1  }
0xc0: {  	_ =	sfence.sel $0xFFFF  }
0xc1: {  	[dreg:$0x0] =	wrdreg $0xFFFFFFFF;
	(pc) =	sbr.abs _section_cstart, $3  }
0xc2: {  	[dreg:$0x1] =	wrdreg $0xFFFFFFFF  }
0xc3: {  	_ =	task.clear_ibuf [dreg:s8], $0x2FFFF;
	_ =	strace $0x9FFFFFFF  }
0xc4: {  	(tm) =	ssettm $0x7FFFFFFF  }
0xc5: {  	_ =	shalt  }
tec
execute0_lowered:
.L_overlay_start_1:
0x0: {  	(tag) =	ssettag $0x1  }
0x1: {  	s1 =	rddreg [dreg:$0x0]  }
0x2: {  	s13 =	rddreg [dreg:$0x1]  }
0x3: {  	s0 =	rddreg [dreg:$0x2]  }
0x4: {  	s3 =	simm.s32 $0x0;
	s2 =	srdreg.scid;
	s4 =	stileid.u32  }
0x5: {  	s8 =	simm.s32 $0x8;
	s19 =	simm.s32 $0x5500;
	s20 =	simm.s32 $0x7C80  }
0x6: {  	s31 =	simm.s32 $0xE00;
	s17 =	simm.s32 $0x2180;
	s10 =	simm.s32 $0x2  }
0x7: {  	[smem:$0x7FF] =	sst s3;
	s5 =	sadd.s32 $0x9E00, s13;
	s7 =	sadd.s32 $0x14E00, s13  }
0x8: {  	s21 =	sadd.s32 $0x15400, s13;
	_ =	strace $0x80000047;
	[dreg:$0x4] =	wrdreg s7  }
0x9: {  	s6 =	sadd.s32 $0x4F5C00, s13;
	s22 =	sadd.s32 $0x15A00, s13;
	[dreg:$0x5] =	wrdreg s21  }
0xa: {  	s2 =	sand.u32 $0x1, s2;
	s23 =	sadd.s32 $0x14800, s13;
	[dreg:$0x6] =	wrdreg s22  }
0xb: {  	s4 =	sshll.u32 s4, $0x1;
	s24 =	sadd.s32 $0x14200, s13;
	[dreg:$0x7] =	wrdreg s23  }
0xc: {  	s25 =	sadd.s32 $0x13C00, s13;
	s26 =	sadd.s32 $0x16000, s13;
	[dreg:$0x8] =	wrdreg s24  }
0xd: {  	v0 =	vlaneseq.u32;
	s4 =	sor.u32 s2, s4;
	s2 =	ssub.s32 $0x2, s2;
	[dreg:$0x9] =	wrdreg s25  }
0xe: {  	v1 =	vmul.u32 $0x10, v0;
	[dreg:$0xa] =	wrdreg s26;
	s21 =	simm.s32 $0xA400;
	s11 =	smul.u32 $0x139, s4  }
0xf: {  	v4 =	vimm.f32 $-Inf;
	v5 =	vimm.s32 $0x0;
	s22 =	simm.s32 $0xCB80;
	s23 =	simm.s32 $0xF300;
	s4 =	smul.u32 $0x1602, s4  }
0x10: {  	s24 =	simm.s32 $0x11A80;
	s25 =	simm.s32 $0x7;
	s28 =	sshrl.u32 s2, $0x1;
	v6 =	vor.u32 $0x1, v1;
	v7 =	vor.u32 $0x2, v1;
	v8 =	vor.u32 $0x3, v1  }
0x11: {  	s7 =	simm.s32 $0x0;
	v9 =	vor.u32 $0x4, v1;
	v10 =	vor.u32 $0x5, v1;
	v11 =	vor.u32 $0x6, v1;
	s2 =	ssub.s32 s2, s28;
	s0 =	sadd.s32 s0, s4  }
0x12: {  	v12 =	vor.u32 $0x7, v1;
	v13 =	vor.u32 $0x8, v1;
	v14 =	vor.u32 $0x9, v1;
	s29 =	sadd.s32 $0x139, s11;
	s30 =	smax.u32 s2, $0x1;
	[dreg:$0xb] =	wrdreg s0  }
0x13: {  	v15 =	vor.u32 $0xA, v1;
	v3 =	vmov s11;
	s4 =	simm.s32 $0x1E00;
	[dreg:$0xc] =	wrdreg s30;
	v2 =	vmov s29;
	s0 =	simm.s32 $0x1A80  }
.LBB2_1:
0x14: {  	[dreg:$0xd] =	wrdreg s7  }
0x15: {  	s2 =	rddreg [dreg:$0xa];
	s15 =	simm.s32 $0x1F400  }
0x16: {  	[tilespmem:s15], [sflag:$0x8] =	stream.linear.gather [hbm4b:s2+s3], $0x80, $0x38;
	[tilespmem:$0x1F480] =	vst v63  }
0x17: {  	_ =	swait.ge [sflag:s8], $0x80  }
0x18: {  	[sflag:s8] =	ssyncset.done $0x0  }
0x19: {  	s16 =	rddreg [dreg:$0x4];
	[sflag:s8] =	ssyncadd.s32 $0xFFFFFF80  }
0x1a: {  	[tilespmem:s19], [sflag:$0x8] =	stream.linear.gather [hbm4b:s16+s3], $0x2780, $0x38;
	[tilespmem:$0x1F480] =	vst v63  }
0x1b: {  	_ =	swait.ge [sflag:s8], $0x2780  }
0x1c: {  	[sflag:s8] =	ssyncset.done $0x0  }
0x1d: {  	s18 =	rddreg [dreg:$0x5];
	[sflag:s8] =	ssyncadd.s32 $0xFFFFD880  }
0x1e: {  	[tilespmem:s20], [sflag:$0x8] =	stream.linear.gather [hbm4b:s18+s3], $0x2780, $0x38;
	[tilespmem:$0x1F480] =	vst v63  }
0x1f: {  	_ =	swait.ge [sflag:s8], $0x2780  }
0x20: {  	[sflag:s8] =	ssyncset.done $0x0  }
0x21: {  	s26 =	rddreg [dreg:$0x6];
	[sflag:s8] =	ssyncadd.s32 $0xFFFFD880  }
0x22: {  	[tilespmem:s21], [sflag:$0x8] =	stream.linear.gather [hbm4b:s26+s3], $0x2780, $0x38;
	[tilespmem:$0x1F480] =	vst v63  }
0x23: {  	_ =	swait.ge [sflag:s8], $0x2780  }
0x24: {  	[sflag:s8] =	ssyncset.done $0x0  }
0x25: {  	s28 =	rddreg [dreg:$0x7];
	[sflag:s8] =	ssyncadd.s32 $0xFFFFD880  }
0x26: {  	[tilespmem:s22], [sflag:$0x8] =	stream.linear.gather [hbm4b:s28+s3], $0x2780, $0x38;
	[tilespmem:$0x1F480] =	vst v63  }
0x27: {  	_ =	swait.ge [sflag:s8], $0x2780  }
0x28: {  	[sflag:s8] =	ssyncset.done $0x0  }
0x29: {  	s29 =	rddreg [dreg:$0x8];
	[sflag:s8] =	ssyncadd.s32 $0xFFFFD880  }
0x2a: {  	[tilespmem:s23], [sflag:$0x8] =	stream.linear.gather [hbm4b:s29+s3], $0x2780, $0x38;
	[tilespmem:$0x1F480] =	vst v63  }
0x2b: {  	_ =	swait.ge [sflag:s8], $0x2780  }
0x2c: {  	[sflag:s8] =	ssyncset.done $0x0  }
0x2d: {  	s30 =	rddreg [dreg:$0x9];
	[sflag:s8] =	ssyncadd.s32 $0xFFFFD880  }
0x2e: {  	[tilespmem:s24], [sflag:$0x8] =	stream.linear.gather [hbm4b:s30+s3], $0x2780, $0x38;
	[tilespmem:$0x1F480] =	vst v63  }
0x2f: {  	_ =	swait.ge [sflag:s8], $0x2780  }
0x30: {  	[sflag:s8] =	ssyncset.done $0x0  }
0x31: {  	s7 =	simm.s32 $0x0;
	s2 =	simm.s32 $0x40;
	[sflag:s8] =	ssyncadd.s32 $0xFFFFD880  }
.LBB2_2:
0x32: {  	p0 =	sne.s32 s2, $0x2C240;
	[tilespmem:s7+$0x14300] =	vst v4;
	s7 =	smov.u32 s2;
	s2 =	sadd.s32 $0x40, s2  }
.Ltmp0:
0x33: {  	(pc) =	sbr.rel @p0 .LBB2_2-.Ltmp0, $2  }
0x34: {  	_ =	sdelay $0x2  }
0x35: {  	s7 =	sshra.s32 s7, $0x2  }
.Ltmp1:
0x36: {  	(pc) =	sbr.rel .LBB2_4-.Ltmp1, $4  }
0x37: {  	[tilespmem:s7+$0x14300] =	vst v4;
	s16 =	simm.s32 $0x0  }
0x38: {  	v16 =	vld [tilespmem:$0x1F400];
	[tilespmem:s16], [sflag:$0x3] =	stream.linear.gather [hbm4b:s13+s16], $0x320, $0x38  }
0x39: {  	s2 =	simm.s32 $0x380;
	s18 =	simm.s32 $0x0  }
0x3a: {  	[tilespmem:s2], [sflag:$0x4] =	stream.linear.gather [hbm4b:s5+s16], $0x320, $0x38;
	[tilespmem:$0x1F480] =	vst v63  }
.LBB2_48:
0x3b: {  	s14 =	simm.s32 $0x1E00;
	s9 =	simm.s32 $0x2180  }
.LBB2_52:
0x3c: {  	_ =	sdelay $0x1  }
0x3d: {  	s12 =	sadd.s32 @p0 $0x10, s14  }
0x3e: {  	[tilespmem:s8+$0x0] =	vst v18;
	s7 =	smov.u32 @p0 s12  }
0x3f: {  	v18 =	vld.idx.msk [tilespmem:v17+s7+$0x0 ss:$0x1], $0xffff;
	_ =	sdelay $0x3  }
0x40: {  	s8 =	sadd.s32 @p0 $0x10, s9  }
0x41: {  	s2 =	smov.u32 @p0 s8;
	[tilespmem:s7+$0x0] =	vst v18  }
0x42: {  	v17 =	vld.idx.msk [tilespmem:v17+s2+$0x0 ss:$0x1], $0xffff;
	_ =	sdelay $0x4  }
0x43: {  	[tilespmem:s2+$0x0] =	vst v17  }
.LBB2_21:
0x44: {  	p0 =	sne.s32 s16, $0xC8  }
.Ltmp2:
0x45: {  	_ = 	snop;
	(pc) =	sbr.rel @!p0 .LBB2_22-.Ltmp2, $1  }
0x46: {  	_ =	sdelay $0x3  }
.LBB2_4:
0x47: {  	s7 =	sshllo.u32 s16, $0x1  }
0x48: {  	s2 =	smul.u32 $0x64, s7;
	_ =	sdelay $0x1  }
0x49: {  	s9 =	simm.s32 $0x700;
	s8 =	sadd.s32 s13, s2  }
0x4a: {  	[tilespmem:s9], [sflag:$0x5] =	stream.linear.gather [hbm4b:s8+s3], $0x320, $0x38;
	[tilespmem:$0x1F480] =	vst v63  }
0x4b: {  	s14 =	simm.s32 $0xA80;
	s15 =	simm.s32 $0x3;
	s2 =	sadd.s32 s5, s2  }
0x4c: {  	[tilespmem:s14], [sflag:$0x6] =	stream.linear.gather [hbm4b:s2+s3], $0x320, $0x38;
	[tilespmem:$0x1F480] =	vst v63  }
0x4d: {  	_ =	swait.ge [sflag:s15], $0x320  }
0x4e: {  	[sflag:s15] =	ssyncset.done $0x0  }
0x4f: {  	s26 =	simm.s32 $0x4;
	[sflag:s15] =	ssyncadd.s32 $0xFFFFFCE0  }
0x50: {  	s28 =	smul.u32 $0x320, s16;
	_ =	swait.ge [sflag:s26], $0x320  }
0x51: {  	[sflag:s26] =	ssyncset.done $0x0  }
0x52: {  	s8 =	simm.s32 $0x10;
	s2 =	sadd.s32 s6, s28;
	[sflag:s26] =	ssyncadd.s32 $0xFFFFFCE0  }
0x53: {  	[tilespmem:s31], [sflag:$0x7] =	stream.linear.gather [hbm4b:s2+s3], $0xC80, $0x38;
	[tilespmem:$0x1F480] =	vst v63  }
0x54: {  	v19 =	vld [tilespmem:s8+$0xFFFFFFF0];
	_ =	sdelay $0x4  }
0x55: {  	vm0 =	vge.s32 v19, v3;
	vm1 =	vlt.s32 v19, v2  }
0x56: {  	vm1 =	vmand vm0, vm1  }
0x57: {  	v17 =	vsel vm1, $0x1, v5  }
0x58: {  	(xrf0) =	vadd.scan.msk.s32 $0xffff, v17;
	_ =	sdelay $0x2  }
0x59: {  	v20 =	vld [tilespmem:s8+$0x0];
	_ =	sdelay $0x2  }
0x5a: {  	v18, _, _ =	vpop (xrf0)  }
0x5b: {  	(v2sf) =	vpush v18, $0xF  }
0x5c: {  	vm2 =	vlt.s32 v20, v2;
	vm0 =	vge.s32 v20, v3  }
0x5d: {  	vm0 =	vmand vm0, vm2  }
0x5e: {  	v17 =	vsel vm0, $0x1, v5  }
0x5f: {  	(xrf0) =	vadd.scan.msk.s32 $0xffff, v17;
	_ =	sdelay $0x5  }
0x60: {  	v21, _, _ =	vpop (xrf0)  }
0x61: {  	(v2sf) =	vpush v21, $0xF;
	_ =	sdelay $0x2  }
0x62: {  	v17 =	vmov s18  }
0x63: {  	v22 =	vadd.s32 $0xFFFFFFFF, v17;
	s29 =	spop (v2sf)  }
0x64: {  	v22 =	vbroadcast v22, $0x0;
	s14 =	sadd.s32 s18, s29  }
0x65: {  	s2 =	simm.s32 $0x390;
	v23 =	vmov s14  }
0x66: {  	v24 =	vld [tilespmem:s2+$0xFFFFFFF0];
	v22 =	vadd.s32 v18, v22;
	v18 =	vadd.s32 $0xFFFFFFFF, v23  }
0x67: {  	v18 =	vbroadcast v18, $0x0;
	_ =	sdelay $0x1  }
0x68: {  	v63 =	vld [tilespmem:s2+$0x0];
	v18 =	vadd.s32 v21, v18;
	_ =	sdelay $0x1  }
0x69: {  	s30 =	simm.s32 $0x0;
	[tilespmem:v22+s0+$0x0] =	vst.idx.msk vm1, v24  }
0x6a: {  	[tilespmem:v22+s4+$0x0] =	vst.idx.msk vm1, v19;
	v19 =	vor.u32 s30, v0  }
0x6b: {  	[tilespmem:v22+s17+$0x0] =	vst.idx.msk vm1, v19  }
0x6c: {  	s15 =	spop (v2sf);
	[tilespmem:v18+s0+$0x0] =	vst.idx.msk vm0, v63  }
0x6d: {  	s9 =	simm.s32 $0x30;
	v19 =	vor.u32 s8, v0;
	s15 =	sadd.s32 s14, s15;
	[tilespmem:v18+s4+$0x0] =	vst.idx.msk vm0, v20  }
.LBB2_5:
0x6e: {  	p0 =	sne.s32 s9, $0x310;
	[tilespmem:v18+s17+$0x0] =	vst.idx.msk vm0, v19;
	s8 =	sadd.s32 $0x20, s8;
	s2 =	sadd.s32 $0x20, s2  }
0x6f: {  	s14 =	smov.u32 s9;
	s9 =	sadd.s32 $0x20, s9;
	v18 =	vld [tilespmem:s8+$0xFFFFFFF0]  }
0x70: {  	v19 =	vld [tilespmem:s8+$0x0];
	_ =	sdelay $0x3  }
0x71: {  	vm0 =	vge.s32 v18, v3;
	vm1 =	vlt.s32 v18, v2  }
0x72: {  	vm1 =	vmand vm0, vm1;
	vm0 =	vge.s32 v19, v3;
	vm2 =	vlt.s32 v19, v2  }
0x73: {  	v20 =	vsel vm1, $0x1, v5;
	vm0 =	vmand vm0, vm2  }
0x74: {  	v21 =	vsel vm0, $0x1, v5;
	(xrf0) =	vadd.scan.msk.s32 $0xffff, v20  }
0x75: {  	(xrf0) =	vadd.scan.msk.s32 $0xffff, v21;
	_ =	sdelay $0x1  }
0x76: {  	v20 =	vmov s15  }
0x77: {  	v20 =	vadd.s32 $0xFFFFFFFF, v20  }
0x78: {  	v20 =	vbroadcast v20, $0x0  }
0x79: {  	v21, _, _ =	vpop (xrf0)  }
0x7a: {  	v22 =	vld [tilespmem:s2+$0xFFFFFFF0];
	v20 =	vadd.s32 v21, v20;
	v23, _, _ =	vpop (xrf0);
	(v2sf) =	vpush v21, $0xF  }
0x7b: {  	(v2sf) =	vpush v23, $0xF;
	_ =	sdelay $0x2  }
0x7c: {  	v21 =	vld [tilespmem:s2+$0x0]  }
0x7d: {  	s26 =	sadd.s32 $0xFFFFFFF0, s14;
	[tilespmem:v20+s0+$0x0] =	vst.idx.msk vm1, v22  }
0x7e: {  	[tilespmem:v20+s4+$0x0] =	vst.idx.msk vm1, v18;
	v18 =	vor.u32 s26, v0  }
0x7f: {  	[tilespmem:v20+s17+$0x0] =	vst.idx.msk vm1, v18;
	_ =	sdelay $0x7  }
0x80: {  	s26 =	spop (v2sf)  }
0x81: {  	s15 =	sadd.s32 s15, s26;
	s26 =	spop (v2sf)  }
0x82: {  	v18 =	vmov s15;
	s15 =	sadd.s32 s15, s26  }
0x83: {  	v18 =	vadd.s32 $0xFFFFFFFF, v18  }
0x84: {  	v18 =	vbroadcast v18, $0x0;
	_ =	sdelay $0x1  }
0x85: {  	v18 =	vadd.s32 v23, v18;
	_ =	sdelay $0x1  }
.Ltmp3:
0x86: {  	(pc) =	sbr.rel @p0 .LBB2_5-.Ltmp3, $3  }
0x87: {  	_ =	sdelay $0x1  }
0x88: {  	[tilespmem:v18+s0+$0x0] =	vst.idx.msk vm0, v21  }
0x89: {  	[tilespmem:v18+s4+$0x0] =	vst.idx.msk vm0, v19;
	v19 =	vor.u32 s14, v0  }
0x8a: {  	s2 =	ssub.s32 s15, s18  }
0x8b: {  	s2 =	sadd.s32 $0xF, s2  }
0x8c: {  	s8 =	sand.u32 $0xF, s2  }
0x8d: {  	s30 =	sshra.s32 s2, $0x1F;
	p1 =	slt.s32 s2, $0x1;
	p0 =	sne.s32 s8, $0x0  }
0x8e: {  	s8 =	sshrl.u32 s30, $0x1C;
	p0 =	por !p1, !p0  }
0x8f: {  	s2 =	sadd.s32 s8, s2;
	s8 =	simm.s32 $0x1;
	p0 =	por !p0, !p0  }
0x90: {  	[tilespmem:v18+s17+$0x0] =	vst.idx.msk vm0, v19;
	v18 =	vadd.s32 s15, v0;
	s2 =	sshra.s32 s2, $0x4;
	s8 =	simm.s32 @!p0 $0x0  }
0x91: {  	s14 =	ssub.s32 s2, s8  }
0x92: {  	_ =	swait.ge [sflag:s25], $0xC80;
	p0 =	slt.s32 s14, $0x1  }
.Ltmp4:
0x93: {  	[sflag:s25] =	ssyncset.done $0x0;
	(pc) =	sbr.rel @p0 .LBB2_11-.Ltmp4, $4  }
0x94: {  	[sflag:s25] =	ssyncadd.s32 $0xFFFFF380  }
0x95: {  	[tilespmem:v18+s0+$0x0] =	vst.idx.msk $0xffff, v5  }
0x96: {  	[tilespmem:v18+s4+$0x0] =	vst.idx.msk $0xffff, v2  }
0x97: {  	[tilespmem:v18+s17+$0x0] =	vst.idx.msk $0xffff, v5  }
0x98: {  	s2 =	sshll.u32 s18, $0x2  }
0x99: {  	s2 =	sshra.s32 s2, $0x2  }
0x9a: {  	s26 =	simm.s32 $0x0;
	s18 =	sadd.s32 $0x1E00, s2  }
.LBB2_8:
0x9b: {  	_ =	sdelay $0x2  }
0x9c: {  	s8 =	sshll.u32 s26, $0x4  }
0x9d: {  	v22 =	vld.idx.msk [tilespmem:v17+s8+$0x1A80 ss:$0x1], $0xffff;
	_ =	sdelay $0x2  }
0x9e: {  	v18 =	vld.idx.msk [tilespmem:v17+s8+$0x1E00 ss:$0x1], $0xffff;
	_ =	sdelay $0x4  }
0x9f: {  	v19 =	vld.idx.msk [tilespmem:v22+s19+$0x0], $0xffff  }
0xa0: {  	v20 =	vld.idx.msk [tilespmem:v22+s20+$0x0], $0xffff  }
0xa1: {  	v21 =	vld.idx.msk [tilespmem:v22+s21+$0x0], $0xffff  }
0xa2: {  	v23 =	vld.idx.msk [tilespmem:v18+s19+$0x0], $0xffff  }
0xa3: {  	v24 =	vld.idx.msk [tilespmem:v18+s20+$0x0], $0xffff  }
0xa4: {  	v25 =	vld.idx.msk [tilespmem:v18+s21+$0x0], $0xffff  }
0xa5: {  	v26 =	vld.idx.msk [tilespmem:v18+s23+$0x0], $0xffff  }
0xa6: {  	v27 =	vld.idx.msk [tilespmem:v18+s24+$0x0], $0xffff  }
0xa7: {  	v28 =	vld.idx.msk [tilespmem:v18+s22+$0x0], $0xffff  }
0xa8: {  	v23 =	vsub.f32 v19, v23;
	v24 =	vsub.f32 v20, v24  }
0xa9: {  	v25 =	vsub.f32 v21, v25  }
0xaa: {  	v18 =	vmul.f32 v23, v23;
	v19 =	vmul.f32 v24, v24  }
0xab: {  	v20 =	vmul.f32 v26, v25;
	v48 =	vmul.f32 v27, v24  }
0xac: {  	v29 =	vmul.f32 v25, v28;
	v49 =	vmul.f32 v28, v24  }
0xad: {  	v30 =	vmul.f32 v26, v23;
	v32 =	vmul.f32 v25, v25  }
0xae: {  	v18 =	vadd.f32 v19, v18;
	v19 =	vmul.f32 v27, v23;
	v20 =	vsub.f32 v20, v48  }
0xaf: {  	v50 =	vmul.f32 v28, v23;
	v31 =	vmul.f32 v26, v24  }
0xb0: {  	v19 =	vsub.f32 v19, v29;
	v51 =	vmul.f32 v20, v20;
	v20 =	vadd.f32 v32, v18  }
0xb1: {  	v52 =	vmul.f32 v27, v25;
	v21 =	vsub.f32 v49, v30;
	v29 =	vadd.f32 v31, v50  }
0xb2: {  	v19 =	vmul.f32 v19, v19;
	v53 =	vshra.s32 v20, $0x1;
	v54 =	vmul.f32 $5.000000000e-01, v20  }
0xb3: {  	v18 =	vadd.f32 v52, v29;
	v29 =	vsub.s32 $0x5F3759DF, v53  }
0xb4: {  	v21 =	vmul.f32 v21, v21;
	v19 =	vadd.f32 v19, v51;
	v55 =	vmul.f32 v29, v54;
	_ =	sdelay $0x1  }
0xb5: {  	v21 =	vadd.f32 v19, v21;
	v19 =	vmul.f32 v18, v18;
	v31 =	vmul.f32 v29, v55;
	_ =	sdelay $0x1  }
0xb6: {  	v19 =	vadd.f32 v21, v19;
	v31 =	vsub.f32 $1.500000000e+00, v31;
	_ =	sdelay $0x1  }
0xb7: {  	v56 =	vshra.s32 v19, $0x1;
	v33 =	vmul.f32 $5.000000000e-01, v19;
	v29 =	vmul.f32 v29, v31  }
0xb8: {  	v32 =	vsub.s32 $0x5F3759DF, v56  }
0xb9: {  	v35 =	vld.idx.msk [tilespmem:v22+s23+$0x0], $0xffff;
	v34 =	vmul.f32 v32, v33;
	v58 =	vmul.f32 v29, v54;
	_ =	sdelay $0x1  }
0xba: {  	v57 =	vmul.f32 v32, v34;
	v34 =	vmul.f32 v58, v29  }
0xbb: {  	v36 =	vshra.s32 v21, $0x1;
	v37 =	vmul.f32 $5.000000000e-01, v21  }
0xbc: {  	v36 =	vsub.s32 $0x5F3759DF, v36;
	v31 =	vsub.f32 $1.500000000e+00, v57;
	v59 =	vsub.f32 $1.500000000e+00, v34  }
0xbd: {  	v62 =	vmul.f32 v25, v35;
	v38 =	vmul.f32 v36, v37  }
0xbe: {  	v31 =	vmul.f32 v32, v31;
	v29 =	vmul.f32 v59, v29;
	v32 =	vld.idx.msk [tilespmem:v22+s24+$0x0], $0xffff  }
0xbf: {  	v42 =	vmul.f32 v23, v35;
	v61 =	vmul.f32 v36, v38;
	v22 =	vld.idx.msk [tilespmem:v22+s22+$0x0], $0xffff  }
0xc0: {  	v60 =	vmul.f32 v31, v33;
	v30 =	vmul.f32 v29, v54  }
0xc1: {  	v57 =	vmul.f32 v28, v35;
	v54 =	vmul.f32 v27, v35  }
0xc2: {  	v34 =	vmul.f32 v60, v31;
	v30 =	vmul.f32 v30, v29  }
0xc3: {  	v39 =	vmul.f32 v24, v32;
	v40 =	vmul.f32 v23, v32  }
0xc4: {  	v41 =	vmul.f32 v25, v22;
	v63 =	vmul.f32 v24, v22  }
0xc5: {  	v23 =	vmul.f32 v23, v22;
	v24 =	vmul.f32 v24, v35  }
0xc6: {  	v53 =	vmul.f32 v26, v32;
	v55 =	vmul.f32 v27, v22  }
0xc7: {  	v56 =	vmul.f32 v28, v32;
	v58 =	vmul.f32 v26, v22;
	v34 =	vsub.f32 $1.500000000e+00, v34  }
0xc8: {  	v22 =	vmul.f32 v28, v22;
	v48 =	vsub.f32 $1.500000000e+00, v30;
	v38 =	vsub.f32 v62, v39  }
0xc9: {  	v26 =	vmul.f32 v26, v35;
	v40 =	vsub.f32 v40, v41;
	v45 =	vsub.f32 v63, v42  }
0xca: {  	v47 =	vmul.f32 v25, v32;
	v23 =	vadd.f32 v24, v23;
	v39 =	vsub.f32 v55, v56  }
0xcb: {  	v60 =	vsub.f32 v57, v58;
	v22 =	vadd.f32 v26, v22;
	v31 =	vmul.f32 v34, v31  }
0xcc: {  	v34 =	vsub.f32 $1.500000000e+00, v61;
	v38 =	vmul.f32 v38, v38;
	v46 =	vmul.f32 v40, v40  }
0xcd: {  	v62 =	vmul.f32 v27, v32;
	v24 =	vmul.f32 v48, v29;
	v23 =	vadd.f32 v47, v23  }
0xce: {  	v34 =	vmul.f32 v36, v34;
	v36 =	vmul.f32 v45, v45;
	v38 =	vadd.f32 v46, v38  }
0xcf: {  	v61 =	vmul.f32 v39, v39;
	v22 =	vadd.f32 v62, v22;
	v49 =	vmul.f32 v31, v33  }
0xd0: {  	v45 =	vmul.f32 v60, v60;
	v30 =	vadd.f32 v38, v36;
	v36 =	vsub.f32 v53, v54  }
0xd1: {  	v52 =	vmul.f32 v23, v23;
	v50 =	vmul.f32 v34, v37  }
0xd2: {  	v48 =	vmul.f32 v22, v22;
	v36 =	vmul.f32 v36, v36  }
0xd3: {  	v29 =	vmul.f32 v49, v31;
	v51 =	vmul.f32 v50, v34  }
0xd4: {  	v33 =	vadd.f32 v30, v52;
	v47 =	vshra.s32 v30, $0x1;
	v44 =	vadd.f32 v61, v36  }
0xd5: {  	v25 =	vsub.f32 $1.500000000e+00, v51;
	v35 =	vsub.s32 $0x5F3759DF, v47;
	v36 =	vmul.f32 $5.000000000e-01, v30  }
0xd6: {  	v59 =	vshra.s32 v33, $0x1;
	v28 =	vmul.f32 $5.000000000e-01, v33;
	v32 =	vadd.f32 v44, v45  }
0xd7: {  	v25 =	vmul.f32 v25, v34;
	v63 =	vsub.s32 $0x5F3759DF, v59;
	v49 =	vmul.f32 v35, v36  }
0xd8: {  	v34 =	vadd.f32 v32, v48;
	v50 =	vshra.s32 v32, $0x1;
	v51 =	vmul.f32 $5.000000000e-01, v32  }
0xd9: {  	v46 =	vmul.f32 v63, v28;
	v38 =	vmul.f32 v35, v49;
	v39 =	vsub.s32 $0x5F3759DF, v50  }
0xda: {  	v52 =	vshra.s32 v34, $0x1;
	v42 =	vmul.f32 $5.000000000e-01, v34;
	v43 =	vmul.f32 v39, v51  }
0xdb: {  	v26 =	vmul.f32 v63, v46;
	v53 =	vsub.f32 $1.500000000e+00, v38;
	v54 =	vsub.s32 $0x5F3759DF, v52  }
0xdc: {  	v41 =	vmul.f32 v54, v42;
	v43 =	vmul.f32 v39, v43  }
0xdd: {  	v26 =	vsub.f32 $1.500000000e+00, v26;
	v27 =	vmul.f32 v35, v53  }
0xde: {  	v24 =	vmul.f32 v24, v20;
	v56 =	vmul.f32 v54, v41;
	v57 =	vsub.f32 $1.500000000e+00, v43  }
0xdf: {  	v26 =	vmul.f32 v63, v26;
	v59 =	vmul.f32 v27, v36  }
0xe0: {  	v55 =	vmul.f32 v25, v37;
	v39 =	vmul.f32 v39, v57;
	v37 =	vsub.f32 $1.500000000e+00, v56  }
0xe1: {  	vm0 =	vle.f32 v20, $0.0e+00;
	v44 =	vmul.f32 v26, v28;
	v61 =	vmul.f32 v59, v27  }
0xe2: {  	v29 =	vsub.f32 $1.500000000e+00, v29;
	v37 =	vmul.f32 v54, v37;
	v62 =	vmul.f32 v39, v51  }
0xe3: {  	v35 =	vmul.f32 v55, v25;
	v58 =	vmul.f32 v44, v26;
	v63 =	vsub.f32 $1.500000000e+00, v61  }
0xe4: {  	vm10 =	vle.f32 v21, $0.0e+00;
	v45 =	vld.idx.msk [tilespmem:v17+s8+$0x2180 ss:$0x1], $0xffff;
	v46 =	vmul.f32 v37, v42;
	v38 =	vmul.f32 v62, v39  }
0xe5: {  	v29 =	vmul.f32 v29, v31;
	v60 =	vsub.f32 $1.500000000e+00, v58;
	v27 =	vmul.f32 v63, v27  }
0xe6: {  	v35 =	vsub.f32 $1.500000000e+00, v35;
	v47 =	vmul.f32 v46, v37;
	v48 =	vsub.f32 $1.500000000e+00, v38  }
0xe7: {  	vm11 =	vle.f32 v19, $0.0e+00;
	v26 =	vmul.f32 v60, v26;
	v36 =	vmul.f32 v27, v36  }
0xe8: {  	v25 =	vmul.f32 v35, v25;
	v31 =	vsub.f32 $1.500000000e+00, v47;
	v35 =	vmul.f32 v48, v39  }
0xe9: {  	v49 =	vshll.u32 v45, $0x2;
	v28 =	vmul.f32 v26, v28;
	v36 =	vmul.f32 v36, v27  }
0xea: {  	v41 =	vor.u32 $0x3, v49;
	v31 =	vmul.f32 v31, v37;
	v50 =	vmul.f32 v35, v51  }
0xeb: {  	v25 =	vmul.f32 v25, v21;
	v28 =	vmul.f32 v28, v26;
	v52 =	vsub.f32 $1.500000000e+00, v36  }
0xec: {  	v53 =	vor.u32 $0x2, v49;
	v54 =	vmul.f32 v31, v42;
	v37 =	vmul.f32 v50, v35  }
0xed: {  	v28 =	vsub.f32 $1.500000000e+00, v28;
	v51 =	vor.u32 $0x1, v49;
	v20 =	vmul.f32 v52, v27  }
0xee: {  	v58 =	vmul.f32 v29, v25;
	v55 =	vmul.f32 v54, v31;
	v56 =	vsub.f32 $1.500000000e+00, v37  }
0xef: {  	v24 =	vsel vm0, $0x0, v24;
	v57 =	vld.idx.msk [tilespmem:v49+s31+$0x0], $0xffff;
	v26 =	vmul.f32 v28, v26;
	v20 =	vmul.f32 v20, v30  }
0xf0: {  	v24 =	vmul.f32 v24, v16;
	v61 =	vld.idx.msk [tilespmem:v41+s31+$0x0], $0xffff;
	v28 =	vmul.f32 v56, v35;
	v27 =	vsub.f32 $1.500000000e+00, v55  }
0xf1: {  	s2 =	simm.s32 $0x14200;
	v18 =	vmul.f32 v29, v18;
	v60 =	vld.idx.msk [tilespmem:v53+s31+$0x0], $0xffff;
	v21 =	vsel vm10, $0x0, v58;
	v20 =	vmul.f32 v26, v20  }
0xf2: {  	v59 =	vld.idx.msk [tilespmem:v51+s31+$0x0], $0xffff;
	[tilespmem:v1+s2+$0x0] =	vst.idx.msk $0xffff, v24;
	v19 =	vmul.f32 v27, v31;
	v62 =	vmul.f32 v28, v32  }
0xf3: {  	vm12 =	vle.f32 v30, $0.0e+00;
	v18 =	vsel vm11, $0x3F800000, v18;
	v23 =	vmul.f32 v26, v23;
	[tilespmem:v6+s2+$0x0] =	vst.idx.msk $0xffff, v21  }
0xf4: {  	vm13 =	vle.f32 v33, $0.0e+00;
	[tilespmem:v7+s2+$0x0] =	vst.idx.msk $0xffff, v18;
	v20 =	vsel vm12, $0x0, v20;
	v63 =	vmul.f32 v19, v62  }
0xf5: {  	vm14 =	vle.f32 v32, $0.0e+00;
	v18 =	vsel vm13, $0x3F800000, v23;
	[tilespmem:v8+s2+$0x0] =	vst.idx.msk $0xffff, v20;
	v19 =	vmul.f32 v19, v22  }
0xf6: {  	vm15 =	vle.f32 v34, $0.0e+00;
	[tilespmem:v9+s2+$0x0] =	vst.idx.msk $0xffff, v18;
	v20 =	vsel vm14, $0x0, v63  }
0xf7: {  	v18 =	vsel vm15, $0x3F800000, v19;
	[tilespmem:v10+s2+$0x0] =	vst.idx.msk $0xffff, v20  }
0xf8: {  	[tilespmem:v11+s2+$0x0] =	vst.idx.msk $0xffff, v18;
	v18 =	vmov s18  }
0xf9: {  	[tilespmem:v12+s2+$0x0] =	vst.idx.msk $0xffff, v57  }
0xfa: {  	[tilespmem:v13+s2+$0x0] =	vst.idx.msk $0xffff, v59  }
0xfb: {  	[tilespmem:v14+s2+$0x0] =	vst.idx.msk $0xffff, v60  }
0xfc: {  	s29 =	simm.s32 $0x0;
	[tilespmem:v15+s2+$0x0] =	vst.idx.msk $0xffff, v61  }
0xfd: {  	v19 =	vld.idx.msk [tilespmem:v18+s29+$0x0 ss:$0x1], $0xffff;
	_ =	sdelay $0x4  }
0xfe: {  	(v2sf) =	vpush v19, $0x0;
	_ =	sdelay $0xe  }
0xff: {  	s30 =	spop (v2sf)  }
0x100: {  	s8 =	ssub.s32 s30, s11  }
0x101: {  	s28 =	smul.u32 $0x90, s8  }
0x102: {  	v19 =	vld [tilespmem:s2+$0x0]  }
0x103: {  	v20 =	vld [tilespmem:s28+$0x14380];
	_ =	sdelay $0x4  }
0x104: {  	v19 =	vmax.f32 v20, v19  }
0x105: {  	s9 =	simm.s32 $0x1;
	s8 =	simm.s32 $0x8;
	[tilespmem:s28+$0x14380] =	vst v19  }
.LBB2_9:
0x106: {  	p0 =	sne.s32 s8, $0x3C;
	v19 =	vld.idx.msk [tilespmem:v18+s9+$0x0 ss:$0x1], $0xffff;
	_ =	sdelay $0x5  }
0x107: {  	(v2sf) =	vpush v19, $0x0;
	_ =	sdelay $0xe  }
0x108: {  	s9 =	spop (v2sf)  }
0x109: {  	s9 =	ssub.s32 s9, s11  }
0x10a: {  	s2 =	sadd.s32 $0x10, s2;
	s28 =	smul.u32 $0x90, s9  }
0x10b: {  	v19 =	vld [tilespmem:s2+$0x0]  }
0x10c: {  	v20 =	vld [tilespmem:s28+$0x14380];
	_ =	sdelay $0x1  }
.Ltmp5:
0x10d: {  	(pc) =	sbr.rel @p0 .LBB2_9-.Ltmp5, $3  }
0x10e: {  	_ =	sdelay $0x1  }
0x10f: {  	v19 =	vmax.f32 v20, v19  }
0x110: {  	s9 =	sshra.s32 s8, $0x2;
	s8 =	sadd.s32 $0x4, s8;
	[tilespmem:s28+$0x14380] =	vst v19  }
0x111: {  	_ =	sdelay $0x3  }
0x112: {  	v18 =	vld.idx.msk [tilespmem:v18+s9+$0x0 ss:$0x1], $0xffff;
	_ =	sdelay $0x4  }
0x113: {  	(v2sf) =	vpush v18, $0x0;
	_ =	sdelay $0xe  }
0x114: {  	s8 =	spop (v2sf)  }
0x115: {  	s8 =	ssub.s32 s8, s11  }
0x116: {  	s2 =	sadd.s32 $0x10, s2;
	s8 =	smul.u32 $0x90, s8  }
0x117: {  	v18 =	vld [tilespmem:s2+$0x0]  }
0x118: {  	s26 =	sadd.s32 $0x1, s26;
	v19 =	vld [tilespmem:s8+$0x14380]  }
0x119: {  	p0 =	sne.s32 s26, s14  }
.Ltmp6:
0x11a: {  	_ = 	snop;
	(pc) =	sbr.rel @p0 .LBB2_8-.Ltmp6, $3  }
0x11b: {  	_ =	sdelay $0x1  }
0x11c: {  	v18 =	vmax.f32 v19, v18  }
0x11d: {  	s18 =	sadd.s32 $0x10, s18;
	[tilespmem:s8+$0x14380] =	vst v18  }
.LBB2_11:
0x11e: {  	s2 =	smulhi.u32 $0x2AAAAAAB, s15;
	s8 =	sshra.s32 s15, $0x1F  }
0x11f: {  	s8 =	smul.u32 $0x2AAAAAAB, s8;
	_ =	sdelay $0x1  }
0x120: {  	s2 =	sadd.s32 s8, s2  }
0x121: {  	s8 =	sshrl.u32 s2, $0x1F;
	s2 =	sshra.s32 s2, $0x3  }
0x122: {  	s14 =	sadd.s32 s8, s2  }
0x123: {  	s2 =	smul.u32 $0xFFFFFFD0, s14  }
0x124: {  	s30 =	ssub.s32 $0x0, s15  }
0x125: {  	p0 =	slt.s32 s15, $0x1;
	p1 =	sne.s32 s2, s30  }
0x126: {  	p0 =	por !p0, !p1  }
0x127: {  	s2 =	simm.s32 $0x1;
	p0 =	por !p0, !p0  }
0x128: {  	s2 =	simm.s32 @!p0 $0x0  }
0x129: {  	s18 =	ssub.s32 s14, s2  }
0x12a: {  	p1 =	slt.s32 s18, $0x1  }
.Ltmp7:
0x12b: {  	_ = 	snop;
	(pc) =	sbr.rel @p1 .LBB2_18-.Ltmp7, $1  }
0x12c: {  	_ =	sdelay $0x3  }
0x12d: {  	s2 =	simm.s32 $0x30;
	s8 =	simm.s32 $0x2500  }
0x12e: {  	s26 =	simm.s32 $0x0;
	s28 =	simm.s32 $0x1E00;
	p1 =	por $0x0, $0x0  }
0x12f: {  	[tilespmem:s8], [sflag:$0x1] =	stream.indirect.gather [hbm4b:s1+s2], $0x80, s0, s2, $0xb8;
	[tilespmem:$0x1F480] =	vst v63  }
.LBB2_13:
0x130: {  	s2 =	sand.u32 $0x1, s26  }
0x131: {  	p2 =	seq.s32 s2, $0x1  }
0x132: {  	s8 =	sor.u32 @!p2 $0x1, s26  }
0x133: {  	p3 =	sge.s32 @!p2 s8, s18  }
0x134: {  	s9 =	simm.s32 @!p2 $0x1;
	p3 =	por p3, p2  }
0x135: {  	_ =	swait.ge @!p2 [sflag:s9], $0x1800;
	s8 =	smul.u32 @!p3 $0xC0, s8  }
0x136: {  	[sflag:s9] =	ssyncset.done @!p2 $0x0  }
0x137: {  	[sflag:s9] =	ssyncadd.s32 @!p2 $0xFFFFE800;
	s8 =	sshra.s32 @!p3 s8, $0x2  }
0x138: {  	s9 =	simm.s32 @!p3 $0x30;
	s29 =	simm.s32 @!p3 $0x3D00;
	s8 =	sadd.s32 @!p3 $0x1A80, s8  }
0x139: {  	[tilespmem:s29], [sflag:$0x2] =	stream.indirect.gather @!p3 [hbm4b:s1+s9], $0x80, s8, s9, $0xb8;
	[tilespmem:$0x1F480] =	vst v63  }
0x13a: {  	p3 =	seq.s32 @!p2 s2, $0x0  }
0x13b: {  	p2 =	por p2, !p3  }
.Ltmp8:
0x13c: {  	_ = 	snop;
	(pc) =	sbr.rel @!p2 .LBB2_15-.Ltmp8, $1  }
0x13d: {  	_ =	sdelay $0x3  }
0x13e: {  	s2 =	sadd.s32 $0x1, s26  }
0x13f: {  	p2 =	sge.s32 s2, s18  }
0x140: {  	_ =	swait.ge [sflag:s10], $0x1800;
	s2 =	smul.u32 @!p2 $0xC0, s2  }
0x141: {  	[sflag:s10] =	ssyncset.done $0x0  }
0x142: {  	[sflag:s10] =	ssyncadd.s32 $0xFFFFE800;
	s2 =	sshra.s32 @!p2 s2, $0x2  }
0x143: {  	s8 =	simm.s32 @!p2 $0x30;
	s9 =	simm.s32 @!p2 $0x2500;
	s2 =	sadd.s32 @!p2 $0x1A80, s2  }
0x144: {  	[tilespmem:s9], [sflag:$0x1] =	stream.indirect.gather @!p2 [hbm4b:s1+s8], $0x80, s2, s8, $0xb8;
	[tilespmem:$0x1F480] =	vst v63  }
.LBB2_15:
0x145: {  	v17 =	vmov s28;
	_ =	sdelay $0x3  }
0x146: {  	s2 =	simm.s32 $0x0  }
0x147: {  	v18 =	vld.idx.msk [tilespmem:v17+s2+$0x0 ss:$0x1], $0xffff;
	_ =	sdelay $0x4  }
0x148: {  	(v2sf) =	vpush v18, $0x0;
	_ =	sdelay $0xc  }
0x149: {  	s2 =	simm.s32 $0x1  }
0x14a: {  	s2 =	simm.s32 @!p1 $0x0  }
0x14b: {  	s2 =	smul.u32 $0x6000, s2;
	s8 =	spop (v2sf)  }
0x14c: {  	s8 =	ssub.s32 s8, s11  }
0x14d: {  	s2 =	sshrl.u32 s2, $0x2;
	s9 =	smul.u32 $0x240, s8  }
0x14e: {  	s8 =	sor.u32 $0x2540, s2  }
0x14f: {  	v18 =	vld [tilespmem:s8+$0xFFFFFFC0];
	s2 =	sshra.s32 s9, $0x2  }
0x150: {  	v19 =	vld [tilespmem:s2+$0x14300];
	_ =	sdelay $0x4  }
0x151: {  	v18 =	vmax.f32 v19, v18  }
0x152: {  	[tilespmem:s2+$0x14300] =	vst v18;
	v18 =	vld [tilespmem:s2+$0x14310]  }
0x153: {  	v19 =	vld [tilespmem:s8+$0xFFFFFFD0];
	_ =	sdelay $0x4  }
0x154: {  	v18 =	vmax.f32 v18, v19  }
0x155: {  	[tilespmem:s2+$0x14310] =	vst v18;
	v18 =	vld [tilespmem:s2+$0x14320]  }
0x156: {  	v19 =	vld [tilespmem:s8+$0xFFFFFFE0];
	_ =	sdelay $0x4  }
0x157: {  	v18 =	vmax.f32 v18, v19  }
0x158: {  	[tilespmem:s2+$0x14320] =	vst v18;
	v18 =	vld [tilespmem:s2+$0x14330]  }
0x159: {  	v19 =	vld [tilespmem:s8+$0xFFFFFFF0];
	_ =	sdelay $0x4  }
0x15a: {  	v18 =	vmax.f32 v18, v19  }
0x15b: {  	[tilespmem:s2+$0x14330] =	vst v18;
	v18 =	vld [tilespmem:s2+$0x14340]  }
0x15c: {  	v19 =	vld [tilespmem:s8+$0x0];
	_ =	sdelay $0x4  }
0x15d: {  	v18 =	vmax.f32 v18, v19  }
0x15e: {  	[tilespmem:s2+$0x14340] =	vst v18;
	v18 =	vld [tilespmem:s2+$0x14350]  }
0x15f: {  	v19 =	vld [tilespmem:s8+$0x10];
	_ =	sdelay $0x4  }
0x160: {  	v18 =	vmax.f32 v18, v19  }
0x161: {  	[tilespmem:s2+$0x14350] =	vst v18;
	v18 =	vld [tilespmem:s2+$0x14360]  }
0x162: {  	v19 =	vld [tilespmem:s8+$0x20];
	_ =	sdelay $0x4  }
0x163: {  	v18 =	vmax.f32 v18, v19  }
0x164: {  	[tilespmem:s2+$0x14360] =	vst v18;
	v18 =	vld [tilespmem:s2+$0x14370]  }
0x165: {  	v19 =	vld [tilespmem:s8+$0x30];
	_ =	sdelay $0x4  }
0x166: {  	s29 =	simm.s32 $0x8;
	s9 =	simm.s32 $0x4;
	v18 =	vmax.f32 v18, v19  }
.LBB2_16:
0x167: {  	s12 =	sshra.s32 s9, $0x2  }
0x168: {  	[tilespmem:s2+$0x14370] =	vst v18;
	s8 =	sadd.s32 $0x80, s8;
	s9 =	smov.u32 s29;
	s30 =	sadd.s32 $0x4, s29  }
0x169: {  	p2 =	sne.s32 s29, $0xBC;
	v18 =	vld.idx.msk [tilespmem:v17+s12+$0x0 ss:$0x1], $0xffff;
	_ =	sdelay $0x5  }
0x16a: {  	(v2sf) =	vpush v18, $0x0;
	_ =	sdelay $0xe  }
0x16b: {  	s2 =	spop (v2sf)  }
0x16c: {  	s2 =	ssub.s32 s2, s11  }
0x16d: {  	s2 =	smul.u32 $0x240, s2;
	_ =	sdelay $0x1  }
0x16e: {  	s2 =	sshra.s32 s2, $0x2;
	v18 =	vld [tilespmem:s8+$0xFFFFFFC0]  }
0x16f: {  	v19 =	vld [tilespmem:s2+$0x14300];
	_ =	sdelay $0x4  }
0x170: {  	v18 =	vmax.f32 v19, v18  }
0x171: {  	[tilespmem:s2+$0x14300] =	vst v18;
	v18 =	vld [tilespmem:s2+$0x14310]  }
0x172: {  	v19 =	vld [tilespmem:s8+$0xFFFFFFD0];
	_ =	sdelay $0x4  }
0x173: {  	v18 =	vmax.f32 v18, v19  }
0x174: {  	[tilespmem:s2+$0x14310] =	vst v18;
	v18 =	vld [tilespmem:s2+$0x14320]  }
0x175: {  	v19 =	vld [tilespmem:s8+$0xFFFFFFE0];
	_ =	sdelay $0x4  }
0x176: {  	v18 =	vmax.f32 v18, v19  }
0x177: {  	[tilespmem:s2+$0x14320] =	vst v18;
	v18 =	vld [tilespmem:s2+$0x14330]  }
0x178: {  	v19 =	vld [tilespmem:s8+$0xFFFFFFF0];
	_ =	sdelay $0x4  }
0x179: {  	v18 =	vmax.f32 v18, v19  }
0x17a: {  	[tilespmem:s2+$0x14330] =	vst v18;
	v18 =	vld [tilespmem:s2+$0x14340]  }
0x17b: {  	v19 =	vld [tilespmem:s8+$0x0];
	_ =	sdelay $0x4  }
0x17c: {  	v18 =	vmax.f32 v18, v19  }
0x17d: {  	[tilespmem:s2+$0x14340] =	vst v18;
	v18 =	vld [tilespmem:s2+$0x14350]  }
0x17e: {  	v19 =	vld [tilespmem:s8+$0x10];
	_ =	sdelay $0x4  }
0x17f: {  	v18 =	vmax.f32 v18, v19  }
0x180: {  	[tilespmem:s2+$0x14350] =	vst v18;
	v18 =	vld [tilespmem:s2+$0x14360]  }
0x181: {  	v19 =	vld [tilespmem:s8+$0x20];
	_ =	sdelay $0x4  }
0x182: {  	v18 =	vmax.f32 v18, v19  }
0x183: {  	[tilespmem:s2+$0x14360] =	vst v18;
	v18 =	vld [tilespmem:s2+$0x14370]  }
0x184: {  	v19 =	vld [tilespmem:s8+$0x30]  }
.Ltmp9:
0x185: {  	(pc) =	sbr.rel @p2 .LBB2_16-.Ltmp9, $2  }
0x186: {  	_ =	sdelay $0x2  }
0x187: {  	s29 =	smov.u32 s30;
	v18 =	vmax.f32 v18, v19  }
0x188: {  	_ =	sdelay $0x2  }
0x189: {  	s9 =	sshra.s32 s9, $0x2;
	[tilespmem:s2+$0x14370] =	vst v18  }
0x18a: {  	v17 =	vld.idx.msk [tilespmem:v17+s9+$0x0 ss:$0x1], $0xffff;
	_ =	sdelay $0x4  }
0x18b: {  	(v2sf) =	vpush v17, $0x0;
	_ =	sdelay $0xe  }
0x18c: {  	s30 =	spop (v2sf)  }
0x18d: {  	s2 =	ssub.s32 s30, s11  }
0x18e: {  	s2 =	smul.u32 $0x240, s2  }
0x18f: {  	s8 =	sadd.s32 $0x80, s8  }
0x190: {  	v17 =	vld [tilespmem:s8+$0xFFFFFFC0];
	s2 =	sshra.s32 s2, $0x2  }
0x191: {  	v18 =	vld [tilespmem:s2+$0x14300];
	_ =	sdelay $0x4  }
0x192: {  	v17 =	vmax.f32 v18, v17  }
0x193: {  	[tilespmem:s2+$0x14300] =	vst v17;
	v17 =	vld [tilespmem:s2+$0x14310]  }
0x194: {  	v18 =	vld [tilespmem:s8+$0xFFFFFFD0];
	_ =	sdelay $0x4  }
0x195: {  	v17 =	vmax.f32 v17, v18  }
0x196: {  	[tilespmem:s2+$0x14310] =	vst v17;
	v17 =	vld [tilespmem:s2+$0x14320]  }
0x197: {  	v18 =	vld [tilespmem:s8+$0xFFFFFFE0];
	_ =	sdelay $0x4  }
0x198: {  	v17 =	vmax.f32 v17, v18  }
0x199: {  	[tilespmem:s2+$0x14320] =	vst v17;
	v17 =	vld [tilespmem:s2+$0x14330]  }
0x19a: {  	v18 =	vld [tilespmem:s8+$0xFFFFFFF0];
	_ =	sdelay $0x4  }
0x19b: {  	v17 =	vmax.f32 v17, v18  }
0x19c: {  	[tilespmem:s2+$0x14330] =	vst v17;
	v17 =	vld [tilespmem:s2+$0x14340]  }
0x19d: {  	v18 =	vld [tilespmem:s8+$0x0];
	_ =	sdelay $0x4  }
0x19e: {  	v17 =	vmax.f32 v17, v18  }
0x19f: {  	[tilespmem:s2+$0x14340] =	vst v17;
	v17 =	vld [tilespmem:s2+$0x14350]  }
0x1a0: {  	v18 =	vld [tilespmem:s8+$0x10];
	_ =	sdelay $0x4  }
0x1a1: {  	v17 =	vmax.f32 v17, v18  }
0x1a2: {  	[tilespmem:s2+$0x14350] =	vst v17;
	v17 =	vld [tilespmem:s2+$0x14360]  }
0x1a3: {  	v18 =	vld [tilespmem:s8+$0x20];
	_ =	sdelay $0x4  }
0x1a4: {  	v17 =	vmax.f32 v17, v18  }
0x1a5: {  	[tilespmem:s2+$0x14360] =	vst v17;
	v17 =	vld [tilespmem:s2+$0x14370]  }
0x1a6: {  	s26 =	sadd.s32 $0x1, s26;
	v18 =	vld [tilespmem:s8+$0x30]  }
0x1a7: {  	p2 =	sne.s32 s26, s18  }
.Ltmp10:
0x1a8: {  	_ = 	snop;
	(pc) =	sbr.rel @p2 .LBB2_13-.Ltmp10, $3  }
0x1a9: {  	_ =	sdelay $0x1  }
0x1aa: {  	v17 =	vmax.f32 v17, v18  }
0x1ab: {  	s28 =	sadd.s32 $0x30, s28;
	p1 =	por !p1, !p1;
	[tilespmem:s2+$0x14370] =	vst v17  }
.LBB2_18:
0x1ac: {  	s2 =	smul.u32 $0x30, s18;
	_ =	sdelay $0x1  }
0x1ad: {  	s26 =	ssub.s32 s15, s2  }
0x1ae: {  	s2 =	sadd.s32 $0xF, s26  }
0x1af: {  	s8 =	sand.u32 $0xF, s2  }
0x1b0: {  	s30 =	sshra.s32 s2, $0x1F;
	p2 =	slt.s32 s2, $0x1;
	p1 =	sne.s32 s8, $0x0  }
0x1b1: {  	s8 =	sshrl.u32 s30, $0x1C;
	p1 =	por !p2, !p1  }
0x1b2: {  	s2 =	sadd.s32 s8, s2;
	s8 =	simm.s32 $0x1;
	p1 =	por !p1, !p1  }
0x1b3: {  	s2 =	sshra.s32 s2, $0x4;
	s8 =	simm.s32 @!p1 $0x0  }
0x1b4: {  	s28 =	ssub.s32 s2, s8  }
0x1b5: {  	p1 =	slt.s32 s28, $0x1  }
.Ltmp11:
0x1b6: {  	_ = 	snop;
	(pc) =	sbr.rel @p1 .LBB2_32-.Ltmp11, $1  }
0x1b7: {  	_ =	sdelay $0x3  }
0x1b8: {  	s2 =	smul.u32 $0xC0, s18;
	_ =	sdelay $0x1  }
0x1b9: {  	s2 =	sshra.s32 s2, $0x2  }
0x1ba: {  	p2 =	sne.s32 s28, $0x1;
	v17 =	vmov s2  }
.Ltmp12:
0x1bb: {  	_ = 	snop;
	(pc) =	sbr.rel @!p2 .LBB2_20-.Ltmp12, $3  }
0x1bc: {  	_ =	sdelay $0x1  }
0x1bd: {  	s9 =	simm.s32 $0x1A80;
	s8 =	simm.s32 $0x1E00  }
0x1be: {  	s18 =	sadd.s32 $0xFFFFFFFF, s28;
	p1 =	por $0x0, $0x0;
	s2 =	simm.s32 $0x2180;
	v18 =	vld.idx.msk [tilespmem:v17+s9+$0x0 ss:$0x1], $0xffff  }
0x1bf: {  	_ =	sdelay $0x3  }
0x1c0: {  	[tilespmem:s9+$0x0] =	vst v18  }
0x1c1: {  	v18 =	vld.idx.msk [tilespmem:v17+s8+$0x0 ss:$0x1], $0xffff;
	_ =	sdelay $0x4  }
0x1c2: {  	[tilespmem:s8+$0x0] =	vst v18  }
0x1c3: {  	v18 =	vld.idx.msk [tilespmem:v17+s2+$0x0 ss:$0x1], $0xffff  }
0x1c4: {  	p2 =	sne.s32 s18, $0x1  }
.Ltmp13:
0x1c5: {  	_ = 	snop;
	(pc) =	sbr.rel @!p2 .LBB2_29-.Ltmp13, $3  }
0x1c6: {  	_ =	sdelay $0x1  }
0x1c7: {  	s29 =	sadd.s32 $0xFFFFFFFF, s18;
	s9 =	simm.s32 $0x1A90;
	[tilespmem:s2+$0x0] =	vst v18  }
0x1c8: {  	p1 =	por $0x1, $0x1;
	s28 =	simm.s32 $0x1E00;
	s18 =	simm.s32 $0x2180;
	v18 =	vld.idx.msk [tilespmem:v17+s9+$0x0 ss:$0x1], $0xffff  }
.LBB2_30:
0x1c9: {  	p2 =	sne.s32 s29, $0x1;
	_ =	sdelay $0x4  }
0x1ca: {  	s28 =	sadd.s32 $0x10, s28;
	[tilespmem:s9+$0x0] =	vst v18  }
0x1cb: {  	v18 =	vld.idx.msk [tilespmem:v17+s28+$0x0 ss:$0x1], $0xffff;
	_ =	sdelay $0x5  }
0x1cc: {  	s18 =	sadd.s32 $0x10, s18;
	[tilespmem:s28+$0x0] =	vst v18  }
0x1cd: {  	v18 =	vld.idx.msk [tilespmem:v17+s18+$0x0 ss:$0x1], $0xffff;
	_ =	sdelay $0x2  }
.Ltmp14:
0x1ce: {  	(pc) =	sbr.rel @p2 .LBB2_30-.Ltmp14, $3  }
0x1cf: {  	_ =	sdelay $0x1  }
0x1d0: {  	s9 =	sadd.s32 $0x10, s9;
	[tilespmem:s18+$0x0] =	vst v18  }
0x1d1: {  	s29 =	sadd.s32 $0xFFFFFFFF, s29;
	v18 =	vld.idx.msk [tilespmem:v17+s9+$0x0 ss:$0x1], $0xffff  }
.LBB2_31:
0x1d2: {  	_ =	sdelay $0x2  }
0x1d3: {  	s12 =	sadd.s32 @p1 $0x10, s28  }
0x1d4: {  	s8 =	smov.u32 @p1 s12;
	[tilespmem:s9+$0x0] =	vst v18  }
0x1d5: {  	v18 =	vld.idx.msk [tilespmem:v17+s8+$0x0 ss:$0x1], $0xffff;
	_ =	sdelay $0x3  }
0x1d6: {  	s9 =	sadd.s32 @p1 $0x10, s18  }
0x1d7: {  	s2 =	smov.u32 @p1 s9;
	[tilespmem:s8+$0x0] =	vst v18  }
0x1d8: {  	v17 =	vld.idx.msk [tilespmem:v17+s2+$0x0 ss:$0x1], $0xffff;
	_ =	sdelay $0x4  }
0x1d9: {  	[tilespmem:s2+$0x0] =	vst v17  }
.LBB2_32:
0x1da: {  	p1 =	seq.s32 s16, $0xC7  }
0x1db: {  	s2 =	smul.u32 @!p1 $0x640, s16;
	_ =	sdelay $0x1  }
0x1dc: {  	s2 =	sshrl.u32 @!p1 s2, $0x3  }
0x1dd: {  	s2 =	sadd.s32 @!p1 $0xC8, s2  }
0x1de: {  	s9 =	simm.s32 @!p1 $0x0;
	s8 =	sadd.s32 @!p1 s13, s2  }
0x1df: {  	[tilespmem:s9], [sflag:$0x3] =	stream.linear.gather @!p1 [hbm4b:s8+s9], $0x320, $0x38;
	[tilespmem:$0x1F480] =	vst v63  }
0x1e0: {  	s2 =	sadd.s32 @!p1 s5, s2;
	s8 =	simm.s32 @!p1 $0x380  }
0x1e1: {  	[tilespmem:s8], [sflag:$0x4] =	stream.linear.gather @!p1 [hbm4b:s2+s9], $0x320, $0x38;
	[tilespmem:$0x1F480] =	vst v63  }
0x1e2: {  	s9 =	simm.s32 $0x5  }
0x1e3: {  	_ =	swait.ge [sflag:s9], $0x320  }
0x1e4: {  	[sflag:s9] =	ssyncset.done $0x0  }
0x1e5: {  	s12 =	simm.s32 $0x6;
	[sflag:s9] =	ssyncadd.s32 $0xFFFFFCE0  }
0x1e6: {  	s18 =	smul.u32 $0x190, s7;
	_ =	swait.ge [sflag:s12], $0x320  }
0x1e7: {  	[sflag:s12] =	ssyncset.done $0x0  }
0x1e8: {  	s2 =	sadd.s32 s6, s18;
	s8 =	simm.s32 $0x710;
	[sflag:s12] =	ssyncadd.s32 $0xFFFFFCE0  }
0x1e9: {  	[tilespmem:s31], [sflag:$0x7] =	stream.linear.gather [hbm4b:s2+s3], $0xC80, $0x38;
	[tilespmem:$0x1F480] =	vst v63  }
0x1ea: {  	v19 =	vld [tilespmem:s8+$0xFFFFFFF0];
	_ =	sdelay $0x4  }
0x1eb: {  	vm0 =	vge.s32 v19, v3;
	vm1 =	vlt.s32 v19, v2  }
0x1ec: {  	vm1 =	vmand vm0, vm1  }
0x1ed: {  	v17 =	vsel vm1, $0x1, v5  }
0x1ee: {  	(xrf0) =	vadd.scan.msk.s32 $0xffff, v17;
	_ =	sdelay $0x2  }
0x1ef: {  	v20 =	vld [tilespmem:s8+$0x0];
	_ =	sdelay $0x2  }
0x1f0: {  	v18, _, _ =	vpop (xrf0)  }
0x1f1: {  	(v2sf) =	vpush v18, $0xF  }
0x1f2: {  	vm2 =	vlt.s32 v20, v2;
	vm0 =	vge.s32 v20, v3  }
0x1f3: {  	vm0 =	vmand vm0, vm2  }
0x1f4: {  	v17 =	vsel vm0, $0x1, v5  }
0x1f5: {  	(xrf0) =	vadd.scan.msk.s32 $0xffff, v17;
	_ =	sdelay $0x5  }
0x1f6: {  	v21, _, _ =	vpop (xrf0)  }
0x1f7: {  	(v2sf) =	vpush v21, $0xF;
	_ =	sdelay $0x2  }
0x1f8: {  	v17 =	vmov s26  }
0x1f9: {  	v22 =	vadd.s32 $0xFFFFFFFF, v17;
	s28 =	spop (v2sf)  }
0x1fa: {  	v22 =	vbroadcast v22, $0x0;
	s29 =	sadd.s32 s26, s28  }
0x1fb: {  	s2 =	simm.s32 $0xA90;
	v23 =	vmov s29  }
0x1fc: {  	v24 =	vld [tilespmem:s2+$0xFFFFFFF0];
	v22 =	vadd.s32 v18, v22;
	v18 =	vadd.s32 $0xFFFFFFFF, v23  }
0x1fd: {  	v18 =	vbroadcast v18, $0x0;
	_ =	sdelay $0x1  }
0x1fe: {  	v63 =	vld [tilespmem:s2+$0x0];
	v18 =	vadd.s32 v21, v18;
	_ =	sdelay $0x1  }
0x1ff: {  	s30 =	simm.s32 $0x0;
	[tilespmem:v22+s0+$0x0] =	vst.idx.msk vm1, v24  }
0x200: {  	[tilespmem:v22+s4+$0x0] =	vst.idx.msk vm1, v19;
	v19 =	vor.u32 s30, v0  }
0x201: {  	s16 =	sadd.s32 $0x1, s16;
	[tilespmem:v22+s17+$0x0] =	vst.idx.msk vm1, v19  }
0x202: {  	s9 =	simm.s32 $0xFFFFFFFF;
	s12 =	simm.s32 $0x10;
	s28 =	spop (v2sf);
	[tilespmem:v18+s0+$0x0] =	vst.idx.msk vm0, v63  }
0x203: {  	s18 =	simm.s32 $0x30;
	s9 =	simm.s32 @!p0 $0x0;
	v19 =	vor.u32 s12, v0;
	s7 =	sadd.s32 s29, s28;
	[tilespmem:v18+s4+$0x0] =	vst.idx.msk vm0, v20  }
.LBB2_33:
0x204: {  	p0 =	sne.s32 s18, $0x310;
	[tilespmem:v18+s17+$0x0] =	vst.idx.msk vm0, v19;
	s8 =	sadd.s32 $0x20, s8;
	s2 =	sadd.s32 $0x20, s2  }
0x205: {  	s28 =	smov.u32 s18;
	s18 =	sadd.s32 $0x20, s18;
	v18 =	vld [tilespmem:s8+$0xFFFFFFF0]  }
0x206: {  	v19 =	vld [tilespmem:s8+$0x0];
	_ =	sdelay $0x3  }
0x207: {  	vm0 =	vge.s32 v18, v3;
	vm1 =	vlt.s32 v18, v2  }
0x208: {  	vm1 =	vmand vm0, vm1;
	vm0 =	vge.s32 v19, v3;
	vm2 =	vlt.s32 v19, v2  }
0x209: {  	v20 =	vsel vm1, $0x1, v5;
	vm0 =	vmand vm0, vm2  }
0x20a: {  	v21 =	vsel vm0, $0x1, v5;
	(xrf0) =	vadd.scan.msk.s32 $0xffff, v20  }
0x20b: {  	(xrf0) =	vadd.scan.msk.s32 $0xffff, v21;
	_ =	sdelay $0x1  }
0x20c: {  	v20 =	vmov s7  }
0x20d: {  	v20 =	vadd.s32 $0xFFFFFFFF, v20  }
0x20e: {  	v20 =	vbroadcast v20, $0x0  }
0x20f: {  	v21, _, _ =	vpop (xrf0)  }
0x210: {  	v22 =	vld [tilespmem:s2+$0xFFFFFFF0];
	v20 =	vadd.s32 v21, v20;
	v23, _, _ =	vpop (xrf0);
	(v2sf) =	vpush v21, $0xF  }
0x211: {  	(v2sf) =	vpush v23, $0xF;
	_ =	sdelay $0x2  }
0x212: {  	v21 =	vld [tilespmem:s2+$0x0]  }
0x213: {  	s12 =	sadd.s32 $0xFFFFFFF0, s28;
	[tilespmem:v20+s0+$0x0] =	vst.idx.msk vm1, v22  }
0x214: {  	[tilespmem:v20+s4+$0x0] =	vst.idx.msk vm1, v18;
	v18 =	vor.u32 s12, v0  }
0x215: {  	[tilespmem:v20+s17+$0x0] =	vst.idx.msk vm1, v18;
	_ =	sdelay $0x7  }
0x216: {  	s12 =	spop (v2sf)  }
0x217: {  	s7 =	sadd.s32 s7, s12;
	s12 =	spop (v2sf)  }
0x218: {  	v18 =	vmov s7;
	s7 =	sadd.s32 s7, s12  }
0x219: {  	v18 =	vadd.s32 $0xFFFFFFFF, v18  }
0x21a: {  	v18 =	vbroadcast v18, $0x0;
	_ =	sdelay $0x1  }
0x21b: {  	v18 =	vadd.s32 v23, v18;
	_ =	sdelay $0x1  }
.Ltmp15:
0x21c: {  	(pc) =	sbr.rel @p0 .LBB2_33-.Ltmp15, $3  }
0x21d: {  	_ =	sdelay $0x1  }
0x21e: {  	[tilespmem:v18+s0+$0x0] =	vst.idx.msk vm0, v21  }
0x21f: {  	[tilespmem:v18+s4+$0x0] =	vst.idx.msk vm0, v19;
	v19 =	vor.u32 s28, v0  }
0x220: {  	s2 =	ssub.s32 s7, s26  }
0x221: {  	s2 =	sadd.s32 $0xF, s2  }
0x222: {  	s8 =	sand.u32 $0xF, s2  }
0x223: {  	s30 =	sshra.s32 s2, $0x1F;
	p1 =	slt.s32 s2, $0x1;
	p0 =	sne.s32 s8, $0x0  }
0x224: {  	s8 =	sshrl.u32 s30, $0x1C;
	p0 =	por !p1, !p0  }
0x225: {  	s2 =	sadd.s32 s8, s2;
	s8 =	simm.s32 $0x1;
	p0 =	por !p0, !p0  }
0x226: {  	[tilespmem:v18+s17+$0x0] =	vst.idx.msk vm0, v19;
	v18 =	vadd.s32 s7, v0;
	s2 =	sshra.s32 s2, $0x4;
	s8 =	simm.s32 @!p0 $0x0  }
0x227: {  	s18 =	ssub.s32 s2, s8  }
0x228: {  	_ =	swait.ge [sflag:s25], $0xC80;
	p0 =	slt.s32 s18, $0x1  }
.Ltmp16:
0x229: {  	[sflag:s25] =	ssyncset.done $0x0;
	(pc) =	sbr.rel @p0 .LBB2_39-.Ltmp16, $4  }
0x22a: {  	[sflag:s25] =	ssyncadd.s32 $0xFFFFF380  }
0x22b: {  	[tilespmem:v18+s0+$0x0] =	vst.idx.msk $0xffff, v5  }
0x22c: {  	[tilespmem:v18+s4+$0x0] =	vst.idx.msk $0xffff, v2  }
0x22d: {  	[tilespmem:v18+s17+$0x0] =	vst.idx.msk $0xffff, v5  }
0x22e: {  	s2 =	smul.u32 $0xFFFFFF40, s14  }
0x22f: {  	s8 =	smul.u32 $0xC0, s9;
	_ =	sdelay $0x1  }
0x230: {  	s30 =	sshll.u32 s15, $0x2;
	s2 =	ssub.s32 s2, s8  }
0x231: {  	s8 =	sshra.s32 s30, $0x2;
	s2 =	sshra.s32 s2, $0x2  }
0x232: {  	s2 =	sadd.s32 s8, s2  }
0x233: {  	s15 =	simm.s32 $0x0;
	s14 =	sadd.s32 $0x1E00, s2  }
.LBB2_36:
0x234: {  	_ =	sdelay $0x2  }
0x235: {  	s8 =	sshll.u32 s15, $0x4  }
0x236: {  	v22 =	vld.idx.msk [tilespmem:v17+s8+$0x1A80 ss:$0x1], $0xffff;
	_ =	sdelay $0x2  }
0x237: {  	v18 =	vld.idx.msk [tilespmem:v17+s8+$0x1E00 ss:$0x1], $0xffff;
	_ =	sdelay $0x4  }
0x238: {  	v19 =	vld.idx.msk [tilespmem:v22+s19+$0x0], $0xffff  }
0x239: {  	v20 =	vld.idx.msk [tilespmem:v22+s20+$0x0], $0xffff  }
0x23a: {  	v21 =	vld.idx.msk [tilespmem:v22+s21+$0x0], $0xffff  }
0x23b: {  	v23 =	vld.idx.msk [tilespmem:v18+s19+$0x0], $0xffff  }
0x23c: {  	v24 =	vld.idx.msk [tilespmem:v18+s20+$0x0], $0xffff  }
0x23d: {  	v25 =	vld.idx.msk [tilespmem:v18+s21+$0x0], $0xffff  }
0x23e: {  	v26 =	vld.idx.msk [tilespmem:v18+s23+$0x0], $0xffff  }
0x23f: {  	v27 =	vld.idx.msk [tilespmem:v18+s24+$0x0], $0xffff  }
0x240: {  	v28 =	vld.idx.msk [tilespmem:v18+s22+$0x0], $0xffff  }
0x241: {  	v23 =	vsub.f32 v19, v23;
	v24 =	vsub.f32 v20, v24  }
0x242: {  	v25 =	vsub.f32 v21, v25  }
0x243: {  	v18 =	vmul.f32 v23, v23;
	v19 =	vmul.f32 v24, v24  }
0x244: {  	v20 =	vmul.f32 v26, v25;
	v48 =	vmul.f32 v27, v24  }
0x245: {  	v29 =	vmul.f32 v25, v28;
	v49 =	vmul.f32 v28, v24  }
0x246: {  	v30 =	vmul.f32 v26, v23;
	v32 =	vmul.f32 v25, v25  }
0x247: {  	v18 =	vadd.f32 v19, v18;
	v19 =	vmul.f32 v27, v23;
	v20 =	vsub.f32 v20, v48  }
0x248: {  	v50 =	vmul.f32 v28, v23;
	v31 =	vmul.f32 v26, v24  }
0x249: {  	v19 =	vsub.f32 v19, v29;
	v51 =	vmul.f32 v20, v20;
	v20 =	vadd.f32 v32, v18  }
0x24a: {  	v52 =	vmul.f32 v27, v25;
	v21 =	vsub.f32 v49, v30;
	v29 =	vadd.f32 v31, v50  }
0x24b: {  	v19 =	vmul.f32 v19, v19;
	v53 =	vshra.s32 v20, $0x1;
	v54 =	vmul.f32 $5.000000000e-01, v20  }
0x24c: {  	v18 =	vadd.f32 v52, v29;
	v29 =	vsub.s32 $0x5F3759DF, v53  }
0x24d: {  	v21 =	vmul.f32 v21, v21;
	v19 =	vadd.f32 v19, v51;
	v55 =	vmul.f32 v29, v54;
	_ =	sdelay $0x1  }
0x24e: {  	v21 =	vadd.f32 v19, v21;
	v19 =	vmul.f32 v18, v18;
	v31 =	vmul.f32 v29, v55;
	_ =	sdelay $0x1  }
0x24f: {  	v19 =	vadd.f32 v21, v19;
	v31 =	vsub.f32 $1.500000000e+00, v31;
	_ =	sdelay $0x1  }
0x250: {  	v56 =	vshra.s32 v19, $0x1;
	v33 =	vmul.f32 $5.000000000e-01, v19;
	v29 =	vmul.f32 v29, v31  }
0x251: {  	v32 =	vsub.s32 $0x5F3759DF, v56  }
0x252: {  	v35 =	vld.idx.msk [tilespmem:v22+s23+$0x0], $0xffff;
	v34 =	vmul.f32 v32, v33;
	v58 =	vmul.f32 v29, v54;
	_ =	sdelay $0x1  }
0x253: {  	v57 =	vmul.f32 v32, v34;
	v34 =	vmul.f32 v58, v29  }
0x254: {  	v36 =	vshra.s32 v21, $0x1;
	v37 =	vmul.f32 $5.000000000e-01, v21  }
0x255: {  	v36 =	vsub.s32 $0x5F3759DF, v36;
	v31 =	vsub.f32 $1.500000000e+00, v57;
	v59 =	vsub.f32 $1.500000000e+00, v34  }
0x256: {  	v62 =	vmul.f32 v25, v35;
	v38 =	vmul.f32 v36, v37  }
0x257: {  	v31 =	vmul.f32 v32, v31;
	v29 =	vmul.f32 v59, v29;
	v32 =	vld.idx.msk [tilespmem:v22+s24+$0x0], $0xffff  }
0x258: {  	v42 =	vmul.f32 v23, v35;
	v61 =	vmul.f32 v36, v38;
	v22 =	vld.idx.msk [tilespmem:v22+s22+$0x0], $0xffff  }
0x259: {  	v60 =	vmul.f32 v31, v33;
	v30 =	vmul.f32 v29, v54  }
0x25a: {  	v57 =	vmul.f32 v28, v35;
	v54 =	vmul.f32 v27, v35  }
0x25b: {  	v34 =	vmul.f32 v60, v31;
	v30 =	vmul.f32 v30, v29  }
0x25c: {  	v39 =	vmul.f32 v24, v32;
	v40 =	vmul.f32 v23, v32  }
0x25d: {  	v41 =	vmul.f32 v25, v22;
	v63 =	vmul.f32 v24, v22  }
0x25e: {  	v23 =	vmul.f32 v23, v22;
	v24 =	vmul.f32 v24, v35  }
0x25f: {  	v53 =	vmul.f32 v26, v32;
	v55 =	vmul.f32 v27, v22  }
0x260: {  	v56 =	vmul.f32 v28, v32;
	v58 =	vmul.f32 v26, v22;
	v34 =	vsub.f32 $1.500000000e+00, v34  }
0x261: {  	v22 =	vmul.f32 v28, v22;
	v48 =	vsub.f32 $1.500000000e+00, v30;
	v38 =	vsub.f32 v62, v39  }
0x262: {  	v26 =	vmul.f32 v26, v35;
	v40 =	vsub.f32 v40, v41;
	v45 =	vsub.f32 v63, v42  }
0x263: {  	v47 =	vmul.f32 v25, v32;
	v23 =	vadd.f32 v24, v23;
	v39 =	vsub.f32 v55, v56  }
0x264: {  	v60 =	vsub.f32 v57, v58;
	v22 =	vadd.f32 v26, v22;
	v31 =	vmul.f32 v34, v31  }
0x265: {  	v34 =	vsub.f32 $1.500000000e+00, v61;
	v38 =	vmul.f32 v38, v38;
	v46 =	vmul.f32 v40, v40  }
0x266: {  	v62 =	vmul.f32 v27, v32;
	v24 =	vmul.f32 v48, v29;
	v23 =	vadd.f32 v47, v23  }
0x267: {  	v34 =	vmul.f32 v36, v34;
	v36 =	vmul.f32 v45, v45;
	v38 =	vadd.f32 v46, v38  }
0x268: {  	v61 =	vmul.f32 v39, v39;
	v22 =	vadd.f32 v62, v22;
	v49 =	vmul.f32 v31, v33  }
0x269: {  	v45 =	vmul.f32 v60, v60;
	v30 =	vadd.f32 v38, v36;
	v36 =	vsub.f32 v53, v54  }
0x26a: {  	v52 =	vmul.f32 v23, v23;
	v50 =	vmul.f32 v34, v37  }
0x26b: {  	v48 =	vmul.f32 v22, v22;
	v36 =	vmul.f32 v36, v36  }
0x26c: {  	v29 =	vmul.f32 v49, v31;
	v51 =	vmul.f32 v50, v34  }
0x26d: {  	v33 =	vadd.f32 v30, v52;
	v47 =	vshra.s32 v30, $0x1;
	v44 =	vadd.f32 v61, v36  }
0x26e: {  	v25 =	vsub.f32 $1.500000000e+00, v51;
	v35 =	vsub.s32 $0x5F3759DF, v47;
	v36 =	vmul.f32 $5.000000000e-01, v30  }
0x26f: {  	v59 =	vshra.s32 v33, $0x1;
	v28 =	vmul.f32 $5.000000000e-01, v33;
	v32 =	vadd.f32 v44, v45  }
0x270: {  	v25 =	vmul.f32 v25, v34;
	v63 =	vsub.s32 $0x5F3759DF, v59;
	v49 =	vmul.f32 v35, v36  }
0x271: {  	v34 =	vadd.f32 v32, v48;
	v50 =	vshra.s32 v32, $0x1;
	v51 =	vmul.f32 $5.000000000e-01, v32  }
0x272: {  	v46 =	vmul.f32 v63, v28;
	v38 =	vmul.f32 v35, v49;
	v39 =	vsub.s32 $0x5F3759DF, v50  }
0x273: {  	v52 =	vshra.s32 v34, $0x1;
	v42 =	vmul.f32 $5.000000000e-01, v34;
	v43 =	vmul.f32 v39, v51  }
0x274: {  	v26 =	vmul.f32 v63, v46;
	v53 =	vsub.f32 $1.500000000e+00, v38;
	v54 =	vsub.s32 $0x5F3759DF, v52  }
0x275: {  	v41 =	vmul.f32 v54, v42;
	v43 =	vmul.f32 v39, v43  }
0x276: {  	v26 =	vsub.f32 $1.500000000e+00, v26;
	v27 =	vmul.f32 v35, v53  }
0x277: {  	v24 =	vmul.f32 v24, v20;
	v56 =	vmul.f32 v54, v41;
	v57 =	vsub.f32 $1.500000000e+00, v43  }
0x278: {  	v26 =	vmul.f32 v63, v26;
	v59 =	vmul.f32 v27, v36  }
0x279: {  	v55 =	vmul.f32 v25, v37;
	v39 =	vmul.f32 v39, v57;
	v37 =	vsub.f32 $1.500000000e+00, v56  }
0x27a: {  	vm0 =	vle.f32 v20, $0.0e+00;
	v44 =	vmul.f32 v26, v28;
	v61 =	vmul.f32 v59, v27  }
0x27b: {  	v29 =	vsub.f32 $1.500000000e+00, v29;
	v37 =	vmul.f32 v54, v37;
	v62 =	vmul.f32 v39, v51  }
0x27c: {  	v35 =	vmul.f32 v55, v25;
	v58 =	vmul.f32 v44, v26;
	v63 =	vsub.f32 $1.500000000e+00, v61  }
0x27d: {  	vm10 =	vle.f32 v21, $0.0e+00;
	v45 =	vld.idx.msk [tilespmem:v17+s8+$0x2180 ss:$0x1], $0xffff;
	v46 =	vmul.f32 v37, v42;
	v38 =	vmul.f32 v62, v39  }
0x27e: {  	v29 =	vmul.f32 v29, v31;
	v60 =	vsub.f32 $1.500000000e+00, v58;
	v27 =	vmul.f32 v63, v27  }
0x27f: {  	v35 =	vsub.f32 $1.500000000e+00, v35;
	v47 =	vmul.f32 v46, v37;
	v48 =	vsub.f32 $1.500000000e+00, v38  }
0x280: {  	vm11 =	vle.f32 v19, $0.0e+00;
	v26 =	vmul.f32 v60, v26;
	v36 =	vmul.f32 v27, v36  }
0x281: {  	v25 =	vmul.f32 v35, v25;
	v31 =	vsub.f32 $1.500000000e+00, v47;
	v35 =	vmul.f32 v48, v39  }
0x282: {  	v49 =	vshll.u32 v45, $0x2;
	v28 =	vmul.f32 v26, v28;
	v36 =	vmul.f32 v36, v27  }
0x283: {  	v41 =	vor.u32 $0x3, v49;
	v31 =	vmul.f32 v31, v37;
	v50 =	vmul.f32 v35, v51  }
0x284: {  	v25 =	vmul.f32 v25, v21;
	v28 =	vmul.f32 v28, v26;
	v52 =	vsub.f32 $1.500000000e+00, v36  }
0x285: {  	v53 =	vor.u32 $0x2, v49;
	v54 =	vmul.f32 v31, v42;
	v37 =	vmul.f32 v50, v35  }
0x286: {  	v28 =	vsub.f32 $1.500000000e+00, v28;
	v51 =	vor.u32 $0x1, v49;
	v20 =	vmul.f32 v52, v27  }
0x287: {  	v58 =	vmul.f32 v29, v25;
	v55 =	vmul.f32 v54, v31;
	v56 =	vsub.f32 $1.500000000e+00, v37  }
0x288: {  	v24 =	vsel vm0, $0x0, v24;
	v57 =	vld.idx.msk [tilespmem:v49+s31+$0x0], $0xffff;
	v26 =	vmul.f32 v28, v26;
	v20 =	vmul.f32 v20, v30  }
0x289: {  	v24 =	vmul.f32 v24, v16;
	v61 =	vld.idx.msk [tilespmem:v41+s31+$0x0], $0xffff;
	v28 =	vmul.f32 v56, v35;
	v27 =	vsub.f32 $1.500000000e+00, v55  }
0x28a: {  	s2 =	simm.s32 $0x14200;
	v18 =	vmul.f32 v29, v18;
	v60 =	vld.idx.msk [tilespmem:v53+s31+$0x0], $0xffff;
	v21 =	vsel vm10, $0x0, v58;
	v20 =	vmul.f32 v26, v20  }
0x28b: {  	v59 =	vld.idx.msk [tilespmem:v51+s31+$0x0], $0xffff;
	[tilespmem:v1+s2+$0x0] =	vst.idx.msk $0xffff, v24;
	v19 =	vmul.f32 v27, v31;
	v62 =	vmul.f32 v28, v32  }
0x28c: {  	vm12 =	vle.f32 v30, $0.0e+00;
	v18 =	vsel vm11, $0x3F800000, v18;
	v23 =	vmul.f32 v26, v23;
	[tilespmem:v6+s2+$0x0] =	vst.idx.msk $0xffff, v21  }
0x28d: {  	vm13 =	vle.f32 v33, $0.0e+00;
	[tilespmem:v7+s2+$0x0] =	vst.idx.msk $0xffff, v18;
	v20 =	vsel vm12, $0x0, v20;
	v63 =	vmul.f32 v19, v62  }
0x28e: {  	vm14 =	vle.f32 v32, $0.0e+00;
	v18 =	vsel vm13, $0x3F800000, v23;
	[tilespmem:v8+s2+$0x0] =	vst.idx.msk $0xffff, v20;
	v19 =	vmul.f32 v19, v22  }
0x28f: {  	vm15 =	vle.f32 v34, $0.0e+00;
	[tilespmem:v9+s2+$0x0] =	vst.idx.msk $0xffff, v18;
	v20 =	vsel vm14, $0x0, v63  }
0x290: {  	v18 =	vsel vm15, $0x3F800000, v19;
	[tilespmem:v10+s2+$0x0] =	vst.idx.msk $0xffff, v20  }
0x291: {  	[tilespmem:v11+s2+$0x0] =	vst.idx.msk $0xffff, v18;
	v18 =	vmov s14  }
0x292: {  	[tilespmem:v12+s2+$0x0] =	vst.idx.msk $0xffff, v57  }
0x293: {  	[tilespmem:v13+s2+$0x0] =	vst.idx.msk $0xffff, v59  }
0x294: {  	[tilespmem:v14+s2+$0x0] =	vst.idx.msk $0xffff, v60  }
0x295: {  	s29 =	simm.s32 $0x0;
	[tilespmem:v15+s2+$0x0] =	vst.idx.msk $0xffff, v61  }
0x296: {  	v19 =	vld.idx.msk [tilespmem:v18+s29+$0x0 ss:$0x1], $0xffff;
	_ =	sdelay $0x4  }
0x297: {  	(v2sf) =	vpush v19, $0x0;
	_ =	sdelay $0xe  }
0x298: {  	s30 =	spop (v2sf)  }
0x299: {  	s8 =	ssub.s32 s30, s11  }
0x29a: {  	s12 =	smul.u32 $0x90, s8  }
0x29b: {  	v19 =	vld [tilespmem:s2+$0x0]  }
0x29c: {  	v20 =	vld [tilespmem:s12+$0x14380];
	_ =	sdelay $0x4  }
0x29d: {  	v19 =	vmax.f32 v20, v19  }
0x29e: {  	s9 =	simm.s32 $0x1;
	s8 =	simm.s32 $0x8;
	[tilespmem:s12+$0x14380] =	vst v19  }
.LBB2_37:
0x29f: {  	p0 =	sne.s32 s8, $0x3C;
	v19 =	vld.idx.msk [tilespmem:v18+s9+$0x0 ss:$0x1], $0xffff;
	_ =	sdelay $0x5  }
0x2a0: {  	(v2sf) =	vpush v19, $0x0;
	_ =	sdelay $0xe  }
0x2a1: {  	s9 =	spop (v2sf)  }
0x2a2: {  	s9 =	ssub.s32 s9, s11  }
0x2a3: {  	s2 =	sadd.s32 $0x10, s2;
	s12 =	smul.u32 $0x90, s9  }
0x2a4: {  	v19 =	vld [tilespmem:s2+$0x0]  }
0x2a5: {  	v20 =	vld [tilespmem:s12+$0x14380];
	_ =	sdelay $0x1  }
.Ltmp17:
0x2a6: {  	(pc) =	sbr.rel @p0 .LBB2_37-.Ltmp17, $3  }
0x2a7: {  	_ =	sdelay $0x1  }
0x2a8: {  	v19 =	vmax.f32 v20, v19  }
0x2a9: {  	s9 =	sshra.s32 s8, $0x2;
	s8 =	sadd.s32 $0x4, s8;
	[tilespmem:s12+$0x14380] =	vst v19  }
0x2aa: {  	_ =	sdelay $0x3  }
0x2ab: {  	v18 =	vld.idx.msk [tilespmem:v18+s9+$0x0 ss:$0x1], $0xffff;
	_ =	sdelay $0x4  }
0x2ac: {  	(v2sf) =	vpush v18, $0x0;
	_ =	sdelay $0xe  }
0x2ad: {  	s8 =	spop (v2sf)  }
0x2ae: {  	s8 =	ssub.s32 s8, s11  }
0x2af: {  	s2 =	sadd.s32 $0x10, s2;
	s8 =	smul.u32 $0x90, s8  }
0x2b0: {  	v18 =	vld [tilespmem:s2+$0x0]  }
0x2b1: {  	s15 =	sadd.s32 $0x1, s15;
	v19 =	vld [tilespmem:s8+$0x14380]  }
0x2b2: {  	p0 =	sne.s32 s15, s18  }
.Ltmp18:
0x2b3: {  	_ = 	snop;
	(pc) =	sbr.rel @p0 .LBB2_36-.Ltmp18, $3  }
0x2b4: {  	_ =	sdelay $0x1  }
0x2b5: {  	v18 =	vmax.f32 v19, v18  }
0x2b6: {  	s14 =	sadd.s32 $0x10, s14;
	[tilespmem:s8+$0x14380] =	vst v18  }
.LBB2_39:
0x2b7: {  	s2 =	smulhi.u32 $0x2AAAAAAB, s7;
	s8 =	sshra.s32 s7, $0x1F  }
0x2b8: {  	s8 =	smul.u32 $0x2AAAAAAB, s8;
	_ =	sdelay $0x1  }
0x2b9: {  	s2 =	sadd.s32 s8, s2  }
0x2ba: {  	s8 =	sshrl.u32 s2, $0x1F;
	s2 =	sshra.s32 s2, $0x3  }
0x2bb: {  	s2 =	sadd.s32 s8, s2  }
0x2bc: {  	s8 =	smul.u32 $0xFFFFFFD0, s2  }
0x2bd: {  	s9 =	ssub.s32 $0x0, s7  }
0x2be: {  	p0 =	slt.s32 s7, $0x1;
	p1 =	sne.s32 s8, s9  }
0x2bf: {  	p0 =	por !p0, !p1  }
0x2c0: {  	s8 =	simm.s32 $0x1;
	p0 =	por !p0, !p0  }
0x2c1: {  	s8 =	simm.s32 @!p0 $0x0  }
0x2c2: {  	s14 =	ssub.s32 s2, s8  }
0x2c3: {  	p0 =	slt.s32 s14, $0x1  }
.Ltmp19:
0x2c4: {  	_ = 	snop;
	(pc) =	sbr.rel @p0 .LBB2_46-.Ltmp19, $1  }
0x2c5: {  	_ =	sdelay $0x3  }
0x2c6: {  	s2 =	simm.s32 $0x30;
	s8 =	simm.s32 $0x2500  }
0x2c7: {  	s15 =	simm.s32 $0x0;
	s18 =	simm.s32 $0x1E00;
	p0 =	por $0x0, $0x0  }
0x2c8: {  	[tilespmem:s8], [sflag:$0x1] =	stream.indirect.gather [hbm4b:s1+s2], $0x80, s0, s2, $0xb8;
	[tilespmem:$0x1F480] =	vst v63  }
.LBB2_41:
0x2c9: {  	s2 =	sand.u32 $0x1, s15  }
0x2ca: {  	p1 =	seq.s32 s2, $0x1  }
0x2cb: {  	s8 =	sor.u32 @!p1 $0x1, s15  }
0x2cc: {  	p2 =	sge.s32 @!p1 s8, s14  }
0x2cd: {  	s9 =	simm.s32 @!p1 $0x1;
	p2 =	por p2, p1  }
0x2ce: {  	_ =	swait.ge @!p1 [sflag:s9], $0x1800;
	s8 =	smul.u32 @!p2 $0xC0, s8  }
0x2cf: {  	[sflag:s9] =	ssyncset.done @!p1 $0x0  }
0x2d0: {  	[sflag:s9] =	ssyncadd.s32 @!p1 $0xFFFFE800;
	s8 =	sshra.s32 @!p2 s8, $0x2  }
0x2d1: {  	s9 =	simm.s32 @!p2 $0x30;
	s12 =	simm.s32 @!p2 $0x3D00;
	s8 =	sadd.s32 @!p2 $0x1A80, s8  }
0x2d2: {  	[tilespmem:s12], [sflag:$0x2] =	stream.indirect.gather @!p2 [hbm4b:s1+s9], $0x80, s8, s9, $0xb8;
	[tilespmem:$0x1F480] =	vst v63  }
0x2d3: {  	p2 =	seq.s32 @!p1 s2, $0x0  }
0x2d4: {  	p1 =	por p1, !p2  }
.Ltmp20:
0x2d5: {  	_ = 	snop;
	(pc) =	sbr.rel @!p1 .LBB2_43-.Ltmp20, $1  }
0x2d6: {  	_ =	sdelay $0x3  }
0x2d7: {  	s2 =	sadd.s32 $0x1, s15  }
0x2d8: {  	p1 =	sge.s32 s2, s14  }
0x2d9: {  	_ =	swait.ge [sflag:s10], $0x1800;
	s2 =	smul.u32 @!p1 $0xC0, s2  }
0x2da: {  	[sflag:s10] =	ssyncset.done $0x0  }
0x2db: {  	[sflag:s10] =	ssyncadd.s32 $0xFFFFE800;
	s2 =	sshra.s32 @!p1 s2, $0x2  }
0x2dc: {  	s8 =	simm.s32 @!p1 $0x30;
	s9 =	simm.s32 @!p1 $0x2500;
	s2 =	sadd.s32 @!p1 $0x1A80, s2  }
0x2dd: {  	[tilespmem:s9], [sflag:$0x1] =	stream.indirect.gather @!p1 [hbm4b:s1+s8], $0x80, s2, s8, $0xb8;
	[tilespmem:$0x1F480] =	vst v63  }
.LBB2_43:
0x2de: {  	v17 =	vmov s18;
	_ =	sdelay $0x3  }
0x2df: {  	s2 =	simm.s32 $0x0  }
0x2e0: {  	v18 =	vld.idx.msk [tilespmem:v17+s2+$0x0 ss:$0x1], $0xffff;
	_ =	sdelay $0x4  }
0x2e1: {  	(v2sf) =	vpush v18, $0x0;
	_ =	sdelay $0xc  }
0x2e2: {  	s2 =	simm.s32 $0x1  }
0x2e3: {  	s2 =	simm.s32 @!p0 $0x0  }
0x2e4: {  	s2 =	smul.u32 $0x6000, s2;
	s8 =	spop (v2sf)  }
0x2e5: {  	s8 =	ssub.s32 s8, s11  }
0x2e6: {  	s2 =	sshrl.u32 s2, $0x2;
	s9 =	smul.u32 $0x240, s8  }
0x2e7: {  	s8 =	sor.u32 $0x2540, s2  }
0x2e8: {  	v18 =	vld [tilespmem:s8+$0xFFFFFFC0];
	s2 =	sshra.s32 s9, $0x2  }
0x2e9: {  	v19 =	vld [tilespmem:s2+$0x14300];
	_ =	sdelay $0x4  }
0x2ea: {  	v18 =	vmax.f32 v19, v18  }
0x2eb: {  	[tilespmem:s2+$0x14300] =	vst v18;
	v18 =	vld [tilespmem:s2+$0x14310]  }
0x2ec: {  	v19 =	vld [tilespmem:s8+$0xFFFFFFD0];
	_ =	sdelay $0x4  }
0x2ed: {  	v18 =	vmax.f32 v18, v19  }
0x2ee: {  	[tilespmem:s2+$0x14310] =	vst v18;
	v18 =	vld [tilespmem:s2+$0x14320]  }
0x2ef: {  	v19 =	vld [tilespmem:s8+$0xFFFFFFE0];
	_ =	sdelay $0x4  }
0x2f0: {  	v18 =	vmax.f32 v18, v19  }
0x2f1: {  	[tilespmem:s2+$0x14320] =	vst v18;
	v18 =	vld [tilespmem:s2+$0x14330]  }
0x2f2: {  	v19 =	vld [tilespmem:s8+$0xFFFFFFF0];
	_ =	sdelay $0x4  }
0x2f3: {  	v18 =	vmax.f32 v18, v19  }
0x2f4: {  	[tilespmem:s2+$0x14330] =	vst v18;
	v18 =	vld [tilespmem:s2+$0x14340]  }
0x2f5: {  	v19 =	vld [tilespmem:s8+$0x0];
	_ =	sdelay $0x4  }
0x2f6: {  	v18 =	vmax.f32 v18, v19  }
0x2f7: {  	[tilespmem:s2+$0x14340] =	vst v18;
	v18 =	vld [tilespmem:s2+$0x14350]  }
0x2f8: {  	v19 =	vld [tilespmem:s8+$0x10];
	_ =	sdelay $0x4  }
0x2f9: {  	v18 =	vmax.f32 v18, v19  }
0x2fa: {  	[tilespmem:s2+$0x14350] =	vst v18;
	v18 =	vld [tilespmem:s2+$0x14360]  }
0x2fb: {  	v19 =	vld [tilespmem:s8+$0x20];
	_ =	sdelay $0x4  }
0x2fc: {  	v18 =	vmax.f32 v18, v19  }
0x2fd: {  	[tilespmem:s2+$0x14360] =	vst v18;
	v18 =	vld [tilespmem:s2+$0x14370]  }
0x2fe: {  	v19 =	vld [tilespmem:s8+$0x30];
	_ =	sdelay $0x4  }
0x2ff: {  	s28 =	simm.s32 $0x8;
	s9 =	simm.s32 $0x4;
	v18 =	vmax.f32 v18, v19  }
.LBB2_44:
0x300: {  	s12 =	sshra.s32 s9, $0x2  }
0x301: {  	[tilespmem:s2+$0x14370] =	vst v18;
	s8 =	sadd.s32 $0x80, s8;
	s9 =	smov.u32 s28;
	s26 =	sadd.s32 $0x4, s28  }
0x302: {  	p1 =	sne.s32 s28, $0xBC;
	v18 =	vld.idx.msk [tilespmem:v17+s12+$0x0 ss:$0x1], $0xffff;
	_ =	sdelay $0x5  }
0x303: {  	(v2sf) =	vpush v18, $0x0;
	_ =	sdelay $0xe  }
0x304: {  	s2 =	spop (v2sf)  }
0x305: {  	s2 =	ssub.s32 s2, s11  }
0x306: {  	s2 =	smul.u32 $0x240, s2;
	_ =	sdelay $0x1  }
0x307: {  	s2 =	sshra.s32 s2, $0x2;
	v18 =	vld [tilespmem:s8+$0xFFFFFFC0]  }
0x308: {  	v19 =	vld [tilespmem:s2+$0x14300];
	_ =	sdelay $0x4  }
0x309: {  	v18 =	vmax.f32 v19, v18  }
0x30a: {  	[tilespmem:s2+$0x14300] =	vst v18;
	v18 =	vld [tilespmem:s2+$0x14310]  }
0x30b: {  	v19 =	vld [tilespmem:s8+$0xFFFFFFD0];
	_ =	sdelay $0x4  }
0x30c: {  	v18 =	vmax.f32 v18, v19  }
0x30d: {  	[tilespmem:s2+$0x14310] =	vst v18;
	v18 =	vld [tilespmem:s2+$0x14320]  }
0x30e: {  	v19 =	vld [tilespmem:s8+$0xFFFFFFE0];
	_ =	sdelay $0x4  }
0x30f: {  	v18 =	vmax.f32 v18, v19  }
0x310: {  	[tilespmem:s2+$0x14320] =	vst v18;
	v18 =	vld [tilespmem:s2+$0x14330]  }
0x311: {  	v19 =	vld [tilespmem:s8+$0xFFFFFFF0];
	_ =	sdelay $0x4  }
0x312: {  	v18 =	vmax.f32 v18, v19  }
0x313: {  	[tilespmem:s2+$0x14330] =	vst v18;
	v18 =	vld [tilespmem:s2+$0x14340]  }
0x314: {  	v19 =	vld [tilespmem:s8+$0x0];
	_ =	sdelay $0x4  }
0x315: {  	v18 =	vmax.f32 v18, v19  }
0x316: {  	[tilespmem:s2+$0x14340] =	vst v18;
	v18 =	vld [tilespmem:s2+$0x14350]  }
0x317: {  	v19 =	vld [tilespmem:s8+$0x10];
	_ =	sdelay $0x4  }
0x318: {  	v18 =	vmax.f32 v18, v19  }
0x319: {  	[tilespmem:s2+$0x14350] =	vst v18;
	v18 =	vld [tilespmem:s2+$0x14360]  }
0x31a: {  	v19 =	vld [tilespmem:s8+$0x20];
	_ =	sdelay $0x4  }
0x31b: {  	v18 =	vmax.f32 v18, v19  }
0x31c: {  	[tilespmem:s2+$0x14360] =	vst v18;
	v18 =	vld [tilespmem:s2+$0x14370]  }
0x31d: {  	v19 =	vld [tilespmem:s8+$0x30]  }
.Ltmp21:
0x31e: {  	(pc) =	sbr.rel @p1 .LBB2_44-.Ltmp21, $2  }
0x31f: {  	_ =	sdelay $0x2  }
0x320: {  	s28 =	smov.u32 s26;
	v18 =	vmax.f32 v18, v19  }
0x321: {  	_ =	sdelay $0x2  }
0x322: {  	s9 =	sshra.s32 s9, $0x2;
	[tilespmem:s2+$0x14370] =	vst v18  }
0x323: {  	v17 =	vld.idx.msk [tilespmem:v17+s9+$0x0 ss:$0x1], $0xffff;
	_ =	sdelay $0x4  }
0x324: {  	(v2sf) =	vpush v17, $0x0;
	_ =	sdelay $0xe  }
0x325: {  	s30 =	spop (v2sf)  }
0x326: {  	s2 =	ssub.s32 s30, s11  }
0x327: {  	s2 =	smul.u32 $0x240, s2  }
0x328: {  	s8 =	sadd.s32 $0x80, s8  }
0x329: {  	v17 =	vld [tilespmem:s8+$0xFFFFFFC0];
	s2 =	sshra.s32 s2, $0x2  }
0x32a: {  	v18 =	vld [tilespmem:s2+$0x14300];
	_ =	sdelay $0x4  }
0x32b: {  	v17 =	vmax.f32 v18, v17  }
0x32c: {  	[tilespmem:s2+$0x14300] =	vst v17;
	v17 =	vld [tilespmem:s2+$0x14310]  }
0x32d: {  	v18 =	vld [tilespmem:s8+$0xFFFFFFD0];
	_ =	sdelay $0x4  }
0x32e: {  	v17 =	vmax.f32 v17, v18  }
0x32f: {  	[tilespmem:s2+$0x14310] =	vst v17;
	v17 =	vld [tilespmem:s2+$0x14320]  }
0x330: {  	v18 =	vld [tilespmem:s8+$0xFFFFFFE0];
	_ =	sdelay $0x4  }
0x331: {  	v17 =	vmax.f32 v17, v18  }
0x332: {  	[tilespmem:s2+$0x14320] =	vst v17;
	v17 =	vld [tilespmem:s2+$0x14330]  }
0x333: {  	v18 =	vld [tilespmem:s8+$0xFFFFFFF0];
	_ =	sdelay $0x4  }
0x334: {  	v17 =	vmax.f32 v17, v18  }
0x335: {  	[tilespmem:s2+$0x14330] =	vst v17;
	v17 =	vld [tilespmem:s2+$0x14340]  }
0x336: {  	v18 =	vld [tilespmem:s8+$0x0];
	_ =	sdelay $0x4  }
0x337: {  	v17 =	vmax.f32 v17, v18  }
0x338: {  	[tilespmem:s2+$0x14340] =	vst v17;
	v17 =	vld [tilespmem:s2+$0x14350]  }
0x339: {  	v18 =	vld [tilespmem:s8+$0x10];
	_ =	sdelay $0x4  }
0x33a: {  	v17 =	vmax.f32 v17, v18  }
0x33b: {  	[tilespmem:s2+$0x14350] =	vst v17;
	v17 =	vld [tilespmem:s2+$0x14360]  }
0x33c: {  	v18 =	vld [tilespmem:s8+$0x20];
	_ =	sdelay $0x4  }
0x33d: {  	v17 =	vmax.f32 v17, v18  }
0x33e: {  	[tilespmem:s2+$0x14360] =	vst v17;
	v17 =	vld [tilespmem:s2+$0x14370]  }
0x33f: {  	s15 =	sadd.s32 $0x1, s15;
	v18 =	vld [tilespmem:s8+$0x30]  }
0x340: {  	p1 =	sne.s32 s15, s14  }
.Ltmp22:
0x341: {  	_ = 	snop;
	(pc) =	sbr.rel @p1 .LBB2_41-.Ltmp22, $3  }
0x342: {  	_ =	sdelay $0x1  }
0x343: {  	v17 =	vmax.f32 v17, v18  }
0x344: {  	s18 =	sadd.s32 $0x30, s18;
	p0 =	por !p0, !p0;
	[tilespmem:s2+$0x14370] =	vst v17  }
.LBB2_46:
0x345: {  	s2 =	smul.u32 $0x30, s14;
	_ =	sdelay $0x1  }
0x346: {  	s18 =	ssub.s32 s7, s2  }
0x347: {  	s2 =	sadd.s32 $0xF, s18  }
0x348: {  	s29 =	sand.u32 $0xF, s2  }
0x349: {  	s30 =	sshra.s32 s2, $0x1F;
	p1 =	slt.s32 s2, $0x1;
	p0 =	sne.s32 s29, $0x0  }
0x34a: {  	s7 =	sshrl.u32 s30, $0x1C;
	p0 =	por !p1, !p0  }
0x34b: {  	s2 =	sadd.s32 s7, s2;
	s7 =	simm.s32 $0x1;
	p0 =	por !p0, !p0  }
0x34c: {  	s2 =	sshra.s32 s2, $0x4;
	s7 =	simm.s32 @!p0 $0x0  }
0x34d: {  	s9 =	ssub.s32 s2, s7  }
0x34e: {  	p0 =	slt.s32 s9, $0x1  }
.Ltmp23:
0x34f: {  	_ = 	snop;
	(pc) =	sbr.rel @p0 .LBB2_21-.Ltmp23, $1  }
0x350: {  	_ =	sdelay $0x3  }
0x351: {  	s2 =	smul.u32 $0xC0, s14;
	_ =	sdelay $0x1  }
0x352: {  	s2 =	sshra.s32 s2, $0x2  }
0x353: {  	v17 =	vmov s2  }
0x354: {  	p1 =	seq.s32 s9, $0x1  }
.Ltmp24:
0x355: {  	_ = 	snop;
	(pc) =	sbr.rel @p1 .LBB2_48-.Ltmp24, $4  }
0x356: {  	_ = 	snop  }
0x357: {  	s8 =	simm.s32 $0x1A80  }
0x358: {  	s7 =	simm.s32 $0x1E00;
	v18 =	vld.idx.msk [tilespmem:v17+s8+$0x0 ss:$0x1], $0xffff  }
0x359: {  	s9 =	sadd.s32 $0xFFFFFFFF, s9;
	p0 =	por $0x0, $0x0;
	s2 =	simm.s32 $0x2180  }
0x35a: {  	_ =	sdelay $0x2  }
0x35b: {  	[tilespmem:s8+$0x0] =	vst v18  }
0x35c: {  	v18 =	vld.idx.msk [tilespmem:v17+s7+$0x0 ss:$0x1], $0xffff;
	_ =	sdelay $0x4  }
0x35d: {  	[tilespmem:s7+$0x0] =	vst v18  }
0x35e: {  	v18 =	vld.idx.msk [tilespmem:v17+s2+$0x0 ss:$0x1], $0xffff;
	_ =	sdelay $0x1  }
0x35f: {  	p1 =	seq.s32 s9, $0x1  }
.Ltmp25:
0x360: {  	_ = 	snop;
	(pc) =	sbr.rel @p1 .LBB2_50-.Ltmp25, $4  }
0x361: {  	_ = 	snop  }
0x362: {  	s8 =	simm.s32 $0x1A90;
	[tilespmem:s2+$0x0] =	vst v18  }
0x363: {  	s15 =	sadd.s32 $0xFFFFFFFF, s9;
	v18 =	vld.idx.msk [tilespmem:v17+s8+$0x0 ss:$0x1], $0xffff  }
0x364: {  	p0 =	por $0x1, $0x1;
	s14 =	simm.s32 $0x1E00;
	s9 =	simm.s32 $0x2180  }
.LBB2_51:
0x365: {  	p1 =	seq.s32 s15, $0x1;
	_ =	sdelay $0x4  }
0x366: {  	s14 =	sadd.s32 $0x10, s14;
	[tilespmem:s8+$0x0] =	vst v18  }
0x367: {  	v18 =	vld.idx.msk [tilespmem:v17+s14+$0x0 ss:$0x1], $0xffff;
	_ =	sdelay $0x5  }
0x368: {  	s9 =	sadd.s32 $0x10, s9;
	[tilespmem:s14+$0x0] =	vst v18  }
0x369: {  	v18 =	vld.idx.msk [tilespmem:v17+s9+$0x0 ss:$0x1], $0xffff;
	_ =	sdelay $0x2  }
.Ltmp26:
0x36a: {  	(pc) =	sbr.rel @!p1 .LBB2_51-.Ltmp26, $3  }
0x36b: {  	_ =	sdelay $0x1  }
0x36c: {  	s8 =	sadd.s32 $0x10, s8;
	[tilespmem:s9+$0x0] =	vst v18  }
0x36d: {  	s15 =	sadd.s32 $0xFFFFFFFF, s15;
	v18 =	vld.idx.msk [tilespmem:v17+s8+$0x0 ss:$0x1], $0xffff  }
.Ltmp27:
0x36e: {  	_ = 	snop;
	(pc) =	sbr.rel .LBB2_52-.Ltmp27, $1  }
0x36f: {  	_ =	sdelay $0x3  }
.LBB2_20:
.Ltmp28:
0x370: {  	(pc) =	sbr.rel .LBB2_31-.Ltmp28, $2  }
0x371: {  	_ =	sdelay $0x2  }
0x372: {  	s28 =	simm.s32 $0x1E00;
	s18 =	simm.s32 $0x2180  }
.LBB2_29:
.Ltmp29:
0x373: {  	(pc) =	sbr.rel .LBB2_31-.Ltmp29, $2  }
0x374: {  	_ =	sdelay $0x2  }
0x375: {  	s28 =	simm.s32 $0x1E00;
	s18 =	simm.s32 $0x2180  }
.LBB2_50:
.Ltmp30:
0x376: {  	(pc) =	sbr.rel .LBB2_52-.Ltmp30, $2  }
0x377: {  	_ =	sdelay $0x2  }
0x378: {  	s14 =	simm.s32 $0x1E00;
	s9 =	simm.s32 $0x2180  }
.LBB2_22:
0x379: {  	v16 =	vadd.s32 s18, v0  }
0x37a: {  	s2 =	sadd.s32 $0x10, s18  }
0x37b: {  	v17 =	vadd.s32 s2, v0  }
0x37c: {  	s18 =	sadd.s32 $0x20, s18  }
0x37d: {  	v18 =	vadd.s32 s18, v0  }
0x37e: {  	[tilespmem:v16+s0+$0x0] =	vst.idx.msk $0xffff, v5  }
0x37f: {  	[tilespmem:v16+s4+$0x0] =	vst.idx.msk $0xffff, v2  }
0x380: {  	[tilespmem:v17+s0+$0x0] =	vst.idx.msk $0xffff, v5  }
0x381: {  	[tilespmem:v17+s4+$0x0] =	vst.idx.msk $0xffff, v2  }
0x382: {  	[tilespmem:v18+s0+$0x0] =	vst.idx.msk $0xffff, v5  }
0x383: {  	s26 =	simm.s32 $0x30;
	s7 =	simm.s32 $0x2500;
	s28 =	simm.s32 $0x1;
	[tilespmem:v18+s4+$0x0] =	vst.idx.msk $0xffff, v2  }
0x384: {  	[tilespmem:s7], [sflag:$0x1] =	stream.indirect.gather [hbm4b:s1+s26], $0x80, s0, s26, $0xb8;
	[tilespmem:$0x1F480] =	vst v63  }
0x385: {  	_ =	swait.ge [sflag:s28], $0x1800  }
0x386: {  	[sflag:s28] =	ssyncset.done $0x0  }
0x387: {  	s29 =	simm.s32 $0x0;
	[sflag:s28] =	ssyncadd.s32 $0xFFFFE800  }
0x388: {  	v16 =	vld [tilespmem:s29+$0x1E00];
	_ =	sdelay $0x4  }
0x389: {  	(v2sf) =	vpush v16, $0x0;
	_ =	sdelay $0xe  }
0x38a: {  	s30 =	spop (v2sf)  }
0x38b: {  	s2 =	ssub.s32 s30, s11  }
0x38c: {  	s2 =	smul.u32 $0x240, s2  }
0x38d: {  	s7 =	simm.s32 $0x2540  }
0x38e: {  	v16 =	vld [tilespmem:s7+$0xFFFFFFC0];
	s2 =	sshra.s32 s2, $0x2  }
0x38f: {  	v17 =	vld [tilespmem:s2+$0x14300];
	_ =	sdelay $0x4  }
0x390: {  	v16 =	vmax.f32 v17, v16  }
0x391: {  	[tilespmem:s2+$0x14300] =	vst v16;
	v16 =	vld [tilespmem:s2+$0x14310]  }
0x392: {  	v17 =	vld [tilespmem:s7+$0xFFFFFFD0];
	_ =	sdelay $0x4  }
0x393: {  	v16 =	vmax.f32 v16, v17  }
0x394: {  	[tilespmem:s2+$0x14310] =	vst v16;
	v16 =	vld [tilespmem:s2+$0x14320]  }
0x395: {  	v17 =	vld [tilespmem:s7+$0xFFFFFFE0];
	_ =	sdelay $0x4  }
0x396: {  	v16 =	vmax.f32 v16, v17  }
0x397: {  	[tilespmem:s2+$0x14320] =	vst v16;
	v16 =	vld [tilespmem:s2+$0x14330]  }
0x398: {  	v17 =	vld [tilespmem:s7+$0xFFFFFFF0];
	_ =	sdelay $0x4  }
0x399: {  	v16 =	vmax.f32 v16, v17  }
0x39a: {  	[tilespmem:s2+$0x14330] =	vst v16;
	v16 =	vld [tilespmem:s2+$0x14340]  }
0x39b: {  	v17 =	vld [tilespmem:s7+$0x0];
	_ =	sdelay $0x4  }
0x39c: {  	v16 =	vmax.f32 v16, v17  }
0x39d: {  	[tilespmem:s2+$0x14340] =	vst v16;
	v16 =	vld [tilespmem:s2+$0x14350]  }
0x39e: {  	v17 =	vld [tilespmem:s7+$0x10];
	_ =	sdelay $0x4  }
0x39f: {  	v16 =	vmax.f32 v16, v17  }
0x3a0: {  	[tilespmem:s2+$0x14350] =	vst v16;
	v16 =	vld [tilespmem:s2+$0x14360]  }
0x3a1: {  	v17 =	vld [tilespmem:s7+$0x20];
	_ =	sdelay $0x4  }
0x3a2: {  	v16 =	vmax.f32 v16, v17  }
0x3a3: {  	[tilespmem:s2+$0x14360] =	vst v16;
	v16 =	vld [tilespmem:s2+$0x14370]  }
0x3a4: {  	v17 =	vld [tilespmem:s7+$0x30];
	_ =	sdelay $0x4  }
0x3a5: {  	s8 =	simm.s32 $0x4;
	s14 =	simm.s32 $0x8;
	v16 =	vmax.f32 v16, v17  }
.LBB2_23:
0x3a6: {  	s12 =	sshra.s32 s8, $0x2  }
0x3a7: {  	[tilespmem:s2+$0x14370] =	vst v16;
	s7 =	sadd.s32 $0x80, s7;
	s8 =	smov.u32 s14;
	s9 =	sadd.s32 $0x4, s14  }
0x3a8: {  	p0 =	sne.s32 s14, $0xBC;
	v16 =	vld [tilespmem:s12+$0x1E00];
	_ =	sdelay $0x4  }
0x3a9: {  	(v2sf) =	vpush v16, $0x0;
	_ =	sdelay $0xe  }
0x3aa: {  	s2 =	spop (v2sf)  }
0x3ab: {  	s2 =	ssub.s32 s2, s11  }
0x3ac: {  	s2 =	smul.u32 $0x240, s2;
	_ =	sdelay $0x1  }
0x3ad: {  	s2 =	sshra.s32 s2, $0x2;
	v16 =	vld [tilespmem:s7+$0xFFFFFFC0]  }
0x3ae: {  	v17 =	vld [tilespmem:s2+$0x14300];
	_ =	sdelay $0x4  }
0x3af: {  	v16 =	vmax.f32 v17, v16  }
0x3b0: {  	[tilespmem:s2+$0x14300] =	vst v16;
	v16 =	vld [tilespmem:s2+$0x14310]  }
0x3b1: {  	v17 =	vld [tilespmem:s7+$0xFFFFFFD0];
	_ =	sdelay $0x4  }
0x3b2: {  	v16 =	vmax.f32 v16, v17  }
0x3b3: {  	[tilespmem:s2+$0x14310] =	vst v16;
	v16 =	vld [tilespmem:s2+$0x14320]  }
0x3b4: {  	v17 =	vld [tilespmem:s7+$0xFFFFFFE0];
	_ =	sdelay $0x4  }
0x3b5: {  	v16 =	vmax.f32 v16, v17  }
0x3b6: {  	[tilespmem:s2+$0x14320] =	vst v16;
	v16 =	vld [tilespmem:s2+$0x14330]  }
0x3b7: {  	v17 =	vld [tilespmem:s7+$0xFFFFFFF0];
	_ =	sdelay $0x4  }
0x3b8: {  	v16 =	vmax.f32 v16, v17  }
0x3b9: {  	[tilespmem:s2+$0x14330] =	vst v16;
	v16 =	vld [tilespmem:s2+$0x14340]  }
0x3ba: {  	v17 =	vld [tilespmem:s7+$0x0];
	_ =	sdelay $0x4  }
0x3bb: {  	v16 =	vmax.f32 v16, v17  }
0x3bc: {  	[tilespmem:s2+$0x14340] =	vst v16;
	v16 =	vld [tilespmem:s2+$0x14350]  }
0x3bd: {  	v17 =	vld [tilespmem:s7+$0x10];
	_ =	sdelay $0x4  }
0x3be: {  	v16 =	vmax.f32 v16, v17  }
0x3bf: {  	[tilespmem:s2+$0x14350] =	vst v16;
	v16 =	vld [tilespmem:s2+$0x14360]  }
0x3c0: {  	v17 =	vld [tilespmem:s7+$0x20];
	_ =	sdelay $0x4  }
0x3c1: {  	v16 =	vmax.f32 v16, v17  }
0x3c2: {  	[tilespmem:s2+$0x14360] =	vst v16;
	v16 =	vld [tilespmem:s2+$0x14370]  }
0x3c3: {  	v17 =	vld [tilespmem:s7+$0x30]  }
.Ltmp31:
0x3c4: {  	(pc) =	sbr.rel @p0 .LBB2_23-.Ltmp31, $2  }
0x3c5: {  	_ =	sdelay $0x2  }
0x3c6: {  	s14 =	smov.u32 s9;
	v16 =	vmax.f32 v16, v17  }
0x3c7: {  	s8 =	sshra.s32 s8, $0x2;
	[tilespmem:s2+$0x14370] =	vst v16  }
0x3c8: {  	v16 =	vld [tilespmem:s8+$0x1E00];
	_ =	sdelay $0x4  }
0x3c9: {  	(v2sf) =	vpush v16, $0x0;
	_ =	sdelay $0xe  }
0x3ca: {  	s30 =	spop (v2sf)  }
0x3cb: {  	s2 =	ssub.s32 s30, s11  }
0x3cc: {  	s2 =	smul.u32 $0x240, s2  }
0x3cd: {  	s7 =	sadd.s32 $0x80, s7  }
0x3ce: {  	v16 =	vld [tilespmem:s7+$0xFFFFFFC0];
	s2 =	sshra.s32 s2, $0x2  }
0x3cf: {  	v17 =	vld [tilespmem:s2+$0x14300];
	_ =	sdelay $0x4  }
0x3d0: {  	v16 =	vmax.f32 v17, v16  }
0x3d1: {  	[tilespmem:s2+$0x14300] =	vst v16;
	v16 =	vld [tilespmem:s2+$0x14310]  }
0x3d2: {  	v17 =	vld [tilespmem:s7+$0xFFFFFFD0];
	_ =	sdelay $0x4  }
0x3d3: {  	v16 =	vmax.f32 v16, v17  }
0x3d4: {  	[tilespmem:s2+$0x14310] =	vst v16;
	v16 =	vld [tilespmem:s2+$0x14320]  }
0x3d5: {  	v17 =	vld [tilespmem:s7+$0xFFFFFFE0];
	_ =	sdelay $0x4  }
0x3d6: {  	v16 =	vmax.f32 v16, v17  }
0x3d7: {  	[tilespmem:s2+$0x14320] =	vst v16;
	v16 =	vld [tilespmem:s2+$0x14330]  }
0x3d8: {  	v17 =	vld [tilespmem:s7+$0xFFFFFFF0];
	_ =	sdelay $0x4  }
0x3d9: {  	v16 =	vmax.f32 v16, v17  }
0x3da: {  	[tilespmem:s2+$0x14330] =	vst v16;
	v16 =	vld [tilespmem:s2+$0x14340]  }
0x3db: {  	v17 =	vld [tilespmem:s7+$0x0];
	_ =	sdelay $0x4  }
0x3dc: {  	v16 =	vmax.f32 v16, v17  }
0x3dd: {  	[tilespmem:s2+$0x14340] =	vst v16;
	v16 =	vld [tilespmem:s2+$0x14350]  }
0x3de: {  	v17 =	vld [tilespmem:s7+$0x10];
	_ =	sdelay $0x4  }
0x3df: {  	v16 =	vmax.f32 v16, v17  }
0x3e0: {  	[tilespmem:s2+$0x14350] =	vst v16;
	v16 =	vld [tilespmem:s2+$0x14360]  }
0x3e1: {  	v17 =	vld [tilespmem:s7+$0x20];
	_ =	sdelay $0x4  }
0x3e2: {  	v16 =	vmax.f32 v16, v17  }
0x3e3: {  	[tilespmem:s2+$0x14360] =	vst v16;
	v16 =	vld [tilespmem:s2+$0x14370]  }
0x3e4: {  	v17 =	vld [tilespmem:s7+$0x30];
	_ =	sdelay $0x4  }
0x3e5: {  	v16 =	vmax.f32 v16, v17  }
0x3e6: {  	s7 =	simm.s32 $0x40;
	[tilespmem:s2+$0x14370] =	vst v16;
	s2 =	simm.s32 $0x0  }
.LBB2_25:
0x3e7: {  	p0 =	sne.s32 s7, $0x2C000;
	v16 =	vld [tilespmem:s2+$0x14300];
	_ =	sdelay $0x2  }
.Ltmp32:
0x3e8: {  	(pc) =	sbr.rel @p0 .LBB2_25-.Ltmp32, $4  }
0x3e9: {  	_ = 	snop  }
0x3ea: {  	vm0 =	veq.f32 v16, $-Inf  }
0x3eb: {  	v16 =	vsel vm0, $0x0, v16  }
0x3ec: {  	[tilespmem:s2+$0x14300] =	vst v16;
	s2 =	sshra.s32 s7, $0x2;
	s7 =	sadd.s32 $0x40, s7  }
0x3ed: {  	v16 =	vld [tilespmem:s2+$0x14300];
	_ =	sdelay $0x4  }
0x3ee: {  	vm0 =	veq.f32 v16, $-Inf  }
0x3ef: {  	v16 =	vsel vm0, $0x0, v16  }
0x3f0: {  	s28 =	rddreg [dreg:$0xb];
	s7 =	simm.s32 $0x14300;
	s8 =	simm.s32 $0x8;
	[tilespmem:s2+$0x14300] =	vst v16  }
0x3f1: {  	[hbm4b:s28+s3] =	stream.linear.scatter [tilespmem:s7], [sflag:$0x8], $0xB010, $0x38;
	[tilespmem:$0x1F480] =	vst v63  }
0x3f2: {  	_ =	swait.ge [sflag:s8], $0xB010  }
0x3f3: {  	s29 =	rddreg [dreg:$0xd]  }
0x3f4: {  	s30 =	rddreg [dreg:$0xc];
	s7 =	sadd.s32 $0x1, s29  }
0x3f5: {  	p0 =	sne.s32 s7, s30  }
.Ltmp33:
0x3f6: {  	_ = 	snop;
	(pc) =	sbr.rel @p0 .LBB2_1-.Ltmp33, $3  }
0x3f7: {  	_ =	sdelay $0x1  }
0x3f8: {  	[sflag:s8] =	ssyncset.done $0x0  }
0x3f9: {  	[sflag:s8] =	ssyncadd.s32 $0xFFFF4FF0  }
0x3fa: {  	_ =	sfence.sel $0x180000  }
0x3fb: {  	[bflag:$0x0] =	sbarrier.arrive $0xFFFF  }
0x3fc: {  	_ =	strace $0x90000047  }
0x3fd: {  	s0 =	stileid.u32;
	[bflag:$0x2] =	sbarrier.arrive $0xFFFF  }
0x3fe: {  	p0 =	sne.s32 s0, $0x0;
	s0 =	rddreg [dreg:$0x3]  }
0x3ff: {  	s0 =	sadd.s32 @!p0 $0x100000, s0  }
0x400: {  	[sflag:s0] =	ssyncadd.tile.s32 @!p0 $0x1;
	_ =	shalt  }
.Lfunc_end2:
_tile_overlayer_lowered:
.L_overlay_start_2:
0x401: {  	(tag) =	ssettag $0x2  }
0x402: {  	s0 =	rddreg [dreg:$0x0];
	s2 =	stileid.u32  }
0x403: {  	s1 =	rddreg [dreg:$0x1];
	p0 =	sne.s32 s2, $0x0  }
0x404: {  	s3 =	rddreg [dreg:$0x2];
	[bflag:$0x3] =	sbarrier.arrive $0xFFFF;
	s2 =	simm.s32 @!p0 $0x1C08  }
0x405: {  	[timem:s3], [sflag:s2] =	dma.local @!p0 [hbm:s0], s1  }
0x406: {  	s0 =	simm.s32 @!p0 $0x8  }
0x407: {  	_ =	swait.ge @!p0 [sflag:s0], s1  }
0x408: {  	s1 =	ssub.s32 @!p0 $0x0, s1;
	[sflag:s0] =	ssyncset.done @!p0 $0x0  }
0x409: {  	[sflag:s0] =	ssyncadd.s32 @!p0 s1  }
0x40a: {  	[bflag:$0x3] =	sbarrier.arrive $0xFFFF  }
0x40b: {  	_ =	shalt  }

</sc_bundles>
